<compile_context>
chip_gen: v7x
topology: tpu7x:2x2x1
jax: 0.10.2.dev20260603
libtpu: 0.0.44.dev20260713+nightly
codegen_flags: <defaults>
</compile_context>

<pallas_src>
import functools

import jax
import jax.numpy as jnp
from jax import lax
from jax.experimental import pallas as pl
from jax.experimental.pallas import tpu as pltpu
from jax.experimental.pallas import tpu_sc as plsc

NC = 2
NS = 16
L = 16
NW = NC * NS

B = 16384
D = 64
BPW = B // NW
C = 128
NCHUNK = BPW // C
NG = C // L


def _rsqrt(x):
    i = lax.bitcast_convert_type(x, jnp.int32)
    i = jnp.int32(0x5F3759DF) - lax.shift_right_arithmetic(i, 1)
    y = lax.bitcast_convert_type(i, jnp.float32)
    for _ in range(3):
        y = y * (1.5 - 0.5 * x * y * y)
    return y


def _sqrt(x):
    m = jnp.maximum(x, 1e-30)
    s = m * _rsqrt(m)
    return jnp.where(x > 0.0, s, 0.0)


def _inv_norm(ss):
    return 1.0 / jnp.maximum(_sqrt(ss), 1e-12)


NREL = 1000
NRELP = 1024
TW = 64


def _body(h_hbm, t_hbm, nh_hbm, nt_hbm, rel_hbm, ent_hbm, remb_t_hbm, nv_t_hbm,
          gold_hbm, neg_hbm, st_r_hbm, st_nv_hbm,
          hix, tix, nhix, ntix, rix, rixadj,
          bufs0, bufs1, gold_v, neg_v,
          tin, tout, sem0, sem1, semt):
    sid = lax.axis_index("s")
    cid = lax.axis_index("c")
    wid = sid * NC + cid
    base = wid * BPW

    pltpu.sync_copy(h_hbm.at[pl.ds(base, BPW)], hix)
    pltpu.sync_copy(t_hbm.at[pl.ds(base, BPW)], tix)
    pltpu.sync_copy(nh_hbm.at[pl.ds(base, BPW)], nhix)
    pltpu.sync_copy(nt_hbm.at[pl.ds(base, BPW)], ntix)
    pltpu.sync_copy(rel_hbm.at[pl.ds(base, BPW)], rix)

    bufs = (bufs0, bufs1)
    sems = (sem0, sem1)

    def fire_ent(k, slot):
        off = k * C
        hb, tb, nhb, ntb, nvb, rb = bufs[slot]
        sem = sems[slot]
        return [
            pltpu.async_copy(ent_hbm.at[hix.at[pl.ds(off, C)]], hb, sem),
            pltpu.async_copy(ent_hbm.at[tix.at[pl.ds(off, C)]], tb, sem),
            pltpu.async_copy(ent_hbm.at[nhix.at[pl.ds(off, C)]], nhb, sem),
            pltpu.async_copy(ent_hbm.at[ntix.at[pl.ds(off, C)]], ntb, sem),
        ]

    def fire_rel(k, slot):
        off = k * C
        hb, tb, nhb, ntb, nvb, rb = bufs[slot]
        sem = sems[slot]
        return [
            pltpu.async_copy(st_nv_hbm.at[rixadj.at[pl.ds(off, C)]], nvb, sem),
            pltpu.async_copy(st_r_hbm.at[rixadj.at[pl.ds(off, C)]], rb, sem),
        ]

    def fire(k, slot):
        return fire_ent(k, slot) + fire_rel(k, slot)

    def rebuild_table(src_t_hbm, stage_hbm):
        start = sid * TW
        pltpu.async_copy(src_t_hbm.at[:, pl.ds(start, TW)], tin, semt).wait()
        lanes = lax.iota(jnp.int32, L)
        zrow = jnp.zeros((L,), jnp.int32)

        def blk(rel0, _):
            rel = rel0 + lanes

            def step(ss, rot):
                v = plsc.load_gather(tin, [zrow, rot * D + rel])
                plsc.store_scatter(tout, [zrow, rel * D + rot], v)
                return jnp.bitwise_and(rot + 1, D - 1)

            lax.fori_loop(0, D, step, jnp.bitwise_and(lanes, D - 1))
            return 0

        def rel_blocks(i, _):
            blk(i * L, 0)
            return 0
        lax.fori_loop(0, TW // L, rel_blocks, 0)
        pltpu.sync_copy(tout,
                        stage_hbm.at[pl.ds(cid * NRELP + start, TW), :])

    def compute(k, slot):
        hb, tb, nhb, ntb, nvb, rb = bufs[slot]
        zero = jnp.zeros((L,), jnp.float32)

        zrow = jnp.zeros((L,), jnp.int32)

        def group_body(grp, _):
            rows = grp * L + lax.iota(jnp.int32, L)
            base = rows * D
            rot0 = jnp.bitwise_and(rows, D - 1)

            def d_body(dblk, carry):
                rot = carry[0]
                acc = carry[1:]
                for _dd in range(4):
                    flat = base + rot
                    h = plsc.load_gather(hb, [zrow, flat])
                    t = plsc.load_gather(tb, [zrow, flat])
                    a = plsc.load_gather(nhb, [zrow, flat])
                    b = plsc.load_gather(ntb, [zrow, flat])
                    n = plsc.load_gather(nvb, [zrow, flat])
                    r = plsc.load_gather(rb, [zrow, flat])
                    (shh, stt, sht, shn, stn, shr, strr,
                     saa, sbb, sab, san, sbn, sar, sbr,
                     srr, snn, srn) = acc
                    acc = (shh + h * h, stt + t * t, sht + h * t,
                           shn + h * n, stn + t * n, shr + h * r, strr + t * r,
                           saa + a * a, sbb + b * b, sab + a * b,
                           san + a * n, sbn + b * n, sar + a * r, sbr + b * r,
                           srr + r * r, snn + n * n, srn + r * n)
                    rot = jnp.bitwise_and(rot + 1, D - 1)
                return (rot,) + acc

            (_, shh, stt, sht, shn, stn, shr, strr,
             saa, sbb, sab, san, sbn, sar, sbr,
             srr, snn, srn) = lax.fori_loop(0, D // 4, d_body,
                                            (rot0,) + (zero,) * 17)

            ia = _inv_norm(shh)
            ib = _inv_norm(stt)
            p = ia * shn
            q = ib * stn
            c = p - q
            g2 = (ia * ia * shh + ib * ib * stt + srr + c * c * snn
                  + 2.0 * (-(ia * ib) * sht + ia * shr - c * p
                           - ib * strr + c * q - c * srn))
            ja = _inv_norm(saa)
            jb = _inv_norm(sbb)
            pn = ja * san
            qn = jb * sbn
            cn = pn - qn
            n2 = (ja * ja * saa + jb * jb * sbb + srr + cn * cn * snn
                  + 2.0 * (-(ja * jb) * sab + ja * sar - cn * pn
                           - jb * sbr + cn * qn - cn * srn))
            out_off = k * C + grp * L
            gold_v[pl.ds(out_off, L)] = _sqrt(g2)
            neg_v[pl.ds(out_off, L)] = _sqrt(n2)
            return 0

        lax.fori_loop(0, NG, group_body, 0)

    rebuild_table(nv_t_hbm, st_nv_hbm)
    rebuild_table(remb_t_hbm, st_r_hbm)

    roff = cid * NRELP
    def adj(i, _):
        rixadj[pl.ds(i * L, L)] = rix[pl.ds(i * L, L)] + roff
        return 0
    lax.fori_loop(0, BPW // L, adj, 0)

    plsc.subcore_barrier()
    pend = fire_ent(0, 0) + fire_rel(0, 0)
    for k in range(NCHUNK):
        for cp in pend:
            cp.wait()
        if k + 1 < NCHUNK:
            pend = fire(k + 1, (k + 1) % 2)
        compute(k, k % 2)

    pltpu.sync_copy(gold_v, gold_hbm.at[pl.ds(base, BPW)])
    pltpu.sync_copy(neg_v, neg_hbm.at[pl.ds(base, BPW)])


def kernel(heads, tails, negative_heads, negative_tails, relations,
           ent_emb, rel_emb, normal_vectors):
    rowset = [pltpu.VMEM((C, D), jnp.float32) for _ in range(6)]
    run = pl.kernel(
        _body,
        out_type=(
            jax.ShapeDtypeStruct((B,), jnp.float32),
            jax.ShapeDtypeStruct((B,), jnp.float32),
            jax.ShapeDtypeStruct((NC * NRELP, D), jnp.float32),
            jax.ShapeDtypeStruct((NC * NRELP, D), jnp.float32),
        ),
        mesh=plsc.VectorSubcoreMesh(core_axis_name="c", subcore_axis_name="s",
                                    num_cores=NC, num_subcores=NS),
        compiler_params=pltpu.CompilerParams(
            needs_layout_passes=False, use_tc_tiling_on_sc=False),
        scratch_types=[
            pltpu.VMEM((BPW,), jnp.int32),
            pltpu.VMEM((BPW,), jnp.int32),
            pltpu.VMEM((BPW,), jnp.int32),
            pltpu.VMEM((BPW,), jnp.int32),
            pltpu.VMEM((BPW,), jnp.int32),
            pltpu.VMEM((BPW,), jnp.int32),
            list(rowset),
            [pltpu.VMEM((C, D), jnp.float32) for _ in range(6)],
            pltpu.VMEM((BPW,), jnp.float32),
            pltpu.VMEM((BPW,), jnp.float32),
            pltpu.VMEM((D, TW), jnp.float32),
            pltpu.VMEM((TW, D), jnp.float32),
            pltpu.SemaphoreType.DMA,
            pltpu.SemaphoreType.DMA,
            pltpu.SemaphoreType.DMA,
        ],
    )
    pad = ((0, 0), (0, NRELP - NREL))
    gold, neg, _, _ = run(heads, tails, negative_heads, negative_tails,
                          relations, ent_emb, jnp.pad(rel_emb.T, pad),
                          jnp.pad(normal_vectors.T, pad))
    return (gold, neg)

# --- scband reference (transcript-rebuilt; emitter-appended) ---
"""Pipeline reference for scband-trans-hmodel-57707180589416 (READ-ONLY COPY).

The authoritative reference and input builder live on the scoring server;
editing this copy changes nothing except your own understanding.
"""

import jax, jax.numpy as jnp
import numpy as np

NUM_ENT = 1000000
NUM_REL = 1000
DIM = 64
BATCH = 16384
NORM_P = 2


def _row_normalize(x, p=2):
    n = jnp.linalg.norm(x, ord=p, axis=1, keepdims=True)
    return x / jnp.maximum(n, 1e-12)


def setup_inputs(seed: int = 0) -> dict:
    key = jax.random.key(seed)
    ks = jax.random.split(key, 8)
    heads = jax.random.randint(ks[0], (BATCH,), 0, NUM_ENT)
    tails = jax.random.randint(ks[1], (BATCH,), 0, NUM_ENT)
    negative_heads = jax.random.randint(ks[2], (BATCH,), 0, NUM_ENT)
    negative_tails = jax.random.randint(ks[3], (BATCH,), 0, NUM_ENT)
    relations = jax.random.randint(ks[4], (BATCH,), 0, NUM_REL)
    # xavier-uniform init, then row-normalized (as in __init__)
    be = float(np.sqrt(6.0 / (NUM_ENT + DIM)))
    br = float(np.sqrt(6.0 / (NUM_REL + DIM)))
    ent_emb = jax.random.uniform(ks[5], (NUM_ENT, DIM), minval=-be, maxval=be, dtype=jnp.float32)
    ent_emb = _row_normalize(ent_emb, p=NORM_P)
    rel_emb = jax.random.uniform(ks[6], (NUM_REL, DIM), minval=-br, maxval=br, dtype=jnp.float32)
    rel_emb = _row_normalize(rel_emb, p=NORM_P)
    normal_vectors = jax.random.uniform(ks[7], (NUM_REL, DIM), minval=-br, maxval=br, dtype=jnp.float32)
    normal_vectors = _row_normalize(normal_vectors, p=2)
    return {
        "heads": heads,
        "tails": tails,
        "negative_heads": negative_heads,
        "negative_tails": negative_tails,
        "relations": relations,
        "ent_emb": ent_emb,
        "rel_emb": rel_emb,
        "normal_vectors": normal_vectors,
    }


def _dissimilarity(a, b):
    # L2 dissimilarity between rows
    return jnp.linalg.norm(a - b, axis=1)


def reference(heads, tails, negative_heads, negative_tails, relations, ent_emb, rel_emb, normal_vectors):
    # per-batch normal vectors of the relations' hyperplanes
    nv = jnp.take(normal_vectors, relations, axis=0)  # (B, DIM)

    def recover_project_normalize(ent_idx):
        e = jnp.take(ent_emb, ent_idx, axis=0)  # gather (B, DIM)
        e = _row_normalize(e, p=NORM_P)
        comp = jnp.sum(e * nv, axis=1, keepdims=True)
        return e - comp * nv  # projection onto relation hyperplane

    h_emb = recover_project_normalize(heads)
    t_emb = recover_project_normalize(tails)
    n_h_emb = recover_project_normalize(negative_heads)
    n_t_emb = recover_project_normalize(negative_tails)
    r_emb = jnp.take(rel_emb, relations, axis=0)

    golden_triplets = _dissimilarity(h_emb + r_emb, t_emb)
    negative_triplets = _dissimilarity(n_h_emb + r_emb, n_t_emb)
    return (golden_triplets, negative_triplets)

if __name__ == "__main__":
    import jax
    _d = setup_inputs()
    print(jax.jit(kernel)(*tuple(_d.values())))

</pallas_src>

<mosaic_0001>
#map = affine_map<(d0, d1) -> (0)>
#map1 = affine_map<(d0, d1) -> (0, 0)>
module attributes {stable_mosaic.version = 14 : i64} {
  func.func @_body(%arg0: i32, %arg1: i32, %arg2: memref<16384xi32, #tpu.memory_space<hbm>>, %arg3: memref<16384xi32, #tpu.memory_space<hbm>>, %arg4: memref<16384xi32, #tpu.memory_space<hbm>>, %arg5: memref<16384xi32, #tpu.memory_space<hbm>>, %arg6: memref<16384xi32, #tpu.memory_space<hbm>>, %arg7: memref<1000000x64xf32, #tpu.memory_space<hbm>>, %arg8: memref<64x1024xf32, #tpu.memory_space<hbm>>, %arg9: memref<64x1024xf32, #tpu.memory_space<hbm>>, %arg10: memref<16384xf32, #tpu.memory_space<hbm>>, %arg11: memref<16384xf32, #tpu.memory_space<hbm>>, %arg12: memref<2048x64xf32, #tpu.memory_space<hbm>>, %arg13: memref<2048x64xf32, #tpu.memory_space<hbm>>, %arg14: memref<512xi32, #tpu.memory_space<vmem>>, %arg15: memref<512xi32, #tpu.memory_space<vmem>>, %arg16: memref<512xi32, #tpu.memory_space<vmem>>, %arg17: memref<512xi32, #tpu.memory_space<vmem>>, %arg18: memref<512xi32, #tpu.memory_space<vmem>>, %arg19: memref<512xi32, #tpu.memory_space<vmem>>, %arg20: memref<128x64xf32, #tpu.memory_space<vmem>>, %arg21: memref<128x64xf32, #tpu.memory_space<vmem>>, %arg22: memref<128x64xf32, #tpu.memory_space<vmem>>, %arg23: memref<128x64xf32, #tpu.memory_space<vmem>>, %arg24: memref<128x64xf32, #tpu.memory_space<vmem>>, %arg25: memref<128x64xf32, #tpu.memory_space<vmem>>, %arg26: memref<128x64xf32, #tpu.memory_space<vmem>>, %arg27: memref<128x64xf32, #tpu.memory_space<vmem>>, %arg28: memref<128x64xf32, #tpu.memory_space<vmem>>, %arg29: memref<128x64xf32, #tpu.memory_space<vmem>>, %arg30: memref<128x64xf32, #tpu.memory_space<vmem>>, %arg31: memref<128x64xf32, #tpu.memory_space<vmem>>, %arg32: memref<512xf32, #tpu.memory_space<vmem>>, %arg33: memref<512xf32, #tpu.memory_space<vmem>>, %arg34: memref<64x64xf32, #tpu.memory_space<vmem>>, %arg35: memref<64x64xf32, #tpu.memory_space<vmem>>, %arg36: memref<!tpu.dma_semaphore, #tpu.memory_space<semaphore_mem>>, %arg37: memref<!tpu.dma_semaphore, #tpu.memory_space<semaphore_mem>>, %arg38: memref<!tpu.dma_semaphore, #tpu.memory_space<semaphore_mem>>) attributes {dimension_semantics = [#tpu.dimension_semantics<core_parallel>, #tpu.dimension_semantics<subcore_parallel>], iteration_bounds = array<i64: 2, 16>, scalar_prefetch = 0 : i64, scratch_operands = 25 : i64, tpu.core_type = #tpu.core_type<sc_vector_subcore>, window_params = [{transform_indices = #map}, {transform_indices = #map}, {transform_indices = #map}, {transform_indices = #map}, {transform_indices = #map}, {transform_indices = #map1}, {transform_indices = #map1}, {transform_indices = #map1}, {transform_indices = #map}, {transform_indices = #map}, {transform_indices = #map1}, {transform_indices = #map1}]} {
    %mul3A = arith.constant 2 : i32
    %mul3A_0 = arith.muli %arg1, %mul3A : i32
    %add3A = arith.addi %mul3A_0, %arg0 : i32
    %mul3A_1 = arith.constant 512 : i32
    %mul3A_2 = arith.muli %add3A, %mul3A_1 : i32
    "tpu.region"() ({
      %run_scoped3A = tpu.sem_alloc : memref<!tpu.dma_semaphore, #tpu.memory_space<semaphore_mem>>
      %dma_start3A_337 = tpu.memref_slice %arg2[%mul3A_2] : memref<16384xi32, #tpu.memory_space<hbm>> -> memref<512xi32, #tpu.memory_space<hbm>>
      %dma_start3A_338 = tpu.memref_slice %arg2[%mul3A_2] : memref<16384xi32, #tpu.memory_space<hbm>> -> memref<512xi32, #tpu.memory_space<hbm>>
      tpu.enqueue_dma source(%dma_start3A_338 : memref<512xi32, #tpu.memory_space<hbm>>) target(%arg14 : memref<512xi32, #tpu.memory_space<vmem>>) target_semaphore(%run_scoped3A : memref<!tpu.dma_semaphore, #tpu.memory_space<semaphore_mem>>)
      %dma_wait3A_339 = tpu.memref_slice %arg2[%mul3A_2] : memref<16384xi32, #tpu.memory_space<hbm>> -> memref<512xi32, #tpu.memory_space<hbm>>
      %dma_wait3A_340 = tpu.memref_slice %arg2[%mul3A_2] : memref<16384xi32, #tpu.memory_space<hbm>> -> memref<512xi32, #tpu.memory_space<hbm>>
      tpu.wait_dma2 semaphore(%run_scoped3A : memref<!tpu.dma_semaphore, #tpu.memory_space<semaphore_mem>>) src(%dma_wait3A_340 : memref<512xi32, #tpu.memory_space<hbm>>) dst(%arg14 : memref<512xi32, #tpu.memory_space<vmem>>)
      tpu.yield
    }) : () -> ()
    "tpu.region"() ({
      %run_scoped3A = tpu.sem_alloc : memref<!tpu.dma_semaphore, #tpu.memory_space<semaphore_mem>>
      %dma_start3A_337 = tpu.memref_slice %arg3[%mul3A_2] : memref<16384xi32, #tpu.memory_space<hbm>> -> memref<512xi32, #tpu.memory_space<hbm>>
      %dma_start3A_338 = tpu.memref_slice %arg3[%mul3A_2] : memref<16384xi32, #tpu.memory_space<hbm>> -> memref<512xi32, #tpu.memory_space<hbm>>
      tpu.enqueue_dma source(%dma_start3A_338 : memref<512xi32, #tpu.memory_space<hbm>>) target(%arg15 : memref<512xi32, #tpu.memory_space<vmem>>) target_semaphore(%run_scoped3A : memref<!tpu.dma_semaphore, #tpu.memory_space<semaphore_mem>>)
      %dma_wait3A_339 = tpu.memref_slice %arg3[%mul3A_2] : memref<16384xi32, #tpu.memory_space<hbm>> -> memref<512xi32, #tpu.memory_space<hbm>>
      %dma_wait3A_340 = tpu.memref_slice %arg3[%mul3A_2] : memref<16384xi32, #tpu.memory_space<hbm>> -> memref<512xi32, #tpu.memory_space<hbm>>
      tpu.wait_dma2 semaphore(%run_scoped3A : memref<!tpu.dma_semaphore, #tpu.memory_space<semaphore_mem>>) src(%dma_wait3A_340 : memref<512xi32, #tpu.memory_space<hbm>>) dst(%arg15 : memref<512xi32, #tpu.memory_space<vmem>>)
      tpu.yield
    }) : () -> ()
    "tpu.region"() ({
      %run_scoped3A = tpu.sem_alloc : memref<!tpu.dma_semaphore, #tpu.memory_space<semaphore_mem>>
      %dma_start3A_337 = tpu.memref_slice %arg4[%mul3A_2] : memref<16384xi32, #tpu.memory_space<hbm>> -> memref<512xi32, #tpu.memory_space<hbm>>
      %dma_start3A_338 = tpu.memref_slice %arg4[%mul3A_2] : memref<16384xi32, #tpu.memory_space<hbm>> -> memref<512xi32, #tpu.memory_space<hbm>>
      tpu.enqueue_dma source(%dma_start3A_338 : memref<512xi32, #tpu.memory_space<hbm>>) target(%arg16 : memref<512xi32, #tpu.memory_space<vmem>>) target_semaphore(%run_scoped3A : memref<!tpu.dma_semaphore, #tpu.memory_space<semaphore_mem>>)
      %dma_wait3A_339 = tpu.memref_slice %arg4[%mul3A_2] : memref<16384xi32, #tpu.memory_space<hbm>> -> memref<512xi32, #tpu.memory_space<hbm>>
      %dma_wait3A_340 = tpu.memref_slice %arg4[%mul3A_2] : memref<16384xi32, #tpu.memory_space<hbm>> -> memref<512xi32, #tpu.memory_space<hbm>>
      tpu.wait_dma2 semaphore(%run_scoped3A : memref<!tpu.dma_semaphore, #tpu.memory_space<semaphore_mem>>) src(%dma_wait3A_340 : memref<512xi32, #tpu.memory_space<hbm>>) dst(%arg16 : memref<512xi32, #tpu.memory_space<vmem>>)
      tpu.yield
    }) : () -> ()
    "tpu.region"() ({
      %run_scoped3A = tpu.sem_alloc : memref<!tpu.dma_semaphore, #tpu.memory_space<semaphore_mem>>
      %dma_start3A_337 = tpu.memref_slice %arg5[%mul3A_2] : memref<16384xi32, #tpu.memory_space<hbm>> -> memref<512xi32, #tpu.memory_space<hbm>>
      %dma_start3A_338 = tpu.memref_slice %arg5[%mul3A_2] : memref<16384xi32, #tpu.memory_space<hbm>> -> memref<512xi32, #tpu.memory_space<hbm>>
      tpu.enqueue_dma source(%dma_start3A_338 : memref<512xi32, #tpu.memory_space<hbm>>) target(%arg17 : memref<512xi32, #tpu.memory_space<vmem>>) target_semaphore(%run_scoped3A : memref<!tpu.dma_semaphore, #tpu.memory_space<semaphore_mem>>)
      %dma_wait3A_339 = tpu.memref_slice %arg5[%mul3A_2] : memref<16384xi32, #tpu.memory_space<hbm>> -> memref<512xi32, #tpu.memory_space<hbm>>
      %dma_wait3A_340 = tpu.memref_slice %arg5[%mul3A_2] : memref<16384xi32, #tpu.memory_space<hbm>> -> memref<512xi32, #tpu.memory_space<hbm>>
      tpu.wait_dma2 semaphore(%run_scoped3A : memref<!tpu.dma_semaphore, #tpu.memory_space<semaphore_mem>>) src(%dma_wait3A_340 : memref<512xi32, #tpu.memory_space<hbm>>) dst(%arg17 : memref<512xi32, #tpu.memory_space<vmem>>)
      tpu.yield
    }) : () -> ()
    "tpu.region"() ({
      %run_scoped3A = tpu.sem_alloc : memref<!tpu.dma_semaphore, #tpu.memory_space<semaphore_mem>>
      %dma_start3A_337 = tpu.memref_slice %arg6[%mul3A_2] : memref<16384xi32, #tpu.memory_space<hbm>> -> memref<512xi32, #tpu.memory_space<hbm>>
      %dma_start3A_338 = tpu.memref_slice %arg6[%mul3A_2] : memref<16384xi32, #tpu.memory_space<hbm>> -> memref<512xi32, #tpu.memory_space<hbm>>
      tpu.enqueue_dma source(%dma_start3A_338 : memref<512xi32, #tpu.memory_space<hbm>>) target(%arg18 : memref<512xi32, #tpu.memory_space<vmem>>) target_semaphore(%run_scoped3A : memref<!tpu.dma_semaphore, #tpu.memory_space<semaphore_mem>>)
      %dma_wait3A_339 = tpu.memref_slice %arg6[%mul3A_2] : memref<16384xi32, #tpu.memory_space<hbm>> -> memref<512xi32, #tpu.memory_space<hbm>>
      %dma_wait3A_340 = tpu.memref_slice %arg6[%mul3A_2] : memref<16384xi32, #tpu.memory_space<hbm>> -> memref<512xi32, #tpu.memory_space<hbm>>
      tpu.wait_dma2 semaphore(%run_scoped3A : memref<!tpu.dma_semaphore, #tpu.memory_space<semaphore_mem>>) src(%dma_wait3A_340 : memref<512xi32, #tpu.memory_space<hbm>>) dst(%arg18 : memref<512xi32, #tpu.memory_space<vmem>>)
      tpu.yield
    }) : () -> ()
    %mul3A_3 = arith.constant 64 : i32
    %mul3A_4 = arith.muli %arg1, %mul3A_3 : i32
    %dma_start3A = arith.constant 0 : i32
    %dma_start3A_5 = tpu.memref_slice %arg9[%dma_start3A, %mul3A_4] : memref<64x1024xf32, #tpu.memory_space<hbm>> -> memref<64x64xf32, #tpu.memory_space<hbm>>
    %dma_start3A_6 = arith.constant 0 : i32
    %dma_start3A_7 = tpu.memref_slice %arg9[%dma_start3A_6, %mul3A_4] : memref<64x1024xf32, #tpu.memory_space<hbm>> -> memref<64x64xf32, #tpu.memory_space<hbm>>
    tpu.enqueue_dma source(%dma_start3A_7 : memref<64x64xf32, #tpu.memory_space<hbm>>) target(%arg34 : memref<64x64xf32, #tpu.memory_space<vmem>>) target_semaphore(%arg38 : memref<!tpu.dma_semaphore, #tpu.memory_space<semaphore_mem>>)
    %dma_wait3A = arith.constant 0 : i32
    %dma_wait3A_8 = tpu.memref_slice %arg9[%dma_wait3A, %mul3A_4] : memref<64x1024xf32, #tpu.memory_space<hbm>> -> memref<64x64xf32, #tpu.memory_space<hbm>>
    %dma_wait3A_9 = arith.constant 0 : i32
    %dma_wait3A_10 = tpu.memref_slice %arg9[%dma_wait3A_9, %mul3A_4] : memref<64x1024xf32, #tpu.memory_space<hbm>> -> memref<64x64xf32, #tpu.memory_space<hbm>>
    tpu.wait_dma2 semaphore(%arg38 : memref<!tpu.dma_semaphore, #tpu.memory_space<semaphore_mem>>) src(%dma_wait3A_10 : memref<64x64xf32, #tpu.memory_space<hbm>>) dst(%arg34 : memref<64x64xf32, #tpu.memory_space<vmem>>)
    %iota3A = tpu.iota {dimensions = array<i32: 0>} : vector<16xi32>
    %broadcast_in_dim3A = arith.constant 0 : i32
    %broadcast_in_dim3A_11 = vector.broadcast %broadcast_in_dim3A : i32 to vector<16xi32>
    %scan3A = arith.constant 0 : i32
    %scan3A_12 = arith.constant 0 : i32
    %scan3A_13 = arith.constant 4 : i32
    %scan3A_14 = arith.addi %scan3A_12, %scan3A_13 : i32
    %scan3A_15 = arith.constant 1 : i32
    %scan3A_16 = scf.for %scan3A_337 = %scan3A_12 to %scan3A_14 step %scan3A_15 iter_args(%scan3A_338 = %scan3A) -> (i32)  : i32 {
      %mul3A_339 = arith.constant 16 : i32
      %mul3A_340 = arith.muli %scan3A_337, %mul3A_339 : i32
      %add3A_341 = vector.broadcast %mul3A_340 : i32 to vector<16xi32>
      %add3A_342 = arith.addi %add3A_341, %iota3A : vector<16xi32>
      %and3A = arith.constant 63 : i32
      %and3A_343 = vector.broadcast %and3A : i32 to vector<16xi32>
      %and3A_344 = arith.andi %iota3A, %and3A_343 : vector<16xi32>
      %scan3A_345 = arith.constant 0 : i32
      %scan3A_346 = arith.constant 64 : i32
      %scan3A_347 = arith.addi %scan3A_345, %scan3A_346 : i32
      %scan3A_348 = arith.constant 1 : i32
      %scan3A_349 = scf.for %scan3A_352 = %scan3A_345 to %scan3A_347 step %scan3A_348 iter_args(%scan3A_353 = %and3A_344) -> (vector<16xi32>)  : i32 {
        %mul3A_354 = arith.constant 64 : i32
        %mul3A_355 = vector.broadcast %mul3A_354 : i32 to vector<16xi32>
        %mul3A_356 = arith.muli %scan3A_353, %mul3A_355 : vector<16xi32>
        %add3A_357 = arith.addi %mul3A_356, %add3A_342 : vector<16xi32>
        %gather3A = tpu.vector_load_idx %arg34[%broadcast_in_dim3A_11, %add3A_357] : memref<64x64xf32, #tpu.memory_space<vmem>>[vector<16xi32>, vector<16xi32>], vector<16xf32>,
        %mul3A_358 = arith.constant 64 : i32
        %mul3A_359 = vector.broadcast %mul3A_358 : i32 to vector<16xi32>
        %mul3A_360 = arith.muli %add3A_342, %mul3A_359 : vector<16xi32>
        %add3A_361 = arith.addi %mul3A_360, %scan3A_353 : vector<16xi32>
        tpu.vector_store_idx %arg35[%broadcast_in_dim3A_11, %add3A_361], %gather3A : memref<64x64xf32, #tpu.memory_space<vmem>>[vector<16xi32>, vector<16xi32>], vector<16xf32>,
        %add3A_362 = arith.constant 1 : i32
        %add3A_363 = vector.broadcast %add3A_362 : i32 to vector<16xi32>
        %add3A_364 = arith.addi %scan3A_353, %add3A_363 : vector<16xi32>
        %and3A_365 = arith.constant 63 : i32
        %and3A_366 = vector.broadcast %and3A_365 : i32 to vector<16xi32>
        %and3A_367 = arith.andi %add3A_364, %and3A_366 : vector<16xi32>
        scf.yield %and3A_367 : vector<16xi32>
      }
      %scan3A_350 = arith.constant 64 : i32
      %scan3A_351 = arith.constant 0 : i32
      scf.yield %scan3A_351 : i32
    }
    %scan3A_17 = arith.constant 4 : i32
    %mul3A_18 = arith.constant 1024 : i32
    %mul3A_19 = arith.muli %arg0, %mul3A_18 : i32
    %add3A_20 = arith.addi %mul3A_19, %mul3A_4 : i32
    "tpu.region"() ({
      %run_scoped3A = tpu.sem_alloc : memref<!tpu.dma_semaphore, #tpu.memory_space<semaphore_mem>>
      %dma_start3A_337 = arith.constant 0 : i32
      %dma_start3A_338 = tpu.memref_slice %arg13[%add3A_20, %dma_start3A_337] : memref<2048x64xf32, #tpu.memory_space<hbm>> -> memref<64x64xf32, #tpu.memory_space<hbm>>
      %dma_start3A_339 = arith.constant 0 : i32
      %dma_start3A_340 = tpu.memref_slice %arg13[%add3A_20, %dma_start3A_339] : memref<2048x64xf32, #tpu.memory_space<hbm>> -> memref<64x64xf32, #tpu.memory_space<hbm>>
      tpu.enqueue_dma source(%arg35 : memref<64x64xf32, #tpu.memory_space<vmem>>) target(%dma_start3A_340 : memref<64x64xf32, #tpu.memory_space<hbm>>) target_semaphore(%run_scoped3A : memref<!tpu.dma_semaphore, #tpu.memory_space<semaphore_mem>>)
      %dma_wait3A_341 = arith.constant 0 : i32
      %dma_wait3A_342 = tpu.memref_slice %arg13[%add3A_20, %dma_wait3A_341] : memref<2048x64xf32, #tpu.memory_space<hbm>> -> memref<64x64xf32, #tpu.memory_space<hbm>>
      %dma_wait3A_343 = arith.constant 0 : i32
      %dma_wait3A_344 = tpu.memref_slice %arg13[%add3A_20, %dma_wait3A_343] : memref<2048x64xf32, #tpu.memory_space<hbm>> -> memref<64x64xf32, #tpu.memory_space<hbm>>
      tpu.wait_dma2 semaphore(%run_scoped3A : memref<!tpu.dma_semaphore, #tpu.memory_space<semaphore_mem>>) src(%arg35 : memref<64x64xf32, #tpu.memory_space<vmem>>) dst(%dma_wait3A_344 : memref<64x64xf32, #tpu.memory_space<hbm>>)
      tpu.yield
    }) : () -> ()
    %mul3A_21 = arith.constant 64 : i32
    %mul3A_22 = arith.muli %arg1, %mul3A_21 : i32
    %dma_start3A_23 = arith.constant 0 : i32
    %dma_start3A_24 = tpu.memref_slice %arg8[%dma_start3A_23, %mul3A_22] : memref<64x1024xf32, #tpu.memory_space<hbm>> -> memref<64x64xf32, #tpu.memory_space<hbm>>
    %dma_start3A_25 = arith.constant 0 : i32
    %dma_start3A_26 = tpu.memref_slice %arg8[%dma_start3A_25, %mul3A_22] : memref<64x1024xf32, #tpu.memory_space<hbm>> -> memref<64x64xf32, #tpu.memory_space<hbm>>
    tpu.enqueue_dma source(%dma_start3A_26 : memref<64x64xf32, #tpu.memory_space<hbm>>) target(%arg34 : memref<64x64xf32, #tpu.memory_space<vmem>>) target_semaphore(%arg38 : memref<!tpu.dma_semaphore, #tpu.memory_space<semaphore_mem>>)
    %dma_wait3A_27 = arith.constant 0 : i32
    %dma_wait3A_28 = tpu.memref_slice %arg8[%dma_wait3A_27, %mul3A_22] : memref<64x1024xf32, #tpu.memory_space<hbm>> -> memref<64x64xf32, #tpu.memory_space<hbm>>
    %dma_wait3A_29 = arith.constant 0 : i32
    %dma_wait3A_30 = tpu.memref_slice %arg8[%dma_wait3A_29, %mul3A_22] : memref<64x1024xf32, #tpu.memory_space<hbm>> -> memref<64x64xf32, #tpu.memory_space<hbm>>
    tpu.wait_dma2 semaphore(%arg38 : memref<!tpu.dma_semaphore, #tpu.memory_space<semaphore_mem>>) src(%dma_wait3A_30 : memref<64x64xf32, #tpu.memory_space<hbm>>) dst(%arg34 : memref<64x64xf32, #tpu.memory_space<vmem>>)
    %iota3A_31 = tpu.iota {dimensions = array<i32: 0>} : vector<16xi32>
    %broadcast_in_dim3A_32 = arith.constant 0 : i32
    %broadcast_in_dim3A_33 = vector.broadcast %broadcast_in_dim3A_32 : i32 to vector<16xi32>
    %scan3A_34 = arith.constant 0 : i32
    %scan3A_35 = arith.constant 0 : i32
    %scan3A_36 = arith.constant 4 : i32
    %scan3A_37 = arith.addi %scan3A_35, %scan3A_36 : i32
    %scan3A_38 = arith.constant 1 : i32
    %scan3A_39 = scf.for %scan3A_337 = %scan3A_35 to %scan3A_37 step %scan3A_38 iter_args(%scan3A_338 = %scan3A_34) -> (i32)  : i32 {
      %mul3A_339 = arith.constant 16 : i32
      %mul3A_340 = arith.muli %scan3A_337, %mul3A_339 : i32
      %add3A_341 = vector.broadcast %mul3A_340 : i32 to vector<16xi32>
      %add3A_342 = arith.addi %add3A_341, %iota3A_31 : vector<16xi32>
      %and3A = arith.constant 63 : i32
      %and3A_343 = vector.broadcast %and3A : i32 to vector<16xi32>
      %and3A_344 = arith.andi %iota3A_31, %and3A_343 : vector<16xi32>
      %scan3A_345 = arith.constant 0 : i32
      %scan3A_346 = arith.constant 64 : i32
      %scan3A_347 = arith.addi %scan3A_345, %scan3A_346 : i32
      %scan3A_348 = arith.constant 1 : i32
      %scan3A_349 = scf.for %scan3A_352 = %scan3A_345 to %scan3A_347 step %scan3A_348 iter_args(%scan3A_353 = %and3A_344) -> (vector<16xi32>)  : i32 {
        %mul3A_354 = arith.constant 64 : i32
        %mul3A_355 = vector.broadcast %mul3A_354 : i32 to vector<16xi32>
        %mul3A_356 = arith.muli %scan3A_353, %mul3A_355 : vector<16xi32>
        %add3A_357 = arith.addi %mul3A_356, %add3A_342 : vector<16xi32>
        %gather3A = tpu.vector_load_idx %arg34[%broadcast_in_dim3A_33, %add3A_357] : memref<64x64xf32, #tpu.memory_space<vmem>>[vector<16xi32>, vector<16xi32>], vector<16xf32>,
        %mul3A_358 = arith.constant 64 : i32
        %mul3A_359 = vector.broadcast %mul3A_358 : i32 to vector<16xi32>
        %mul3A_360 = arith.muli %add3A_342, %mul3A_359 : vector<16xi32>
        %add3A_361 = arith.addi %mul3A_360, %scan3A_353 : vector<16xi32>
        tpu.vector_store_idx %arg35[%broadcast_in_dim3A_33, %add3A_361], %gather3A : memref<64x64xf32, #tpu.memory_space<vmem>>[vector<16xi32>, vector<16xi32>], vector<16xf32>,
        %add3A_362 = arith.constant 1 : i32
        %add3A_363 = vector.broadcast %add3A_362 : i32 to vector<16xi32>
        %add3A_364 = arith.addi %scan3A_353, %add3A_363 : vector<16xi32>
        %and3A_365 = arith.constant 63 : i32
        %and3A_366 = vector.broadcast %and3A_365 : i32 to vector<16xi32>
        %and3A_367 = arith.andi %add3A_364, %and3A_366 : vector<16xi32>
        scf.yield %and3A_367 : vector<16xi32>
      }
      %scan3A_350 = arith.constant 64 : i32
      %scan3A_351 = arith.constant 0 : i32
      scf.yield %scan3A_351 : i32
    }
    %scan3A_40 = arith.constant 4 : i32
    %mul3A_41 = arith.constant 1024 : i32
    %mul3A_42 = arith.muli %arg0, %mul3A_41 : i32
    %add3A_43 = arith.addi %mul3A_42, %mul3A_22 : i32
    "tpu.region"() ({
      %run_scoped3A = tpu.sem_alloc : memref<!tpu.dma_semaphore, #tpu.memory_space<semaphore_mem>>
      %dma_start3A_337 = arith.constant 0 : i32
      %dma_start3A_338 = tpu.memref_slice %arg12[%add3A_43, %dma_start3A_337] : memref<2048x64xf32, #tpu.memory_space<hbm>> -> memref<64x64xf32, #tpu.memory_space<hbm>>
      %dma_start3A_339 = arith.constant 0 : i32
      %dma_start3A_340 = tpu.memref_slice %arg12[%add3A_43, %dma_start3A_339] : memref<2048x64xf32, #tpu.memory_space<hbm>> -> memref<64x64xf32, #tpu.memory_space<hbm>>
      tpu.enqueue_dma source(%arg35 : memref<64x64xf32, #tpu.memory_space<vmem>>) target(%dma_start3A_340 : memref<64x64xf32, #tpu.memory_space<hbm>>) target_semaphore(%run_scoped3A : memref<!tpu.dma_semaphore, #tpu.memory_space<semaphore_mem>>)
      %dma_wait3A_341 = arith.constant 0 : i32
      %dma_wait3A_342 = tpu.memref_slice %arg12[%add3A_43, %dma_wait3A_341] : memref<2048x64xf32, #tpu.memory_space<hbm>> -> memref<64x64xf32, #tpu.memory_space<hbm>>
      %dma_wait3A_343 = arith.constant 0 : i32
      %dma_wait3A_344 = tpu.memref_slice %arg12[%add3A_43, %dma_wait3A_343] : memref<2048x64xf32, #tpu.memory_space<hbm>> -> memref<64x64xf32, #tpu.memory_space<hbm>>
      tpu.wait_dma2 semaphore(%run_scoped3A : memref<!tpu.dma_semaphore, #tpu.memory_space<semaphore_mem>>) src(%arg35 : memref<64x64xf32, #tpu.memory_space<vmem>>) dst(%dma_wait3A_344 : memref<64x64xf32, #tpu.memory_space<hbm>>)
      tpu.yield
    }) : () -> ()
    %mul3A_44 = arith.constant 1024 : i32
    %mul3A_45 = arith.muli %arg0, %mul3A_44 : i32
    %scan3A_46 = arith.constant 0 : i32
    %scan3A_47 = arith.constant 0 : i32
    %scan3A_48 = arith.constant 32 : i32
    %scan3A_49 = arith.addi %scan3A_47, %scan3A_48 : i32
    %scan3A_50 = arith.constant 1 : i32
    %scan3A_51 = scf.for %scan3A_337 = %scan3A_47 to %scan3A_49 step %scan3A_50 iter_args(%scan3A_338 = %scan3A_46) -> (i32)  : i32 {
      %mul3A_339 = arith.constant 16 : i32
      %mul3A_340 = arith.muli %scan3A_337, %mul3A_339 : i32
      %get3A = arith.index_cast %mul3A_340 : i32 to index
      %get3A_341 = tpu.vector_load %arg18[%get3A] {strides = array<i32>} : memref<512xi32, #tpu.memory_space<vmem>>, vector<16xi32>,
      %add3A_342 = vector.broadcast %mul3A_45 : i32 to vector<16xi32>
      %add3A_343 = arith.addi %get3A_341, %add3A_342 : vector<16xi32>
      %mul3A_344 = arith.constant 16 : i32
      %mul3A_345 = arith.muli %scan3A_337, %mul3A_344 : i32
      %swap3A = arith.index_cast %mul3A_345 : i32 to index
      %swap3A_346 = tpu.vector_load %arg19[%swap3A] {strides = array<i32>} : memref<512xi32, #tpu.memory_space<vmem>>, vector<16xi32>,
      tpu.vector_store %arg19[%swap3A], %add3A_343 {strides = array<i32>} : memref<512xi32, #tpu.memory_space<vmem>>, vector<16xi32>,
      %scan3A_347 = arith.constant 0 : i32
      scf.yield %scan3A_347 : i32
    }
    %scan3A_52 = arith.constant 32 : i32
    %barrier3A = arith.constant 0 : index
    tpu.barrier barrier_id(%barrier3A)
    %dma_start3A_53 = arith.constant 0 : i32
    %dma_start3A_54 = tpu.memref_slice %arg14[%dma_start3A_53] : memref<512xi32, #tpu.memory_space<vmem>> -> memref<128xi32, #tpu.memory_space<vmem>>
    %dma_start3A_55 = arith.constant 0 : i32
    %dma_start3A_56 = arith.constant 0 : i32
    %dma_start3A_57 = tpu.memref_slice %arg7[%dma_start3A_55, %dma_start3A_56] : memref<1000000x64xf32, #tpu.memory_space<hbm>> -> memref<1000000x64xf32, #tpu.memory_space<hbm>>
    tpu.enqueue_indirect_dma source(%dma_start3A_57 : memref<1000000x64xf32, #tpu.memory_space<hbm>>) target(%arg20 : memref<128x64xf32, #tpu.memory_space<vmem>>) offsets(%dma_start3A_54 : memref<128xi32, #tpu.memory_space<vmem>>) semaphore(%arg36 : memref<!tpu.dma_semaphore, #tpu.memory_space<semaphore_mem>>)
    %dma_start3A_58 = arith.constant 0 : i32
    %dma_start3A_59 = tpu.memref_slice %arg15[%dma_start3A_58] : memref<512xi32, #tpu.memory_space<vmem>> -> memref<128xi32, #tpu.memory_space<vmem>>
    %dma_start3A_60 = arith.constant 0 : i32
    %dma_start3A_61 = arith.constant 0 : i32
    %dma_start3A_62 = tpu.memref_slice %arg7[%dma_start3A_60, %dma_start3A_61] : memref<1000000x64xf32, #tpu.memory_space<hbm>> -> memref<1000000x64xf32, #tpu.memory_space<hbm>>
    tpu.enqueue_indirect_dma source(%dma_start3A_62 : memref<1000000x64xf32, #tpu.memory_space<hbm>>) target(%arg21 : memref<128x64xf32, #tpu.memory_space<vmem>>) offsets(%dma_start3A_59 : memref<128xi32, #tpu.memory_space<vmem>>) semaphore(%arg36 : memref<!tpu.dma_semaphore, #tpu.memory_space<semaphore_mem>>)
    %dma_start3A_63 = arith.constant 0 : i32
    %dma_start3A_64 = tpu.memref_slice %arg16[%dma_start3A_63] : memref<512xi32, #tpu.memory_space<vmem>> -> memref<128xi32, #tpu.memory_space<vmem>>
    %dma_start3A_65 = arith.constant 0 : i32
    %dma_start3A_66 = arith.constant 0 : i32
    %dma_start3A_67 = tpu.memref_slice %arg7[%dma_start3A_65, %dma_start3A_66] : memref<1000000x64xf32, #tpu.memory_space<hbm>> -> memref<1000000x64xf32, #tpu.memory_space<hbm>>
    tpu.enqueue_indirect_dma source(%dma_start3A_67 : memref<1000000x64xf32, #tpu.memory_space<hbm>>) target(%arg22 : memref<128x64xf32, #tpu.memory_space<vmem>>) offsets(%dma_start3A_64 : memref<128xi32, #tpu.memory_space<vmem>>) semaphore(%arg36 : memref<!tpu.dma_semaphore, #tpu.memory_space<semaphore_mem>>)
    %dma_start3A_68 = arith.constant 0 : i32
    %dma_start3A_69 = tpu.memref_slice %arg17[%dma_start3A_68] : memref<512xi32, #tpu.memory_space<vmem>> -> memref<128xi32, #tpu.memory_space<vmem>>
    %dma_start3A_70 = arith.constant 0 : i32
    %dma_start3A_71 = arith.constant 0 : i32
    %dma_start3A_72 = tpu.memref_slice %arg7[%dma_start3A_70, %dma_start3A_71] : memref<1000000x64xf32, #tpu.memory_space<hbm>> -> memref<1000000x64xf32, #tpu.memory_space<hbm>>
    tpu.enqueue_indirect_dma source(%dma_start3A_72 : memref<1000000x64xf32, #tpu.memory_space<hbm>>) target(%arg23 : memref<128x64xf32, #tpu.memory_space<vmem>>) offsets(%dma_start3A_69 : memref<128xi32, #tpu.memory_space<vmem>>) semaphore(%arg36 : memref<!tpu.dma_semaphore, #tpu.memory_space<semaphore_mem>>)
    %dma_start3A_73 = arith.constant 0 : i32
    %dma_start3A_74 = tpu.memref_slice %arg19[%dma_start3A_73] : memref<512xi32, #tpu.memory_space<vmem>> -> memref<128xi32, #tpu.memory_space<vmem>>
    %dma_start3A_75 = arith.constant 0 : i32
    %dma_start3A_76 = arith.constant 0 : i32
    %dma_start3A_77 = tpu.memref_slice %arg13[%dma_start3A_75, %dma_start3A_76] : memref<2048x64xf32, #tpu.memory_space<hbm>> -> memref<2048x64xf32, #tpu.memory_space<hbm>>
    tpu.enqueue_indirect_dma source(%dma_start3A_77 : memref<2048x64xf32, #tpu.memory_space<hbm>>) target(%arg24 : memref<128x64xf32, #tpu.memory_space<vmem>>) offsets(%dma_start3A_74 : memref<128xi32, #tpu.memory_space<vmem>>) semaphore(%arg36 : memref<!tpu.dma_semaphore, #tpu.memory_space<semaphore_mem>>)
    %dma_start3A_78 = arith.constant 0 : i32
    %dma_start3A_79 = tpu.memref_slice %arg19[%dma_start3A_78] : memref<512xi32, #tpu.memory_space<vmem>> -> memref<128xi32, #tpu.memory_space<vmem>>
    %dma_start3A_80 = arith.constant 0 : i32
    %dma_start3A_81 = arith.constant 0 : i32
    %dma_start3A_82 = tpu.memref_slice %arg12[%dma_start3A_80, %dma_start3A_81] : memref<2048x64xf32, #tpu.memory_space<hbm>> -> memref<2048x64xf32, #tpu.memory_space<hbm>>
    tpu.enqueue_indirect_dma source(%dma_start3A_82 : memref<2048x64xf32, #tpu.memory_space<hbm>>) target(%arg25 : memref<128x64xf32, #tpu.memory_space<vmem>>) offsets(%dma_start3A_79 : memref<128xi32, #tpu.memory_space<vmem>>) semaphore(%arg36 : memref<!tpu.dma_semaphore, #tpu.memory_space<semaphore_mem>>)
    %dma_wait3A_83 = arith.constant 0 : i32
    %dma_wait3A_84 = tpu.memref_slice %arg14[%dma_wait3A_83] : memref<512xi32, #tpu.memory_space<vmem>> -> memref<128xi32, #tpu.memory_space<vmem>>
    %dma_wait3A_85 = arith.constant 0 : i32
    %dma_wait3A_86 = arith.constant 0 : i32
    %dma_wait3A_87 = tpu.memref_slice %arg7[%dma_wait3A_85, %dma_wait3A_86] : memref<1000000x64xf32, #tpu.memory_space<hbm>> -> memref<1000000x64xf32, #tpu.memory_space<hbm>>
    tpu.wait_indirect_dma semaphore(%arg36 : memref<!tpu.dma_semaphore, #tpu.memory_space<semaphore_mem>>) src(%dma_wait3A_87 : memref<1000000x64xf32, #tpu.memory_space<hbm>>) dst(%arg20 : memref<128x64xf32, #tpu.memory_space<vmem>>)
    %dma_wait3A_88 = arith.constant 0 : i32
    %dma_wait3A_89 = tpu.memref_slice %arg15[%dma_wait3A_88] : memref<512xi32, #tpu.memory_space<vmem>> -> memref<128xi32, #tpu.memory_space<vmem>>
    %dma_wait3A_90 = arith.constant 0 : i32
    %dma_wait3A_91 = arith.constant 0 : i32
    %dma_wait3A_92 = tpu.memref_slice %arg7[%dma_wait3A_90, %dma_wait3A_91] : memref<1000000x64xf32, #tpu.memory_space<hbm>> -> memref<1000000x64xf32, #tpu.memory_space<hbm>>
    tpu.wait_indirect_dma semaphore(%arg36 : memref<!tpu.dma_semaphore, #tpu.memory_space<semaphore_mem>>) src(%dma_wait3A_92 : memref<1000000x64xf32, #tpu.memory_space<hbm>>) dst(%arg21 : memref<128x64xf32, #tpu.memory_space<vmem>>)
    %dma_wait3A_93 = arith.constant 0 : i32
    %dma_wait3A_94 = tpu.memref_slice %arg16[%dma_wait3A_93] : memref<512xi32, #tpu.memory_space<vmem>> -> memref<128xi32, #tpu.memory_space<vmem>>
    %dma_wait3A_95 = arith.constant 0 : i32
    %dma_wait3A_96 = arith.constant 0 : i32
    %dma_wait3A_97 = tpu.memref_slice %arg7[%dma_wait3A_95, %dma_wait3A_96] : memref<1000000x64xf32, #tpu.memory_space<hbm>> -> memref<1000000x64xf32, #tpu.memory_space<hbm>>
    tpu.wait_indirect_dma semaphore(%arg36 : memref<!tpu.dma_semaphore, #tpu.memory_space<semaphore_mem>>) src(%dma_wait3A_97 : memref<1000000x64xf32, #tpu.memory_space<hbm>>) dst(%arg22 : memref<128x64xf32, #tpu.memory_space<vmem>>)
    %dma_wait3A_98 = arith.constant 0 : i32
    %dma_wait3A_99 = tpu.memref_slice %arg17[%dma_wait3A_98] : memref<512xi32, #tpu.memory_space<vmem>> -> memref<128xi32, #tpu.memory_space<vmem>>
    %dma_wait3A_100 = arith.constant 0 : i32
    %dma_wait3A_101 = arith.constant 0 : i32
    %dma_wait3A_102 = tpu.memref_slice %arg7[%dma_wait3A_100, %dma_wait3A_101] : memref<1000000x64xf32, #tpu.memory_space<hbm>> -> memref<1000000x64xf32, #tpu.memory_space<hbm>>
    tpu.wait_indirect_dma semaphore(%arg36 : memref<!tpu.dma_semaphore, #tpu.memory_space<semaphore_mem>>) src(%dma_wait3A_102 : memref<1000000x64xf32, #tpu.memory_space<hbm>>) dst(%arg23 : memref<128x64xf32, #tpu.memory_space<vmem>>)
    %dma_wait3A_103 = arith.constant 0 : i32
    %dma_wait3A_104 = tpu.memref_slice %arg19[%dma_wait3A_103] : memref<512xi32, #tpu.memory_space<vmem>> -> memref<128xi32, #tpu.memory_space<vmem>>
    %dma_wait3A_105 = arith.constant 0 : i32
    %dma_wait3A_106 = arith.constant 0 : i32
    %dma_wait3A_107 = tpu.memref_slice %arg13[%dma_wait3A_105, %dma_wait3A_106] : memref<2048x64xf32, #tpu.memory_space<hbm>> -> memref<2048x64xf32, #tpu.memory_space<hbm>>
    tpu.wait_indirect_dma semaphore(%arg36 : memref<!tpu.dma_semaphore, #tpu.memory_space<semaphore_mem>>) src(%dma_wait3A_107 : memref<2048x64xf32, #tpu.memory_space<hbm>>) dst(%arg24 : memref<128x64xf32, #tpu.memory_space<vmem>>)
    %dma_wait3A_108 = arith.constant 0 : i32
    %dma_wait3A_109 = tpu.memref_slice %arg19[%dma_wait3A_108] : memref<512xi32, #tpu.memory_space<vmem>> -> memref<128xi32, #tpu.memory_space<vmem>>
    %dma_wait3A_110 = arith.constant 0 : i32
    %dma_wait3A_111 = arith.constant 0 : i32
    %dma_wait3A_112 = tpu.memref_slice %arg12[%dma_wait3A_110, %dma_wait3A_111] : memref<2048x64xf32, #tpu.memory_space<hbm>> -> memref<2048x64xf32, #tpu.memory_space<hbm>>
    tpu.wait_indirect_dma semaphore(%arg36 : memref<!tpu.dma_semaphore, #tpu.memory_space<semaphore_mem>>) src(%dma_wait3A_112 : memref<2048x64xf32, #tpu.memory_space<hbm>>) dst(%arg25 : memref<128x64xf32, #tpu.memory_space<vmem>>)
    %dma_start3A_113 = arith.constant 128 : i32
    %dma_start3A_114 = tpu.memref_slice %arg14[%dma_start3A_113] : memref<512xi32, #tpu.memory_space<vmem>> -> memref<128xi32, #tpu.memory_space<vmem>>
    %dma_start3A_115 = arith.constant 0 : i32
    %dma_start3A_116 = arith.constant 0 : i32
    %dma_start3A_117 = tpu.memref_slice %arg7[%dma_start3A_115, %dma_start3A_116] : memref<1000000x64xf32, #tpu.memory_space<hbm>> -> memref<1000000x64xf32, #tpu.memory_space<hbm>>
    tpu.enqueue_indirect_dma source(%dma_start3A_117 : memref<1000000x64xf32, #tpu.memory_space<hbm>>) target(%arg26 : memref<128x64xf32, #tpu.memory_space<vmem>>) offsets(%dma_start3A_114 : memref<128xi32, #tpu.memory_space<vmem>>) semaphore(%arg37 : memref<!tpu.dma_semaphore, #tpu.memory_space<semaphore_mem>>)
    %dma_start3A_118 = arith.constant 128 : i32
    %dma_start3A_119 = tpu.memref_slice %arg15[%dma_start3A_118] : memref<512xi32, #tpu.memory_space<vmem>> -> memref<128xi32, #tpu.memory_space<vmem>>
    %dma_start3A_120 = arith.constant 0 : i32
    %dma_start3A_121 = arith.constant 0 : i32
    %dma_start3A_122 = tpu.memref_slice %arg7[%dma_start3A_120, %dma_start3A_121] : memref<1000000x64xf32, #tpu.memory_space<hbm>> -> memref<1000000x64xf32, #tpu.memory_space<hbm>>
    tpu.enqueue_indirect_dma source(%dma_start3A_122 : memref<1000000x64xf32, #tpu.memory_space<hbm>>) target(%arg27 : memref<128x64xf32, #tpu.memory_space<vmem>>) offsets(%dma_start3A_119 : memref<128xi32, #tpu.memory_space<vmem>>) semaphore(%arg37 : memref<!tpu.dma_semaphore, #tpu.memory_space<semaphore_mem>>)
    %dma_start3A_123 = arith.constant 128 : i32
    %dma_start3A_124 = tpu.memref_slice %arg16[%dma_start3A_123] : memref<512xi32, #tpu.memory_space<vmem>> -> memref<128xi32, #tpu.memory_space<vmem>>
    %dma_start3A_125 = arith.constant 0 : i32
    %dma_start3A_126 = arith.constant 0 : i32
    %dma_start3A_127 = tpu.memref_slice %arg7[%dma_start3A_125, %dma_start3A_126] : memref<1000000x64xf32, #tpu.memory_space<hbm>> -> memref<1000000x64xf32, #tpu.memory_space<hbm>>
    tpu.enqueue_indirect_dma source(%dma_start3A_127 : memref<1000000x64xf32, #tpu.memory_space<hbm>>) target(%arg28 : memref<128x64xf32, #tpu.memory_space<vmem>>) offsets(%dma_start3A_124 : memref<128xi32, #tpu.memory_space<vmem>>) semaphore(%arg37 : memref<!tpu.dma_semaphore, #tpu.memory_space<semaphore_mem>>)
    %dma_start3A_128 = arith.constant 128 : i32
    %dma_start3A_129 = tpu.memref_slice %arg17[%dma_start3A_128] : memref<512xi32, #tpu.memory_space<vmem>> -> memref<128xi32, #tpu.memory_space<vmem>>
    %dma_start3A_130 = arith.constant 0 : i32
    %dma_start3A_131 = arith.constant 0 : i32
    %dma_start3A_132 = tpu.memref_slice %arg7[%dma_start3A_130, %dma_start3A_131] : memref<1000000x64xf32, #tpu.memory_space<hbm>> -> memref<1000000x64xf32, #tpu.memory_space<hbm>>
    tpu.enqueue_indirect_dma source(%dma_start3A_132 : memref<1000000x64xf32, #tpu.memory_space<hbm>>) target(%arg29 : memref<128x64xf32, #tpu.memory_space<vmem>>) offsets(%dma_start3A_129 : memref<128xi32, #tpu.memory_space<vmem>>) semaphore(%arg37 : memref<!tpu.dma_semaphore, #tpu.memory_space<semaphore_mem>>)
    %dma_start3A_133 = arith.constant 128 : i32
    %dma_start3A_134 = tpu.memref_slice %arg19[%dma_start3A_133] : memref<512xi32, #tpu.memory_space<vmem>> -> memref<128xi32, #tpu.memory_space<vmem>>
    %dma_start3A_135 = arith.constant 0 : i32
    %dma_start3A_136 = arith.constant 0 : i32
    %dma_start3A_137 = tpu.memref_slice %arg13[%dma_start3A_135, %dma_start3A_136] : memref<2048x64xf32, #tpu.memory_space<hbm>> -> memref<2048x64xf32, #tpu.memory_space<hbm>>
    tpu.enqueue_indirect_dma source(%dma_start3A_137 : memref<2048x64xf32, #tpu.memory_space<hbm>>) target(%arg30 : memref<128x64xf32, #tpu.memory_space<vmem>>) offsets(%dma_start3A_134 : memref<128xi32, #tpu.memory_space<vmem>>) semaphore(%arg37 : memref<!tpu.dma_semaphore, #tpu.memory_space<semaphore_mem>>)
    %dma_start3A_138 = arith.constant 128 : i32
    %dma_start3A_139 = tpu.memref_slice %arg19[%dma_start3A_138] : memref<512xi32, #tpu.memory_space<vmem>> -> memref<128xi32, #tpu.memory_space<vmem>>
    %dma_start3A_140 = arith.constant 0 : i32
    %dma_start3A_141 = arith.constant 0 : i32
    %dma_start3A_142 = tpu.memref_slice %arg12[%dma_start3A_140, %dma_start3A_141] : memref<2048x64xf32, #tpu.memory_space<hbm>> -> memref<2048x64xf32, #tpu.memory_space<hbm>>
    tpu.enqueue_indirect_dma source(%dma_start3A_142 : memref<2048x64xf32, #tpu.memory_space<hbm>>) target(%arg31 : memref<128x64xf32, #tpu.memory_space<vmem>>) offsets(%dma_start3A_139 : memref<128xi32, #tpu.memory_space<vmem>>) semaphore(%arg37 : memref<!tpu.dma_semaphore, #tpu.memory_space<semaphore_mem>>)
    %broadcast_in_dim3A_143 = arith.constant 0.000000e+00 : f32
    %broadcast_in_dim3A_144 = vector.broadcast %broadcast_in_dim3A_143 : f32 to vector<16xf32>
    %broadcast_in_dim3A_145 = arith.constant 0 : i32
    %broadcast_in_dim3A_146 = vector.broadcast %broadcast_in_dim3A_145 : i32 to vector<16xi32>
    %scan3A_147 = arith.constant 0 : i32
    %scan3A_148 = arith.constant 0 : i32
    %scan3A_149 = arith.constant 8 : i32
    %scan3A_150 = arith.addi %scan3A_148, %scan3A_149 : i32
    %scan3A_151 = arith.constant 1 : i32
    %scan3A_152 = scf.for %scan3A_337 = %scan3A_148 to %scan3A_150 step %scan3A_151 iter_args(%scan3A_338 = %scan3A_147) -> (i32)  : i32 {
      %mul3A_339 = arith.constant 16 : i32
      %mul3A_340 = arith.muli %scan3A_337, %mul3A_339 : i32
      %iota3A_341 = tpu.iota {dimensions = array<i32: 0>} : vector<16xi32>
      %add3A_342 = vector.broadcast %mul3A_340 : i32 to vector<16xi32>
      %add3A_343 = arith.addi %add3A_342, %iota3A_341 : vector<16xi32>
      %mul3A_344 = arith.constant 64 : i32
      %mul3A_345 = vector.broadcast %mul3A_344 : i32 to vector<16xi32>
      %mul3A_346 = arith.muli %add3A_343, %mul3A_345 : vector<16xi32>
      %and3A = arith.constant 63 : i32
      %and3A_347 = vector.broadcast %and3A : i32 to vector<16xi32>
      %and3A_348 = arith.andi %add3A_343, %and3A_347 : vector<16xi32>
      %scan3A_349 = arith.constant 0 : i32
      %scan3A_350 = arith.constant 16 : i32
      %scan3A_351 = arith.addi %scan3A_349, %scan3A_350 : i32
      %scan3A_352 = arith.constant 1 : i32
      %scan3A_353:18 = scf.for %scan3A_710 = %scan3A_349 to %scan3A_351 step %scan3A_352 iter_args(%scan3A_711 = %and3A_348, %scan3A_712 = %broadcast_in_dim3A_144, %scan3A_713 = %broadcast_in_dim3A_144, %scan3A_714 = %broadcast_in_dim3A_144, %scan3A_715 = %broadcast_in_dim3A_144, %scan3A_716 = %broadcast_in_dim3A_144, %scan3A_717 = %broadcast_in_dim3A_144, %scan3A_718 = %broadcast_in_dim3A_144, %scan3A_719 = %broadcast_in_dim3A_144, %scan3A_720 = %broadcast_in_dim3A_144, %scan3A_721 = %broadcast_in_dim3A_144, %scan3A_722 = %broadcast_in_dim3A_144, %scan3A_723 = %broadcast_in_dim3A_144, %scan3A_724 = %broadcast_in_dim3A_144, %scan3A_725 = %broadcast_in_dim3A_144, %scan3A_726 = %broadcast_in_dim3A_144, %scan3A_727 = %broadcast_in_dim3A_144, %scan3A_728 = %broadcast_in_dim3A_144) -> (vector<16xi32>, vector<16xf32>, vector<16xf32>, vector<16xf32>, vector<16xf32>, vector<16xf32>, vector<16xf32>, vector<16xf32>, vector<16xf32>, vector<16xf32>, vector<16xf32>, vector<16xf32>, vector<16xf32>, vector<16xf32>, vector<16xf32>, vector<16xf32>, vector<16xf32>, vector<16xf32>)  : i32 {
        %add3A_729 = arith.addi %mul3A_346, %scan3A_711 : vector<16xi32>
        %gather3A = tpu.vector_load_idx %arg20[%broadcast_in_dim3A_146, %add3A_729] : memref<128x64xf32, #tpu.memory_space<vmem>>[vector<16xi32>, vector<16xi32>], vector<16xf32>,
        %gather3A_730 = tpu.vector_load_idx %arg21[%broadcast_in_dim3A_146, %add3A_729] : memref<128x64xf32, #tpu.memory_space<vmem>>[vector<16xi32>, vector<16xi32>], vector<16xf32>,
        %gather3A_731 = tpu.vector_load_idx %arg22[%broadcast_in_dim3A_146, %add3A_729] : memref<128x64xf32, #tpu.memory_space<vmem>>[vector<16xi32>, vector<16xi32>], vector<16xf32>,
        %gather3A_732 = tpu.vector_load_idx %arg23[%broadcast_in_dim3A_146, %add3A_729] : memref<128x64xf32, #tpu.memory_space<vmem>>[vector<16xi32>, vector<16xi32>], vector<16xf32>,
        %gather3A_733 = tpu.vector_load_idx %arg24[%broadcast_in_dim3A_146, %add3A_729] : memref<128x64xf32, #tpu.memory_space<vmem>>[vector<16xi32>, vector<16xi32>], vector<16xf32>,
        %gather3A_734 = tpu.vector_load_idx %arg25[%broadcast_in_dim3A_146, %add3A_729] : memref<128x64xf32, #tpu.memory_space<vmem>>[vector<16xi32>, vector<16xi32>], vector<16xf32>,
        %mul3A_735 = arith.mulf %gather3A, %gather3A : vector<16xf32>
        %add3A_736 = arith.addf %scan3A_712, %mul3A_735 : vector<16xf32>
        %mul3A_737 = arith.mulf %gather3A_730, %gather3A_730 : vector<16xf32>
        %add3A_738 = arith.addf %scan3A_713, %mul3A_737 : vector<16xf32>
        %mul3A_739 = arith.mulf %gather3A, %gather3A_730 : vector<16xf32>
        %add3A_740 = arith.addf %scan3A_714, %mul3A_739 : vector<16xf32>
        %mul3A_741 = arith.mulf %gather3A, %gather3A_733 : vector<16xf32>
        %add3A_742 = arith.addf %scan3A_715, %mul3A_741 : vector<16xf32>
        %mul3A_743 = arith.mulf %gather3A_730, %gather3A_733 : vector<16xf32>
        %add3A_744 = arith.addf %scan3A_716, %mul3A_743 : vector<16xf32>
        %mul3A_745 = arith.mulf %gather3A, %gather3A_734 : vector<16xf32>
        %add3A_746 = arith.addf %scan3A_717, %mul3A_745 : vector<16xf32>
        %mul3A_747 = arith.mulf %gather3A_730, %gather3A_734 : vector<16xf32>
        %add3A_748 = arith.addf %scan3A_718, %mul3A_747 : vector<16xf32>
        %mul3A_749 = arith.mulf %gather3A_731, %gather3A_731 : vector<16xf32>
        %add3A_750 = arith.addf %scan3A_719, %mul3A_749 : vector<16xf32>
        %mul3A_751 = arith.mulf %gather3A_732, %gather3A_732 : vector<16xf32>
        %add3A_752 = arith.addf %scan3A_720, %mul3A_751 : vector<16xf32>
        %mul3A_753 = arith.mulf %gather3A_731, %gather3A_732 : vector<16xf32>
        %add3A_754 = arith.addf %scan3A_721, %mul3A_753 : vector<16xf32>
        %mul3A_755 = arith.mulf %gather3A_731, %gather3A_733 : vector<16xf32>
        %add3A_756 = arith.addf %scan3A_722, %mul3A_755 : vector<16xf32>
        %mul3A_757 = arith.mulf %gather3A_732, %gather3A_733 : vector<16xf32>
        %add3A_758 = arith.addf %scan3A_723, %mul3A_757 : vector<16xf32>
        %mul3A_759 = arith.mulf %gather3A_731, %gather3A_734 : vector<16xf32>
        %add3A_760 = arith.addf %scan3A_724, %mul3A_759 : vector<16xf32>
        %mul3A_761 = arith.mulf %gather3A_732, %gather3A_734 : vector<16xf32>
        %add3A_762 = arith.addf %scan3A_725, %mul3A_761 : vector<16xf32>
        %mul3A_763 = arith.mulf %gather3A_734, %gather3A_734 : vector<16xf32>
        %add3A_764 = arith.addf %scan3A_726, %mul3A_763 : vector<16xf32>
        %mul3A_765 = arith.mulf %gather3A_733, %gather3A_733 : vector<16xf32>
        %add3A_766 = arith.addf %scan3A_727, %mul3A_765 : vector<16xf32>
        %mul3A_767 = arith.mulf %gather3A_734, %gather3A_733 : vector<16xf32>
        %add3A_768 = arith.addf %scan3A_728, %mul3A_767 : vector<16xf32>
        %add3A_769 = arith.constant 1 : i32
        %add3A_770 = vector.broadcast %add3A_769 : i32 to vector<16xi32>
        %add3A_771 = arith.addi %scan3A_711, %add3A_770 : vector<16xi32>
        %and3A_772 = arith.constant 63 : i32
        %and3A_773 = vector.broadcast %and3A_772 : i32 to vector<16xi32>
        %and3A_774 = arith.andi %add3A_771, %and3A_773 : vector<16xi32>
        %add3A_775 = arith.addi %mul3A_346, %and3A_774 : vector<16xi32>
        %gather3A_776 = tpu.vector_load_idx %arg20[%broadcast_in_dim3A_146, %add3A_775] : memref<128x64xf32, #tpu.memory_space<vmem>>[vector<16xi32>, vector<16xi32>], vector<16xf32>,
        %gather3A_777 = tpu.vector_load_idx %arg21[%broadcast_in_dim3A_146, %add3A_775] : memref<128x64xf32, #tpu.memory_space<vmem>>[vector<16xi32>, vector<16xi32>], vector<16xf32>,
        %gather3A_778 = tpu.vector_load_idx %arg22[%broadcast_in_dim3A_146, %add3A_775] : memref<128x64xf32, #tpu.memory_space<vmem>>[vector<16xi32>, vector<16xi32>], vector<16xf32>,
        %gather3A_779 = tpu.vector_load_idx %arg23[%broadcast_in_dim3A_146, %add3A_775] : memref<128x64xf32, #tpu.memory_space<vmem>>[vector<16xi32>, vector<16xi32>], vector<16xf32>,
        %gather3A_780 = tpu.vector_load_idx %arg24[%broadcast_in_dim3A_146, %add3A_775] : memref<128x64xf32, #tpu.memory_space<vmem>>[vector<16xi32>, vector<16xi32>], vector<16xf32>,
        %gather3A_781 = tpu.vector_load_idx %arg25[%broadcast_in_dim3A_146, %add3A_775] : memref<128x64xf32, #tpu.memory_space<vmem>>[vector<16xi32>, vector<16xi32>], vector<16xf32>,
        %mul3A_782 = arith.mulf %gather3A_776, %gather3A_776 : vector<16xf32>
        %add3A_783 = arith.addf %add3A_736, %mul3A_782 : vector<16xf32>
        %mul3A_784 = arith.mulf %gather3A_777, %gather3A_777 : vector<16xf32>
        %add3A_785 = arith.addf %add3A_738, %mul3A_784 : vector<16xf32>
        %mul3A_786 = arith.mulf %gather3A_776, %gather3A_777 : vector<16xf32>
        %add3A_787 = arith.addf %add3A_740, %mul3A_786 : vector<16xf32>
        %mul3A_788 = arith.mulf %gather3A_776, %gather3A_780 : vector<16xf32>
        %add3A_789 = arith.addf %add3A_742, %mul3A_788 : vector<16xf32>
        %mul3A_790 = arith.mulf %gather3A_777, %gather3A_780 : vector<16xf32>
        %add3A_791 = arith.addf %add3A_744, %mul3A_790 : vector<16xf32>
        %mul3A_792 = arith.mulf %gather3A_776, %gather3A_781 : vector<16xf32>
        %add3A_793 = arith.addf %add3A_746, %mul3A_792 : vector<16xf32>
        %mul3A_794 = arith.mulf %gather3A_777, %gather3A_781 : vector<16xf32>
        %add3A_795 = arith.addf %add3A_748, %mul3A_794 : vector<16xf32>
        %mul3A_796 = arith.mulf %gather3A_778, %gather3A_778 : vector<16xf32>
        %add3A_797 = arith.addf %add3A_750, %mul3A_796 : vector<16xf32>
        %mul3A_798 = arith.mulf %gather3A_779, %gather3A_779 : vector<16xf32>
        %add3A_799 = arith.addf %add3A_752, %mul3A_798 : vector<16xf32>
        %mul3A_800 = arith.mulf %gather3A_778, %gather3A_779 : vector<16xf32>
        %add3A_801 = arith.addf %add3A_754, %mul3A_800 : vector<16xf32>
        %mul3A_802 = arith.mulf %gather3A_778, %gather3A_780 : vector<16xf32>
        %add3A_803 = arith.addf %add3A_756, %mul3A_802 : vector<16xf32>
        %mul3A_804 = arith.mulf %gather3A_779, %gather3A_780 : vector<16xf32>
        %add3A_805 = arith.addf %add3A_758, %mul3A_804 : vector<16xf32>
        %mul3A_806 = arith.mulf %gather3A_778, %gather3A_781 : vector<16xf32>
        %add3A_807 = arith.addf %add3A_760, %mul3A_806 : vector<16xf32>
        %mul3A_808 = arith.mulf %gather3A_779, %gather3A_781 : vector<16xf32>
        %add3A_809 = arith.addf %add3A_762, %mul3A_808 : vector<16xf32>
        %mul3A_810 = arith.mulf %gather3A_781, %gather3A_781 : vector<16xf32>
        %add3A_811 = arith.addf %add3A_764, %mul3A_810 : vector<16xf32>
        %mul3A_812 = arith.mulf %gather3A_780, %gather3A_780 : vector<16xf32>
        %add3A_813 = arith.addf %add3A_766, %mul3A_812 : vector<16xf32>
        %mul3A_814 = arith.mulf %gather3A_781, %gather3A_780 : vector<16xf32>
        %add3A_815 = arith.addf %add3A_768, %mul3A_814 : vector<16xf32>
        %add3A_816 = arith.constant 1 : i32
        %add3A_817 = vector.broadcast %add3A_816 : i32 to vector<16xi32>
        %add3A_818 = arith.addi %and3A_774, %add3A_817 : vector<16xi32>
        %and3A_819 = arith.constant 63 : i32
        %and3A_820 = vector.broadcast %and3A_819 : i32 to vector<16xi32>
        %and3A_821 = arith.andi %add3A_818, %and3A_820 : vector<16xi32>
        %add3A_822 = arith.addi %mul3A_346, %and3A_821 : vector<16xi32>
        %gather3A_823 = tpu.vector_load_idx %arg20[%broadcast_in_dim3A_146, %add3A_822] : memref<128x64xf32, #tpu.memory_space<vmem>>[vector<16xi32>, vector<16xi32>], vector<16xf32>,
        %gather3A_824 = tpu.vector_load_idx %arg21[%broadcast_in_dim3A_146, %add3A_822] : memref<128x64xf32, #tpu.memory_space<vmem>>[vector<16xi32>, vector<16xi32>], vector<16xf32>,
        %gather3A_825 = tpu.vector_load_idx %arg22[%broadcast_in_dim3A_146, %add3A_822] : memref<128x64xf32, #tpu.memory_space<vmem>>[vector<16xi32>, vector<16xi32>], vector<16xf32>,
        %gather3A_826 = tpu.vector_load_idx %arg23[%broadcast_in_dim3A_146, %add3A_822] : memref<128x64xf32, #tpu.memory_space<vmem>>[vector<16xi32>, vector<16xi32>], vector<16xf32>,
        %gather3A_827 = tpu.vector_load_idx %arg24[%broadcast_in_dim3A_146, %add3A_822] : memref<128x64xf32, #tpu.memory_space<vmem>>[vector<16xi32>, vector<16xi32>], vector<16xf32>,
        %gather3A_828 = tpu.vector_load_idx %arg25[%broadcast_in_dim3A_146, %add3A_822] : memref<128x64xf32, #tpu.memory_space<vmem>>[vector<16xi32>, vector<16xi32>], vector<16xf32>,
        %mul3A_829 = arith.mulf %gather3A_823, %gather3A_823 : vector<16xf32>
        %add3A_830 = arith.addf %add3A_783, %mul3A_829 : vector<16xf32>
        %mul3A_831 = arith.mulf %gather3A_824, %gather3A_824 : vector<16xf32>
        %add3A_832 = arith.addf %add3A_785, %mul3A_831 : vector<16xf32>
        %mul3A_833 = arith.mulf %gather3A_823, %gather3A_824 : vector<16xf32>
        %add3A_834 = arith.addf %add3A_787, %mul3A_833 : vector<16xf32>
        %mul3A_835 = arith.mulf %gather3A_823, %gather3A_827 : vector<16xf32>
        %add3A_836 = arith.addf %add3A_789, %mul3A_835 : vector<16xf32>
        %mul3A_837 = arith.mulf %gather3A_824, %gather3A_827 : vector<16xf32>
        %add3A_838 = arith.addf %add3A_791, %mul3A_837 : vector<16xf32>
        %mul3A_839 = arith.mulf %gather3A_823, %gather3A_828 : vector<16xf32>
        %add3A_840 = arith.addf %add3A_793, %mul3A_839 : vector<16xf32>
        %mul3A_841 = arith.mulf %gather3A_824, %gather3A_828 : vector<16xf32>
        %add3A_842 = arith.addf %add3A_795, %mul3A_841 : vector<16xf32>
        %mul3A_843 = arith.mulf %gather3A_825, %gather3A_825 : vector<16xf32>
        %add3A_844 = arith.addf %add3A_797, %mul3A_843 : vector<16xf32>
        %mul3A_845 = arith.mulf %gather3A_826, %gather3A_826 : vector<16xf32>
        %add3A_846 = arith.addf %add3A_799, %mul3A_845 : vector<16xf32>
        %mul3A_847 = arith.mulf %gather3A_825, %gather3A_826 : vector<16xf32>
        %add3A_848 = arith.addf %add3A_801, %mul3A_847 : vector<16xf32>
        %mul3A_849 = arith.mulf %gather3A_825, %gather3A_827 : vector<16xf32>
        %add3A_850 = arith.addf %add3A_803, %mul3A_849 : vector<16xf32>
        %mul3A_851 = arith.mulf %gather3A_826, %gather3A_827 : vector<16xf32>
        %add3A_852 = arith.addf %add3A_805, %mul3A_851 : vector<16xf32>
        %mul3A_853 = arith.mulf %gather3A_825, %gather3A_828 : vector<16xf32>
        %add3A_854 = arith.addf %add3A_807, %mul3A_853 : vector<16xf32>
        %mul3A_855 = arith.mulf %gather3A_826, %gather3A_828 : vector<16xf32>
        %add3A_856 = arith.addf %add3A_809, %mul3A_855 : vector<16xf32>
        %mul3A_857 = arith.mulf %gather3A_828, %gather3A_828 : vector<16xf32>
        %add3A_858 = arith.addf %add3A_811, %mul3A_857 : vector<16xf32>
        %mul3A_859 = arith.mulf %gather3A_827, %gather3A_827 : vector<16xf32>
        %add3A_860 = arith.addf %add3A_813, %mul3A_859 : vector<16xf32>
        %mul3A_861 = arith.mulf %gather3A_828, %gather3A_827 : vector<16xf32>
        %add3A_862 = arith.addf %add3A_815, %mul3A_861 : vector<16xf32>
        %add3A_863 = arith.constant 1 : i32
        %add3A_864 = vector.broadcast %add3A_863 : i32 to vector<16xi32>
        %add3A_865 = arith.addi %and3A_821, %add3A_864 : vector<16xi32>
        %and3A_866 = arith.constant 63 : i32
        %and3A_867 = vector.broadcast %and3A_866 : i32 to vector<16xi32>
        %and3A_868 = arith.andi %add3A_865, %and3A_867 : vector<16xi32>
        %add3A_869 = arith.addi %mul3A_346, %and3A_868 : vector<16xi32>
        %gather3A_870 = tpu.vector_load_idx %arg20[%broadcast_in_dim3A_146, %add3A_869] : memref<128x64xf32, #tpu.memory_space<vmem>>[vector<16xi32>, vector<16xi32>], vector<16xf32>,
        %gather3A_871 = tpu.vector_load_idx %arg21[%broadcast_in_dim3A_146, %add3A_869] : memref<128x64xf32, #tpu.memory_space<vmem>>[vector<16xi32>, vector<16xi32>], vector<16xf32>,
        %gather3A_872 = tpu.vector_load_idx %arg22[%broadcast_in_dim3A_146, %add3A_869] : memref<128x64xf32, #tpu.memory_space<vmem>>[vector<16xi32>, vector<16xi32>], vector<16xf32>,
        %gather3A_873 = tpu.vector_load_idx %arg23[%broadcast_in_dim3A_146, %add3A_869] : memref<128x64xf32, #tpu.memory_space<vmem>>[vector<16xi32>, vector<16xi32>], vector<16xf32>,
        %gather3A_874 = tpu.vector_load_idx %arg24[%broadcast_in_dim3A_146, %add3A_869] : memref<128x64xf32, #tpu.memory_space<vmem>>[vector<16xi32>, vector<16xi32>], vector<16xf32>,
        %gather3A_875 = tpu.vector_load_idx %arg25[%broadcast_in_dim3A_146, %add3A_869] : memref<128x64xf32, #tpu.memory_space<vmem>>[vector<16xi32>, vector<16xi32>], vector<16xf32>,
        %mul3A_876 = arith.mulf %gather3A_870, %gather3A_870 : vector<16xf32>
        %add3A_877 = arith.addf %add3A_830, %mul3A_876 : vector<16xf32>
        %mul3A_878 = arith.mulf %gather3A_871, %gather3A_871 : vector<16xf32>
        %add3A_879 = arith.addf %add3A_832, %mul3A_878 : vector<16xf32>
        %mul3A_880 = arith.mulf %gather3A_870, %gather3A_871 : vector<16xf32>
        %add3A_881 = arith.addf %add3A_834, %mul3A_880 : vector<16xf32>
        %mul3A_882 = arith.mulf %gather3A_870, %gather3A_874 : vector<16xf32>
        %add3A_883 = arith.addf %add3A_836, %mul3A_882 : vector<16xf32>
        %mul3A_884 = arith.mulf %gather3A_871, %gather3A_874 : vector<16xf32>
        %add3A_885 = arith.addf %add3A_838, %mul3A_884 : vector<16xf32>
        %mul3A_886 = arith.mulf %gather3A_870, %gather3A_875 : vector<16xf32>
        %add3A_887 = arith.addf %add3A_840, %mul3A_886 : vector<16xf32>
        %mul3A_888 = arith.mulf %gather3A_871, %gather3A_875 : vector<16xf32>
        %add3A_889 = arith.addf %add3A_842, %mul3A_888 : vector<16xf32>
        %mul3A_890 = arith.mulf %gather3A_872, %gather3A_872 : vector<16xf32>
        %add3A_891 = arith.addf %add3A_844, %mul3A_890 : vector<16xf32>
        %mul3A_892 = arith.mulf %gather3A_873, %gather3A_873 : vector<16xf32>
        %add3A_893 = arith.addf %add3A_846, %mul3A_892 : vector<16xf32>
        %mul3A_894 = arith.mulf %gather3A_872, %gather3A_873 : vector<16xf32>
        %add3A_895 = arith.addf %add3A_848, %mul3A_894 : vector<16xf32>
        %mul3A_896 = arith.mulf %gather3A_872, %gather3A_874 : vector<16xf32>
        %add3A_897 = arith.addf %add3A_850, %mul3A_896 : vector<16xf32>
        %mul3A_898 = arith.mulf %gather3A_873, %gather3A_874 : vector<16xf32>
        %add3A_899 = arith.addf %add3A_852, %mul3A_898 : vector<16xf32>
        %mul3A_900 = arith.mulf %gather3A_872, %gather3A_875 : vector<16xf32>
        %add3A_901 = arith.addf %add3A_854, %mul3A_900 : vector<16xf32>
        %mul3A_902 = arith.mulf %gather3A_873, %gather3A_875 : vector<16xf32>
        %add3A_903 = arith.addf %add3A_856, %mul3A_902 : vector<16xf32>
        %mul3A_904 = arith.mulf %gather3A_875, %gather3A_875 : vector<16xf32>
        %add3A_905 = arith.addf %add3A_858, %mul3A_904 : vector<16xf32>
        %mul3A_906 = arith.mulf %gather3A_874, %gather3A_874 : vector<16xf32>
        %add3A_907 = arith.addf %add3A_860, %mul3A_906 : vector<16xf32>
        %mul3A_908 = arith.mulf %gather3A_875, %gather3A_874 : vector<16xf32>
        %add3A_909 = arith.addf %add3A_862, %mul3A_908 : vector<16xf32>
        %add3A_910 = arith.constant 1 : i32
        %add3A_911 = vector.broadcast %add3A_910 : i32 to vector<16xi32>
        %add3A_912 = arith.addi %and3A_868, %add3A_911 : vector<16xi32>
        %and3A_913 = arith.constant 63 : i32
        %and3A_914 = vector.broadcast %and3A_913 : i32 to vector<16xi32>
        %and3A_915 = arith.andi %add3A_912, %and3A_914 : vector<16xi32>
        scf.yield %and3A_915, %add3A_877, %add3A_879, %add3A_881, %add3A_883, %add3A_885, %add3A_887, %add3A_889, %add3A_891, %add3A_893, %add3A_895, %add3A_897, %add3A_899, %add3A_901, %add3A_903, %add3A_905, %add3A_907, %add3A_909 : vector<16xi32>, vector<16xf32>, vector<16xf32>, vector<16xf32>, vector<16xf32>, vector<16xf32>, vector<16xf32>, vector<16xf32>, vector<16xf32>, vector<16xf32>, vector<16xf32>, vector<16xf32>, vector<16xf32>, vector<16xf32>, vector<16xf32>, vector<16xf32>, vector<16xf32>, vector<16xf32>
      }
      %scan3A_354 = arith.constant 16 : i32
      %max3A = arith.constant 1.000000e-30 : f32
      %max3A_355 = vector.broadcast %max3A : f32 to vector<16xf32>
      %max3A_356 = arith.maximumf %scan3A_353#1, %max3A_355 : vector<16xf32>
      %bitcast_convert_type3A = tpu.bitcast %max3A_356 : vector<16xf32> -> vector<16xi32>
      %shift_right_arithmetic3A = arith.constant 1 : i32
      %shift_right_arithmetic3A_357 = vector.broadcast %shift_right_arithmetic3A : i32 to vector<16xi32>
      %shift_right_arithmetic3A_358 = arith.shrsi %bitcast_convert_type3A, %shift_right_arithmetic3A_357 : vector<16xi32>
      %sub3A = arith.constant 1597463007 : i32
      %sub3A_359 = vector.broadcast %sub3A : i32 to vector<16xi32>
      %sub3A_360 = arith.subi %sub3A_359, %shift_right_arithmetic3A_358 : vector<16xi32>
      %bitcast_convert_type3A_361 = tpu.bitcast %sub3A_360 : vector<16xi32> -> vector<16xf32>
      %mul3A_362 = arith.constant 5.000000e-01 : f32
      %mul3A_363 = vector.broadcast %mul3A_362 : f32 to vector<16xf32>
      %mul3A_364 = arith.mulf %mul3A_363, %max3A_356 : vector<16xf32>
      %mul3A_365 = arith.mulf %mul3A_364, %bitcast_convert_type3A_361 : vector<16xf32>
      %mul3A_366 = arith.mulf %mul3A_365, %bitcast_convert_type3A_361 : vector<16xf32>
      %sub3A_367 = arith.constant 1.500000e+00 : f32
      %sub3A_368 = vector.broadcast %sub3A_367 : f32 to vector<16xf32>
      %sub3A_369 = arith.subf %sub3A_368, %mul3A_366 : vector<16xf32>
      %mul3A_370 = arith.mulf %bitcast_convert_type3A_361, %sub3A_369 : vector<16xf32>
      %mul3A_371 = arith.constant 5.000000e-01 : f32
      %mul3A_372 = vector.broadcast %mul3A_371 : f32 to vector<16xf32>
      %mul3A_373 = arith.mulf %mul3A_372, %max3A_356 : vector<16xf32>
      %mul3A_374 = arith.mulf %mul3A_373, %mul3A_370 : vector<16xf32>
      %mul3A_375 = arith.mulf %mul3A_374, %mul3A_370 : vector<16xf32>
      %sub3A_376 = arith.constant 1.500000e+00 : f32
      %sub3A_377 = vector.broadcast %sub3A_376 : f32 to vector<16xf32>
      %sub3A_378 = arith.subf %sub3A_377, %mul3A_375 : vector<16xf32>
      %mul3A_379 = arith.mulf %mul3A_370, %sub3A_378 : vector<16xf32>
      %mul3A_380 = arith.constant 5.000000e-01 : f32
      %mul3A_381 = vector.broadcast %mul3A_380 : f32 to vector<16xf32>
      %mul3A_382 = arith.mulf %mul3A_381, %max3A_356 : vector<16xf32>
      %mul3A_383 = arith.mulf %mul3A_382, %mul3A_379 : vector<16xf32>
      %mul3A_384 = arith.mulf %mul3A_383, %mul3A_379 : vector<16xf32>
      %sub3A_385 = arith.constant 1.500000e+00 : f32
      %sub3A_386 = vector.broadcast %sub3A_385 : f32 to vector<16xf32>
      %sub3A_387 = arith.subf %sub3A_386, %mul3A_384 : vector<16xf32>
      %mul3A_388 = arith.mulf %mul3A_379, %sub3A_387 : vector<16xf32>
      %mul3A_389 = arith.mulf %max3A_356, %mul3A_388 : vector<16xf32>
      %gt3A = arith.constant 0.000000e+00 : f32
      %gt3A_390 = vector.broadcast %gt3A : f32 to vector<16xf32>
      %gt3A_391 = arith.cmpf ogt, %scan3A_353#1, %gt3A_390 : vector<16xf32>
      %jit3A = arith.constant 0.000000e+00 : f32
      %broadcast_in_dim3A_392 = vector.broadcast %jit3A : f32 to vector<16xf32>
      %select_n3A = arith.select %gt3A_391, %mul3A_389, %broadcast_in_dim3A_392 : vector<16xi1>, vector<16xf32>
      %max3A_393 = arith.constant 9.99999996E-13 : f32
      %max3A_394 = vector.broadcast %max3A_393 : f32 to vector<16xf32>
      %max3A_395 = arith.maximumf %select_n3A, %max3A_394 : vector<16xf32>
      %div3A = arith.constant 1.000000e+00 : f32
      %div3A_396 = vector.broadcast %div3A : f32 to vector<16xf32>
      %div3A_397 = arith.divf %div3A_396, %max3A_395 : vector<16xf32>
      %max3A_398 = arith.constant 1.000000e-30 : f32
      %max3A_399 = vector.broadcast %max3A_398 : f32 to vector<16xf32>
      %max3A_400 = arith.maximumf %scan3A_353#2, %max3A_399 : vector<16xf32>
      %bitcast_convert_type3A_401 = tpu.bitcast %max3A_400 : vector<16xf32> -> vector<16xi32>
      %shift_right_arithmetic3A_402 = arith.constant 1 : i32
      %shift_right_arithmetic3A_403 = vector.broadcast %shift_right_arithmetic3A_402 : i32 to vector<16xi32>
      %shift_right_arithmetic3A_404 = arith.shrsi %bitcast_convert_type3A_401, %shift_right_arithmetic3A_403 : vector<16xi32>
      %sub3A_405 = arith.constant 1597463007 : i32
      %sub3A_406 = vector.broadcast %sub3A_405 : i32 to vector<16xi32>
      %sub3A_407 = arith.subi %sub3A_406, %shift_right_arithmetic3A_404 : vector<16xi32>
      %bitcast_convert_type3A_408 = tpu.bitcast %sub3A_407 : vector<16xi32> -> vector<16xf32>
      %mul3A_409 = arith.constant 5.000000e-01 : f32
      %mul3A_410 = vector.broadcast %mul3A_409 : f32 to vector<16xf32>
      %mul3A_411 = arith.mulf %mul3A_410, %max3A_400 : vector<16xf32>
      %mul3A_412 = arith.mulf %mul3A_411, %bitcast_convert_type3A_408 : vector<16xf32>
      %mul3A_413 = arith.mulf %mul3A_412, %bitcast_convert_type3A_408 : vector<16xf32>
      %sub3A_414 = arith.constant 1.500000e+00 : f32
      %sub3A_415 = vector.broadcast %sub3A_414 : f32 to vector<16xf32>
      %sub3A_416 = arith.subf %sub3A_415, %mul3A_413 : vector<16xf32>
      %mul3A_417 = arith.mulf %bitcast_convert_type3A_408, %sub3A_416 : vector<16xf32>
      %mul3A_418 = arith.constant 5.000000e-01 : f32
      %mul3A_419 = vector.broadcast %mul3A_418 : f32 to vector<16xf32>
      %mul3A_420 = arith.mulf %mul3A_419, %max3A_400 : vector<16xf32>
      %mul3A_421 = arith.mulf %mul3A_420, %mul3A_417 : vector<16xf32>
      %mul3A_422 = arith.mulf %mul3A_421, %mul3A_417 : vector<16xf32>
      %sub3A_423 = arith.constant 1.500000e+00 : f32
      %sub3A_424 = vector.broadcast %sub3A_423 : f32 to vector<16xf32>
      %sub3A_425 = arith.subf %sub3A_424, %mul3A_422 : vector<16xf32>
      %mul3A_426 = arith.mulf %mul3A_417, %sub3A_425 : vector<16xf32>
      %mul3A_427 = arith.constant 5.000000e-01 : f32
      %mul3A_428 = vector.broadcast %mul3A_427 : f32 to vector<16xf32>
      %mul3A_429 = arith.mulf %mul3A_428, %max3A_400 : vector<16xf32>
      %mul3A_430 = arith.mulf %mul3A_429, %mul3A_426 : vector<16xf32>
      %mul3A_431 = arith.mulf %mul3A_430, %mul3A_426 : vector<16xf32>
      %sub3A_432 = arith.constant 1.500000e+00 : f32
      %sub3A_433 = vector.broadcast %sub3A_432 : f32 to vector<16xf32>
      %sub3A_434 = arith.subf %sub3A_433, %mul3A_431 : vector<16xf32>
      %mul3A_435 = arith.mulf %mul3A_426, %sub3A_434 : vector<16xf32>
      %mul3A_436 = arith.mulf %max3A_400, %mul3A_435 : vector<16xf32>
      %gt3A_437 = arith.constant 0.000000e+00 : f32
      %gt3A_438 = vector.broadcast %gt3A_437 : f32 to vector<16xf32>
      %gt3A_439 = arith.cmpf ogt, %scan3A_353#2, %gt3A_438 : vector<16xf32>
      %jit3A_440 = arith.constant 0.000000e+00 : f32
      %broadcast_in_dim3A_441 = vector.broadcast %jit3A_440 : f32 to vector<16xf32>
      %select_n3A_442 = arith.select %gt3A_439, %mul3A_436, %broadcast_in_dim3A_441 : vector<16xi1>, vector<16xf32>
      %max3A_443 = arith.constant 9.99999996E-13 : f32
      %max3A_444 = vector.broadcast %max3A_443 : f32 to vector<16xf32>
      %max3A_445 = arith.maximumf %select_n3A_442, %max3A_444 : vector<16xf32>
      %div3A_446 = arith.constant 1.000000e+00 : f32
      %div3A_447 = vector.broadcast %div3A_446 : f32 to vector<16xf32>
      %div3A_448 = arith.divf %div3A_447, %max3A_445 : vector<16xf32>
      %mul3A_449 = arith.mulf %div3A_397, %scan3A_353#4 : vector<16xf32>
      %mul3A_450 = arith.mulf %div3A_448, %scan3A_353#5 : vector<16xf32>
      %sub3A_451 = arith.subf %mul3A_449, %mul3A_450 : vector<16xf32>
      %mul3A_452 = arith.mulf %div3A_397, %div3A_397 : vector<16xf32>
      %mul3A_453 = arith.mulf %mul3A_452, %scan3A_353#1 : vector<16xf32>
      %mul3A_454 = arith.mulf %div3A_448, %div3A_448 : vector<16xf32>
      %mul3A_455 = arith.mulf %mul3A_454, %scan3A_353#2 : vector<16xf32>
      %add3A_456 = arith.addf %mul3A_453, %mul3A_455 : vector<16xf32>
      %add3A_457 = arith.addf %add3A_456, %scan3A_353#15 : vector<16xf32>
      %mul3A_458 = arith.mulf %sub3A_451, %sub3A_451 : vector<16xf32>
      %mul3A_459 = arith.mulf %mul3A_458, %scan3A_353#16 : vector<16xf32>
      %add3A_460 = arith.addf %add3A_457, %mul3A_459 : vector<16xf32>
      %mul3A_461 = arith.mulf %div3A_397, %div3A_448 : vector<16xf32>
      %neg3A = arith.constant 0.000000e+00 : f32
      %neg3A_462 = vector.broadcast %neg3A : f32 to vector<16xf32>
      %neg3A_463 = arith.subf %neg3A_462, %mul3A_461 : vector<16xf32>
      %mul3A_464 = arith.mulf %neg3A_463, %scan3A_353#3 : vector<16xf32>
      %mul3A_465 = arith.mulf %div3A_397, %scan3A_353#6 : vector<16xf32>
      %add3A_466 = arith.addf %mul3A_464, %mul3A_465 : vector<16xf32>
      %mul3A_467 = arith.mulf %sub3A_451, %mul3A_449 : vector<16xf32>
      %sub3A_468 = arith.subf %add3A_466, %mul3A_467 : vector<16xf32>
      %mul3A_469 = arith.mulf %div3A_448, %scan3A_353#7 : vector<16xf32>
      %sub3A_470 = arith.subf %sub3A_468, %mul3A_469 : vector<16xf32>
      %mul3A_471 = arith.mulf %sub3A_451, %mul3A_450 : vector<16xf32>
      %add3A_472 = arith.addf %sub3A_470, %mul3A_471 : vector<16xf32>
      %mul3A_473 = arith.mulf %sub3A_451, %scan3A_353#17 : vector<16xf32>
      %sub3A_474 = arith.subf %add3A_472, %mul3A_473 : vector<16xf32>
      %mul3A_475 = arith.constant 2.000000e+00 : f32
      %mul3A_476 = vector.broadcast %mul3A_475 : f32 to vector<16xf32>
      %mul3A_477 = arith.mulf %mul3A_476, %sub3A_474 : vector<16xf32>
      %add3A_478 = arith.addf %add3A_460, %mul3A_477 : vector<16xf32>
      %max3A_479 = arith.constant 1.000000e-30 : f32
      %max3A_480 = vector.broadcast %max3A_479 : f32 to vector<16xf32>
      %max3A_481 = arith.maximumf %scan3A_353#8, %max3A_480 : vector<16xf32>
      %bitcast_convert_type3A_482 = tpu.bitcast %max3A_481 : vector<16xf32> -> vector<16xi32>
      %shift_right_arithmetic3A_483 = arith.constant 1 : i32
      %shift_right_arithmetic3A_484 = vector.broadcast %shift_right_arithmetic3A_483 : i32 to vector<16xi32>
      %shift_right_arithmetic3A_485 = arith.shrsi %bitcast_convert_type3A_482, %shift_right_arithmetic3A_484 : vector<16xi32>
      %sub3A_486 = arith.constant 1597463007 : i32
      %sub3A_487 = vector.broadcast %sub3A_486 : i32 to vector<16xi32>
      %sub3A_488 = arith.subi %sub3A_487, %shift_right_arithmetic3A_485 : vector<16xi32>
      %bitcast_convert_type3A_489 = tpu.bitcast %sub3A_488 : vector<16xi32> -> vector<16xf32>
      %mul3A_490 = arith.constant 5.000000e-01 : f32
      %mul3A_491 = vector.broadcast %mul3A_490 : f32 to vector<16xf32>
      %mul3A_492 = arith.mulf %mul3A_491, %max3A_481 : vector<16xf32>
      %mul3A_493 = arith.mulf %mul3A_492, %bitcast_convert_type3A_489 : vector<16xf32>
      %mul3A_494 = arith.mulf %mul3A_493, %bitcast_convert_type3A_489 : vector<16xf32>
      %sub3A_495 = arith.constant 1.500000e+00 : f32
      %sub3A_496 = vector.broadcast %sub3A_495 : f32 to vector<16xf32>
      %sub3A_497 = arith.subf %sub3A_496, %mul3A_494 : vector<16xf32>
      %mul3A_498 = arith.mulf %bitcast_convert_type3A_489, %sub3A_497 : vector<16xf32>
      %mul3A_499 = arith.constant 5.000000e-01 : f32
      %mul3A_500 = vector.broadcast %mul3A_499 : f32 to vector<16xf32>
      %mul3A_501 = arith.mulf %mul3A_500, %max3A_481 : vector<16xf32>
      %mul3A_502 = arith.mulf %mul3A_501, %mul3A_498 : vector<16xf32>
      %mul3A_503 = arith.mulf %mul3A_502, %mul3A_498 : vector<16xf32>
      %sub3A_504 = arith.constant 1.500000e+00 : f32
      %sub3A_505 = vector.broadcast %sub3A_504 : f32 to vector<16xf32>
      %sub3A_506 = arith.subf %sub3A_505, %mul3A_503 : vector<16xf32>
      %mul3A_507 = arith.mulf %mul3A_498, %sub3A_506 : vector<16xf32>
      %mul3A_508 = arith.constant 5.000000e-01 : f32
      %mul3A_509 = vector.broadcast %mul3A_508 : f32 to vector<16xf32>
      %mul3A_510 = arith.mulf %mul3A_509, %max3A_481 : vector<16xf32>
      %mul3A_511 = arith.mulf %mul3A_510, %mul3A_507 : vector<16xf32>
      %mul3A_512 = arith.mulf %mul3A_511, %mul3A_507 : vector<16xf32>
      %sub3A_513 = arith.constant 1.500000e+00 : f32
      %sub3A_514 = vector.broadcast %sub3A_513 : f32 to vector<16xf32>
      %sub3A_515 = arith.subf %sub3A_514, %mul3A_512 : vector<16xf32>
      %mul3A_516 = arith.mulf %mul3A_507, %sub3A_515 : vector<16xf32>
      %mul3A_517 = arith.mulf %max3A_481, %mul3A_516 : vector<16xf32>
      %gt3A_518 = arith.constant 0.000000e+00 : f32
      %gt3A_519 = vector.broadcast %gt3A_518 : f32 to vector<16xf32>
      %gt3A_520 = arith.cmpf ogt, %scan3A_353#8, %gt3A_519 : vector<16xf32>
      %jit3A_521 = arith.constant 0.000000e+00 : f32
      %broadcast_in_dim3A_522 = vector.broadcast %jit3A_521 : f32 to vector<16xf32>
      %select_n3A_523 = arith.select %gt3A_520, %mul3A_517, %broadcast_in_dim3A_522 : vector<16xi1>, vector<16xf32>
      %max3A_524 = arith.constant 9.99999996E-13 : f32
      %max3A_525 = vector.broadcast %max3A_524 : f32 to vector<16xf32>
      %max3A_526 = arith.maximumf %select_n3A_523, %max3A_525 : vector<16xf32>
      %div3A_527 = arith.constant 1.000000e+00 : f32
      %div3A_528 = vector.broadcast %div3A_527 : f32 to vector<16xf32>
      %div3A_529 = arith.divf %div3A_528, %max3A_526 : vector<16xf32>
      %max3A_530 = arith.constant 1.000000e-30 : f32
      %max3A_531 = vector.broadcast %max3A_530 : f32 to vector<16xf32>
      %max3A_532 = arith.maximumf %scan3A_353#9, %max3A_531 : vector<16xf32>
      %bitcast_convert_type3A_533 = tpu.bitcast %max3A_532 : vector<16xf32> -> vector<16xi32>
      %shift_right_arithmetic3A_534 = arith.constant 1 : i32
      %shift_right_arithmetic3A_535 = vector.broadcast %shift_right_arithmetic3A_534 : i32 to vector<16xi32>
      %shift_right_arithmetic3A_536 = arith.shrsi %bitcast_convert_type3A_533, %shift_right_arithmetic3A_535 : vector<16xi32>
      %sub3A_537 = arith.constant 1597463007 : i32
      %sub3A_538 = vector.broadcast %sub3A_537 : i32 to vector<16xi32>
      %sub3A_539 = arith.subi %sub3A_538, %shift_right_arithmetic3A_536 : vector<16xi32>
      %bitcast_convert_type3A_540 = tpu.bitcast %sub3A_539 : vector<16xi32> -> vector<16xf32>
      %mul3A_541 = arith.constant 5.000000e-01 : f32
      %mul3A_542 = vector.broadcast %mul3A_541 : f32 to vector<16xf32>
      %mul3A_543 = arith.mulf %mul3A_542, %max3A_532 : vector<16xf32>
      %mul3A_544 = arith.mulf %mul3A_543, %bitcast_convert_type3A_540 : vector<16xf32>
      %mul3A_545 = arith.mulf %mul3A_544, %bitcast_convert_type3A_540 : vector<16xf32>
      %sub3A_546 = arith.constant 1.500000e+00 : f32
      %sub3A_547 = vector.broadcast %sub3A_546 : f32 to vector<16xf32>
      %sub3A_548 = arith.subf %sub3A_547, %mul3A_545 : vector<16xf32>
      %mul3A_549 = arith.mulf %bitcast_convert_type3A_540, %sub3A_548 : vector<16xf32>
      %mul3A_550 = arith.constant 5.000000e-01 : f32
      %mul3A_551 = vector.broadcast %mul3A_550 : f32 to vector<16xf32>
      %mul3A_552 = arith.mulf %mul3A_551, %max3A_532 : vector<16xf32>
      %mul3A_553 = arith.mulf %mul3A_552, %mul3A_549 : vector<16xf32>
      %mul3A_554 = arith.mulf %mul3A_553, %mul3A_549 : vector<16xf32>
      %sub3A_555 = arith.constant 1.500000e+00 : f32
      %sub3A_556 = vector.broadcast %sub3A_555 : f32 to vector<16xf32>
      %sub3A_557 = arith.subf %sub3A_556, %mul3A_554 : vector<16xf32>
      %mul3A_558 = arith.mulf %mul3A_549, %sub3A_557 : vector<16xf32>
      %mul3A_559 = arith.constant 5.000000e-01 : f32
      %mul3A_560 = vector.broadcast %mul3A_559 : f32 to vector<16xf32>
      %mul3A_561 = arith.mulf %mul3A_560, %max3A_532 : vector<16xf32>
      %mul3A_562 = arith.mulf %mul3A_561, %mul3A_558 : vector<16xf32>
      %mul3A_563 = arith.mulf %mul3A_562, %mul3A_558 : vector<16xf32>
      %sub3A_564 = arith.constant 1.500000e+00 : f32
      %sub3A_565 = vector.broadcast %sub3A_564 : f32 to vector<16xf32>
      %sub3A_566 = arith.subf %sub3A_565, %mul3A_563 : vector<16xf32>
      %mul3A_567 = arith.mulf %mul3A_558, %sub3A_566 : vector<16xf32>
      %mul3A_568 = arith.mulf %max3A_532, %mul3A_567 : vector<16xf32>
      %gt3A_569 = arith.constant 0.000000e+00 : f32
      %gt3A_570 = vector.broadcast %gt3A_569 : f32 to vector<16xf32>
      %gt3A_571 = arith.cmpf ogt, %scan3A_353#9, %gt3A_570 : vector<16xf32>
      %jit3A_572 = arith.constant 0.000000e+00 : f32
      %broadcast_in_dim3A_573 = vector.broadcast %jit3A_572 : f32 to vector<16xf32>
      %select_n3A_574 = arith.select %gt3A_571, %mul3A_568, %broadcast_in_dim3A_573 : vector<16xi1>, vector<16xf32>
      %max3A_575 = arith.constant 9.99999996E-13 : f32
      %max3A_576 = vector.broadcast %max3A_575 : f32 to vector<16xf32>
      %max3A_577 = arith.maximumf %select_n3A_574, %max3A_576 : vector<16xf32>
      %div3A_578 = arith.constant 1.000000e+00 : f32
      %div3A_579 = vector.broadcast %div3A_578 : f32 to vector<16xf32>
      %div3A_580 = arith.divf %div3A_579, %max3A_577 : vector<16xf32>
      %mul3A_581 = arith.mulf %div3A_529, %scan3A_353#11 : vector<16xf32>
      %mul3A_582 = arith.mulf %div3A_580, %scan3A_353#12 : vector<16xf32>
      %sub3A_583 = arith.subf %mul3A_581, %mul3A_582 : vector<16xf32>
      %mul3A_584 = arith.mulf %div3A_529, %div3A_529 : vector<16xf32>
      %mul3A_585 = arith.mulf %mul3A_584, %scan3A_353#8 : vector<16xf32>
      %mul3A_586 = arith.mulf %div3A_580, %div3A_580 : vector<16xf32>
      %mul3A_587 = arith.mulf %mul3A_586, %scan3A_353#9 : vector<16xf32>
      %add3A_588 = arith.addf %mul3A_585, %mul3A_587 : vector<16xf32>
      %add3A_589 = arith.addf %add3A_588, %scan3A_353#15 : vector<16xf32>
      %mul3A_590 = arith.mulf %sub3A_583, %sub3A_583 : vector<16xf32>
      %mul3A_591 = arith.mulf %mul3A_590, %scan3A_353#16 : vector<16xf32>
      %add3A_592 = arith.addf %add3A_589, %mul3A_591 : vector<16xf32>
      %mul3A_593 = arith.mulf %div3A_529, %div3A_580 : vector<16xf32>
      %neg3A_594 = arith.constant 0.000000e+00 : f32
      %neg3A_595 = vector.broadcast %neg3A_594 : f32 to vector<16xf32>
      %neg3A_596 = arith.subf %neg3A_595, %mul3A_593 : vector<16xf32>
      %mul3A_597 = arith.mulf %neg3A_596, %scan3A_353#10 : vector<16xf32>
      %mul3A_598 = arith.mulf %div3A_529, %scan3A_353#13 : vector<16xf32>
      %add3A_599 = arith.addf %mul3A_597, %mul3A_598 : vector<16xf32>
      %mul3A_600 = arith.mulf %sub3A_583, %mul3A_581 : vector<16xf32>
      %sub3A_601 = arith.subf %add3A_599, %mul3A_600 : vector<16xf32>
      %mul3A_602 = arith.mulf %div3A_580, %scan3A_353#14 : vector<16xf32>
      %sub3A_603 = arith.subf %sub3A_601, %mul3A_602 : vector<16xf32>
      %mul3A_604 = arith.mulf %sub3A_583, %mul3A_582 : vector<16xf32>
      %add3A_605 = arith.addf %sub3A_603, %mul3A_604 : vector<16xf32>
      %mul3A_606 = arith.mulf %sub3A_583, %scan3A_353#17 : vector<16xf32>
      %sub3A_607 = arith.subf %add3A_605, %mul3A_606 : vector<16xf32>
      %mul3A_608 = arith.constant 2.000000e+00 : f32
      %mul3A_609 = vector.broadcast %mul3A_608 : f32 to vector<16xf32>
      %mul3A_610 = arith.mulf %mul3A_609, %sub3A_607 : vector<16xf32>
      %add3A_611 = arith.addf %add3A_592, %mul3A_610 : vector<16xf32>
      %mul3A_612 = arith.constant 16 : i32
      %mul3A_613 = arith.muli %scan3A_337, %mul3A_612 : i32
      %add3A_614 = arith.constant 0 : i32
      %add3A_615 = arith.addi %add3A_614, %mul3A_613 : i32
      %max3A_616 = arith.constant 1.000000e-30 : f32
      %max3A_617 = vector.broadcast %max3A_616 : f32 to vector<16xf32>
      %max3A_618 = arith.maximumf %add3A_478, %max3A_617 : vector<16xf32>
      %bitcast_convert_type3A_619 = tpu.bitcast %max3A_618 : vector<16xf32> -> vector<16xi32>
      %shift_right_arithmetic3A_620 = arith.constant 1 : i32
      %shift_right_arithmetic3A_621 = vector.broadcast %shift_right_arithmetic3A_620 : i32 to vector<16xi32>
      %shift_right_arithmetic3A_622 = arith.shrsi %bitcast_convert_type3A_619, %shift_right_arithmetic3A_621 : vector<16xi32>
      %sub3A_623 = arith.constant 1597463007 : i32
      %sub3A_624 = vector.broadcast %sub3A_623 : i32 to vector<16xi32>
      %sub3A_625 = arith.subi %sub3A_624, %shift_right_arithmetic3A_622 : vector<16xi32>
      %bitcast_convert_type3A_626 = tpu.bitcast %sub3A_625 : vector<16xi32> -> vector<16xf32>
      %mul3A_627 = arith.constant 5.000000e-01 : f32
      %mul3A_628 = vector.broadcast %mul3A_627 : f32 to vector<16xf32>
      %mul3A_629 = arith.mulf %mul3A_628, %max3A_618 : vector<16xf32>
      %mul3A_630 = arith.mulf %mul3A_629, %bitcast_convert_type3A_626 : vector<16xf32>
      %mul3A_631 = arith.mulf %mul3A_630, %bitcast_convert_type3A_626 : vector<16xf32>
      %sub3A_632 = arith.constant 1.500000e+00 : f32
      %sub3A_633 = vector.broadcast %sub3A_632 : f32 to vector<16xf32>
      %sub3A_634 = arith.subf %sub3A_633, %mul3A_631 : vector<16xf32>
      %mul3A_635 = arith.mulf %bitcast_convert_type3A_626, %sub3A_634 : vector<16xf32>
      %mul3A_636 = arith.constant 5.000000e-01 : f32
      %mul3A_637 = vector.broadcast %mul3A_636 : f32 to vector<16xf32>
      %mul3A_638 = arith.mulf %mul3A_637, %max3A_618 : vector<16xf32>
      %mul3A_639 = arith.mulf %mul3A_638, %mul3A_635 : vector<16xf32>
      %mul3A_640 = arith.mulf %mul3A_639, %mul3A_635 : vector<16xf32>
      %sub3A_641 = arith.constant 1.500000e+00 : f32
      %sub3A_642 = vector.broadcast %sub3A_641 : f32 to vector<16xf32>
      %sub3A_643 = arith.subf %sub3A_642, %mul3A_640 : vector<16xf32>
      %mul3A_644 = arith.mulf %mul3A_635, %sub3A_643 : vector<16xf32>
      %mul3A_645 = arith.constant 5.000000e-01 : f32
      %mul3A_646 = vector.broadcast %mul3A_645 : f32 to vector<16xf32>
      %mul3A_647 = arith.mulf %mul3A_646, %max3A_618 : vector<16xf32>
      %mul3A_648 = arith.mulf %mul3A_647, %mul3A_644 : vector<16xf32>
      %mul3A_649 = arith.mulf %mul3A_648, %mul3A_644 : vector<16xf32>
      %sub3A_650 = arith.constant 1.500000e+00 : f32
      %sub3A_651 = vector.broadcast %sub3A_650 : f32 to vector<16xf32>
      %sub3A_652 = arith.subf %sub3A_651, %mul3A_649 : vector<16xf32>
      %mul3A_653 = arith.mulf %mul3A_644, %sub3A_652 : vector<16xf32>
      %mul3A_654 = arith.mulf %max3A_618, %mul3A_653 : vector<16xf32>
      %gt3A_655 = arith.constant 0.000000e+00 : f32
      %gt3A_656 = vector.broadcast %gt3A_655 : f32 to vector<16xf32>
      %gt3A_657 = arith.cmpf ogt, %add3A_478, %gt3A_656 : vector<16xf32>
      %jit3A_658 = arith.constant 0.000000e+00 : f32
      %broadcast_in_dim3A_659 = vector.broadcast %jit3A_658 : f32 to vector<16xf32>
      %select_n3A_660 = arith.select %gt3A_657, %mul3A_654, %broadcast_in_dim3A_659 : vector<16xi1>, vector<16xf32>
      %swap3A = arith.index_cast %add3A_615 : i32 to index
      %swap3A_661 = tpu.vector_load %arg32[%swap3A] {strides = array<i32>} : memref<512xf32, #tpu.memory_space<vmem>>, vector<16xf32>,
      tpu.vector_store %arg32[%swap3A], %select_n3A_660 {strides = array<i32>} : memref<512xf32, #tpu.memory_space<vmem>>, vector<16xf32>,
      %max3A_662 = arith.constant 1.000000e-30 : f32
      %max3A_663 = vector.broadcast %max3A_662 : f32 to vector<16xf32>
      %max3A_664 = arith.maximumf %add3A_611, %max3A_663 : vector<16xf32>
      %bitcast_convert_type3A_665 = tpu.bitcast %max3A_664 : vector<16xf32> -> vector<16xi32>
      %shift_right_arithmetic3A_666 = arith.constant 1 : i32
      %shift_right_arithmetic3A_667 = vector.broadcast %shift_right_arithmetic3A_666 : i32 to vector<16xi32>
      %shift_right_arithmetic3A_668 = arith.shrsi %bitcast_convert_type3A_665, %shift_right_arithmetic3A_667 : vector<16xi32>
      %sub3A_669 = arith.constant 1597463007 : i32
      %sub3A_670 = vector.broadcast %sub3A_669 : i32 to vector<16xi32>
      %sub3A_671 = arith.subi %sub3A_670, %shift_right_arithmetic3A_668 : vector<16xi32>
      %bitcast_convert_type3A_672 = tpu.bitcast %sub3A_671 : vector<16xi32> -> vector<16xf32>
      %mul3A_673 = arith.constant 5.000000e-01 : f32
      %mul3A_674 = vector.broadcast %mul3A_673 : f32 to vector<16xf32>
      %mul3A_675 = arith.mulf %mul3A_674, %max3A_664 : vector<16xf32>
      %mul3A_676 = arith.mulf %mul3A_675, %bitcast_convert_type3A_672 : vector<16xf32>
      %mul3A_677 = arith.mulf %mul3A_676, %bitcast_convert_type3A_672 : vector<16xf32>
      %sub3A_678 = arith.constant 1.500000e+00 : f32
      %sub3A_679 = vector.broadcast %sub3A_678 : f32 to vector<16xf32>
      %sub3A_680 = arith.subf %sub3A_679, %mul3A_677 : vector<16xf32>
      %mul3A_681 = arith.mulf %bitcast_convert_type3A_672, %sub3A_680 : vector<16xf32>
      %mul3A_682 = arith.constant 5.000000e-01 : f32
      %mul3A_683 = vector.broadcast %mul3A_682 : f32 to vector<16xf32>
      %mul3A_684 = arith.mulf %mul3A_683, %max3A_664 : vector<16xf32>
      %mul3A_685 = arith.mulf %mul3A_684, %mul3A_681 : vector<16xf32>
      %mul3A_686 = arith.mulf %mul3A_685, %mul3A_681 : vector<16xf32>
      %sub3A_687 = arith.constant 1.500000e+00 : f32
      %sub3A_688 = vector.broadcast %sub3A_687 : f32 to vector<16xf32>
      %sub3A_689 = arith.subf %sub3A_688, %mul3A_686 : vector<16xf32>
      %mul3A_690 = arith.mulf %mul3A_681, %sub3A_689 : vector<16xf32>
      %mul3A_691 = arith.constant 5.000000e-01 : f32
      %mul3A_692 = vector.broadcast %mul3A_691 : f32 to vector<16xf32>
      %mul3A_693 = arith.mulf %mul3A_692, %max3A_664 : vector<16xf32>
      %mul3A_694 = arith.mulf %mul3A_693, %mul3A_690 : vector<16xf32>
      %mul3A_695 = arith.mulf %mul3A_694, %mul3A_690 : vector<16xf32>
      %sub3A_696 = arith.constant 1.500000e+00 : f32
      %sub3A_697 = vector.broadcast %sub3A_696 : f32 to vector<16xf32>
      %sub3A_698 = arith.subf %sub3A_697, %mul3A_695 : vector<16xf32>
      %mul3A_699 = arith.mulf %mul3A_690, %sub3A_698 : vector<16xf32>
      %mul3A_700 = arith.mulf %max3A_664, %mul3A_699 : vector<16xf32>
      %gt3A_701 = arith.constant 0.000000e+00 : f32
      %gt3A_702 = vector.broadcast %gt3A_701 : f32 to vector<16xf32>
      %gt3A_703 = arith.cmpf ogt, %add3A_611, %gt3A_702 : vector<16xf32>
      %jit3A_704 = arith.constant 0.000000e+00 : f32
      %broadcast_in_dim3A_705 = vector.broadcast %jit3A_704 : f32 to vector<16xf32>
      %select_n3A_706 = arith.select %gt3A_703, %mul3A_700, %broadcast_in_dim3A_705 : vector<16xi1>, vector<16xf32>
      %swap3A_707 = arith.index_cast %add3A_615 : i32 to index
      %swap3A_708 = tpu.vector_load %arg33[%swap3A_707] {strides = array<i32>} : memref<512xf32, #tpu.memory_space<vmem>>, vector<16xf32>,
      tpu.vector_store %arg33[%swap3A_707], %select_n3A_706 {strides = array<i32>} : memref<512xf32, #tpu.memory_space<vmem>>, vector<16xf32>,
      %scan3A_709 = arith.constant 0 : i32
      scf.yield %scan3A_709 : i32
    }
    %scan3A_153 = arith.constant 8 : i32
    %dma_wait3A_154 = arith.constant 128 : i32
    %dma_wait3A_155 = tpu.memref_slice %arg14[%dma_wait3A_154] : memref<512xi32, #tpu.memory_space<vmem>> -> memref<128xi32, #tpu.memory_space<vmem>>
    %dma_wait3A_156 = arith.constant 0 : i32
    %dma_wait3A_157 = arith.constant 0 : i32
    %dma_wait3A_158 = tpu.memref_slice %arg7[%dma_wait3A_156, %dma_wait3A_157] : memref<1000000x64xf32, #tpu.memory_space<hbm>> -> memref<1000000x64xf32, #tpu.memory_space<hbm>>
    tpu.wait_indirect_dma semaphore(%arg37 : memref<!tpu.dma_semaphore, #tpu.memory_space<semaphore_mem>>) src(%dma_wait3A_158 : memref<1000000x64xf32, #tpu.memory_space<hbm>>) dst(%arg26 : memref<128x64xf32, #tpu.memory_space<vmem>>)
    %dma_wait3A_159 = arith.constant 128 : i32
    %dma_wait3A_160 = tpu.memref_slice %arg15[%dma_wait3A_159] : memref<512xi32, #tpu.memory_space<vmem>> -> memref<128xi32, #tpu.memory_space<vmem>>
    %dma_wait3A_161 = arith.constant 0 : i32
    %dma_wait3A_162 = arith.constant 0 : i32
    %dma_wait3A_163 = tpu.memref_slice %arg7[%dma_wait3A_161, %dma_wait3A_162] : memref<1000000x64xf32, #tpu.memory_space<hbm>> -> memref<1000000x64xf32, #tpu.memory_space<hbm>>
    tpu.wait_indirect_dma semaphore(%arg37 : memref<!tpu.dma_semaphore, #tpu.memory_space<semaphore_mem>>) src(%dma_wait3A_163 : memref<1000000x64xf32, #tpu.memory_space<hbm>>) dst(%arg27 : memref<128x64xf32, #tpu.memory_space<vmem>>)
    %dma_wait3A_164 = arith.constant 128 : i32
    %dma_wait3A_165 = tpu.memref_slice %arg16[%dma_wait3A_164] : memref<512xi32, #tpu.memory_space<vmem>> -> memref<128xi32, #tpu.memory_space<vmem>>
    %dma_wait3A_166 = arith.constant 0 : i32
    %dma_wait3A_167 = arith.constant 0 : i32
    %dma_wait3A_168 = tpu.memref_slice %arg7[%dma_wait3A_166, %dma_wait3A_167] : memref<1000000x64xf32, #tpu.memory_space<hbm>> -> memref<1000000x64xf32, #tpu.memory_space<hbm>>
    tpu.wait_indirect_dma semaphore(%arg37 : memref<!tpu.dma_semaphore, #tpu.memory_space<semaphore_mem>>) src(%dma_wait3A_168 : memref<1000000x64xf32, #tpu.memory_space<hbm>>) dst(%arg28 : memref<128x64xf32, #tpu.memory_space<vmem>>)
    %dma_wait3A_169 = arith.constant 128 : i32
    %dma_wait3A_170 = tpu.memref_slice %arg17[%dma_wait3A_169] : memref<512xi32, #tpu.memory_space<vmem>> -> memref<128xi32, #tpu.memory_space<vmem>>
    %dma_wait3A_171 = arith.constant 0 : i32
    %dma_wait3A_172 = arith.constant 0 : i32
    %dma_wait3A_173 = tpu.memref_slice %arg7[%dma_wait3A_171, %dma_wait3A_172] : memref<1000000x64xf32, #tpu.memory_space<hbm>> -> memref<1000000x64xf32, #tpu.memory_space<hbm>>
    tpu.wait_indirect_dma semaphore(%arg37 : memref<!tpu.dma_semaphore, #tpu.memory_space<semaphore_mem>>) src(%dma_wait3A_173 : memref<1000000x64xf32, #tpu.memory_space<hbm>>) dst(%arg29 : memref<128x64xf32, #tpu.memory_space<vmem>>)
    %dma_wait3A_174 = arith.constant 128 : i32
    %dma_wait3A_175 = tpu.memref_slice %arg19[%dma_wait3A_174] : memref<512xi32, #tpu.memory_space<vmem>> -> memref<128xi32, #tpu.memory_space<vmem>>
    %dma_wait3A_176 = arith.constant 0 : i32
    %dma_wait3A_177 = arith.constant 0 : i32
    %dma_wait3A_178 = tpu.memref_slice %arg13[%dma_wait3A_176, %dma_wait3A_177] : memref<2048x64xf32, #tpu.memory_space<hbm>> -> memref<2048x64xf32, #tpu.memory_space<hbm>>
    tpu.wait_indirect_dma semaphore(%arg37 : memref<!tpu.dma_semaphore, #tpu.memory_space<semaphore_mem>>) src(%dma_wait3A_178 : memref<2048x64xf32, #tpu.memory_space<hbm>>) dst(%arg30 : memref<128x64xf32, #tpu.memory_space<vmem>>)
    %dma_wait3A_179 = arith.constant 128 : i32
    %dma_wait3A_180 = tpu.memref_slice %arg19[%dma_wait3A_179] : memref<512xi32, #tpu.memory_space<vmem>> -> memref<128xi32, #tpu.memory_space<vmem>>
    %dma_wait3A_181 = arith.constant 0 : i32
    %dma_wait3A_182 = arith.constant 0 : i32
    %dma_wait3A_183 = tpu.memref_slice %arg12[%dma_wait3A_181, %dma_wait3A_182] : memref<2048x64xf32, #tpu.memory_space<hbm>> -> memref<2048x64xf32, #tpu.memory_space<hbm>>
    tpu.wait_indirect_dma semaphore(%arg37 : memref<!tpu.dma_semaphore, #tpu.memory_space<semaphore_mem>>) src(%dma_wait3A_183 : memref<2048x64xf32, #tpu.memory_space<hbm>>) dst(%arg31 : memref<128x64xf32, #tpu.memory_space<vmem>>)
    %dma_start3A_184 = arith.constant 256 : i32
    %dma_start3A_185 = tpu.memref_slice %arg14[%dma_start3A_184] : memref<512xi32, #tpu.memory_space<vmem>> -> memref<128xi32, #tpu.memory_space<vmem>>
    %dma_start3A_186 = arith.constant 0 : i32
    %dma_start3A_187 = arith.constant 0 : i32
    %dma_start3A_188 = tpu.memref_slice %arg7[%dma_start3A_186, %dma_start3A_187] : memref<1000000x64xf32, #tpu.memory_space<hbm>> -> memref<1000000x64xf32, #tpu.memory_space<hbm>>
    tpu.enqueue_indirect_dma source(%dma_start3A_188 : memref<1000000x64xf32, #tpu.memory_space<hbm>>) target(%arg20 : memref<128x64xf32, #tpu.memory_space<vmem>>) offsets(%dma_start3A_185 : memref<128xi32, #tpu.memory_space<vmem>>) semaphore(%arg36 : memref<!tpu.dma_semaphore, #tpu.memory_space<semaphore_mem>>)
    %dma_start3A_189 = arith.constant 256 : i32
    %dma_start3A_190 = tpu.memref_slice %arg15[%dma_start3A_189] : memref<512xi32, #tpu.memory_space<vmem>> -> memref<128xi32, #tpu.memory_space<vmem>>
    %dma_start3A_191 = arith.constant 0 : i32
    %dma_start3A_192 = arith.constant 0 : i32
    %dma_start3A_193 = tpu.memref_slice %arg7[%dma_start3A_191, %dma_start3A_192] : memref<1000000x64xf32, #tpu.memory_space<hbm>> -> memref<1000000x64xf32, #tpu.memory_space<hbm>>
    tpu.enqueue_indirect_dma source(%dma_start3A_193 : memref<1000000x64xf32, #tpu.memory_space<hbm>>) target(%arg21 : memref<128x64xf32, #tpu.memory_space<vmem>>) offsets(%dma_start3A_190 : memref<128xi32, #tpu.memory_space<vmem>>) semaphore(%arg36 : memref<!tpu.dma_semaphore, #tpu.memory_space<semaphore_mem>>)
    %dma_start3A_194 = arith.constant 256 : i32
    %dma_start3A_195 = tpu.memref_slice %arg16[%dma_start3A_194] : memref<512xi32, #tpu.memory_space<vmem>> -> memref<128xi32, #tpu.memory_space<vmem>>
    %dma_start3A_196 = arith.constant 0 : i32
    %dma_start3A_197 = arith.constant 0 : i32
    %dma_start3A_198 = tpu.memref_slice %arg7[%dma_start3A_196, %dma_start3A_197] : memref<1000000x64xf32, #tpu.memory_space<hbm>> -> memref<1000000x64xf32, #tpu.memory_space<hbm>>
    tpu.enqueue_indirect_dma source(%dma_start3A_198 : memref<1000000x64xf32, #tpu.memory_space<hbm>>) target(%arg22 : memref<128x64xf32, #tpu.memory_space<vmem>>) offsets(%dma_start3A_195 : memref<128xi32, #tpu.memory_space<vmem>>) semaphore(%arg36 : memref<!tpu.dma_semaphore, #tpu.memory_space<semaphore_mem>>)
    %dma_start3A_199 = arith.constant 256 : i32
    %dma_start3A_200 = tpu.memref_slice %arg17[%dma_start3A_199] : memref<512xi32, #tpu.memory_space<vmem>> -> memref<128xi32, #tpu.memory_space<vmem>>
    %dma_start3A_201 = arith.constant 0 : i32
    %dma_start3A_202 = arith.constant 0 : i32
    %dma_start3A_203 = tpu.memref_slice %arg7[%dma_start3A_201, %dma_start3A_202] : memref<1000000x64xf32, #tpu.memory_space<hbm>> -> memref<1000000x64xf32, #tpu.memory_space<hbm>>
    tpu.enqueue_indirect_dma source(%dma_start3A_203 : memref<1000000x64xf32, #tpu.memory_space<hbm>>) target(%arg23 : memref<128x64xf32, #tpu.memory_space<vmem>>) offsets(%dma_start3A_200 : memref<128xi32, #tpu.memory_space<vmem>>) semaphore(%arg36 : memref<!tpu.dma_semaphore, #tpu.memory_space<semaphore_mem>>)
    %dma_start3A_204 = arith.constant 256 : i32
    %dma_start3A_205 = tpu.memref_slice %arg19[%dma_start3A_204] : memref<512xi32, #tpu.memory_space<vmem>> -> memref<128xi32, #tpu.memory_space<vmem>>
    %dma_start3A_206 = arith.constant 0 : i32
    %dma_start3A_207 = arith.constant 0 : i32
    %dma_start3A_208 = tpu.memref_slice %arg13[%dma_start3A_206, %dma_start3A_207] : memref<2048x64xf32, #tpu.memory_space<hbm>> -> memref<2048x64xf32, #tpu.memory_space<hbm>>
    tpu.enqueue_indirect_dma source(%dma_start3A_208 : memref<2048x64xf32, #tpu.memory_space<hbm>>) target(%arg24 : memref<128x64xf32, #tpu.memory_space<vmem>>) offsets(%dma_start3A_205 : memref<128xi32, #tpu.memory_space<vmem>>) semaphore(%arg36 : memref<!tpu.dma_semaphore, #tpu.memory_space<semaphore_mem>>)
    %dma_start3A_209 = arith.constant 256 : i32
    %dma_start3A_210 = tpu.memref_slice %arg19[%dma_start3A_209] : memref<512xi32, #tpu.memory_space<vmem>> -> memref<128xi32, #tpu.memory_space<vmem>>
    %dma_start3A_211 = arith.constant 0 : i32
    %dma_start3A_212 = arith.constant 0 : i32
    %dma_start3A_213 = tpu.memref_slice %arg12[%dma_start3A_211, %dma_start3A_212] : memref<2048x64xf32, #tpu.memory_space<hbm>> -> memref<2048x64xf32, #tpu.memory_space<hbm>>
    tpu.enqueue_indirect_dma source(%dma_start3A_213 : memref<2048x64xf32, #tpu.memory_space<hbm>>) target(%arg25 : memref<128x64xf32, #tpu.memory_space<vmem>>) offsets(%dma_start3A_210 : memref<128xi32, #tpu.memory_space<vmem>>) semaphore(%arg36 : memref<!tpu.dma_semaphore, #tpu.memory_space<semaphore_mem>>)
    %broadcast_in_dim3A_214 = arith.constant 0.000000e+00 : f32
    %broadcast_in_dim3A_215 = vector.broadcast %broadcast_in_dim3A_214 : f32 to vector<16xf32>
    %broadcast_in_dim3A_216 = arith.constant 0 : i32
    %broadcast_in_dim3A_217 = vector.broadcast %broadcast_in_dim3A_216 : i32 to vector<16xi32>
    %scan3A_218 = arith.constant 0 : i32
    %scan3A_219 = arith.constant 0 : i32
    %scan3A_220 = arith.constant 8 : i32
    %scan3A_221 = arith.addi %scan3A_219, %scan3A_220 : i32
    %scan3A_222 = arith.constant 1 : i32
    %scan3A_223 = scf.for %scan3A_337 = %scan3A_219 to %scan3A_221 step %scan3A_222 iter_args(%scan3A_338 = %scan3A_218) -> (i32)  : i32 {
      %mul3A_339 = arith.constant 16 : i32
      %mul3A_340 = arith.muli %scan3A_337, %mul3A_339 : i32
      %iota3A_341 = tpu.iota {dimensions = array<i32: 0>} : vector<16xi32>
      %add3A_342 = vector.broadcast %mul3A_340 : i32 to vector<16xi32>
      %add3A_343 = arith.addi %add3A_342, %iota3A_341 : vector<16xi32>
      %mul3A_344 = arith.constant 64 : i32
      %mul3A_345 = vector.broadcast %mul3A_344 : i32 to vector<16xi32>
      %mul3A_346 = arith.muli %add3A_343, %mul3A_345 : vector<16xi32>
      %and3A = arith.constant 63 : i32
      %and3A_347 = vector.broadcast %and3A : i32 to vector<16xi32>
      %and3A_348 = arith.andi %add3A_343, %and3A_347 : vector<16xi32>
      %scan3A_349 = arith.constant 0 : i32
      %scan3A_350 = arith.constant 16 : i32
      %scan3A_351 = arith.addi %scan3A_349, %scan3A_350 : i32
      %scan3A_352 = arith.constant 1 : i32
      %scan3A_353:18 = scf.for %scan3A_710 = %scan3A_349 to %scan3A_351 step %scan3A_352 iter_args(%scan3A_711 = %and3A_348, %scan3A_712 = %broadcast_in_dim3A_215, %scan3A_713 = %broadcast_in_dim3A_215, %scan3A_714 = %broadcast_in_dim3A_215, %scan3A_715 = %broadcast_in_dim3A_215, %scan3A_716 = %broadcast_in_dim3A_215, %scan3A_717 = %broadcast_in_dim3A_215, %scan3A_718 = %broadcast_in_dim3A_215, %scan3A_719 = %broadcast_in_dim3A_215, %scan3A_720 = %broadcast_in_dim3A_215, %scan3A_721 = %broadcast_in_dim3A_215, %scan3A_722 = %broadcast_in_dim3A_215, %scan3A_723 = %broadcast_in_dim3A_215, %scan3A_724 = %broadcast_in_dim3A_215, %scan3A_725 = %broadcast_in_dim3A_215, %scan3A_726 = %broadcast_in_dim3A_215, %scan3A_727 = %broadcast_in_dim3A_215, %scan3A_728 = %broadcast_in_dim3A_215) -> (vector<16xi32>, vector<16xf32>, vector<16xf32>, vector<16xf32>, vector<16xf32>, vector<16xf32>, vector<16xf32>, vector<16xf32>, vector<16xf32>, vector<16xf32>, vector<16xf32>, vector<16xf32>, vector<16xf32>, vector<16xf32>, vector<16xf32>, vector<16xf32>, vector<16xf32>, vector<16xf32>)  : i32 {
        %add3A_729 = arith.addi %mul3A_346, %scan3A_711 : vector<16xi32>
        %gather3A = tpu.vector_load_idx %arg26[%broadcast_in_dim3A_217, %add3A_729] : memref<128x64xf32, #tpu.memory_space<vmem>>[vector<16xi32>, vector<16xi32>], vector<16xf32>,
        %gather3A_730 = tpu.vector_load_idx %arg27[%broadcast_in_dim3A_217, %add3A_729] : memref<128x64xf32, #tpu.memory_space<vmem>>[vector<16xi32>, vector<16xi32>], vector<16xf32>,
        %gather3A_731 = tpu.vector_load_idx %arg28[%broadcast_in_dim3A_217, %add3A_729] : memref<128x64xf32, #tpu.memory_space<vmem>>[vector<16xi32>, vector<16xi32>], vector<16xf32>,
        %gather3A_732 = tpu.vector_load_idx %arg29[%broadcast_in_dim3A_217, %add3A_729] : memref<128x64xf32, #tpu.memory_space<vmem>>[vector<16xi32>, vector<16xi32>], vector<16xf32>,
        %gather3A_733 = tpu.vector_load_idx %arg30[%broadcast_in_dim3A_217, %add3A_729] : memref<128x64xf32, #tpu.memory_space<vmem>>[vector<16xi32>, vector<16xi32>], vector<16xf32>,
        %gather3A_734 = tpu.vector_load_idx %arg31[%broadcast_in_dim3A_217, %add3A_729] : memref<128x64xf32, #tpu.memory_space<vmem>>[vector<16xi32>, vector<16xi32>], vector<16xf32>,
        %mul3A_735 = arith.mulf %gather3A, %gather3A : vector<16xf32>
        %add3A_736 = arith.addf %scan3A_712, %mul3A_735 : vector<16xf32>
        %mul3A_737 = arith.mulf %gather3A_730, %gather3A_730 : vector<16xf32>
        %add3A_738 = arith.addf %scan3A_713, %mul3A_737 : vector<16xf32>
        %mul3A_739 = arith.mulf %gather3A, %gather3A_730 : vector<16xf32>
        %add3A_740 = arith.addf %scan3A_714, %mul3A_739 : vector<16xf32>
        %mul3A_741 = arith.mulf %gather3A, %gather3A_733 : vector<16xf32>
        %add3A_742 = arith.addf %scan3A_715, %mul3A_741 : vector<16xf32>
        %mul3A_743 = arith.mulf %gather3A_730, %gather3A_733 : vector<16xf32>
        %add3A_744 = arith.addf %scan3A_716, %mul3A_743 : vector<16xf32>
        %mul3A_745 = arith.mulf %gather3A, %gather3A_734 : vector<16xf32>
        %add3A_746 = arith.addf %scan3A_717, %mul3A_745 : vector<16xf32>
        %mul3A_747 = arith.mulf %gather3A_730, %gather3A_734 : vector<16xf32>
        %add3A_748 = arith.addf %scan3A_718, %mul3A_747 : vector<16xf32>
        %mul3A_749 = arith.mulf %gather3A_731, %gather3A_731 : vector<16xf32>
        %add3A_750 = arith.addf %scan3A_719, %mul3A_749 : vector<16xf32>
        %mul3A_751 = arith.mulf %gather3A_732, %gather3A_732 : vector<16xf32>
        %add3A_752 = arith.addf %scan3A_720, %mul3A_751 : vector<16xf32>
        %mul3A_753 = arith.mulf %gather3A_731, %gather3A_732 : vector<16xf32>
        %add3A_754 = arith.addf %scan3A_721, %mul3A_753 : vector<16xf32>
        %mul3A_755 = arith.mulf %gather3A_731, %gather3A_733 : vector<16xf32>
        %add3A_756 = arith.addf %scan3A_722, %mul3A_755 : vector<16xf32>
        %mul3A_757 = arith.mulf %gather3A_732, %gather3A_733 : vector<16xf32>
        %add3A_758 = arith.addf %scan3A_723, %mul3A_757 : vector<16xf32>
        %mul3A_759 = arith.mulf %gather3A_731, %gather3A_734 : vector<16xf32>
        %add3A_760 = arith.addf %scan3A_724, %mul3A_759 : vector<16xf32>
        %mul3A_761 = arith.mulf %gather3A_732, %gather3A_734 : vector<16xf32>
        %add3A_762 = arith.addf %scan3A_725, %mul3A_761 : vector<16xf32>
        %mul3A_763 = arith.mulf %gather3A_734, %gather3A_734 : vector<16xf32>
        %add3A_764 = arith.addf %scan3A_726, %mul3A_763 : vector<16xf32>
        %mul3A_765 = arith.mulf %gather3A_733, %gather3A_733 : vector<16xf32>
        %add3A_766 = arith.addf %scan3A_727, %mul3A_765 : vector<16xf32>
        %mul3A_767 = arith.mulf %gather3A_734, %gather3A_733 : vector<16xf32>
        %add3A_768 = arith.addf %scan3A_728, %mul3A_767 : vector<16xf32>
        %add3A_769 = arith.constant 1 : i32
        %add3A_770 = vector.broadcast %add3A_769 : i32 to vector<16xi32>
        %add3A_771 = arith.addi %scan3A_711, %add3A_770 : vector<16xi32>
        %and3A_772 = arith.constant 63 : i32
        %and3A_773 = vector.broadcast %and3A_772 : i32 to vector<16xi32>
        %and3A_774 = arith.andi %add3A_771, %and3A_773 : vector<16xi32>
        %add3A_775 = arith.addi %mul3A_346, %and3A_774 : vector<16xi32>
        %gather3A_776 = tpu.vector_load_idx %arg26[%broadcast_in_dim3A_217, %add3A_775] : memref<128x64xf32, #tpu.memory_space<vmem>>[vector<16xi32>, vector<16xi32>], vector<16xf32>,
        %gather3A_777 = tpu.vector_load_idx %arg27[%broadcast_in_dim3A_217, %add3A_775] : memref<128x64xf32, #tpu.memory_space<vmem>>[vector<16xi32>, vector<16xi32>], vector<16xf32>,
        %gather3A_778 = tpu.vector_load_idx %arg28[%broadcast_in_dim3A_217, %add3A_775] : memref<128x64xf32, #tpu.memory_space<vmem>>[vector<16xi32>, vector<16xi32>], vector<16xf32>,
        %gather3A_779 = tpu.vector_load_idx %arg29[%broadcast_in_dim3A_217, %add3A_775] : memref<128x64xf32, #tpu.memory_space<vmem>>[vector<16xi32>, vector<16xi32>], vector<16xf32>,
        %gather3A_780 = tpu.vector_load_idx %arg30[%broadcast_in_dim3A_217, %add3A_775] : memref<128x64xf32, #tpu.memory_space<vmem>>[vector<16xi32>, vector<16xi32>], vector<16xf32>,
        %gather3A_781 = tpu.vector_load_idx %arg31[%broadcast_in_dim3A_217, %add3A_775] : memref<128x64xf32, #tpu.memory_space<vmem>>[vector<16xi32>, vector<16xi32>], vector<16xf32>,
        %mul3A_782 = arith.mulf %gather3A_776, %gather3A_776 : vector<16xf32>
        %add3A_783 = arith.addf %add3A_736, %mul3A_782 : vector<16xf32>
        %mul3A_784 = arith.mulf %gather3A_777, %gather3A_777 : vector<16xf32>
        %add3A_785 = arith.addf %add3A_738, %mul3A_784 : vector<16xf32>
        %mul3A_786 = arith.mulf %gather3A_776, %gather3A_777 : vector<16xf32>
        %add3A_787 = arith.addf %add3A_740, %mul3A_786 : vector<16xf32>
        %mul3A_788 = arith.mulf %gather3A_776, %gather3A_780 : vector<16xf32>
        %add3A_789 = arith.addf %add3A_742, %mul3A_788 : vector<16xf32>
        %mul3A_790 = arith.mulf %gather3A_777, %gather3A_780 : vector<16xf32>
        %add3A_791 = arith.addf %add3A_744, %mul3A_790 : vector<16xf32>
        %mul3A_792 = arith.mulf %gather3A_776, %gather3A_781 : vector<16xf32>
        %add3A_793 = arith.addf %add3A_746, %mul3A_792 : vector<16xf32>
        %mul3A_794 = arith.mulf %gather3A_777, %gather3A_781 : vector<16xf32>
        %add3A_795 = arith.addf %add3A_748, %mul3A_794 : vector<16xf32>
        %mul3A_796 = arith.mulf %gather3A_778, %gather3A_778 : vector<16xf32>
        %add3A_797 = arith.addf %add3A_750, %mul3A_796 : vector<16xf32>
        %mul3A_798 = arith.mulf %gather3A_779, %gather3A_779 : vector<16xf32>
        %add3A_799 = arith.addf %add3A_752, %mul3A_798 : vector<16xf32>
        %mul3A_800 = arith.mulf %gather3A_778, %gather3A_779 : vector<16xf32>
        %add3A_801 = arith.addf %add3A_754, %mul3A_800 : vector<16xf32>
        %mul3A_802 = arith.mulf %gather3A_778, %gather3A_780 : vector<16xf32>
        %add3A_803 = arith.addf %add3A_756, %mul3A_802 : vector<16xf32>
        %mul3A_804 = arith.mulf %gather3A_779, %gather3A_780 : vector<16xf32>
        %add3A_805 = arith.addf %add3A_758, %mul3A_804 : vector<16xf32>
        %mul3A_806 = arith.mulf %gather3A_778, %gather3A_781 : vector<16xf32>
        %add3A_807 = arith.addf %add3A_760, %mul3A_806 : vector<16xf32>
        %mul3A_808 = arith.mulf %gather3A_779, %gather3A_781 : vector<16xf32>
        %add3A_809 = arith.addf %add3A_762, %mul3A_808 : vector<16xf32>
        %mul3A_810 = arith.mulf %gather3A_781, %gather3A_781 : vector<16xf32>
        %add3A_811 = arith.addf %add3A_764, %mul3A_810 : vector<16xf32>
        %mul3A_812 = arith.mulf %gather3A_780, %gather3A_780 : vector<16xf32>
        %add3A_813 = arith.addf %add3A_766, %mul3A_812 : vector<16xf32>
        %mul3A_814 = arith.mulf %gather3A_781, %gather3A_780 : vector<16xf32>
        %add3A_815 = arith.addf %add3A_768, %mul3A_814 : vector<16xf32>
        %add3A_816 = arith.constant 1 : i32
        %add3A_817 = vector.broadcast %add3A_816 : i32 to vector<16xi32>
        %add3A_818 = arith.addi %and3A_774, %add3A_817 : vector<16xi32>
        %and3A_819 = arith.constant 63 : i32
        %and3A_820 = vector.broadcast %and3A_819 : i32 to vector<16xi32>
        %and3A_821 = arith.andi %add3A_818, %and3A_820 : vector<16xi32>
        %add3A_822 = arith.addi %mul3A_346, %and3A_821 : vector<16xi32>
        %gather3A_823 = tpu.vector_load_idx %arg26[%broadcast_in_dim3A_217, %add3A_822] : memref<128x64xf32, #tpu.memory_space<vmem>>[vector<16xi32>, vector<16xi32>], vector<16xf32>,
        %gather3A_824 = tpu.vector_load_idx %arg27[%broadcast_in_dim3A_217, %add3A_822] : memref<128x64xf32, #tpu.memory_space<vmem>>[vector<16xi32>, vector<16xi32>], vector<16xf32>,
        %gather3A_825 = tpu.vector_load_idx %arg28[%broadcast_in_dim3A_217, %add3A_822] : memref<128x64xf32, #tpu.memory_space<vmem>>[vector<16xi32>, vector<16xi32>], vector<16xf32>,
        %gather3A_826 = tpu.vector_load_idx %arg29[%broadcast_in_dim3A_217, %add3A_822] : memref<128x64xf32, #tpu.memory_space<vmem>>[vector<16xi32>, vector<16xi32>], vector<16xf32>,
        %gather3A_827 = tpu.vector_load_idx %arg30[%broadcast_in_dim3A_217, %add3A_822] : memref<128x64xf32, #tpu.memory_space<vmem>>[vector<16xi32>, vector<16xi32>], vector<16xf32>,
        %gather3A_828 = tpu.vector_load_idx %arg31[%broadcast_in_dim3A_217, %add3A_822] : memref<128x64xf32, #tpu.memory_space<vmem>>[vector<16xi32>, vector<16xi32>], vector<16xf32>,
        %mul3A_829 = arith.mulf %gather3A_823, %gather3A_823 : vector<16xf32>
        %add3A_830 = arith.addf %add3A_783, %mul3A_829 : vector<16xf32>
        %mul3A_831 = arith.mulf %gather3A_824, %gather3A_824 : vector<16xf32>
        %add3A_832 = arith.addf %add3A_785, %mul3A_831 : vector<16xf32>
        %mul3A_833 = arith.mulf %gather3A_823, %gather3A_824 : vector<16xf32>
        %add3A_834 = arith.addf %add3A_787, %mul3A_833 : vector<16xf32>
        %mul3A_835 = arith.mulf %gather3A_823, %gather3A_827 : vector<16xf32>
        %add3A_836 = arith.addf %add3A_789, %mul3A_835 : vector<16xf32>
        %mul3A_837 = arith.mulf %gather3A_824, %gather3A_827 : vector<16xf32>
        %add3A_838 = arith.addf %add3A_791, %mul3A_837 : vector<16xf32>
        %mul3A_839 = arith.mulf %gather3A_823, %gather3A_828 : vector<16xf32>
        %add3A_840 = arith.addf %add3A_793, %mul3A_839 : vector<16xf32>
        %mul3A_841 = arith.mulf %gather3A_824, %gather3A_828 : vector<16xf32>
        %add3A_842 = arith.addf %add3A_795, %mul3A_841 : vector<16xf32>
        %mul3A_843 = arith.mulf %gather3A_825, %gather3A_825 : vector<16xf32>
        %add3A_844 = arith.addf %add3A_797, %mul3A_843 : vector<16xf32>
        %mul3A_845 = arith.mulf %gather3A_826, %gather3A_826 : vector<16xf32>
        %add3A_846 = arith.addf %add3A_799, %mul3A_845 : vector<16xf32>
        %mul3A_847 = arith.mulf %gather3A_825, %gather3A_826 : vector<16xf32>
        %add3A_848 = arith.addf %add3A_801, %mul3A_847 : vector<16xf32>
        %mul3A_849 = arith.mulf %gather3A_825, %gather3A_827 : vector<16xf32>
        %add3A_850 = arith.addf %add3A_803, %mul3A_849 : vector<16xf32>
        %mul3A_851 = arith.mulf %gather3A_826, %gather3A_827 : vector<16xf32>
        %add3A_852 = arith.addf %add3A_805, %mul3A_851 : vector<16xf32>
        %mul3A_853 = arith.mulf %gather3A_825, %gather3A_828 : vector<16xf32>
        %add3A_854 = arith.addf %add3A_807, %mul3A_853 : vector<16xf32>
        %mul3A_855 = arith.mulf %gather3A_826, %gather3A_828 : vector<16xf32>
        %add3A_856 = arith.addf %add3A_809, %mul3A_855 : vector<16xf32>
        %mul3A_857 = arith.mulf %gather3A_828, %gather3A_828 : vector<16xf32>
        %add3A_858 = arith.addf %add3A_811, %mul3A_857 : vector<16xf32>
        %mul3A_859 = arith.mulf %gather3A_827, %gather3A_827 : vector<16xf32>
        %add3A_860 = arith.addf %add3A_813, %mul3A_859 : vector<16xf32>
        %mul3A_861 = arith.mulf %gather3A_828, %gather3A_827 : vector<16xf32>
        %add3A_862 = arith.addf %add3A_815, %mul3A_861 : vector<16xf32>
        %add3A_863 = arith.constant 1 : i32
        %add3A_864 = vector.broadcast %add3A_863 : i32 to vector<16xi32>
        %add3A_865 = arith.addi %and3A_821, %add3A_864 : vector<16xi32>
        %and3A_866 = arith.constant 63 : i32
        %and3A_867 = vector.broadcast %and3A_866 : i32 to vector<16xi32>
        %and3A_868 = arith.andi %add3A_865, %and3A_867 : vector<16xi32>
        %add3A_869 = arith.addi %mul3A_346, %and3A_868 : vector<16xi32>
        %gather3A_870 = tpu.vector_load_idx %arg26[%broadcast_in_dim3A_217, %add3A_869] : memref<128x64xf32, #tpu.memory_space<vmem>>[vector<16xi32>, vector<16xi32>], vector<16xf32>,
        %gather3A_871 = tpu.vector_load_idx %arg27[%broadcast_in_dim3A_217, %add3A_869] : memref<128x64xf32, #tpu.memory_space<vmem>>[vector<16xi32>, vector<16xi32>], vector<16xf32>,
        %gather3A_872 = tpu.vector_load_idx %arg28[%broadcast_in_dim3A_217, %add3A_869] : memref<128x64xf32, #tpu.memory_space<vmem>>[vector<16xi32>, vector<16xi32>], vector<16xf32>,
        %gather3A_873 = tpu.vector_load_idx %arg29[%broadcast_in_dim3A_217, %add3A_869] : memref<128x64xf32, #tpu.memory_space<vmem>>[vector<16xi32>, vector<16xi32>], vector<16xf32>,
        %gather3A_874 = tpu.vector_load_idx %arg30[%broadcast_in_dim3A_217, %add3A_869] : memref<128x64xf32, #tpu.memory_space<vmem>>[vector<16xi32>, vector<16xi32>], vector<16xf32>,
        %gather3A_875 = tpu.vector_load_idx %arg31[%broadcast_in_dim3A_217, %add3A_869] : memref<128x64xf32, #tpu.memory_space<vmem>>[vector<16xi32>, vector<16xi32>], vector<16xf32>,
        %mul3A_876 = arith.mulf %gather3A_870, %gather3A_870 : vector<16xf32>
        %add3A_877 = arith.addf %add3A_830, %mul3A_876 : vector<16xf32>
        %mul3A_878 = arith.mulf %gather3A_871, %gather3A_871 : vector<16xf32>
        %add3A_879 = arith.addf %add3A_832, %mul3A_878 : vector<16xf32>
        %mul3A_880 = arith.mulf %gather3A_870, %gather3A_871 : vector<16xf32>
        %add3A_881 = arith.addf %add3A_834, %mul3A_880 : vector<16xf32>
        %mul3A_882 = arith.mulf %gather3A_870, %gather3A_874 : vector<16xf32>
        %add3A_883 = arith.addf %add3A_836, %mul3A_882 : vector<16xf32>
        %mul3A_884 = arith.mulf %gather3A_871, %gather3A_874 : vector<16xf32>
        %add3A_885 = arith.addf %add3A_838, %mul3A_884 : vector<16xf32>
        %mul3A_886 = arith.mulf %gather3A_870, %gather3A_875 : vector<16xf32>
        %add3A_887 = arith.addf %add3A_840, %mul3A_886 : vector<16xf32>
        %mul3A_888 = arith.mulf %gather3A_871, %gather3A_875 : vector<16xf32>
        %add3A_889 = arith.addf %add3A_842, %mul3A_888 : vector<16xf32>
        %mul3A_890 = arith.mulf %gather3A_872, %gather3A_872 : vector<16xf32>
        %add3A_891 = arith.addf %add3A_844, %mul3A_890 : vector<16xf32>
        %mul3A_892 = arith.mulf %gather3A_873, %gather3A_873 : vector<16xf32>
        %add3A_893 = arith.addf %add3A_846, %mul3A_892 : vector<16xf32>
        %mul3A_894 = arith.mulf %gather3A_872, %gather3A_873 : vector<16xf32>
        %add3A_895 = arith.addf %add3A_848, %mul3A_894 : vector<16xf32>
        %mul3A_896 = arith.mulf %gather3A_872, %gather3A_874 : vector<16xf32>
        %add3A_897 = arith.addf %add3A_850, %mul3A_896 : vector<16xf32>
        %mul3A_898 = arith.mulf %gather3A_873, %gather3A_874 : vector<16xf32>
        %add3A_899 = arith.addf %add3A_852, %mul3A_898 : vector<16xf32>
        %mul3A_900 = arith.mulf %gather3A_872, %gather3A_875 : vector<16xf32>
        %add3A_901 = arith.addf %add3A_854, %mul3A_900 : vector<16xf32>
        %mul3A_902 = arith.mulf %gather3A_873, %gather3A_875 : vector<16xf32>
        %add3A_903 = arith.addf %add3A_856, %mul3A_902 : vector<16xf32>
        %mul3A_904 = arith.mulf %gather3A_875, %gather3A_875 : vector<16xf32>
        %add3A_905 = arith.addf %add3A_858, %mul3A_904 : vector<16xf32>
        %mul3A_906 = arith.mulf %gather3A_874, %gather3A_874 : vector<16xf32>
        %add3A_907 = arith.addf %add3A_860, %mul3A_906 : vector<16xf32>
        %mul3A_908 = arith.mulf %gather3A_875, %gather3A_874 : vector<16xf32>
        %add3A_909 = arith.addf %add3A_862, %mul3A_908 : vector<16xf32>
        %add3A_910 = arith.constant 1 : i32
        %add3A_911 = vector.broadcast %add3A_910 : i32 to vector<16xi32>
        %add3A_912 = arith.addi %and3A_868, %add3A_911 : vector<16xi32>
        %and3A_913 = arith.constant 63 : i32
        %and3A_914 = vector.broadcast %and3A_913 : i32 to vector<16xi32>
        %and3A_915 = arith.andi %add3A_912, %and3A_914 : vector<16xi32>
        scf.yield %and3A_915, %add3A_877, %add3A_879, %add3A_881, %add3A_883, %add3A_885, %add3A_887, %add3A_889, %add3A_891, %add3A_893, %add3A_895, %add3A_897, %add3A_899, %add3A_901, %add3A_903, %add3A_905, %add3A_907, %add3A_909 : vector<16xi32>, vector<16xf32>, vector<16xf32>, vector<16xf32>, vector<16xf32>, vector<16xf32>, vector<16xf32>, vector<16xf32>, vector<16xf32>, vector<16xf32>, vector<16xf32>, vector<16xf32>, vector<16xf32>, vector<16xf32>, vector<16xf32>, vector<16xf32>, vector<16xf32>, vector<16xf32>
      }
      %scan3A_354 = arith.constant 16 : i32
      %max3A = arith.constant 1.000000e-30 : f32
      %max3A_355 = vector.broadcast %max3A : f32 to vector<16xf32>
      %max3A_356 = arith.maximumf %scan3A_353#1, %max3A_355 : vector<16xf32>
      %bitcast_convert_type3A = tpu.bitcast %max3A_356 : vector<16xf32> -> vector<16xi32>
      %shift_right_arithmetic3A = arith.constant 1 : i32
      %shift_right_arithmetic3A_357 = vector.broadcast %shift_right_arithmetic3A : i32 to vector<16xi32>
      %shift_right_arithmetic3A_358 = arith.shrsi %bitcast_convert_type3A, %shift_right_arithmetic3A_357 : vector<16xi32>
      %sub3A = arith.constant 1597463007 : i32
      %sub3A_359 = vector.broadcast %sub3A : i32 to vector<16xi32>
      %sub3A_360 = arith.subi %sub3A_359, %shift_right_arithmetic3A_358 : vector<16xi32>
      %bitcast_convert_type3A_361 = tpu.bitcast %sub3A_360 : vector<16xi32> -> vector<16xf32>
      %mul3A_362 = arith.constant 5.000000e-01 : f32
      %mul3A_363 = vector.broadcast %mul3A_362 : f32 to vector<16xf32>
      %mul3A_364 = arith.mulf %mul3A_363, %max3A_356 : vector<16xf32>
      %mul3A_365 = arith.mulf %mul3A_364, %bitcast_convert_type3A_361 : vector<16xf32>
      %mul3A_366 = arith.mulf %mul3A_365, %bitcast_convert_type3A_361 : vector<16xf32>
      %sub3A_367 = arith.constant 1.500000e+00 : f32
      %sub3A_368 = vector.broadcast %sub3A_367 : f32 to vector<16xf32>
      %sub3A_369 = arith.subf %sub3A_368, %mul3A_366 : vector<16xf32>
      %mul3A_370 = arith.mulf %bitcast_convert_type3A_361, %sub3A_369 : vector<16xf32>
      %mul3A_371 = arith.constant 5.000000e-01 : f32
      %mul3A_372 = vector.broadcast %mul3A_371 : f32 to vector<16xf32>
      %mul3A_373 = arith.mulf %mul3A_372, %max3A_356 : vector<16xf32>
      %mul3A_374 = arith.mulf %mul3A_373, %mul3A_370 : vector<16xf32>
      %mul3A_375 = arith.mulf %mul3A_374, %mul3A_370 : vector<16xf32>
      %sub3A_376 = arith.constant 1.500000e+00 : f32
      %sub3A_377 = vector.broadcast %sub3A_376 : f32 to vector<16xf32>
      %sub3A_378 = arith.subf %sub3A_377, %mul3A_375 : vector<16xf32>
      %mul3A_379 = arith.mulf %mul3A_370, %sub3A_378 : vector<16xf32>
      %mul3A_380 = arith.constant 5.000000e-01 : f32
      %mul3A_381 = vector.broadcast %mul3A_380 : f32 to vector<16xf32>
      %mul3A_382 = arith.mulf %mul3A_381, %max3A_356 : vector<16xf32>
      %mul3A_383 = arith.mulf %mul3A_382, %mul3A_379 : vector<16xf32>
      %mul3A_384 = arith.mulf %mul3A_383, %mul3A_379 : vector<16xf32>
      %sub3A_385 = arith.constant 1.500000e+00 : f32
      %sub3A_386 = vector.broadcast %sub3A_385 : f32 to vector<16xf32>
      %sub3A_387 = arith.subf %sub3A_386, %mul3A_384 : vector<16xf32>
      %mul3A_388 = arith.mulf %mul3A_379, %sub3A_387 : vector<16xf32>
      %mul3A_389 = arith.mulf %max3A_356, %mul3A_388 : vector<16xf32>
      %gt3A = arith.constant 0.000000e+00 : f32
      %gt3A_390 = vector.broadcast %gt3A : f32 to vector<16xf32>
      %gt3A_391 = arith.cmpf ogt, %scan3A_353#1, %gt3A_390 : vector<16xf32>
      %jit3A = arith.constant 0.000000e+00 : f32
      %broadcast_in_dim3A_392 = vector.broadcast %jit3A : f32 to vector<16xf32>
      %select_n3A = arith.select %gt3A_391, %mul3A_389, %broadcast_in_dim3A_392 : vector<16xi1>, vector<16xf32>
      %max3A_393 = arith.constant 9.99999996E-13 : f32
      %max3A_394 = vector.broadcast %max3A_393 : f32 to vector<16xf32>
      %max3A_395 = arith.maximumf %select_n3A, %max3A_394 : vector<16xf32>
      %div3A = arith.constant 1.000000e+00 : f32
      %div3A_396 = vector.broadcast %div3A : f32 to vector<16xf32>
      %div3A_397 = arith.divf %div3A_396, %max3A_395 : vector<16xf32>
      %max3A_398 = arith.constant 1.000000e-30 : f32
      %max3A_399 = vector.broadcast %max3A_398 : f32 to vector<16xf32>
      %max3A_400 = arith.maximumf %scan3A_353#2, %max3A_399 : vector<16xf32>
      %bitcast_convert_type3A_401 = tpu.bitcast %max3A_400 : vector<16xf32> -> vector<16xi32>
      %shift_right_arithmetic3A_402 = arith.constant 1 : i32
      %shift_right_arithmetic3A_403 = vector.broadcast %shift_right_arithmetic3A_402 : i32 to vector<16xi32>
      %shift_right_arithmetic3A_404 = arith.shrsi %bitcast_convert_type3A_401, %shift_right_arithmetic3A_403 : vector<16xi32>
      %sub3A_405 = arith.constant 1597463007 : i32
      %sub3A_406 = vector.broadcast %sub3A_405 : i32 to vector<16xi32>
      %sub3A_407 = arith.subi %sub3A_406, %shift_right_arithmetic3A_404 : vector<16xi32>
      %bitcast_convert_type3A_408 = tpu.bitcast %sub3A_407 : vector<16xi32> -> vector<16xf32>
      %mul3A_409 = arith.constant 5.000000e-01 : f32
      %mul3A_410 = vector.broadcast %mul3A_409 : f32 to vector<16xf32>
      %mul3A_411 = arith.mulf %mul3A_410, %max3A_400 : vector<16xf32>
      %mul3A_412 = arith.mulf %mul3A_411, %bitcast_convert_type3A_408 : vector<16xf32>
      %mul3A_413 = arith.mulf %mul3A_412, %bitcast_convert_type3A_408 : vector<16xf32>
      %sub3A_414 = arith.constant 1.500000e+00 : f32
      %sub3A_415 = vector.broadcast %sub3A_414 : f32 to vector<16xf32>
      %sub3A_416 = arith.subf %sub3A_415, %mul3A_413 : vector<16xf32>
      %mul3A_417 = arith.mulf %bitcast_convert_type3A_408, %sub3A_416 : vector<16xf32>
      %mul3A_418 = arith.constant 5.000000e-01 : f32
      %mul3A_419 = vector.broadcast %mul3A_418 : f32 to vector<16xf32>
      %mul3A_420 = arith.mulf %mul3A_419, %max3A_400 : vector<16xf32>
      %mul3A_421 = arith.mulf %mul3A_420, %mul3A_417 : vector<16xf32>
      %mul3A_422 = arith.mulf %mul3A_421, %mul3A_417 : vector<16xf32>
      %sub3A_423 = arith.constant 1.500000e+00 : f32
      %sub3A_424 = vector.broadcast %sub3A_423 : f32 to vector<16xf32>
      %sub3A_425 = arith.subf %sub3A_424, %mul3A_422 : vector<16xf32>
      %mul3A_426 = arith.mulf %mul3A_417, %sub3A_425 : vector<16xf32>
      %mul3A_427 = arith.constant 5.000000e-01 : f32
      %mul3A_428 = vector.broadcast %mul3A_427 : f32 to vector<16xf32>
      %mul3A_429 = arith.mulf %mul3A_428, %max3A_400 : vector<16xf32>
      %mul3A_430 = arith.mulf %mul3A_429, %mul3A_426 : vector<16xf32>
      %mul3A_431 = arith.mulf %mul3A_430, %mul3A_426 : vector<16xf32>
      %sub3A_432 = arith.constant 1.500000e+00 : f32
      %sub3A_433 = vector.broadcast %sub3A_432 : f32 to vector<16xf32>
      %sub3A_434 = arith.subf %sub3A_433, %mul3A_431 : vector<16xf32>
      %mul3A_435 = arith.mulf %mul3A_426, %sub3A_434 : vector<16xf32>
      %mul3A_436 = arith.mulf %max3A_400, %mul3A_435 : vector<16xf32>
      %gt3A_437 = arith.constant 0.000000e+00 : f32
      %gt3A_438 = vector.broadcast %gt3A_437 : f32 to vector<16xf32>
      %gt3A_439 = arith.cmpf ogt, %scan3A_353#2, %gt3A_438 : vector<16xf32>
      %jit3A_440 = arith.constant 0.000000e+00 : f32
      %broadcast_in_dim3A_441 = vector.broadcast %jit3A_440 : f32 to vector<16xf32>
      %select_n3A_442 = arith.select %gt3A_439, %mul3A_436, %broadcast_in_dim3A_441 : vector<16xi1>, vector<16xf32>
      %max3A_443 = arith.constant 9.99999996E-13 : f32
      %max3A_444 = vector.broadcast %max3A_443 : f32 to vector<16xf32>
      %max3A_445 = arith.maximumf %select_n3A_442, %max3A_444 : vector<16xf32>
      %div3A_446 = arith.constant 1.000000e+00 : f32
      %div3A_447 = vector.broadcast %div3A_446 : f32 to vector<16xf32>
      %div3A_448 = arith.divf %div3A_447, %max3A_445 : vector<16xf32>
      %mul3A_449 = arith.mulf %div3A_397, %scan3A_353#4 : vector<16xf32>
      %mul3A_450 = arith.mulf %div3A_448, %scan3A_353#5 : vector<16xf32>
      %sub3A_451 = arith.subf %mul3A_449, %mul3A_450 : vector<16xf32>
      %mul3A_452 = arith.mulf %div3A_397, %div3A_397 : vector<16xf32>
      %mul3A_453 = arith.mulf %mul3A_452, %scan3A_353#1 : vector<16xf32>
      %mul3A_454 = arith.mulf %div3A_448, %div3A_448 : vector<16xf32>
      %mul3A_455 = arith.mulf %mul3A_454, %scan3A_353#2 : vector<16xf32>
      %add3A_456 = arith.addf %mul3A_453, %mul3A_455 : vector<16xf32>
      %add3A_457 = arith.addf %add3A_456, %scan3A_353#15 : vector<16xf32>
      %mul3A_458 = arith.mulf %sub3A_451, %sub3A_451 : vector<16xf32>
      %mul3A_459 = arith.mulf %mul3A_458, %scan3A_353#16 : vector<16xf32>
      %add3A_460 = arith.addf %add3A_457, %mul3A_459 : vector<16xf32>
      %mul3A_461 = arith.mulf %div3A_397, %div3A_448 : vector<16xf32>
      %neg3A = arith.constant 0.000000e+00 : f32
      %neg3A_462 = vector.broadcast %neg3A : f32 to vector<16xf32>
      %neg3A_463 = arith.subf %neg3A_462, %mul3A_461 : vector<16xf32>
      %mul3A_464 = arith.mulf %neg3A_463, %scan3A_353#3 : vector<16xf32>
      %mul3A_465 = arith.mulf %div3A_397, %scan3A_353#6 : vector<16xf32>
      %add3A_466 = arith.addf %mul3A_464, %mul3A_465 : vector<16xf32>
      %mul3A_467 = arith.mulf %sub3A_451, %mul3A_449 : vector<16xf32>
      %sub3A_468 = arith.subf %add3A_466, %mul3A_467 : vector<16xf32>
      %mul3A_469 = arith.mulf %div3A_448, %scan3A_353#7 : vector<16xf32>
      %sub3A_470 = arith.subf %sub3A_468, %mul3A_469 : vector<16xf32>
      %mul3A_471 = arith.mulf %sub3A_451, %mul3A_450 : vector<16xf32>
      %add3A_472 = arith.addf %sub3A_470, %mul3A_471 : vector<16xf32>
      %mul3A_473 = arith.mulf %sub3A_451, %scan3A_353#17 : vector<16xf32>
      %sub3A_474 = arith.subf %add3A_472, %mul3A_473 : vector<16xf32>
      %mul3A_475 = arith.constant 2.000000e+00 : f32
      %mul3A_476 = vector.broadcast %mul3A_475 : f32 to vector<16xf32>
      %mul3A_477 = arith.mulf %mul3A_476, %sub3A_474 : vector<16xf32>
      %add3A_478 = arith.addf %add3A_460, %mul3A_477 : vector<16xf32>
      %max3A_479 = arith.constant 1.000000e-30 : f32
      %max3A_480 = vector.broadcast %max3A_479 : f32 to vector<16xf32>
      %max3A_481 = arith.maximumf %scan3A_353#8, %max3A_480 : vector<16xf32>
      %bitcast_convert_type3A_482 = tpu.bitcast %max3A_481 : vector<16xf32> -> vector<16xi32>
      %shift_right_arithmetic3A_483 = arith.constant 1 : i32
      %shift_right_arithmetic3A_484 = vector.broadcast %shift_right_arithmetic3A_483 : i32 to vector<16xi32>
      %shift_right_arithmetic3A_485 = arith.shrsi %bitcast_convert_type3A_482, %shift_right_arithmetic3A_484 : vector<16xi32>
      %sub3A_486 = arith.constant 1597463007 : i32
      %sub3A_487 = vector.broadcast %sub3A_486 : i32 to vector<16xi32>
      %sub3A_488 = arith.subi %sub3A_487, %shift_right_arithmetic3A_485 : vector<16xi32>
      %bitcast_convert_type3A_489 = tpu.bitcast %sub3A_488 : vector<16xi32> -> vector<16xf32>
      %mul3A_490 = arith.constant 5.000000e-01 : f32
      %mul3A_491 = vector.broadcast %mul3A_490 : f32 to vector<16xf32>
      %mul3A_492 = arith.mulf %mul3A_491, %max3A_481 : vector<16xf32>
      %mul3A_493 = arith.mulf %mul3A_492, %bitcast_convert_type3A_489 : vector<16xf32>
      %mul3A_494 = arith.mulf %mul3A_493, %bitcast_convert_type3A_489 : vector<16xf32>
      %sub3A_495 = arith.constant 1.500000e+00 : f32
      %sub3A_496 = vector.broadcast %sub3A_495 : f32 to vector<16xf32>
      %sub3A_497 = arith.subf %sub3A_496, %mul3A_494 : vector<16xf32>
      %mul3A_498 = arith.mulf %bitcast_convert_type3A_489, %sub3A_497 : vector<16xf32>
      %mul3A_499 = arith.constant 5.000000e-01 : f32
      %mul3A_500 = vector.broadcast %mul3A_499 : f32 to vector<16xf32>
      %mul3A_501 = arith.mulf %mul3A_500, %max3A_481 : vector<16xf32>
      %mul3A_502 = arith.mulf %mul3A_501, %mul3A_498 : vector<16xf32>
      %mul3A_503 = arith.mulf %mul3A_502, %mul3A_498 : vector<16xf32>
      %sub3A_504 = arith.constant 1.500000e+00 : f32
      %sub3A_505 = vector.broadcast %sub3A_504 : f32 to vector<16xf32>
      %sub3A_506 = arith.subf %sub3A_505, %mul3A_503 : vector<16xf32>
      %mul3A_507 = arith.mulf %mul3A_498, %sub3A_506 : vector<16xf32>
      %mul3A_508 = arith.constant 5.000000e-01 : f32
      %mul3A_509 = vector.broadcast %mul3A_508 : f32 to vector<16xf32>
      %mul3A_510 = arith.mulf %mul3A_509, %max3A_481 : vector<16xf32>
      %mul3A_511 = arith.mulf %mul3A_510, %mul3A_507 : vector<16xf32>
      %mul3A_512 = arith.mulf %mul3A_511, %mul3A_507 : vector<16xf32>
      %sub3A_513 = arith.constant 1.500000e+00 : f32
      %sub3A_514 = vector.broadcast %sub3A_513 : f32 to vector<16xf32>
      %sub3A_515 = arith.subf %sub3A_514, %mul3A_512 : vector<16xf32>
      %mul3A_516 = arith.mulf %mul3A_507, %sub3A_515 : vector<16xf32>
      %mul3A_517 = arith.mulf %max3A_481, %mul3A_516 : vector<16xf32>
      %gt3A_518 = arith.constant 0.000000e+00 : f32
      %gt3A_519 = vector.broadcast %gt3A_518 : f32 to vector<16xf32>
      %gt3A_520 = arith.cmpf ogt, %scan3A_353#8, %gt3A_519 : vector<16xf32>
      %jit3A_521 = arith.constant 0.000000e+00 : f32
      %broadcast_in_dim3A_522 = vector.broadcast %jit3A_521 : f32 to vector<16xf32>
      %select_n3A_523 = arith.select %gt3A_520, %mul3A_517, %broadcast_in_dim3A_522 : vector<16xi1>, vector<16xf32>
      %max3A_524 = arith.constant 9.99999996E-13 : f32
      %max3A_525 = vector.broadcast %max3A_524 : f32 to vector<16xf32>
      %max3A_526 = arith.maximumf %select_n3A_523, %max3A_525 : vector<16xf32>
      %div3A_527 = arith.constant 1.000000e+00 : f32
      %div3A_528 = vector.broadcast %div3A_527 : f32 to vector<16xf32>
      %div3A_529 = arith.divf %div3A_528, %max3A_526 : vector<16xf32>
      %max3A_530 = arith.constant 1.000000e-30 : f32
      %max3A_531 = vector.broadcast %max3A_530 : f32 to vector<16xf32>
      %max3A_532 = arith.maximumf %scan3A_353#9, %max3A_531 : vector<16xf32>
      %bitcast_convert_type3A_533 = tpu.bitcast %max3A_532 : vector<16xf32> -> vector<16xi32>
      %shift_right_arithmetic3A_534 = arith.constant 1 : i32
      %shift_right_arithmetic3A_535 = vector.broadcast %shift_right_arithmetic3A_534 : i32 to vector<16xi32>
      %shift_right_arithmetic3A_536 = arith.shrsi %bitcast_convert_type3A_533, %shift_right_arithmetic3A_535 : vector<16xi32>
      %sub3A_537 = arith.constant 1597463007 : i32
      %sub3A_538 = vector.broadcast %sub3A_537 : i32 to vector<16xi32>
      %sub3A_539 = arith.subi %sub3A_538, %shift_right_arithmetic3A_536 : vector<16xi32>
      %bitcast_convert_type3A_540 = tpu.bitcast %sub3A_539 : vector<16xi32> -> vector<16xf32>
      %mul3A_541 = arith.constant 5.000000e-01 : f32
      %mul3A_542 = vector.broadcast %mul3A_541 : f32 to vector<16xf32>
      %mul3A_543 = arith.mulf %mul3A_542, %max3A_532 : vector<16xf32>
      %mul3A_544 = arith.mulf %mul3A_543, %bitcast_convert_type3A_540 : vector<16xf32>
      %mul3A_545 = arith.mulf %mul3A_544, %bitcast_convert_type3A_540 : vector<16xf32>
      %sub3A_546 = arith.constant 1.500000e+00 : f32
      %sub3A_547 = vector.broadcast %sub3A_546 : f32 to vector<16xf32>
      %sub3A_548 = arith.subf %sub3A_547, %mul3A_545 : vector<16xf32>
      %mul3A_549 = arith.mulf %bitcast_convert_type3A_540, %sub3A_548 : vector<16xf32>
      %mul3A_550 = arith.constant 5.000000e-01 : f32
      %mul3A_551 = vector.broadcast %mul3A_550 : f32 to vector<16xf32>
      %mul3A_552 = arith.mulf %mul3A_551, %max3A_532 : vector<16xf32>
      %mul3A_553 = arith.mulf %mul3A_552, %mul3A_549 : vector<16xf32>
      %mul3A_554 = arith.mulf %mul3A_553, %mul3A_549 : vector<16xf32>
      %sub3A_555 = arith.constant 1.500000e+00 : f32
      %sub3A_556 = vector.broadcast %sub3A_555 : f32 to vector<16xf32>
      %sub3A_557 = arith.subf %sub3A_556, %mul3A_554 : vector<16xf32>
      %mul3A_558 = arith.mulf %mul3A_549, %sub3A_557 : vector<16xf32>
      %mul3A_559 = arith.constant 5.000000e-01 : f32
      %mul3A_560 = vector.broadcast %mul3A_559 : f32 to vector<16xf32>
      %mul3A_561 = arith.mulf %mul3A_560, %max3A_532 : vector<16xf32>
      %mul3A_562 = arith.mulf %mul3A_561, %mul3A_558 : vector<16xf32>
      %mul3A_563 = arith.mulf %mul3A_562, %mul3A_558 : vector<16xf32>
      %sub3A_564 = arith.constant 1.500000e+00 : f32
      %sub3A_565 = vector.broadcast %sub3A_564 : f32 to vector<16xf32>
      %sub3A_566 = arith.subf %sub3A_565, %mul3A_563 : vector<16xf32>
      %mul3A_567 = arith.mulf %mul3A_558, %sub3A_566 : vector<16xf32>
      %mul3A_568 = arith.mulf %max3A_532, %mul3A_567 : vector<16xf32>
      %gt3A_569 = arith.constant 0.000000e+00 : f32
      %gt3A_570 = vector.broadcast %gt3A_569 : f32 to vector<16xf32>
      %gt3A_571 = arith.cmpf ogt, %scan3A_353#9, %gt3A_570 : vector<16xf32>
      %jit3A_572 = arith.constant 0.000000e+00 : f32
      %broadcast_in_dim3A_573 = vector.broadcast %jit3A_572 : f32 to vector<16xf32>
      %select_n3A_574 = arith.select %gt3A_571, %mul3A_568, %broadcast_in_dim3A_573 : vector<16xi1>, vector<16xf32>
      %max3A_575 = arith.constant 9.99999996E-13 : f32
      %max3A_576 = vector.broadcast %max3A_575 : f32 to vector<16xf32>
      %max3A_577 = arith.maximumf %select_n3A_574, %max3A_576 : vector<16xf32>
      %div3A_578 = arith.constant 1.000000e+00 : f32
      %div3A_579 = vector.broadcast %div3A_578 : f32 to vector<16xf32>
      %div3A_580 = arith.divf %div3A_579, %max3A_577 : vector<16xf32>
      %mul3A_581 = arith.mulf %div3A_529, %scan3A_353#11 : vector<16xf32>
      %mul3A_582 = arith.mulf %div3A_580, %scan3A_353#12 : vector<16xf32>
      %sub3A_583 = arith.subf %mul3A_581, %mul3A_582 : vector<16xf32>
      %mul3A_584 = arith.mulf %div3A_529, %div3A_529 : vector<16xf32>
      %mul3A_585 = arith.mulf %mul3A_584, %scan3A_353#8 : vector<16xf32>
      %mul3A_586 = arith.mulf %div3A_580, %div3A_580 : vector<16xf32>
      %mul3A_587 = arith.mulf %mul3A_586, %scan3A_353#9 : vector<16xf32>
      %add3A_588 = arith.addf %mul3A_585, %mul3A_587 : vector<16xf32>
      %add3A_589 = arith.addf %add3A_588, %scan3A_353#15 : vector<16xf32>
      %mul3A_590 = arith.mulf %sub3A_583, %sub3A_583 : vector<16xf32>
      %mul3A_591 = arith.mulf %mul3A_590, %scan3A_353#16 : vector<16xf32>
      %add3A_592 = arith.addf %add3A_589, %mul3A_591 : vector<16xf32>
      %mul3A_593 = arith.mulf %div3A_529, %div3A_580 : vector<16xf32>
      %neg3A_594 = arith.constant 0.000000e+00 : f32
      %neg3A_595 = vector.broadcast %neg3A_594 : f32 to vector<16xf32>
      %neg3A_596 = arith.subf %neg3A_595, %mul3A_593 : vector<16xf32>
      %mul3A_597 = arith.mulf %neg3A_596, %scan3A_353#10 : vector<16xf32>
      %mul3A_598 = arith.mulf %div3A_529, %scan3A_353#13 : vector<16xf32>
      %add3A_599 = arith.addf %mul3A_597, %mul3A_598 : vector<16xf32>
      %mul3A_600 = arith.mulf %sub3A_583, %mul3A_581 : vector<16xf32>
      %sub3A_601 = arith.subf %add3A_599, %mul3A_600 : vector<16xf32>
      %mul3A_602 = arith.mulf %div3A_580, %scan3A_353#14 : vector<16xf32>
      %sub3A_603 = arith.subf %sub3A_601, %mul3A_602 : vector<16xf32>
      %mul3A_604 = arith.mulf %sub3A_583, %mul3A_582 : vector<16xf32>
      %add3A_605 = arith.addf %sub3A_603, %mul3A_604 : vector<16xf32>
      %mul3A_606 = arith.mulf %sub3A_583, %scan3A_353#17 : vector<16xf32>
      %sub3A_607 = arith.subf %add3A_605, %mul3A_606 : vector<16xf32>
      %mul3A_608 = arith.constant 2.000000e+00 : f32
      %mul3A_609 = vector.broadcast %mul3A_608 : f32 to vector<16xf32>
      %mul3A_610 = arith.mulf %mul3A_609, %sub3A_607 : vector<16xf32>
      %add3A_611 = arith.addf %add3A_592, %mul3A_610 : vector<16xf32>
      %mul3A_612 = arith.constant 16 : i32
      %mul3A_613 = arith.muli %scan3A_337, %mul3A_612 : i32
      %add3A_614 = arith.constant 128 : i32
      %add3A_615 = arith.addi %add3A_614, %mul3A_613 : i32
      %max3A_616 = arith.constant 1.000000e-30 : f32
      %max3A_617 = vector.broadcast %max3A_616 : f32 to vector<16xf32>
      %max3A_618 = arith.maximumf %add3A_478, %max3A_617 : vector<16xf32>
      %bitcast_convert_type3A_619 = tpu.bitcast %max3A_618 : vector<16xf32> -> vector<16xi32>
      %shift_right_arithmetic3A_620 = arith.constant 1 : i32
      %shift_right_arithmetic3A_621 = vector.broadcast %shift_right_arithmetic3A_620 : i32 to vector<16xi32>
      %shift_right_arithmetic3A_622 = arith.shrsi %bitcast_convert_type3A_619, %shift_right_arithmetic3A_621 : vector<16xi32>
      %sub3A_623 = arith.constant 1597463007 : i32
      %sub3A_624 = vector.broadcast %sub3A_623 : i32 to vector<16xi32>
      %sub3A_625 = arith.subi %sub3A_624, %shift_right_arithmetic3A_622 : vector<16xi32>
      %bitcast_convert_type3A_626 = tpu.bitcast %sub3A_625 : vector<16xi32> -> vector<16xf32>
      %mul3A_627 = arith.constant 5.000000e-01 : f32
      %mul3A_628 = vector.broadcast %mul3A_627 : f32 to vector<16xf32>
      %mul3A_629 = arith.mulf %mul3A_628, %max3A_618 : vector<16xf32>
      %mul3A_630 = arith.mulf %mul3A_629, %bitcast_convert_type3A_626 : vector<16xf32>
      %mul3A_631 = arith.mulf %mul3A_630, %bitcast_convert_type3A_626 : vector<16xf32>
      %sub3A_632 = arith.constant 1.500000e+00 : f32
      %sub3A_633 = vector.broadcast %sub3A_632 : f32 to vector<16xf32>
      %sub3A_634 = arith.subf %sub3A_633, %mul3A_631 : vector<16xf32>
      %mul3A_635 = arith.mulf %bitcast_convert_type3A_626, %sub3A_634 : vector<16xf32>
      %mul3A_636 = arith.constant 5.000000e-01 : f32
      %mul3A_637 = vector.broadcast %mul3A_636 : f32 to vector<16xf32>
      %mul3A_638 = arith.mulf %mul3A_637, %max3A_618 : vector<16xf32>
      %mul3A_639 = arith.mulf %mul3A_638, %mul3A_635 : vector<16xf32>
      %mul3A_640 = arith.mulf %mul3A_639, %mul3A_635 : vector<16xf32>
      %sub3A_641 = arith.constant 1.500000e+00 : f32
      %sub3A_642 = vector.broadcast %sub3A_641 : f32 to vector<16xf32>
      %sub3A_643 = arith.subf %sub3A_642, %mul3A_640 : vector<16xf32>
      %mul3A_644 = arith.mulf %mul3A_635, %sub3A_643 : vector<16xf32>
      %mul3A_645 = arith.constant 5.000000e-01 : f32
      %mul3A_646 = vector.broadcast %mul3A_645 : f32 to vector<16xf32>
      %mul3A_647 = arith.mulf %mul3A_646, %max3A_618 : vector<16xf32>
      %mul3A_648 = arith.mulf %mul3A_647, %mul3A_644 : vector<16xf32>
      %mul3A_649 = arith.mulf %mul3A_648, %mul3A_644 : vector<16xf32>
      %sub3A_650 = arith.constant 1.500000e+00 : f32
      %sub3A_651 = vector.broadcast %sub3A_650 : f32 to vector<16xf32>
      %sub3A_652 = arith.subf %sub3A_651, %mul3A_649 : vector<16xf32>
      %mul3A_653 = arith.mulf %mul3A_644, %sub3A_652 : vector<16xf32>
      %mul3A_654 = arith.mulf %max3A_618, %mul3A_653 : vector<16xf32>
      %gt3A_655 = arith.constant 0.000000e+00 : f32
      %gt3A_656 = vector.broadcast %gt3A_655 : f32 to vector<16xf32>
      %gt3A_657 = arith.cmpf ogt, %add3A_478, %gt3A_656 : vector<16xf32>
      %jit3A_658 = arith.constant 0.000000e+00 : f32
      %broadcast_in_dim3A_659 = vector.broadcast %jit3A_658 : f32 to vector<16xf32>
      %select_n3A_660 = arith.select %gt3A_657, %mul3A_654, %broadcast_in_dim3A_659 : vector<16xi1>, vector<16xf32>
      %swap3A = arith.index_cast %add3A_615 : i32 to index
      %swap3A_661 = tpu.vector_load %arg32[%swap3A] {strides = array<i32>} : memref<512xf32, #tpu.memory_space<vmem>>, vector<16xf32>,
      tpu.vector_store %arg32[%swap3A], %select_n3A_660 {strides = array<i32>} : memref<512xf32, #tpu.memory_space<vmem>>, vector<16xf32>,
      %max3A_662 = arith.constant 1.000000e-30 : f32
      %max3A_663 = vector.broadcast %max3A_662 : f32 to vector<16xf32>
      %max3A_664 = arith.maximumf %add3A_611, %max3A_663 : vector<16xf32>
      %bitcast_convert_type3A_665 = tpu.bitcast %max3A_664 : vector<16xf32> -> vector<16xi32>
      %shift_right_arithmetic3A_666 = arith.constant 1 : i32
      %shift_right_arithmetic3A_667 = vector.broadcast %shift_right_arithmetic3A_666 : i32 to vector<16xi32>
      %shift_right_arithmetic3A_668 = arith.shrsi %bitcast_convert_type3A_665, %shift_right_arithmetic3A_667 : vector<16xi32>
      %sub3A_669 = arith.constant 1597463007 : i32
      %sub3A_670 = vector.broadcast %sub3A_669 : i32 to vector<16xi32>
      %sub3A_671 = arith.subi %sub3A_670, %shift_right_arithmetic3A_668 : vector<16xi32>
      %bitcast_convert_type3A_672 = tpu.bitcast %sub3A_671 : vector<16xi32> -> vector<16xf32>
      %mul3A_673 = arith.constant 5.000000e-01 : f32
      %mul3A_674 = vector.broadcast %mul3A_673 : f32 to vector<16xf32>
      %mul3A_675 = arith.mulf %mul3A_674, %max3A_664 : vector<16xf32>
      %mul3A_676 = arith.mulf %mul3A_675, %bitcast_convert_type3A_672 : vector<16xf32>
      %mul3A_677 = arith.mulf %mul3A_676, %bitcast_convert_type3A_672 : vector<16xf32>
      %sub3A_678 = arith.constant 1.500000e+00 : f32
      %sub3A_679 = vector.broadcast %sub3A_678 : f32 to vector<16xf32>
      %sub3A_680 = arith.subf %sub3A_679, %mul3A_677 : vector<16xf32>
      %mul3A_681 = arith.mulf %bitcast_convert_type3A_672, %sub3A_680 : vector<16xf32>
      %mul3A_682 = arith.constant 5.000000e-01 : f32
      %mul3A_683 = vector.broadcast %mul3A_682 : f32 to vector<16xf32>
      %mul3A_684 = arith.mulf %mul3A_683, %max3A_664 : vector<16xf32>
      %mul3A_685 = arith.mulf %mul3A_684, %mul3A_681 : vector<16xf32>
      %mul3A_686 = arith.mulf %mul3A_685, %mul3A_681 : vector<16xf32>
      %sub3A_687 = arith.constant 1.500000e+00 : f32
      %sub3A_688 = vector.broadcast %sub3A_687 : f32 to vector<16xf32>
      %sub3A_689 = arith.subf %sub3A_688, %mul3A_686 : vector<16xf32>
      %mul3A_690 = arith.mulf %mul3A_681, %sub3A_689 : vector<16xf32>
      %mul3A_691 = arith.constant 5.000000e-01 : f32
      %mul3A_692 = vector.broadcast %mul3A_691 : f32 to vector<16xf32>
      %mul3A_693 = arith.mulf %mul3A_692, %max3A_664 : vector<16xf32>
      %mul3A_694 = arith.mulf %mul3A_693, %mul3A_690 : vector<16xf32>
      %mul3A_695 = arith.mulf %mul3A_694, %mul3A_690 : vector<16xf32>
      %sub3A_696 = arith.constant 1.500000e+00 : f32
      %sub3A_697 = vector.broadcast %sub3A_696 : f32 to vector<16xf32>
      %sub3A_698 = arith.subf %sub3A_697, %mul3A_695 : vector<16xf32>
      %mul3A_699 = arith.mulf %mul3A_690, %sub3A_698 : vector<16xf32>
      %mul3A_700 = arith.mulf %max3A_664, %mul3A_699 : vector<16xf32>
      %gt3A_701 = arith.constant 0.000000e+00 : f32
      %gt3A_702 = vector.broadcast %gt3A_701 : f32 to vector<16xf32>
      %gt3A_703 = arith.cmpf ogt, %add3A_611, %gt3A_702 : vector<16xf32>
      %jit3A_704 = arith.constant 0.000000e+00 : f32
      %broadcast_in_dim3A_705 = vector.broadcast %jit3A_704 : f32 to vector<16xf32>
      %select_n3A_706 = arith.select %gt3A_703, %mul3A_700, %broadcast_in_dim3A_705 : vector<16xi1>, vector<16xf32>
      %swap3A_707 = arith.index_cast %add3A_615 : i32 to index
      %swap3A_708 = tpu.vector_load %arg33[%swap3A_707] {strides = array<i32>} : memref<512xf32, #tpu.memory_space<vmem>>, vector<16xf32>,
      tpu.vector_store %arg33[%swap3A_707], %select_n3A_706 {strides = array<i32>} : memref<512xf32, #tpu.memory_space<vmem>>, vector<16xf32>,
      %scan3A_709 = arith.constant 0 : i32
      scf.yield %scan3A_709 : i32
    }
    %scan3A_224 = arith.constant 8 : i32
    %dma_wait3A_225 = arith.constant 256 : i32
    %dma_wait3A_226 = tpu.memref_slice %arg14[%dma_wait3A_225] : memref<512xi32, #tpu.memory_space<vmem>> -> memref<128xi32, #tpu.memory_space<vmem>>
    %dma_wait3A_227 = arith.constant 0 : i32
    %dma_wait3A_228 = arith.constant 0 : i32
    %dma_wait3A_229 = tpu.memref_slice %arg7[%dma_wait3A_227, %dma_wait3A_228] : memref<1000000x64xf32, #tpu.memory_space<hbm>> -> memref<1000000x64xf32, #tpu.memory_space<hbm>>
    tpu.wait_indirect_dma semaphore(%arg36 : memref<!tpu.dma_semaphore, #tpu.memory_space<semaphore_mem>>) src(%dma_wait3A_229 : memref<1000000x64xf32, #tpu.memory_space<hbm>>) dst(%arg20 : memref<128x64xf32, #tpu.memory_space<vmem>>)
    %dma_wait3A_230 = arith.constant 256 : i32
    %dma_wait3A_231 = tpu.memref_slice %arg15[%dma_wait3A_230] : memref<512xi32, #tpu.memory_space<vmem>> -> memref<128xi32, #tpu.memory_space<vmem>>
    %dma_wait3A_232 = arith.constant 0 : i32
    %dma_wait3A_233 = arith.constant 0 : i32
    %dma_wait3A_234 = tpu.memref_slice %arg7[%dma_wait3A_232, %dma_wait3A_233] : memref<1000000x64xf32, #tpu.memory_space<hbm>> -> memref<1000000x64xf32, #tpu.memory_space<hbm>>
    tpu.wait_indirect_dma semaphore(%arg36 : memref<!tpu.dma_semaphore, #tpu.memory_space<semaphore_mem>>) src(%dma_wait3A_234 : memref<1000000x64xf32, #tpu.memory_space<hbm>>) dst(%arg21 : memref<128x64xf32, #tpu.memory_space<vmem>>)
    %dma_wait3A_235 = arith.constant 256 : i32
    %dma_wait3A_236 = tpu.memref_slice %arg16[%dma_wait3A_235] : memref<512xi32, #tpu.memory_space<vmem>> -> memref<128xi32, #tpu.memory_space<vmem>>
    %dma_wait3A_237 = arith.constant 0 : i32
    %dma_wait3A_238 = arith.constant 0 : i32
    %dma_wait3A_239 = tpu.memref_slice %arg7[%dma_wait3A_237, %dma_wait3A_238] : memref<1000000x64xf32, #tpu.memory_space<hbm>> -> memref<1000000x64xf32, #tpu.memory_space<hbm>>
    tpu.wait_indirect_dma semaphore(%arg36 : memref<!tpu.dma_semaphore, #tpu.memory_space<semaphore_mem>>) src(%dma_wait3A_239 : memref<1000000x64xf32, #tpu.memory_space<hbm>>) dst(%arg22 : memref<128x64xf32, #tpu.memory_space<vmem>>)
    %dma_wait3A_240 = arith.constant 256 : i32
    %dma_wait3A_241 = tpu.memref_slice %arg17[%dma_wait3A_240] : memref<512xi32, #tpu.memory_space<vmem>> -> memref<128xi32, #tpu.memory_space<vmem>>
    %dma_wait3A_242 = arith.constant 0 : i32
    %dma_wait3A_243 = arith.constant 0 : i32
    %dma_wait3A_244 = tpu.memref_slice %arg7[%dma_wait3A_242, %dma_wait3A_243] : memref<1000000x64xf32, #tpu.memory_space<hbm>> -> memref<1000000x64xf32, #tpu.memory_space<hbm>>
    tpu.wait_indirect_dma semaphore(%arg36 : memref<!tpu.dma_semaphore, #tpu.memory_space<semaphore_mem>>) src(%dma_wait3A_244 : memref<1000000x64xf32, #tpu.memory_space<hbm>>) dst(%arg23 : memref<128x64xf32, #tpu.memory_space<vmem>>)
    %dma_wait3A_245 = arith.constant 256 : i32
    %dma_wait3A_246 = tpu.memref_slice %arg19[%dma_wait3A_245] : memref<512xi32, #tpu.memory_space<vmem>> -> memref<128xi32, #tpu.memory_space<vmem>>
    %dma_wait3A_247 = arith.constant 0 : i32
    %dma_wait3A_248 = arith.constant 0 : i32
    %dma_wait3A_249 = tpu.memref_slice %arg13[%dma_wait3A_247, %dma_wait3A_248] : memref<2048x64xf32, #tpu.memory_space<hbm>> -> memref<2048x64xf32, #tpu.memory_space<hbm>>
    tpu.wait_indirect_dma semaphore(%arg36 : memref<!tpu.dma_semaphore, #tpu.memory_space<semaphore_mem>>) src(%dma_wait3A_249 : memref<2048x64xf32, #tpu.memory_space<hbm>>) dst(%arg24 : memref<128x64xf32, #tpu.memory_space<vmem>>)
    %dma_wait3A_250 = arith.constant 256 : i32
    %dma_wait3A_251 = tpu.memref_slice %arg19[%dma_wait3A_250] : memref<512xi32, #tpu.memory_space<vmem>> -> memref<128xi32, #tpu.memory_space<vmem>>
    %dma_wait3A_252 = arith.constant 0 : i32
    %dma_wait3A_253 = arith.constant 0 : i32
    %dma_wait3A_254 = tpu.memref_slice %arg12[%dma_wait3A_252, %dma_wait3A_253] : memref<2048x64xf32, #tpu.memory_space<hbm>> -> memref<2048x64xf32, #tpu.memory_space<hbm>>
    tpu.wait_indirect_dma semaphore(%arg36 : memref<!tpu.dma_semaphore, #tpu.memory_space<semaphore_mem>>) src(%dma_wait3A_254 : memref<2048x64xf32, #tpu.memory_space<hbm>>) dst(%arg25 : memref<128x64xf32, #tpu.memory_space<vmem>>)
    %dma_start3A_255 = arith.constant 384 : i32
    %dma_start3A_256 = tpu.memref_slice %arg14[%dma_start3A_255] : memref<512xi32, #tpu.memory_space<vmem>> -> memref<128xi32, #tpu.memory_space<vmem>>
    %dma_start3A_257 = arith.constant 0 : i32
    %dma_start3A_258 = arith.constant 0 : i32
    %dma_start3A_259 = tpu.memref_slice %arg7[%dma_start3A_257, %dma_start3A_258] : memref<1000000x64xf32, #tpu.memory_space<hbm>> -> memref<1000000x64xf32, #tpu.memory_space<hbm>>
    tpu.enqueue_indirect_dma source(%dma_start3A_259 : memref<1000000x64xf32, #tpu.memory_space<hbm>>) target(%arg26 : memref<128x64xf32, #tpu.memory_space<vmem>>) offsets(%dma_start3A_256 : memref<128xi32, #tpu.memory_space<vmem>>) semaphore(%arg37 : memref<!tpu.dma_semaphore, #tpu.memory_space<semaphore_mem>>)
    %dma_start3A_260 = arith.constant 384 : i32
    %dma_start3A_261 = tpu.memref_slice %arg15[%dma_start3A_260] : memref<512xi32, #tpu.memory_space<vmem>> -> memref<128xi32, #tpu.memory_space<vmem>>
    %dma_start3A_262 = arith.constant 0 : i32
    %dma_start3A_263 = arith.constant 0 : i32
    %dma_start3A_264 = tpu.memref_slice %arg7[%dma_start3A_262, %dma_start3A_263] : memref<1000000x64xf32, #tpu.memory_space<hbm>> -> memref<1000000x64xf32, #tpu.memory_space<hbm>>
    tpu.enqueue_indirect_dma source(%dma_start3A_264 : memref<1000000x64xf32, #tpu.memory_space<hbm>>) target(%arg27 : memref<128x64xf32, #tpu.memory_space<vmem>>) offsets(%dma_start3A_261 : memref<128xi32, #tpu.memory_space<vmem>>) semaphore(%arg37 : memref<!tpu.dma_semaphore, #tpu.memory_space<semaphore_mem>>)
    %dma_start3A_265 = arith.constant 384 : i32
    %dma_start3A_266 = tpu.memref_slice %arg16[%dma_start3A_265] : memref<512xi32, #tpu.memory_space<vmem>> -> memref<128xi32, #tpu.memory_space<vmem>>
    %dma_start3A_267 = arith.constant 0 : i32
    %dma_start3A_268 = arith.constant 0 : i32
    %dma_start3A_269 = tpu.memref_slice %arg7[%dma_start3A_267, %dma_start3A_268] : memref<1000000x64xf32, #tpu.memory_space<hbm>> -> memref<1000000x64xf32, #tpu.memory_space<hbm>>
    tpu.enqueue_indirect_dma source(%dma_start3A_269 : memref<1000000x64xf32, #tpu.memory_space<hbm>>) target(%arg28 : memref<128x64xf32, #tpu.memory_space<vmem>>) offsets(%dma_start3A_266 : memref<128xi32, #tpu.memory_space<vmem>>) semaphore(%arg37 : memref<!tpu.dma_semaphore, #tpu.memory_space<semaphore_mem>>)
    %dma_start3A_270 = arith.constant 384 : i32
    %dma_start3A_271 = tpu.memref_slice %arg17[%dma_start3A_270] : memref<512xi32, #tpu.memory_space<vmem>> -> memref<128xi32, #tpu.memory_space<vmem>>
    %dma_start3A_272 = arith.constant 0 : i32
    %dma_start3A_273 = arith.constant 0 : i32
    %dma_start3A_274 = tpu.memref_slice %arg7[%dma_start3A_272, %dma_start3A_273] : memref<1000000x64xf32, #tpu.memory_space<hbm>> -> memref<1000000x64xf32, #tpu.memory_space<hbm>>
    tpu.enqueue_indirect_dma source(%dma_start3A_274 : memref<1000000x64xf32, #tpu.memory_space<hbm>>) target(%arg29 : memref<128x64xf32, #tpu.memory_space<vmem>>) offsets(%dma_start3A_271 : memref<128xi32, #tpu.memory_space<vmem>>) semaphore(%arg37 : memref<!tpu.dma_semaphore, #tpu.memory_space<semaphore_mem>>)
    %dma_start3A_275 = arith.constant 384 : i32
    %dma_start3A_276 = tpu.memref_slice %arg19[%dma_start3A_275] : memref<512xi32, #tpu.memory_space<vmem>> -> memref<128xi32, #tpu.memory_space<vmem>>
    %dma_start3A_277 = arith.constant 0 : i32
    %dma_start3A_278 = arith.constant 0 : i32
    %dma_start3A_279 = tpu.memref_slice %arg13[%dma_start3A_277, %dma_start3A_278] : memref<2048x64xf32, #tpu.memory_space<hbm>> -> memref<2048x64xf32, #tpu.memory_space<hbm>>
    tpu.enqueue_indirect_dma source(%dma_start3A_279 : memref<2048x64xf32, #tpu.memory_space<hbm>>) target(%arg30 : memref<128x64xf32, #tpu.memory_space<vmem>>) offsets(%dma_start3A_276 : memref<128xi32, #tpu.memory_space<vmem>>) semaphore(%arg37 : memref<!tpu.dma_semaphore, #tpu.memory_space<semaphore_mem>>)
    %dma_start3A_280 = arith.constant 384 : i32
    %dma_start3A_281 = tpu.memref_slice %arg19[%dma_start3A_280] : memref<512xi32, #tpu.memory_space<vmem>> -> memref<128xi32, #tpu.memory_space<vmem>>
    %dma_start3A_282 = arith.constant 0 : i32
    %dma_start3A_283 = arith.constant 0 : i32
    %dma_start3A_284 = tpu.memref_slice %arg12[%dma_start3A_282, %dma_start3A_283] : memref<2048x64xf32, #tpu.memory_space<hbm>> -> memref<2048x64xf32, #tpu.memory_space<hbm>>
    tpu.enqueue_indirect_dma source(%dma_start3A_284 : memref<2048x64xf32, #tpu.memory_space<hbm>>) target(%arg31 : memref<128x64xf32, #tpu.memory_space<vmem>>) offsets(%dma_start3A_281 : memref<128xi32, #tpu.memory_space<vmem>>) semaphore(%arg37 : memref<!tpu.dma_semaphore, #tpu.memory_space<semaphore_mem>>)
    %broadcast_in_dim3A_285 = arith.constant 0.000000e+00 : f32
    %broadcast_in_dim3A_286 = vector.broadcast %broadcast_in_dim3A_285 : f32 to vector<16xf32>
    %broadcast_in_dim3A_287 = arith.constant 0 : i32
    %broadcast_in_dim3A_288 = vector.broadcast %broadcast_in_dim3A_287 : i32 to vector<16xi32>
    %scan3A_289 = arith.constant 0 : i32
    %scan3A_290 = arith.constant 0 : i32
    %scan3A_291 = arith.constant 8 : i32
    %scan3A_292 = arith.addi %scan3A_290, %scan3A_291 : i32
    %scan3A_293 = arith.constant 1 : i32
    %scan3A_294 = scf.for %scan3A_337 = %scan3A_290 to %scan3A_292 step %scan3A_293 iter_args(%scan3A_338 = %scan3A_289) -> (i32)  : i32 {
      %mul3A_339 = arith.constant 16 : i32
      %mul3A_340 = arith.muli %scan3A_337, %mul3A_339 : i32
      %iota3A_341 = tpu.iota {dimensions = array<i32: 0>} : vector<16xi32>
      %add3A_342 = vector.broadcast %mul3A_340 : i32 to vector<16xi32>
      %add3A_343 = arith.addi %add3A_342, %iota3A_341 : vector<16xi32>
      %mul3A_344 = arith.constant 64 : i32
      %mul3A_345 = vector.broadcast %mul3A_344 : i32 to vector<16xi32>
      %mul3A_346 = arith.muli %add3A_343, %mul3A_345 : vector<16xi32>
      %and3A = arith.constant 63 : i32
      %and3A_347 = vector.broadcast %and3A : i32 to vector<16xi32>
      %and3A_348 = arith.andi %add3A_343, %and3A_347 : vector<16xi32>
      %scan3A_349 = arith.constant 0 : i32
      %scan3A_350 = arith.constant 16 : i32
      %scan3A_351 = arith.addi %scan3A_349, %scan3A_350 : i32
      %scan3A_352 = arith.constant 1 : i32
      %scan3A_353:18 = scf.for %scan3A_710 = %scan3A_349 to %scan3A_351 step %scan3A_352 iter_args(%scan3A_711 = %and3A_348, %scan3A_712 = %broadcast_in_dim3A_286, %scan3A_713 = %broadcast_in_dim3A_286, %scan3A_714 = %broadcast_in_dim3A_286, %scan3A_715 = %broadcast_in_dim3A_286, %scan3A_716 = %broadcast_in_dim3A_286, %scan3A_717 = %broadcast_in_dim3A_286, %scan3A_718 = %broadcast_in_dim3A_286, %scan3A_719 = %broadcast_in_dim3A_286, %scan3A_720 = %broadcast_in_dim3A_286, %scan3A_721 = %broadcast_in_dim3A_286, %scan3A_722 = %broadcast_in_dim3A_286, %scan3A_723 = %broadcast_in_dim3A_286, %scan3A_724 = %broadcast_in_dim3A_286, %scan3A_725 = %broadcast_in_dim3A_286, %scan3A_726 = %broadcast_in_dim3A_286, %scan3A_727 = %broadcast_in_dim3A_286, %scan3A_728 = %broadcast_in_dim3A_286) -> (vector<16xi32>, vector<16xf32>, vector<16xf32>, vector<16xf32>, vector<16xf32>, vector<16xf32>, vector<16xf32>, vector<16xf32>, vector<16xf32>, vector<16xf32>, vector<16xf32>, vector<16xf32>, vector<16xf32>, vector<16xf32>, vector<16xf32>, vector<16xf32>, vector<16xf32>, vector<16xf32>)  : i32 {
        %add3A_729 = arith.addi %mul3A_346, %scan3A_711 : vector<16xi32>
        %gather3A = tpu.vector_load_idx %arg20[%broadcast_in_dim3A_288, %add3A_729] : memref<128x64xf32, #tpu.memory_space<vmem>>[vector<16xi32>, vector<16xi32>], vector<16xf32>,
        %gather3A_730 = tpu.vector_load_idx %arg21[%broadcast_in_dim3A_288, %add3A_729] : memref<128x64xf32, #tpu.memory_space<vmem>>[vector<16xi32>, vector<16xi32>], vector<16xf32>,
        %gather3A_731 = tpu.vector_load_idx %arg22[%broadcast_in_dim3A_288, %add3A_729] : memref<128x64xf32, #tpu.memory_space<vmem>>[vector<16xi32>, vector<16xi32>], vector<16xf32>,
        %gather3A_732 = tpu.vector_load_idx %arg23[%broadcast_in_dim3A_288, %add3A_729] : memref<128x64xf32, #tpu.memory_space<vmem>>[vector<16xi32>, vector<16xi32>], vector<16xf32>,
        %gather3A_733 = tpu.vector_load_idx %arg24[%broadcast_in_dim3A_288, %add3A_729] : memref<128x64xf32, #tpu.memory_space<vmem>>[vector<16xi32>, vector<16xi32>], vector<16xf32>,
        %gather3A_734 = tpu.vector_load_idx %arg25[%broadcast_in_dim3A_288, %add3A_729] : memref<128x64xf32, #tpu.memory_space<vmem>>[vector<16xi32>, vector<16xi32>], vector<16xf32>,
        %mul3A_735 = arith.mulf %gather3A, %gather3A : vector<16xf32>
        %add3A_736 = arith.addf %scan3A_712, %mul3A_735 : vector<16xf32>
        %mul3A_737 = arith.mulf %gather3A_730, %gather3A_730 : vector<16xf32>
        %add3A_738 = arith.addf %scan3A_713, %mul3A_737 : vector<16xf32>
        %mul3A_739 = arith.mulf %gather3A, %gather3A_730 : vector<16xf32>
        %add3A_740 = arith.addf %scan3A_714, %mul3A_739 : vector<16xf32>
        %mul3A_741 = arith.mulf %gather3A, %gather3A_733 : vector<16xf32>
        %add3A_742 = arith.addf %scan3A_715, %mul3A_741 : vector<16xf32>
        %mul3A_743 = arith.mulf %gather3A_730, %gather3A_733 : vector<16xf32>
        %add3A_744 = arith.addf %scan3A_716, %mul3A_743 : vector<16xf32>
        %mul3A_745 = arith.mulf %gather3A, %gather3A_734 : vector<16xf32>
        %add3A_746 = arith.addf %scan3A_717, %mul3A_745 : vector<16xf32>
        %mul3A_747 = arith.mulf %gather3A_730, %gather3A_734 : vector<16xf32>
        %add3A_748 = arith.addf %scan3A_718, %mul3A_747 : vector<16xf32>
        %mul3A_749 = arith.mulf %gather3A_731, %gather3A_731 : vector<16xf32>
        %add3A_750 = arith.addf %scan3A_719, %mul3A_749 : vector<16xf32>
        %mul3A_751 = arith.mulf %gather3A_732, %gather3A_732 : vector<16xf32>
        %add3A_752 = arith.addf %scan3A_720, %mul3A_751 : vector<16xf32>
        %mul3A_753 = arith.mulf %gather3A_731, %gather3A_732 : vector<16xf32>
        %add3A_754 = arith.addf %scan3A_721, %mul3A_753 : vector<16xf32>
        %mul3A_755 = arith.mulf %gather3A_731, %gather3A_733 : vector<16xf32>
        %add3A_756 = arith.addf %scan3A_722, %mul3A_755 : vector<16xf32>
        %mul3A_757 = arith.mulf %gather3A_732, %gather3A_733 : vector<16xf32>
        %add3A_758 = arith.addf %scan3A_723, %mul3A_757 : vector<16xf32>
        %mul3A_759 = arith.mulf %gather3A_731, %gather3A_734 : vector<16xf32>
        %add3A_760 = arith.addf %scan3A_724, %mul3A_759 : vector<16xf32>
        %mul3A_761 = arith.mulf %gather3A_732, %gather3A_734 : vector<16xf32>
        %add3A_762 = arith.addf %scan3A_725, %mul3A_761 : vector<16xf32>
        %mul3A_763 = arith.mulf %gather3A_734, %gather3A_734 : vector<16xf32>
        %add3A_764 = arith.addf %scan3A_726, %mul3A_763 : vector<16xf32>
        %mul3A_765 = arith.mulf %gather3A_733, %gather3A_733 : vector<16xf32>
        %add3A_766 = arith.addf %scan3A_727, %mul3A_765 : vector<16xf32>
        %mul3A_767 = arith.mulf %gather3A_734, %gather3A_733 : vector<16xf32>
        %add3A_768 = arith.addf %scan3A_728, %mul3A_767 : vector<16xf32>
        %add3A_769 = arith.constant 1 : i32
        %add3A_770 = vector.broadcast %add3A_769 : i32 to vector<16xi32>
        %add3A_771 = arith.addi %scan3A_711, %add3A_770 : vector<16xi32>
        %and3A_772 = arith.constant 63 : i32
        %and3A_773 = vector.broadcast %and3A_772 : i32 to vector<16xi32>
        %and3A_774 = arith.andi %add3A_771, %and3A_773 : vector<16xi32>
        %add3A_775 = arith.addi %mul3A_346, %and3A_774 : vector<16xi32>
        %gather3A_776 = tpu.vector_load_idx %arg20[%broadcast_in_dim3A_288, %add3A_775] : memref<128x64xf32, #tpu.memory_space<vmem>>[vector<16xi32>, vector<16xi32>], vector<16xf32>,
        %gather3A_777 = tpu.vector_load_idx %arg21[%broadcast_in_dim3A_288, %add3A_775] : memref<128x64xf32, #tpu.memory_space<vmem>>[vector<16xi32>, vector<16xi32>], vector<16xf32>,
        %gather3A_778 = tpu.vector_load_idx %arg22[%broadcast_in_dim3A_288, %add3A_775] : memref<128x64xf32, #tpu.memory_space<vmem>>[vector<16xi32>, vector<16xi32>], vector<16xf32>,
        %gather3A_779 = tpu.vector_load_idx %arg23[%broadcast_in_dim3A_288, %add3A_775] : memref<128x64xf32, #tpu.memory_space<vmem>>[vector<16xi32>, vector<16xi32>], vector<16xf32>,
        %gather3A_780 = tpu.vector_load_idx %arg24[%broadcast_in_dim3A_288, %add3A_775] : memref<128x64xf32, #tpu.memory_space<vmem>>[vector<16xi32>, vector<16xi32>], vector<16xf32>,
        %gather3A_781 = tpu.vector_load_idx %arg25[%broadcast_in_dim3A_288, %add3A_775] : memref<128x64xf32, #tpu.memory_space<vmem>>[vector<16xi32>, vector<16xi32>], vector<16xf32>,
        %mul3A_782 = arith.mulf %gather3A_776, %gather3A_776 : vector<16xf32>
        %add3A_783 = arith.addf %add3A_736, %mul3A_782 : vector<16xf32>
        %mul3A_784 = arith.mulf %gather3A_777, %gather3A_777 : vector<16xf32>
        %add3A_785 = arith.addf %add3A_738, %mul3A_784 : vector<16xf32>
        %mul3A_786 = arith.mulf %gather3A_776, %gather3A_777 : vector<16xf32>
        %add3A_787 = arith.addf %add3A_740, %mul3A_786 : vector<16xf32>
        %mul3A_788 = arith.mulf %gather3A_776, %gather3A_780 : vector<16xf32>
        %add3A_789 = arith.addf %add3A_742, %mul3A_788 : vector<16xf32>
        %mul3A_790 = arith.mulf %gather3A_777, %gather3A_780 : vector<16xf32>
        %add3A_791 = arith.addf %add3A_744, %mul3A_790 : vector<16xf32>
        %mul3A_792 = arith.mulf %gather3A_776, %gather3A_781 : vector<16xf32>
        %add3A_793 = arith.addf %add3A_746, %mul3A_792 : vector<16xf32>
        %mul3A_794 = arith.mulf %gather3A_777, %gather3A_781 : vector<16xf32>
        %add3A_795 = arith.addf %add3A_748, %mul3A_794 : vector<16xf32>
        %mul3A_796 = arith.mulf %gather3A_778, %gather3A_778 : vector<16xf32>
        %add3A_797 = arith.addf %add3A_750, %mul3A_796 : vector<16xf32>
        %mul3A_798 = arith.mulf %gather3A_779, %gather3A_779 : vector<16xf32>
        %add3A_799 = arith.addf %add3A_752, %mul3A_798 : vector<16xf32>
        %mul3A_800 = arith.mulf %gather3A_778, %gather3A_779 : vector<16xf32>
        %add3A_801 = arith.addf %add3A_754, %mul3A_800 : vector<16xf32>
        %mul3A_802 = arith.mulf %gather3A_778, %gather3A_780 : vector<16xf32>
        %add3A_803 = arith.addf %add3A_756, %mul3A_802 : vector<16xf32>
        %mul3A_804 = arith.mulf %gather3A_779, %gather3A_780 : vector<16xf32>
        %add3A_805 = arith.addf %add3A_758, %mul3A_804 : vector<16xf32>
        %mul3A_806 = arith.mulf %gather3A_778, %gather3A_781 : vector<16xf32>
        %add3A_807 = arith.addf %add3A_760, %mul3A_806 : vector<16xf32>
        %mul3A_808 = arith.mulf %gather3A_779, %gather3A_781 : vector<16xf32>
        %add3A_809 = arith.addf %add3A_762, %mul3A_808 : vector<16xf32>
        %mul3A_810 = arith.mulf %gather3A_781, %gather3A_781 : vector<16xf32>
        %add3A_811 = arith.addf %add3A_764, %mul3A_810 : vector<16xf32>
        %mul3A_812 = arith.mulf %gather3A_780, %gather3A_780 : vector<16xf32>
        %add3A_813 = arith.addf %add3A_766, %mul3A_812 : vector<16xf32>
        %mul3A_814 = arith.mulf %gather3A_781, %gather3A_780 : vector<16xf32>
        %add3A_815 = arith.addf %add3A_768, %mul3A_814 : vector<16xf32>
        %add3A_816 = arith.constant 1 : i32
        %add3A_817 = vector.broadcast %add3A_816 : i32 to vector<16xi32>
        %add3A_818 = arith.addi %and3A_774, %add3A_817 : vector<16xi32>
        %and3A_819 = arith.constant 63 : i32
        %and3A_820 = vector.broadcast %and3A_819 : i32 to vector<16xi32>
        %and3A_821 = arith.andi %add3A_818, %and3A_820 : vector<16xi32>
        %add3A_822 = arith.addi %mul3A_346, %and3A_821 : vector<16xi32>
        %gather3A_823 = tpu.vector_load_idx %arg20[%broadcast_in_dim3A_288, %add3A_822] : memref<128x64xf32, #tpu.memory_space<vmem>>[vector<16xi32>, vector<16xi32>], vector<16xf32>,
        %gather3A_824 = tpu.vector_load_idx %arg21[%broadcast_in_dim3A_288, %add3A_822] : memref<128x64xf32, #tpu.memory_space<vmem>>[vector<16xi32>, vector<16xi32>], vector<16xf32>,
        %gather3A_825 = tpu.vector_load_idx %arg22[%broadcast_in_dim3A_288, %add3A_822] : memref<128x64xf32, #tpu.memory_space<vmem>>[vector<16xi32>, vector<16xi32>], vector<16xf32>,
        %gather3A_826 = tpu.vector_load_idx %arg23[%broadcast_in_dim3A_288, %add3A_822] : memref<128x64xf32, #tpu.memory_space<vmem>>[vector<16xi32>, vector<16xi32>], vector<16xf32>,
        %gather3A_827 = tpu.vector_load_idx %arg24[%broadcast_in_dim3A_288, %add3A_822] : memref<128x64xf32, #tpu.memory_space<vmem>>[vector<16xi32>, vector<16xi32>], vector<16xf32>,
        %gather3A_828 = tpu.vector_load_idx %arg25[%broadcast_in_dim3A_288, %add3A_822] : memref<128x64xf32, #tpu.memory_space<vmem>>[vector<16xi32>, vector<16xi32>], vector<16xf32>,
        %mul3A_829 = arith.mulf %gather3A_823, %gather3A_823 : vector<16xf32>
        %add3A_830 = arith.addf %add3A_783, %mul3A_829 : vector<16xf32>
        %mul3A_831 = arith.mulf %gather3A_824, %gather3A_824 : vector<16xf32>
        %add3A_832 = arith.addf %add3A_785, %mul3A_831 : vector<16xf32>
        %mul3A_833 = arith.mulf %gather3A_823, %gather3A_824 : vector<16xf32>
        %add3A_834 = arith.addf %add3A_787, %mul3A_833 : vector<16xf32>
        %mul3A_835 = arith.mulf %gather3A_823, %gather3A_827 : vector<16xf32>
        %add3A_836 = arith.addf %add3A_789, %mul3A_835 : vector<16xf32>
        %mul3A_837 = arith.mulf %gather3A_824, %gather3A_827 : vector<16xf32>
        %add3A_838 = arith.addf %add3A_791, %mul3A_837 : vector<16xf32>
        %mul3A_839 = arith.mulf %gather3A_823, %gather3A_828 : vector<16xf32>
        %add3A_840 = arith.addf %add3A_793, %mul3A_839 : vector<16xf32>
        %mul3A_841 = arith.mulf %gather3A_824, %gather3A_828 : vector<16xf32>
        %add3A_842 = arith.addf %add3A_795, %mul3A_841 : vector<16xf32>
        %mul3A_843 = arith.mulf %gather3A_825, %gather3A_825 : vector<16xf32>
        %add3A_844 = arith.addf %add3A_797, %mul3A_843 : vector<16xf32>
        %mul3A_845 = arith.mulf %gather3A_826, %gather3A_826 : vector<16xf32>
        %add3A_846 = arith.addf %add3A_799, %mul3A_845 : vector<16xf32>
        %mul3A_847 = arith.mulf %gather3A_825, %gather3A_826 : vector<16xf32>
        %add3A_848 = arith.addf %add3A_801, %mul3A_847 : vector<16xf32>
        %mul3A_849 = arith.mulf %gather3A_825, %gather3A_827 : vector<16xf32>
        %add3A_850 = arith.addf %add3A_803, %mul3A_849 : vector<16xf32>
        %mul3A_851 = arith.mulf %gather3A_826, %gather3A_827 : vector<16xf32>
        %add3A_852 = arith.addf %add3A_805, %mul3A_851 : vector<16xf32>
        %mul3A_853 = arith.mulf %gather3A_825, %gather3A_828 : vector<16xf32>
        %add3A_854 = arith.addf %add3A_807, %mul3A_853 : vector<16xf32>
        %mul3A_855 = arith.mulf %gather3A_826, %gather3A_828 : vector<16xf32>
        %add3A_856 = arith.addf %add3A_809, %mul3A_855 : vector<16xf32>
        %mul3A_857 = arith.mulf %gather3A_828, %gather3A_828 : vector<16xf32>
        %add3A_858 = arith.addf %add3A_811, %mul3A_857 : vector<16xf32>
        %mul3A_859 = arith.mulf %gather3A_827, %gather3A_827 : vector<16xf32>
        %add3A_860 = arith.addf %add3A_813, %mul3A_859 : vector<16xf32>
        %mul3A_861 = arith.mulf %gather3A_828, %gather3A_827 : vector<16xf32>
        %add3A_862 = arith.addf %add3A_815, %mul3A_861 : vector<16xf32>
        %add3A_863 = arith.constant 1 : i32
        %add3A_864 = vector.broadcast %add3A_863 : i32 to vector<16xi32>
        %add3A_865 = arith.addi %and3A_821, %add3A_864 : vector<16xi32>
        %and3A_866 = arith.constant 63 : i32
        %and3A_867 = vector.broadcast %and3A_866 : i32 to vector<16xi32>
        %and3A_868 = arith.andi %add3A_865, %and3A_867 : vector<16xi32>
        %add3A_869 = arith.addi %mul3A_346, %and3A_868 : vector<16xi32>
        %gather3A_870 = tpu.vector_load_idx %arg20[%broadcast_in_dim3A_288, %add3A_869] : memref<128x64xf32, #tpu.memory_space<vmem>>[vector<16xi32>, vector<16xi32>], vector<16xf32>,
        %gather3A_871 = tpu.vector_load_idx %arg21[%broadcast_in_dim3A_288, %add3A_869] : memref<128x64xf32, #tpu.memory_space<vmem>>[vector<16xi32>, vector<16xi32>], vector<16xf32>,
        %gather3A_872 = tpu.vector_load_idx %arg22[%broadcast_in_dim3A_288, %add3A_869] : memref<128x64xf32, #tpu.memory_space<vmem>>[vector<16xi32>, vector<16xi32>], vector<16xf32>,
        %gather3A_873 = tpu.vector_load_idx %arg23[%broadcast_in_dim3A_288, %add3A_869] : memref<128x64xf32, #tpu.memory_space<vmem>>[vector<16xi32>, vector<16xi32>], vector<16xf32>,
        %gather3A_874 = tpu.vector_load_idx %arg24[%broadcast_in_dim3A_288, %add3A_869] : memref<128x64xf32, #tpu.memory_space<vmem>>[vector<16xi32>, vector<16xi32>], vector<16xf32>,
        %gather3A_875 = tpu.vector_load_idx %arg25[%broadcast_in_dim3A_288, %add3A_869] : memref<128x64xf32, #tpu.memory_space<vmem>>[vector<16xi32>, vector<16xi32>], vector<16xf32>,
        %mul3A_876 = arith.mulf %gather3A_870, %gather3A_870 : vector<16xf32>
        %add3A_877 = arith.addf %add3A_830, %mul3A_876 : vector<16xf32>
        %mul3A_878 = arith.mulf %gather3A_871, %gather3A_871 : vector<16xf32>
        %add3A_879 = arith.addf %add3A_832, %mul3A_878 : vector<16xf32>
        %mul3A_880 = arith.mulf %gather3A_870, %gather3A_871 : vector<16xf32>
        %add3A_881 = arith.addf %add3A_834, %mul3A_880 : vector<16xf32>
        %mul3A_882 = arith.mulf %gather3A_870, %gather3A_874 : vector<16xf32>
        %add3A_883 = arith.addf %add3A_836, %mul3A_882 : vector<16xf32>
        %mul3A_884 = arith.mulf %gather3A_871, %gather3A_874 : vector<16xf32>
        %add3A_885 = arith.addf %add3A_838, %mul3A_884 : vector<16xf32>
        %mul3A_886 = arith.mulf %gather3A_870, %gather3A_875 : vector<16xf32>
        %add3A_887 = arith.addf %add3A_840, %mul3A_886 : vector<16xf32>
        %mul3A_888 = arith.mulf %gather3A_871, %gather3A_875 : vector<16xf32>
        %add3A_889 = arith.addf %add3A_842, %mul3A_888 : vector<16xf32>
        %mul3A_890 = arith.mulf %gather3A_872, %gather3A_872 : vector<16xf32>
        %add3A_891 = arith.addf %add3A_844, %mul3A_890 : vector<16xf32>
        %mul3A_892 = arith.mulf %gather3A_873, %gather3A_873 : vector<16xf32>
        %add3A_893 = arith.addf %add3A_846, %mul3A_892 : vector<16xf32>
        %mul3A_894 = arith.mulf %gather3A_872, %gather3A_873 : vector<16xf32>
        %add3A_895 = arith.addf %add3A_848, %mul3A_894 : vector<16xf32>
        %mul3A_896 = arith.mulf %gather3A_872, %gather3A_874 : vector<16xf32>
        %add3A_897 = arith.addf %add3A_850, %mul3A_896 : vector<16xf32>
        %mul3A_898 = arith.mulf %gather3A_873, %gather3A_874 : vector<16xf32>
        %add3A_899 = arith.addf %add3A_852, %mul3A_898 : vector<16xf32>
        %mul3A_900 = arith.mulf %gather3A_872, %gather3A_875 : vector<16xf32>
        %add3A_901 = arith.addf %add3A_854, %mul3A_900 : vector<16xf32>
        %mul3A_902 = arith.mulf %gather3A_873, %gather3A_875 : vector<16xf32>
        %add3A_903 = arith.addf %add3A_856, %mul3A_902 : vector<16xf32>
        %mul3A_904 = arith.mulf %gather3A_875, %gather3A_875 : vector<16xf32>
        %add3A_905 = arith.addf %add3A_858, %mul3A_904 : vector<16xf32>
        %mul3A_906 = arith.mulf %gather3A_874, %gather3A_874 : vector<16xf32>
        %add3A_907 = arith.addf %add3A_860, %mul3A_906 : vector<16xf32>
        %mul3A_908 = arith.mulf %gather3A_875, %gather3A_874 : vector<16xf32>
        %add3A_909 = arith.addf %add3A_862, %mul3A_908 : vector<16xf32>
        %add3A_910 = arith.constant 1 : i32
        %add3A_911 = vector.broadcast %add3A_910 : i32 to vector<16xi32>
        %add3A_912 = arith.addi %and3A_868, %add3A_911 : vector<16xi32>
        %and3A_913 = arith.constant 63 : i32
        %and3A_914 = vector.broadcast %and3A_913 : i32 to vector<16xi32>
        %and3A_915 = arith.andi %add3A_912, %and3A_914 : vector<16xi32>
        scf.yield %and3A_915, %add3A_877, %add3A_879, %add3A_881, %add3A_883, %add3A_885, %add3A_887, %add3A_889, %add3A_891, %add3A_893, %add3A_895, %add3A_897, %add3A_899, %add3A_901, %add3A_903, %add3A_905, %add3A_907, %add3A_909 : vector<16xi32>, vector<16xf32>, vector<16xf32>, vector<16xf32>, vector<16xf32>, vector<16xf32>, vector<16xf32>, vector<16xf32>, vector<16xf32>, vector<16xf32>, vector<16xf32>, vector<16xf32>, vector<16xf32>, vector<16xf32>, vector<16xf32>, vector<16xf32>, vector<16xf32>, vector<16xf32>
      }
      %scan3A_354 = arith.constant 16 : i32
      %max3A = arith.constant 1.000000e-30 : f32
      %max3A_355 = vector.broadcast %max3A : f32 to vector<16xf32>
      %max3A_356 = arith.maximumf %scan3A_353#1, %max3A_355 : vector<16xf32>
      %bitcast_convert_type3A = tpu.bitcast %max3A_356 : vector<16xf32> -> vector<16xi32>
      %shift_right_arithmetic3A = arith.constant 1 : i32
      %shift_right_arithmetic3A_357 = vector.broadcast %shift_right_arithmetic3A : i32 to vector<16xi32>
      %shift_right_arithmetic3A_358 = arith.shrsi %bitcast_convert_type3A, %shift_right_arithmetic3A_357 : vector<16xi32>
      %sub3A = arith.constant 1597463007 : i32
      %sub3A_359 = vector.broadcast %sub3A : i32 to vector<16xi32>
      %sub3A_360 = arith.subi %sub3A_359, %shift_right_arithmetic3A_358 : vector<16xi32>
      %bitcast_convert_type3A_361 = tpu.bitcast %sub3A_360 : vector<16xi32> -> vector<16xf32>
      %mul3A_362 = arith.constant 5.000000e-01 : f32
      %mul3A_363 = vector.broadcast %mul3A_362 : f32 to vector<16xf32>
      %mul3A_364 = arith.mulf %mul3A_363, %max3A_356 : vector<16xf32>
      %mul3A_365 = arith.mulf %mul3A_364, %bitcast_convert_type3A_361 : vector<16xf32>
      %mul3A_366 = arith.mulf %mul3A_365, %bitcast_convert_type3A_361 : vector<16xf32>
      %sub3A_367 = arith.constant 1.500000e+00 : f32
      %sub3A_368 = vector.broadcast %sub3A_367 : f32 to vector<16xf32>
      %sub3A_369 = arith.subf %sub3A_368, %mul3A_366 : vector<16xf32>
      %mul3A_370 = arith.mulf %bitcast_convert_type3A_361, %sub3A_369 : vector<16xf32>
      %mul3A_371 = arith.constant 5.000000e-01 : f32
      %mul3A_372 = vector.broadcast %mul3A_371 : f32 to vector<16xf32>
      %mul3A_373 = arith.mulf %mul3A_372, %max3A_356 : vector<16xf32>
      %mul3A_374 = arith.mulf %mul3A_373, %mul3A_370 : vector<16xf32>
      %mul3A_375 = arith.mulf %mul3A_374, %mul3A_370 : vector<16xf32>
      %sub3A_376 = arith.constant 1.500000e+00 : f32
      %sub3A_377 = vector.broadcast %sub3A_376 : f32 to vector<16xf32>
      %sub3A_378 = arith.subf %sub3A_377, %mul3A_375 : vector<16xf32>
      %mul3A_379 = arith.mulf %mul3A_370, %sub3A_378 : vector<16xf32>
      %mul3A_380 = arith.constant 5.000000e-01 : f32
      %mul3A_381 = vector.broadcast %mul3A_380 : f32 to vector<16xf32>
      %mul3A_382 = arith.mulf %mul3A_381, %max3A_356 : vector<16xf32>
      %mul3A_383 = arith.mulf %mul3A_382, %mul3A_379 : vector<16xf32>
      %mul3A_384 = arith.mulf %mul3A_383, %mul3A_379 : vector<16xf32>
      %sub3A_385 = arith.constant 1.500000e+00 : f32
      %sub3A_386 = vector.broadcast %sub3A_385 : f32 to vector<16xf32>
      %sub3A_387 = arith.subf %sub3A_386, %mul3A_384 : vector<16xf32>
      %mul3A_388 = arith.mulf %mul3A_379, %sub3A_387 : vector<16xf32>
      %mul3A_389 = arith.mulf %max3A_356, %mul3A_388 : vector<16xf32>
      %gt3A = arith.constant 0.000000e+00 : f32
      %gt3A_390 = vector.broadcast %gt3A : f32 to vector<16xf32>
      %gt3A_391 = arith.cmpf ogt, %scan3A_353#1, %gt3A_390 : vector<16xf32>
      %jit3A = arith.constant 0.000000e+00 : f32
      %broadcast_in_dim3A_392 = vector.broadcast %jit3A : f32 to vector<16xf32>
      %select_n3A = arith.select %gt3A_391, %mul3A_389, %broadcast_in_dim3A_392 : vector<16xi1>, vector<16xf32>
      %max3A_393 = arith.constant 9.99999996E-13 : f32
      %max3A_394 = vector.broadcast %max3A_393 : f32 to vector<16xf32>
      %max3A_395 = arith.maximumf %select_n3A, %max3A_394 : vector<16xf32>
      %div3A = arith.constant 1.000000e+00 : f32
      %div3A_396 = vector.broadcast %div3A : f32 to vector<16xf32>
      %div3A_397 = arith.divf %div3A_396, %max3A_395 : vector<16xf32>
      %max3A_398 = arith.constant 1.000000e-30 : f32
      %max3A_399 = vector.broadcast %max3A_398 : f32 to vector<16xf32>
      %max3A_400 = arith.maximumf %scan3A_353#2, %max3A_399 : vector<16xf32>
      %bitcast_convert_type3A_401 = tpu.bitcast %max3A_400 : vector<16xf32> -> vector<16xi32>
      %shift_right_arithmetic3A_402 = arith.constant 1 : i32
      %shift_right_arithmetic3A_403 = vector.broadcast %shift_right_arithmetic3A_402 : i32 to vector<16xi32>
      %shift_right_arithmetic3A_404 = arith.shrsi %bitcast_convert_type3A_401, %shift_right_arithmetic3A_403 : vector<16xi32>
      %sub3A_405 = arith.constant 1597463007 : i32
      %sub3A_406 = vector.broadcast %sub3A_405 : i32 to vector<16xi32>
      %sub3A_407 = arith.subi %sub3A_406, %shift_right_arithmetic3A_404 : vector<16xi32>
      %bitcast_convert_type3A_408 = tpu.bitcast %sub3A_407 : vector<16xi32> -> vector<16xf32>
      %mul3A_409 = arith.constant 5.000000e-01 : f32
      %mul3A_410 = vector.broadcast %mul3A_409 : f32 to vector<16xf32>
      %mul3A_411 = arith.mulf %mul3A_410, %max3A_400 : vector<16xf32>
      %mul3A_412 = arith.mulf %mul3A_411, %bitcast_convert_type3A_408 : vector<16xf32>
      %mul3A_413 = arith.mulf %mul3A_412, %bitcast_convert_type3A_408 : vector<16xf32>
      %sub3A_414 = arith.constant 1.500000e+00 : f32
      %sub3A_415 = vector.broadcast %sub3A_414 : f32 to vector<16xf32>
      %sub3A_416 = arith.subf %sub3A_415, %mul3A_413 : vector<16xf32>
      %mul3A_417 = arith.mulf %bitcast_convert_type3A_408, %sub3A_416 : vector<16xf32>
      %mul3A_418 = arith.constant 5.000000e-01 : f32
      %mul3A_419 = vector.broadcast %mul3A_418 : f32 to vector<16xf32>
      %mul3A_420 = arith.mulf %mul3A_419, %max3A_400 : vector<16xf32>
      %mul3A_421 = arith.mulf %mul3A_420, %mul3A_417 : vector<16xf32>
      %mul3A_422 = arith.mulf %mul3A_421, %mul3A_417 : vector<16xf32>
      %sub3A_423 = arith.constant 1.500000e+00 : f32
      %sub3A_424 = vector.broadcast %sub3A_423 : f32 to vector<16xf32>
      %sub3A_425 = arith.subf %sub3A_424, %mul3A_422 : vector<16xf32>
      %mul3A_426 = arith.mulf %mul3A_417, %sub3A_425 : vector<16xf32>
      %mul3A_427 = arith.constant 5.000000e-01 : f32
      %mul3A_428 = vector.broadcast %mul3A_427 : f32 to vector<16xf32>
      %mul3A_429 = arith.mulf %mul3A_428, %max3A_400 : vector<16xf32>
      %mul3A_430 = arith.mulf %mul3A_429, %mul3A_426 : vector<16xf32>
      %mul3A_431 = arith.mulf %mul3A_430, %mul3A_426 : vector<16xf32>
      %sub3A_432 = arith.constant 1.500000e+00 : f32
      %sub3A_433 = vector.broadcast %sub3A_432 : f32 to vector<16xf32>
      %sub3A_434 = arith.subf %sub3A_433, %mul3A_431 : vector<16xf32>
      %mul3A_435 = arith.mulf %mul3A_426, %sub3A_434 : vector<16xf32>
      %mul3A_436 = arith.mulf %max3A_400, %mul3A_435 : vector<16xf32>
      %gt3A_437 = arith.constant 0.000000e+00 : f32
      %gt3A_438 = vector.broadcast %gt3A_437 : f32 to vector<16xf32>
      %gt3A_439 = arith.cmpf ogt, %scan3A_353#2, %gt3A_438 : vector<16xf32>
      %jit3A_440 = arith.constant 0.000000e+00 : f32
      %broadcast_in_dim3A_441 = vector.broadcast %jit3A_440 : f32 to vector<16xf32>
      %select_n3A_442 = arith.select %gt3A_439, %mul3A_436, %broadcast_in_dim3A_441 : vector<16xi1>, vector<16xf32>
      %max3A_443 = arith.constant 9.99999996E-13 : f32
      %max3A_444 = vector.broadcast %max3A_443 : f32 to vector<16xf32>
      %max3A_445 = arith.maximumf %select_n3A_442, %max3A_444 : vector<16xf32>
      %div3A_446 = arith.constant 1.000000e+00 : f32
      %div3A_447 = vector.broadcast %div3A_446 : f32 to vector<16xf32>
      %div3A_448 = arith.divf %div3A_447, %max3A_445 : vector<16xf32>
      %mul3A_449 = arith.mulf %div3A_397, %scan3A_353#4 : vector<16xf32>
      %mul3A_450 = arith.mulf %div3A_448, %scan3A_353#5 : vector<16xf32>
      %sub3A_451 = arith.subf %mul3A_449, %mul3A_450 : vector<16xf32>
      %mul3A_452 = arith.mulf %div3A_397, %div3A_397 : vector<16xf32>
      %mul3A_453 = arith.mulf %mul3A_452, %scan3A_353#1 : vector<16xf32>
      %mul3A_454 = arith.mulf %div3A_448, %div3A_448 : vector<16xf32>
      %mul3A_455 = arith.mulf %mul3A_454, %scan3A_353#2 : vector<16xf32>
      %add3A_456 = arith.addf %mul3A_453, %mul3A_455 : vector<16xf32>
      %add3A_457 = arith.addf %add3A_456, %scan3A_353#15 : vector<16xf32>
      %mul3A_458 = arith.mulf %sub3A_451, %sub3A_451 : vector<16xf32>
      %mul3A_459 = arith.mulf %mul3A_458, %scan3A_353#16 : vector<16xf32>
      %add3A_460 = arith.addf %add3A_457, %mul3A_459 : vector<16xf32>
      %mul3A_461 = arith.mulf %div3A_397, %div3A_448 : vector<16xf32>
      %neg3A = arith.constant 0.000000e+00 : f32
      %neg3A_462 = vector.broadcast %neg3A : f32 to vector<16xf32>
      %neg3A_463 = arith.subf %neg3A_462, %mul3A_461 : vector<16xf32>
      %mul3A_464 = arith.mulf %neg3A_463, %scan3A_353#3 : vector<16xf32>
      %mul3A_465 = arith.mulf %div3A_397, %scan3A_353#6 : vector<16xf32>
      %add3A_466 = arith.addf %mul3A_464, %mul3A_465 : vector<16xf32>
      %mul3A_467 = arith.mulf %sub3A_451, %mul3A_449 : vector<16xf32>
      %sub3A_468 = arith.subf %add3A_466, %mul3A_467 : vector<16xf32>
      %mul3A_469 = arith.mulf %div3A_448, %scan3A_353#7 : vector<16xf32>
      %sub3A_470 = arith.subf %sub3A_468, %mul3A_469 : vector<16xf32>
      %mul3A_471 = arith.mulf %sub3A_451, %mul3A_450 : vector<16xf32>
      %add3A_472 = arith.addf %sub3A_470, %mul3A_471 : vector<16xf32>
      %mul3A_473 = arith.mulf %sub3A_451, %scan3A_353#17 : vector<16xf32>
      %sub3A_474 = arith.subf %add3A_472, %mul3A_473 : vector<16xf32>
      %mul3A_475 = arith.constant 2.000000e+00 : f32
      %mul3A_476 = vector.broadcast %mul3A_475 : f32 to vector<16xf32>
      %mul3A_477 = arith.mulf %mul3A_476, %sub3A_474 : vector<16xf32>
      %add3A_478 = arith.addf %add3A_460, %mul3A_477 : vector<16xf32>
      %max3A_479 = arith.constant 1.000000e-30 : f32
      %max3A_480 = vector.broadcast %max3A_479 : f32 to vector<16xf32>
      %max3A_481 = arith.maximumf %scan3A_353#8, %max3A_480 : vector<16xf32>
      %bitcast_convert_type3A_482 = tpu.bitcast %max3A_481 : vector<16xf32> -> vector<16xi32>
      %shift_right_arithmetic3A_483 = arith.constant 1 : i32
      %shift_right_arithmetic3A_484 = vector.broadcast %shift_right_arithmetic3A_483 : i32 to vector<16xi32>
      %shift_right_arithmetic3A_485 = arith.shrsi %bitcast_convert_type3A_482, %shift_right_arithmetic3A_484 : vector<16xi32>
      %sub3A_486 = arith.constant 1597463007 : i32
      %sub3A_487 = vector.broadcast %sub3A_486 : i32 to vector<16xi32>
      %sub3A_488 = arith.subi %sub3A_487, %shift_right_arithmetic3A_485 : vector<16xi32>
      %bitcast_convert_type3A_489 = tpu.bitcast %sub3A_488 : vector<16xi32> -> vector<16xf32>
      %mul3A_490 = arith.constant 5.000000e-01 : f32
      %mul3A_491 = vector.broadcast %mul3A_490 : f32 to vector<16xf32>
      %mul3A_492 = arith.mulf %mul3A_491, %max3A_481 : vector<16xf32>
      %mul3A_493 = arith.mulf %mul3A_492, %bitcast_convert_type3A_489 : vector<16xf32>
      %mul3A_494 = arith.mulf %mul3A_493, %bitcast_convert_type3A_489 : vector<16xf32>
      %sub3A_495 = arith.constant 1.500000e+00 : f32
      %sub3A_496 = vector.broadcast %sub3A_495 : f32 to vector<16xf32>
      %sub3A_497 = arith.subf %sub3A_496, %mul3A_494 : vector<16xf32>
      %mul3A_498 = arith.mulf %bitcast_convert_type3A_489, %sub3A_497 : vector<16xf32>
      %mul3A_499 = arith.constant 5.000000e-01 : f32
      %mul3A_500 = vector.broadcast %mul3A_499 : f32 to vector<16xf32>
      %mul3A_501 = arith.mulf %mul3A_500, %max3A_481 : vector<16xf32>
      %mul3A_502 = arith.mulf %mul3A_501, %mul3A_498 : vector<16xf32>
      %mul3A_503 = arith.mulf %mul3A_502, %mul3A_498 : vector<16xf32>
      %sub3A_504 = arith.constant 1.500000e+00 : f32
      %sub3A_505 = vector.broadcast %sub3A_504 : f32 to vector<16xf32>
      %sub3A_506 = arith.subf %sub3A_505, %mul3A_503 : vector<16xf32>
      %mul3A_507 = arith.mulf %mul3A_498, %sub3A_506 : vector<16xf32>
      %mul3A_508 = arith.constant 5.000000e-01 : f32
      %mul3A_509 = vector.broadcast %mul3A_508 : f32 to vector<16xf32>
      %mul3A_510 = arith.mulf %mul3A_509, %max3A_481 : vector<16xf32>
      %mul3A_511 = arith.mulf %mul3A_510, %mul3A_507 : vector<16xf32>
      %mul3A_512 = arith.mulf %mul3A_511, %mul3A_507 : vector<16xf32>
      %sub3A_513 = arith.constant 1.500000e+00 : f32
      %sub3A_514 = vector.broadcast %sub3A_513 : f32 to vector<16xf32>
      %sub3A_515 = arith.subf %sub3A_514, %mul3A_512 : vector<16xf32>
      %mul3A_516 = arith.mulf %mul3A_507, %sub3A_515 : vector<16xf32>
      %mul3A_517 = arith.mulf %max3A_481, %mul3A_516 : vector<16xf32>
      %gt3A_518 = arith.constant 0.000000e+00 : f32
      %gt3A_519 = vector.broadcast %gt3A_518 : f32 to vector<16xf32>
      %gt3A_520 = arith.cmpf ogt, %scan3A_353#8, %gt3A_519 : vector<16xf32>
      %jit3A_521 = arith.constant 0.000000e+00 : f32
      %broadcast_in_dim3A_522 = vector.broadcast %jit3A_521 : f32 to vector<16xf32>
      %select_n3A_523 = arith.select %gt3A_520, %mul3A_517, %broadcast_in_dim3A_522 : vector<16xi1>, vector<16xf32>
      %max3A_524 = arith.constant 9.99999996E-13 : f32
      %max3A_525 = vector.broadcast %max3A_524 : f32 to vector<16xf32>
      %max3A_526 = arith.maximumf %select_n3A_523, %max3A_525 : vector<16xf32>
      %div3A_527 = arith.constant 1.000000e+00 : f32
      %div3A_528 = vector.broadcast %div3A_527 : f32 to vector<16xf32>
      %div3A_529 = arith.divf %div3A_528, %max3A_526 : vector<16xf32>
      %max3A_530 = arith.constant 1.000000e-30 : f32
      %max3A_531 = vector.broadcast %max3A_530 : f32 to vector<16xf32>
      %max3A_532 = arith.maximumf %scan3A_353#9, %max3A_531 : vector<16xf32>
      %bitcast_convert_type3A_533 = tpu.bitcast %max3A_532 : vector<16xf32> -> vector<16xi32>
      %shift_right_arithmetic3A_534 = arith.constant 1 : i32
      %shift_right_arithmetic3A_535 = vector.broadcast %shift_right_arithmetic3A_534 : i32 to vector<16xi32>
      %shift_right_arithmetic3A_536 = arith.shrsi %bitcast_convert_type3A_533, %shift_right_arithmetic3A_535 : vector<16xi32>
      %sub3A_537 = arith.constant 1597463007 : i32
      %sub3A_538 = vector.broadcast %sub3A_537 : i32 to vector<16xi32>
      %sub3A_539 = arith.subi %sub3A_538, %shift_right_arithmetic3A_536 : vector<16xi32>
      %bitcast_convert_type3A_540 = tpu.bitcast %sub3A_539 : vector<16xi32> -> vector<16xf32>
      %mul3A_541 = arith.constant 5.000000e-01 : f32
      %mul3A_542 = vector.broadcast %mul3A_541 : f32 to vector<16xf32>
      %mul3A_543 = arith.mulf %mul3A_542, %max3A_532 : vector<16xf32>
      %mul3A_544 = arith.mulf %mul3A_543, %bitcast_convert_type3A_540 : vector<16xf32>
      %mul3A_545 = arith.mulf %mul3A_544, %bitcast_convert_type3A_540 : vector<16xf32>
      %sub3A_546 = arith.constant 1.500000e+00 : f32
      %sub3A_547 = vector.broadcast %sub3A_546 : f32 to vector<16xf32>
      %sub3A_548 = arith.subf %sub3A_547, %mul3A_545 : vector<16xf32>
      %mul3A_549 = arith.mulf %bitcast_convert_type3A_540, %sub3A_548 : vector<16xf32>
      %mul3A_550 = arith.constant 5.000000e-01 : f32
      %mul3A_551 = vector.broadcast %mul3A_550 : f32 to vector<16xf32>
      %mul3A_552 = arith.mulf %mul3A_551, %max3A_532 : vector<16xf32>
      %mul3A_553 = arith.mulf %mul3A_552, %mul3A_549 : vector<16xf32>
      %mul3A_554 = arith.mulf %mul3A_553, %mul3A_549 : vector<16xf32>
      %sub3A_555 = arith.constant 1.500000e+00 : f32
      %sub3A_556 = vector.broadcast %sub3A_555 : f32 to vector<16xf32>
      %sub3A_557 = arith.subf %sub3A_556, %mul3A_554 : vector<16xf32>
      %mul3A_558 = arith.mulf %mul3A_549, %sub3A_557 : vector<16xf32>
      %mul3A_559 = arith.constant 5.000000e-01 : f32
      %mul3A_560 = vector.broadcast %mul3A_559 : f32 to vector<16xf32>
      %mul3A_561 = arith.mulf %mul3A_560, %max3A_532 : vector<16xf32>
      %mul3A_562 = arith.mulf %mul3A_561, %mul3A_558 : vector<16xf32>
      %mul3A_563 = arith.mulf %mul3A_562, %mul3A_558 : vector<16xf32>
      %sub3A_564 = arith.constant 1.500000e+00 : f32
      %sub3A_565 = vector.broadcast %sub3A_564 : f32 to vector<16xf32>
      %sub3A_566 = arith.subf %sub3A_565, %mul3A_563 : vector<16xf32>
      %mul3A_567 = arith.mulf %mul3A_558, %sub3A_566 : vector<16xf32>
      %mul3A_568 = arith.mulf %max3A_532, %mul3A_567 : vector<16xf32>
      %gt3A_569 = arith.constant 0.000000e+00 : f32
      %gt3A_570 = vector.broadcast %gt3A_569 : f32 to vector<16xf32>
      %gt3A_571 = arith.cmpf ogt, %scan3A_353#9, %gt3A_570 : vector<16xf32>
      %jit3A_572 = arith.constant 0.000000e+00 : f32
      %broadcast_in_dim3A_573 = vector.broadcast %jit3A_572 : f32 to vector<16xf32>
      %select_n3A_574 = arith.select %gt3A_571, %mul3A_568, %broadcast_in_dim3A_573 : vector<16xi1>, vector<16xf32>
      %max3A_575 = arith.constant 9.99999996E-13 : f32
      %max3A_576 = vector.broadcast %max3A_575 : f32 to vector<16xf32>
      %max3A_577 = arith.maximumf %select_n3A_574, %max3A_576 : vector<16xf32>
      %div3A_578 = arith.constant 1.000000e+00 : f32
      %div3A_579 = vector.broadcast %div3A_578 : f32 to vector<16xf32>
      %div3A_580 = arith.divf %div3A_579, %max3A_577 : vector<16xf32>
      %mul3A_581 = arith.mulf %div3A_529, %scan3A_353#11 : vector<16xf32>
      %mul3A_582 = arith.mulf %div3A_580, %scan3A_353#12 : vector<16xf32>
      %sub3A_583 = arith.subf %mul3A_581, %mul3A_582 : vector<16xf32>
      %mul3A_584 = arith.mulf %div3A_529, %div3A_529 : vector<16xf32>
      %mul3A_585 = arith.mulf %mul3A_584, %scan3A_353#8 : vector<16xf32>
      %mul3A_586 = arith.mulf %div3A_580, %div3A_580 : vector<16xf32>
      %mul3A_587 = arith.mulf %mul3A_586, %scan3A_353#9 : vector<16xf32>
      %add3A_588 = arith.addf %mul3A_585, %mul3A_587 : vector<16xf32>
      %add3A_589 = arith.addf %add3A_588, %scan3A_353#15 : vector<16xf32>
      %mul3A_590 = arith.mulf %sub3A_583, %sub3A_583 : vector<16xf32>
      %mul3A_591 = arith.mulf %mul3A_590, %scan3A_353#16 : vector<16xf32>
      %add3A_592 = arith.addf %add3A_589, %mul3A_591 : vector<16xf32>
      %mul3A_593 = arith.mulf %div3A_529, %div3A_580 : vector<16xf32>
      %neg3A_594 = arith.constant 0.000000e+00 : f32
      %neg3A_595 = vector.broadcast %neg3A_594 : f32 to vector<16xf32>
      %neg3A_596 = arith.subf %neg3A_595, %mul3A_593 : vector<16xf32>
      %mul3A_597 = arith.mulf %neg3A_596, %scan3A_353#10 : vector<16xf32>
      %mul3A_598 = arith.mulf %div3A_529, %scan3A_353#13 : vector<16xf32>
      %add3A_599 = arith.addf %mul3A_597, %mul3A_598 : vector<16xf32>
      %mul3A_600 = arith.mulf %sub3A_583, %mul3A_581 : vector<16xf32>
      %sub3A_601 = arith.subf %add3A_599, %mul3A_600 : vector<16xf32>
      %mul3A_602 = arith.mulf %div3A_580, %scan3A_353#14 : vector<16xf32>
      %sub3A_603 = arith.subf %sub3A_601, %mul3A_602 : vector<16xf32>
      %mul3A_604 = arith.mulf %sub3A_583, %mul3A_582 : vector<16xf32>
      %add3A_605 = arith.addf %sub3A_603, %mul3A_604 : vector<16xf32>
      %mul3A_606 = arith.mulf %sub3A_583, %scan3A_353#17 : vector<16xf32>
      %sub3A_607 = arith.subf %add3A_605, %mul3A_606 : vector<16xf32>
      %mul3A_608 = arith.constant 2.000000e+00 : f32
      %mul3A_609 = vector.broadcast %mul3A_608 : f32 to vector<16xf32>
      %mul3A_610 = arith.mulf %mul3A_609, %sub3A_607 : vector<16xf32>
      %add3A_611 = arith.addf %add3A_592, %mul3A_610 : vector<16xf32>
      %mul3A_612 = arith.constant 16 : i32
      %mul3A_613 = arith.muli %scan3A_337, %mul3A_612 : i32
      %add3A_614 = arith.constant 256 : i32
      %add3A_615 = arith.addi %add3A_614, %mul3A_613 : i32
      %max3A_616 = arith.constant 1.000000e-30 : f32
      %max3A_617 = vector.broadcast %max3A_616 : f32 to vector<16xf32>
      %max3A_618 = arith.maximumf %add3A_478, %max3A_617 : vector<16xf32>
      %bitcast_convert_type3A_619 = tpu.bitcast %max3A_618 : vector<16xf32> -> vector<16xi32>
      %shift_right_arithmetic3A_620 = arith.constant 1 : i32
      %shift_right_arithmetic3A_621 = vector.broadcast %shift_right_arithmetic3A_620 : i32 to vector<16xi32>
      %shift_right_arithmetic3A_622 = arith.shrsi %bitcast_convert_type3A_619, %shift_right_arithmetic3A_621 : vector<16xi32>
      %sub3A_623 = arith.constant 1597463007 : i32
      %sub3A_624 = vector.broadcast %sub3A_623 : i32 to vector<16xi32>
      %sub3A_625 = arith.subi %sub3A_624, %shift_right_arithmetic3A_622 : vector<16xi32>
      %bitcast_convert_type3A_626 = tpu.bitcast %sub3A_625 : vector<16xi32> -> vector<16xf32>
      %mul3A_627 = arith.constant 5.000000e-01 : f32
      %mul3A_628 = vector.broadcast %mul3A_627 : f32 to vector<16xf32>
      %mul3A_629 = arith.mulf %mul3A_628, %max3A_618 : vector<16xf32>
      %mul3A_630 = arith.mulf %mul3A_629, %bitcast_convert_type3A_626 : vector<16xf32>
      %mul3A_631 = arith.mulf %mul3A_630, %bitcast_convert_type3A_626 : vector<16xf32>
      %sub3A_632 = arith.constant 1.500000e+00 : f32
      %sub3A_633 = vector.broadcast %sub3A_632 : f32 to vector<16xf32>
      %sub3A_634 = arith.subf %sub3A_633, %mul3A_631 : vector<16xf32>
      %mul3A_635 = arith.mulf %bitcast_convert_type3A_626, %sub3A_634 : vector<16xf32>
      %mul3A_636 = arith.constant 5.000000e-01 : f32
      %mul3A_637 = vector.broadcast %mul3A_636 : f32 to vector<16xf32>
      %mul3A_638 = arith.mulf %mul3A_637, %max3A_618 : vector<16xf32>
      %mul3A_639 = arith.mulf %mul3A_638, %mul3A_635 : vector<16xf32>
      %mul3A_640 = arith.mulf %mul3A_639, %mul3A_635 : vector<16xf32>
      %sub3A_641 = arith.constant 1.500000e+00 : f32
      %sub3A_642 = vector.broadcast %sub3A_641 : f32 to vector<16xf32>
      %sub3A_643 = arith.subf %sub3A_642, %mul3A_640 : vector<16xf32>
      %mul3A_644 = arith.mulf %mul3A_635, %sub3A_643 : vector<16xf32>
      %mul3A_645 = arith.constant 5.000000e-01 : f32
      %mul3A_646 = vector.broadcast %mul3A_645 : f32 to vector<16xf32>
      %mul3A_647 = arith.mulf %mul3A_646, %max3A_618 : vector<16xf32>
      %mul3A_648 = arith.mulf %mul3A_647, %mul3A_644 : vector<16xf32>
      %mul3A_649 = arith.mulf %mul3A_648, %mul3A_644 : vector<16xf32>
      %sub3A_650 = arith.constant 1.500000e+00 : f32
      %sub3A_651 = vector.broadcast %sub3A_650 : f32 to vector<16xf32>
      %sub3A_652 = arith.subf %sub3A_651, %mul3A_649 : vector<16xf32>
      %mul3A_653 = arith.mulf %mul3A_644, %sub3A_652 : vector<16xf32>
      %mul3A_654 = arith.mulf %max3A_618, %mul3A_653 : vector<16xf32>
      %gt3A_655 = arith.constant 0.000000e+00 : f32
      %gt3A_656 = vector.broadcast %gt3A_655 : f32 to vector<16xf32>
      %gt3A_657 = arith.cmpf ogt, %add3A_478, %gt3A_656 : vector<16xf32>
      %jit3A_658 = arith.constant 0.000000e+00 : f32
      %broadcast_in_dim3A_659 = vector.broadcast %jit3A_658 : f32 to vector<16xf32>
      %select_n3A_660 = arith.select %gt3A_657, %mul3A_654, %broadcast_in_dim3A_659 : vector<16xi1>, vector<16xf32>
      %swap3A = arith.index_cast %add3A_615 : i32 to index
      %swap3A_661 = tpu.vector_load %arg32[%swap3A] {strides = array<i32>} : memref<512xf32, #tpu.memory_space<vmem>>, vector<16xf32>,
      tpu.vector_store %arg32[%swap3A], %select_n3A_660 {strides = array<i32>} : memref<512xf32, #tpu.memory_space<vmem>>, vector<16xf32>,
      %max3A_662 = arith.constant 1.000000e-30 : f32
      %max3A_663 = vector.broadcast %max3A_662 : f32 to vector<16xf32>
      %max3A_664 = arith.maximumf %add3A_611, %max3A_663 : vector<16xf32>
      %bitcast_convert_type3A_665 = tpu.bitcast %max3A_664 : vector<16xf32> -> vector<16xi32>
      %shift_right_arithmetic3A_666 = arith.constant 1 : i32
      %shift_right_arithmetic3A_667 = vector.broadcast %shift_right_arithmetic3A_666 : i32 to vector<16xi32>
      %shift_right_arithmetic3A_668 = arith.shrsi %bitcast_convert_type3A_665, %shift_right_arithmetic3A_667 : vector<16xi32>
      %sub3A_669 = arith.constant 1597463007 : i32
      %sub3A_670 = vector.broadcast %sub3A_669 : i32 to vector<16xi32>
      %sub3A_671 = arith.subi %sub3A_670, %shift_right_arithmetic3A_668 : vector<16xi32>
      %bitcast_convert_type3A_672 = tpu.bitcast %sub3A_671 : vector<16xi32> -> vector<16xf32>
      %mul3A_673 = arith.constant 5.000000e-01 : f32
      %mul3A_674 = vector.broadcast %mul3A_673 : f32 to vector<16xf32>
      %mul3A_675 = arith.mulf %mul3A_674, %max3A_664 : vector<16xf32>
      %mul3A_676 = arith.mulf %mul3A_675, %bitcast_convert_type3A_672 : vector<16xf32>
      %mul3A_677 = arith.mulf %mul3A_676, %bitcast_convert_type3A_672 : vector<16xf32>
      %sub3A_678 = arith.constant 1.500000e+00 : f32
      %sub3A_679 = vector.broadcast %sub3A_678 : f32 to vector<16xf32>
      %sub3A_680 = arith.subf %sub3A_679, %mul3A_677 : vector<16xf32>
      %mul3A_681 = arith.mulf %bitcast_convert_type3A_672, %sub3A_680 : vector<16xf32>
      %mul3A_682 = arith.constant 5.000000e-01 : f32
      %mul3A_683 = vector.broadcast %mul3A_682 : f32 to vector<16xf32>
      %mul3A_684 = arith.mulf %mul3A_683, %max3A_664 : vector<16xf32>
      %mul3A_685 = arith.mulf %mul3A_684, %mul3A_681 : vector<16xf32>
      %mul3A_686 = arith.mulf %mul3A_685, %mul3A_681 : vector<16xf32>
      %sub3A_687 = arith.constant 1.500000e+00 : f32
      %sub3A_688 = vector.broadcast %sub3A_687 : f32 to vector<16xf32>
      %sub3A_689 = arith.subf %sub3A_688, %mul3A_686 : vector<16xf32>
      %mul3A_690 = arith.mulf %mul3A_681, %sub3A_689 : vector<16xf32>
      %mul3A_691 = arith.constant 5.000000e-01 : f32
      %mul3A_692 = vector.broadcast %mul3A_691 : f32 to vector<16xf32>
      %mul3A_693 = arith.mulf %mul3A_692, %max3A_664 : vector<16xf32>
      %mul3A_694 = arith.mulf %mul3A_693, %mul3A_690 : vector<16xf32>
      %mul3A_695 = arith.mulf %mul3A_694, %mul3A_690 : vector<16xf32>
      %sub3A_696 = arith.constant 1.500000e+00 : f32
      %sub3A_697 = vector.broadcast %sub3A_696 : f32 to vector<16xf32>
      %sub3A_698 = arith.subf %sub3A_697, %mul3A_695 : vector<16xf32>
      %mul3A_699 = arith.mulf %mul3A_690, %sub3A_698 : vector<16xf32>
      %mul3A_700 = arith.mulf %max3A_664, %mul3A_699 : vector<16xf32>
      %gt3A_701 = arith.constant 0.000000e+00 : f32
      %gt3A_702 = vector.broadcast %gt3A_701 : f32 to vector<16xf32>
      %gt3A_703 = arith.cmpf ogt, %add3A_611, %gt3A_702 : vector<16xf32>
      %jit3A_704 = arith.constant 0.000000e+00 : f32
      %broadcast_in_dim3A_705 = vector.broadcast %jit3A_704 : f32 to vector<16xf32>
      %select_n3A_706 = arith.select %gt3A_703, %mul3A_700, %broadcast_in_dim3A_705 : vector<16xi1>, vector<16xf32>
      %swap3A_707 = arith.index_cast %add3A_615 : i32 to index
      %swap3A_708 = tpu.vector_load %arg33[%swap3A_707] {strides = array<i32>} : memref<512xf32, #tpu.memory_space<vmem>>, vector<16xf32>,
      tpu.vector_store %arg33[%swap3A_707], %select_n3A_706 {strides = array<i32>} : memref<512xf32, #tpu.memory_space<vmem>>, vector<16xf32>,
      %scan3A_709 = arith.constant 0 : i32
      scf.yield %scan3A_709 : i32
    }
    %scan3A_295 = arith.constant 8 : i32
    %dma_wait3A_296 = arith.constant 384 : i32
    %dma_wait3A_297 = tpu.memref_slice %arg14[%dma_wait3A_296] : memref<512xi32, #tpu.memory_space<vmem>> -> memref<128xi32, #tpu.memory_space<vmem>>
    %dma_wait3A_298 = arith.constant 0 : i32
    %dma_wait3A_299 = arith.constant 0 : i32
    %dma_wait3A_300 = tpu.memref_slice %arg7[%dma_wait3A_298, %dma_wait3A_299] : memref<1000000x64xf32, #tpu.memory_space<hbm>> -> memref<1000000x64xf32, #tpu.memory_space<hbm>>
    tpu.wait_indirect_dma semaphore(%arg37 : memref<!tpu.dma_semaphore, #tpu.memory_space<semaphore_mem>>) src(%dma_wait3A_300 : memref<1000000x64xf32, #tpu.memory_space<hbm>>) dst(%arg26 : memref<128x64xf32, #tpu.memory_space<vmem>>)
    %dma_wait3A_301 = arith.constant 384 : i32
    %dma_wait3A_302 = tpu.memref_slice %arg15[%dma_wait3A_301] : memref<512xi32, #tpu.memory_space<vmem>> -> memref<128xi32, #tpu.memory_space<vmem>>
    %dma_wait3A_303 = arith.constant 0 : i32
    %dma_wait3A_304 = arith.constant 0 : i32
    %dma_wait3A_305 = tpu.memref_slice %arg7[%dma_wait3A_303, %dma_wait3A_304] : memref<1000000x64xf32, #tpu.memory_space<hbm>> -> memref<1000000x64xf32, #tpu.memory_space<hbm>>
    tpu.wait_indirect_dma semaphore(%arg37 : memref<!tpu.dma_semaphore, #tpu.memory_space<semaphore_mem>>) src(%dma_wait3A_305 : memref<1000000x64xf32, #tpu.memory_space<hbm>>) dst(%arg27 : memref<128x64xf32, #tpu.memory_space<vmem>>)
    %dma_wait3A_306 = arith.constant 384 : i32
    %dma_wait3A_307 = tpu.memref_slice %arg16[%dma_wait3A_306] : memref<512xi32, #tpu.memory_space<vmem>> -> memref<128xi32, #tpu.memory_space<vmem>>
    %dma_wait3A_308 = arith.constant 0 : i32
    %dma_wait3A_309 = arith.constant 0 : i32
    %dma_wait3A_310 = tpu.memref_slice %arg7[%dma_wait3A_308, %dma_wait3A_309] : memref<1000000x64xf32, #tpu.memory_space<hbm>> -> memref<1000000x64xf32, #tpu.memory_space<hbm>>
    tpu.wait_indirect_dma semaphore(%arg37 : memref<!tpu.dma_semaphore, #tpu.memory_space<semaphore_mem>>) src(%dma_wait3A_310 : memref<1000000x64xf32, #tpu.memory_space<hbm>>) dst(%arg28 : memref<128x64xf32, #tpu.memory_space<vmem>>)
    %dma_wait3A_311 = arith.constant 384 : i32
    %dma_wait3A_312 = tpu.memref_slice %arg17[%dma_wait3A_311] : memref<512xi32, #tpu.memory_space<vmem>> -> memref<128xi32, #tpu.memory_space<vmem>>
    %dma_wait3A_313 = arith.constant 0 : i32
    %dma_wait3A_314 = arith.constant 0 : i32
    %dma_wait3A_315 = tpu.memref_slice %arg7[%dma_wait3A_313, %dma_wait3A_314] : memref<1000000x64xf32, #tpu.memory_space<hbm>> -> memref<1000000x64xf32, #tpu.memory_space<hbm>>
    tpu.wait_indirect_dma semaphore(%arg37 : memref<!tpu.dma_semaphore, #tpu.memory_space<semaphore_mem>>) src(%dma_wait3A_315 : memref<1000000x64xf32, #tpu.memory_space<hbm>>) dst(%arg29 : memref<128x64xf32, #tpu.memory_space<vmem>>)
    %dma_wait3A_316 = arith.constant 384 : i32
    %dma_wait3A_317 = tpu.memref_slice %arg19[%dma_wait3A_316] : memref<512xi32, #tpu.memory_space<vmem>> -> memref<128xi32, #tpu.memory_space<vmem>>
    %dma_wait3A_318 = arith.constant 0 : i32
    %dma_wait3A_319 = arith.constant 0 : i32
    %dma_wait3A_320 = tpu.memref_slice %arg13[%dma_wait3A_318, %dma_wait3A_319] : memref<2048x64xf32, #tpu.memory_space<hbm>> -> memref<2048x64xf32, #tpu.memory_space<hbm>>
    tpu.wait_indirect_dma semaphore(%arg37 : memref<!tpu.dma_semaphore, #tpu.memory_space<semaphore_mem>>) src(%dma_wait3A_320 : memref<2048x64xf32, #tpu.memory_space<hbm>>) dst(%arg30 : memref<128x64xf32, #tpu.memory_space<vmem>>)
    %dma_wait3A_321 = arith.constant 384 : i32
    %dma_wait3A_322 = tpu.memref_slice %arg19[%dma_wait3A_321] : memref<512xi32, #tpu.memory_space<vmem>> -> memref<128xi32, #tpu.memory_space<vmem>>
    %dma_wait3A_323 = arith.constant 0 : i32
    %dma_wait3A_324 = arith.constant 0 : i32
    %dma_wait3A_325 = tpu.memref_slice %arg12[%dma_wait3A_323, %dma_wait3A_324] : memref<2048x64xf32, #tpu.memory_space<hbm>> -> memref<2048x64xf32, #tpu.memory_space<hbm>>
    tpu.wait_indirect_dma semaphore(%arg37 : memref<!tpu.dma_semaphore, #tpu.memory_space<semaphore_mem>>) src(%dma_wait3A_325 : memref<2048x64xf32, #tpu.memory_space<hbm>>) dst(%arg31 : memref<128x64xf32, #tpu.memory_space<vmem>>)
    %broadcast_in_dim3A_326 = arith.constant 0.000000e+00 : f32
    %broadcast_in_dim3A_327 = vector.broadcast %broadcast_in_dim3A_326 : f32 to vector<16xf32>
    %broadcast_in_dim3A_328 = arith.constant 0 : i32
    %broadcast_in_dim3A_329 = vector.broadcast %broadcast_in_dim3A_328 : i32 to vector<16xi32>
    %scan3A_330 = arith.constant 0 : i32
    %scan3A_331 = arith.constant 0 : i32
    %scan3A_332 = arith.constant 8 : i32
    %scan3A_333 = arith.addi %scan3A_331, %scan3A_332 : i32
    %scan3A_334 = arith.constant 1 : i32
    %scan3A_335 = scf.for %scan3A_337 = %scan3A_331 to %scan3A_333 step %scan3A_334 iter_args(%scan3A_338 = %scan3A_330) -> (i32)  : i32 {
      %mul3A_339 = arith.constant 16 : i32
      %mul3A_340 = arith.muli %scan3A_337, %mul3A_339 : i32
      %iota3A_341 = tpu.iota {dimensions = array<i32: 0>} : vector<16xi32>
      %add3A_342 = vector.broadcast %mul3A_340 : i32 to vector<16xi32>
      %add3A_343 = arith.addi %add3A_342, %iota3A_341 : vector<16xi32>
      %mul3A_344 = arith.constant 64 : i32
      %mul3A_345 = vector.broadcast %mul3A_344 : i32 to vector<16xi32>
      %mul3A_346 = arith.muli %add3A_343, %mul3A_345 : vector<16xi32>
      %and3A = arith.constant 63 : i32
      %and3A_347 = vector.broadcast %and3A : i32 to vector<16xi32>
      %and3A_348 = arith.andi %add3A_343, %and3A_347 : vector<16xi32>
      %scan3A_349 = arith.constant 0 : i32
      %scan3A_350 = arith.constant 16 : i32
      %scan3A_351 = arith.addi %scan3A_349, %scan3A_350 : i32
      %scan3A_352 = arith.constant 1 : i32
      %scan3A_353:18 = scf.for %scan3A_710 = %scan3A_349 to %scan3A_351 step %scan3A_352 iter_args(%scan3A_711 = %and3A_348, %scan3A_712 = %broadcast_in_dim3A_327, %scan3A_713 = %broadcast_in_dim3A_327, %scan3A_714 = %broadcast_in_dim3A_327, %scan3A_715 = %broadcast_in_dim3A_327, %scan3A_716 = %broadcast_in_dim3A_327, %scan3A_717 = %broadcast_in_dim3A_327, %scan3A_718 = %broadcast_in_dim3A_327, %scan3A_719 = %broadcast_in_dim3A_327, %scan3A_720 = %broadcast_in_dim3A_327, %scan3A_721 = %broadcast_in_dim3A_327, %scan3A_722 = %broadcast_in_dim3A_327, %scan3A_723 = %broadcast_in_dim3A_327, %scan3A_724 = %broadcast_in_dim3A_327, %scan3A_725 = %broadcast_in_dim3A_327, %scan3A_726 = %broadcast_in_dim3A_327, %scan3A_727 = %broadcast_in_dim3A_327, %scan3A_728 = %broadcast_in_dim3A_327) -> (vector<16xi32>, vector<16xf32>, vector<16xf32>, vector<16xf32>, vector<16xf32>, vector<16xf32>, vector<16xf32>, vector<16xf32>, vector<16xf32>, vector<16xf32>, vector<16xf32>, vector<16xf32>, vector<16xf32>, vector<16xf32>, vector<16xf32>, vector<16xf32>, vector<16xf32>, vector<16xf32>)  : i32 {
        %add3A_729 = arith.addi %mul3A_346, %scan3A_711 : vector<16xi32>
        %gather3A = tpu.vector_load_idx %arg26[%broadcast_in_dim3A_329, %add3A_729] : memref<128x64xf32, #tpu.memory_space<vmem>>[vector<16xi32>, vector<16xi32>], vector<16xf32>,
        %gather3A_730 = tpu.vector_load_idx %arg27[%broadcast_in_dim3A_329, %add3A_729] : memref<128x64xf32, #tpu.memory_space<vmem>>[vector<16xi32>, vector<16xi32>], vector<16xf32>,
        %gather3A_731 = tpu.vector_load_idx %arg28[%broadcast_in_dim3A_329, %add3A_729] : memref<128x64xf32, #tpu.memory_space<vmem>>[vector<16xi32>, vector<16xi32>], vector<16xf32>,
        %gather3A_732 = tpu.vector_load_idx %arg29[%broadcast_in_dim3A_329, %add3A_729] : memref<128x64xf32, #tpu.memory_space<vmem>>[vector<16xi32>, vector<16xi32>], vector<16xf32>,
        %gather3A_733 = tpu.vector_load_idx %arg30[%broadcast_in_dim3A_329, %add3A_729] : memref<128x64xf32, #tpu.memory_space<vmem>>[vector<16xi32>, vector<16xi32>], vector<16xf32>,
        %gather3A_734 = tpu.vector_load_idx %arg31[%broadcast_in_dim3A_329, %add3A_729] : memref<128x64xf32, #tpu.memory_space<vmem>>[vector<16xi32>, vector<16xi32>], vector<16xf32>,
        %mul3A_735 = arith.mulf %gather3A, %gather3A : vector<16xf32>
        %add3A_736 = arith.addf %scan3A_712, %mul3A_735 : vector<16xf32>
        %mul3A_737 = arith.mulf %gather3A_730, %gather3A_730 : vector<16xf32>
        %add3A_738 = arith.addf %scan3A_713, %mul3A_737 : vector<16xf32>
        %mul3A_739 = arith.mulf %gather3A, %gather3A_730 : vector<16xf32>
        %add3A_740 = arith.addf %scan3A_714, %mul3A_739 : vector<16xf32>
        %mul3A_741 = arith.mulf %gather3A, %gather3A_733 : vector<16xf32>
        %add3A_742 = arith.addf %scan3A_715, %mul3A_741 : vector<16xf32>
        %mul3A_743 = arith.mulf %gather3A_730, %gather3A_733 : vector<16xf32>
        %add3A_744 = arith.addf %scan3A_716, %mul3A_743 : vector<16xf32>
        %mul3A_745 = arith.mulf %gather3A, %gather3A_734 : vector<16xf32>
        %add3A_746 = arith.addf %scan3A_717, %mul3A_745 : vector<16xf32>
        %mul3A_747 = arith.mulf %gather3A_730, %gather3A_734 : vector<16xf32>
        %add3A_748 = arith.addf %scan3A_718, %mul3A_747 : vector<16xf32>
        %mul3A_749 = arith.mulf %gather3A_731, %gather3A_731 : vector<16xf32>
        %add3A_750 = arith.addf %scan3A_719, %mul3A_749 : vector<16xf32>
        %mul3A_751 = arith.mulf %gather3A_732, %gather3A_732 : vector<16xf32>
        %add3A_752 = arith.addf %scan3A_720, %mul3A_751 : vector<16xf32>
        %mul3A_753 = arith.mulf %gather3A_731, %gather3A_732 : vector<16xf32>
        %add3A_754 = arith.addf %scan3A_721, %mul3A_753 : vector<16xf32>
        %mul3A_755 = arith.mulf %gather3A_731, %gather3A_733 : vector<16xf32>
        %add3A_756 = arith.addf %scan3A_722, %mul3A_755 : vector<16xf32>
        %mul3A_757 = arith.mulf %gather3A_732, %gather3A_733 : vector<16xf32>
        %add3A_758 = arith.addf %scan3A_723, %mul3A_757 : vector<16xf32>
        %mul3A_759 = arith.mulf %gather3A_731, %gather3A_734 : vector<16xf32>
        %add3A_760 = arith.addf %scan3A_724, %mul3A_759 : vector<16xf32>
        %mul3A_761 = arith.mulf %gather3A_732, %gather3A_734 : vector<16xf32>
        %add3A_762 = arith.addf %scan3A_725, %mul3A_761 : vector<16xf32>
        %mul3A_763 = arith.mulf %gather3A_734, %gather3A_734 : vector<16xf32>
        %add3A_764 = arith.addf %scan3A_726, %mul3A_763 : vector<16xf32>
        %mul3A_765 = arith.mulf %gather3A_733, %gather3A_733 : vector<16xf32>
        %add3A_766 = arith.addf %scan3A_727, %mul3A_765 : vector<16xf32>
        %mul3A_767 = arith.mulf %gather3A_734, %gather3A_733 : vector<16xf32>
        %add3A_768 = arith.addf %scan3A_728, %mul3A_767 : vector<16xf32>
        %add3A_769 = arith.constant 1 : i32
        %add3A_770 = vector.broadcast %add3A_769 : i32 to vector<16xi32>
        %add3A_771 = arith.addi %scan3A_711, %add3A_770 : vector<16xi32>
        %and3A_772 = arith.constant 63 : i32
        %and3A_773 = vector.broadcast %and3A_772 : i32 to vector<16xi32>
        %and3A_774 = arith.andi %add3A_771, %and3A_773 : vector<16xi32>
        %add3A_775 = arith.addi %mul3A_346, %and3A_774 : vector<16xi32>
        %gather3A_776 = tpu.vector_load_idx %arg26[%broadcast_in_dim3A_329, %add3A_775] : memref<128x64xf32, #tpu.memory_space<vmem>>[vector<16xi32>, vector<16xi32>], vector<16xf32>,
        %gather3A_777 = tpu.vector_load_idx %arg27[%broadcast_in_dim3A_329, %add3A_775] : memref<128x64xf32, #tpu.memory_space<vmem>>[vector<16xi32>, vector<16xi32>], vector<16xf32>,
        %gather3A_778 = tpu.vector_load_idx %arg28[%broadcast_in_dim3A_329, %add3A_775] : memref<128x64xf32, #tpu.memory_space<vmem>>[vector<16xi32>, vector<16xi32>], vector<16xf32>,
        %gather3A_779 = tpu.vector_load_idx %arg29[%broadcast_in_dim3A_329, %add3A_775] : memref<128x64xf32, #tpu.memory_space<vmem>>[vector<16xi32>, vector<16xi32>], vector<16xf32>,
        %gather3A_780 = tpu.vector_load_idx %arg30[%broadcast_in_dim3A_329, %add3A_775] : memref<128x64xf32, #tpu.memory_space<vmem>>[vector<16xi32>, vector<16xi32>], vector<16xf32>,
        %gather3A_781 = tpu.vector_load_idx %arg31[%broadcast_in_dim3A_329, %add3A_775] : memref<128x64xf32, #tpu.memory_space<vmem>>[vector<16xi32>, vector<16xi32>], vector<16xf32>,
        %mul3A_782 = arith.mulf %gather3A_776, %gather3A_776 : vector<16xf32>
        %add3A_783 = arith.addf %add3A_736, %mul3A_782 : vector<16xf32>
        %mul3A_784 = arith.mulf %gather3A_777, %gather3A_777 : vector<16xf32>
        %add3A_785 = arith.addf %add3A_738, %mul3A_784 : vector<16xf32>
        %mul3A_786 = arith.mulf %gather3A_776, %gather3A_777 : vector<16xf32>
        %add3A_787 = arith.addf %add3A_740, %mul3A_786 : vector<16xf32>
        %mul3A_788 = arith.mulf %gather3A_776, %gather3A_780 : vector<16xf32>
        %add3A_789 = arith.addf %add3A_742, %mul3A_788 : vector<16xf32>
        %mul3A_790 = arith.mulf %gather3A_777, %gather3A_780 : vector<16xf32>
        %add3A_791 = arith.addf %add3A_744, %mul3A_790 : vector<16xf32>
        %mul3A_792 = arith.mulf %gather3A_776, %gather3A_781 : vector<16xf32>
        %add3A_793 = arith.addf %add3A_746, %mul3A_792 : vector<16xf32>
        %mul3A_794 = arith.mulf %gather3A_777, %gather3A_781 : vector<16xf32>
        %add3A_795 = arith.addf %add3A_748, %mul3A_794 : vector<16xf32>
        %mul3A_796 = arith.mulf %gather3A_778, %gather3A_778 : vector<16xf32>
        %add3A_797 = arith.addf %add3A_750, %mul3A_796 : vector<16xf32>
        %mul3A_798 = arith.mulf %gather3A_779, %gather3A_779 : vector<16xf32>
        %add3A_799 = arith.addf %add3A_752, %mul3A_798 : vector<16xf32>
        %mul3A_800 = arith.mulf %gather3A_778, %gather3A_779 : vector<16xf32>
        %add3A_801 = arith.addf %add3A_754, %mul3A_800 : vector<16xf32>
        %mul3A_802 = arith.mulf %gather3A_778, %gather3A_780 : vector<16xf32>
        %add3A_803 = arith.addf %add3A_756, %mul3A_802 : vector<16xf32>
        %mul3A_804 = arith.mulf %gather3A_779, %gather3A_780 : vector<16xf32>
        %add3A_805 = arith.addf %add3A_758, %mul3A_804 : vector<16xf32>
        %mul3A_806 = arith.mulf %gather3A_778, %gather3A_781 : vector<16xf32>
        %add3A_807 = arith.addf %add3A_760, %mul3A_806 : vector<16xf32>
        %mul3A_808 = arith.mulf %gather3A_779, %gather3A_781 : vector<16xf32>
        %add3A_809 = arith.addf %add3A_762, %mul3A_808 : vector<16xf32>
        %mul3A_810 = arith.mulf %gather3A_781, %gather3A_781 : vector<16xf32>
        %add3A_811 = arith.addf %add3A_764, %mul3A_810 : vector<16xf32>
        %mul3A_812 = arith.mulf %gather3A_780, %gather3A_780 : vector<16xf32>
        %add3A_813 = arith.addf %add3A_766, %mul3A_812 : vector<16xf32>
        %mul3A_814 = arith.mulf %gather3A_781, %gather3A_780 : vector<16xf32>
        %add3A_815 = arith.addf %add3A_768, %mul3A_814 : vector<16xf32>
        %add3A_816 = arith.constant 1 : i32
        %add3A_817 = vector.broadcast %add3A_816 : i32 to vector<16xi32>
        %add3A_818 = arith.addi %and3A_774, %add3A_817 : vector<16xi32>
        %and3A_819 = arith.constant 63 : i32
        %and3A_820 = vector.broadcast %and3A_819 : i32 to vector<16xi32>
        %and3A_821 = arith.andi %add3A_818, %and3A_820 : vector<16xi32>
        %add3A_822 = arith.addi %mul3A_346, %and3A_821 : vector<16xi32>
        %gather3A_823 = tpu.vector_load_idx %arg26[%broadcast_in_dim3A_329, %add3A_822] : memref<128x64xf32, #tpu.memory_space<vmem>>[vector<16xi32>, vector<16xi32>], vector<16xf32>,
        %gather3A_824 = tpu.vector_load_idx %arg27[%broadcast_in_dim3A_329, %add3A_822] : memref<128x64xf32, #tpu.memory_space<vmem>>[vector<16xi32>, vector<16xi32>], vector<16xf32>,
        %gather3A_825 = tpu.vector_load_idx %arg28[%broadcast_in_dim3A_329, %add3A_822] : memref<128x64xf32, #tpu.memory_space<vmem>>[vector<16xi32>, vector<16xi32>], vector<16xf32>,
        %gather3A_826 = tpu.vector_load_idx %arg29[%broadcast_in_dim3A_329, %add3A_822] : memref<128x64xf32, #tpu.memory_space<vmem>>[vector<16xi32>, vector<16xi32>], vector<16xf32>,
        %gather3A_827 = tpu.vector_load_idx %arg30[%broadcast_in_dim3A_329, %add3A_822] : memref<128x64xf32, #tpu.memory_space<vmem>>[vector<16xi32>, vector<16xi32>], vector<16xf32>,
        %gather3A_828 = tpu.vector_load_idx %arg31[%broadcast_in_dim3A_329, %add3A_822] : memref<128x64xf32, #tpu.memory_space<vmem>>[vector<16xi32>, vector<16xi32>], vector<16xf32>,
        %mul3A_829 = arith.mulf %gather3A_823, %gather3A_823 : vector<16xf32>
        %add3A_830 = arith.addf %add3A_783, %mul3A_829 : vector<16xf32>
        %mul3A_831 = arith.mulf %gather3A_824, %gather3A_824 : vector<16xf32>
        %add3A_832 = arith.addf %add3A_785, %mul3A_831 : vector<16xf32>
        %mul3A_833 = arith.mulf %gather3A_823, %gather3A_824 : vector<16xf32>
        %add3A_834 = arith.addf %add3A_787, %mul3A_833 : vector<16xf32>
        %mul3A_835 = arith.mulf %gather3A_823, %gather3A_827 : vector<16xf32>
        %add3A_836 = arith.addf %add3A_789, %mul3A_835 : vector<16xf32>
        %mul3A_837 = arith.mulf %gather3A_824, %gather3A_827 : vector<16xf32>
        %add3A_838 = arith.addf %add3A_791, %mul3A_837 : vector<16xf32>
        %mul3A_839 = arith.mulf %gather3A_823, %gather3A_828 : vector<16xf32>
        %add3A_840 = arith.addf %add3A_793, %mul3A_839 : vector<16xf32>
        %mul3A_841 = arith.mulf %gather3A_824, %gather3A_828 : vector<16xf32>
        %add3A_842 = arith.addf %add3A_795, %mul3A_841 : vector<16xf32>
        %mul3A_843 = arith.mulf %gather3A_825, %gather3A_825 : vector<16xf32>
        %add3A_844 = arith.addf %add3A_797, %mul3A_843 : vector<16xf32>
        %mul3A_845 = arith.mulf %gather3A_826, %gather3A_826 : vector<16xf32>
        %add3A_846 = arith.addf %add3A_799, %mul3A_845 : vector<16xf32>
        %mul3A_847 = arith.mulf %gather3A_825, %gather3A_826 : vector<16xf32>
        %add3A_848 = arith.addf %add3A_801, %mul3A_847 : vector<16xf32>
        %mul3A_849 = arith.mulf %gather3A_825, %gather3A_827 : vector<16xf32>
        %add3A_850 = arith.addf %add3A_803, %mul3A_849 : vector<16xf32>
        %mul3A_851 = arith.mulf %gather3A_826, %gather3A_827 : vector<16xf32>
        %add3A_852 = arith.addf %add3A_805, %mul3A_851 : vector<16xf32>
        %mul3A_853 = arith.mulf %gather3A_825, %gather3A_828 : vector<16xf32>
        %add3A_854 = arith.addf %add3A_807, %mul3A_853 : vector<16xf32>
        %mul3A_855 = arith.mulf %gather3A_826, %gather3A_828 : vector<16xf32>
        %add3A_856 = arith.addf %add3A_809, %mul3A_855 : vector<16xf32>
        %mul3A_857 = arith.mulf %gather3A_828, %gather3A_828 : vector<16xf32>
        %add3A_858 = arith.addf %add3A_811, %mul3A_857 : vector<16xf32>
        %mul3A_859 = arith.mulf %gather3A_827, %gather3A_827 : vector<16xf32>
        %add3A_860 = arith.addf %add3A_813, %mul3A_859 : vector<16xf32>
        %mul3A_861 = arith.mulf %gather3A_828, %gather3A_827 : vector<16xf32>
        %add3A_862 = arith.addf %add3A_815, %mul3A_861 : vector<16xf32>
        %add3A_863 = arith.constant 1 : i32
        %add3A_864 = vector.broadcast %add3A_863 : i32 to vector<16xi32>
        %add3A_865 = arith.addi %and3A_821, %add3A_864 : vector<16xi32>
        %and3A_866 = arith.constant 63 : i32
        %and3A_867 = vector.broadcast %and3A_866 : i32 to vector<16xi32>
        %and3A_868 = arith.andi %add3A_865, %and3A_867 : vector<16xi32>
        %add3A_869 = arith.addi %mul3A_346, %and3A_868 : vector<16xi32>
        %gather3A_870 = tpu.vector_load_idx %arg26[%broadcast_in_dim3A_329, %add3A_869] : memref<128x64xf32, #tpu.memory_space<vmem>>[vector<16xi32>, vector<16xi32>], vector<16xf32>,
        %gather3A_871 = tpu.vector_load_idx %arg27[%broadcast_in_dim3A_329, %add3A_869] : memref<128x64xf32, #tpu.memory_space<vmem>>[vector<16xi32>, vector<16xi32>], vector<16xf32>,
        %gather3A_872 = tpu.vector_load_idx %arg28[%broadcast_in_dim3A_329, %add3A_869] : memref<128x64xf32, #tpu.memory_space<vmem>>[vector<16xi32>, vector<16xi32>], vector<16xf32>,
        %gather3A_873 = tpu.vector_load_idx %arg29[%broadcast_in_dim3A_329, %add3A_869] : memref<128x64xf32, #tpu.memory_space<vmem>>[vector<16xi32>, vector<16xi32>], vector<16xf32>,
        %gather3A_874 = tpu.vector_load_idx %arg30[%broadcast_in_dim3A_329, %add3A_869] : memref<128x64xf32, #tpu.memory_space<vmem>>[vector<16xi32>, vector<16xi32>], vector<16xf32>,
        %gather3A_875 = tpu.vector_load_idx %arg31[%broadcast_in_dim3A_329, %add3A_869] : memref<128x64xf32, #tpu.memory_space<vmem>>[vector<16xi32>, vector<16xi32>], vector<16xf32>,
        %mul3A_876 = arith.mulf %gather3A_870, %gather3A_870 : vector<16xf32>
        %add3A_877 = arith.addf %add3A_830, %mul3A_876 : vector<16xf32>
        %mul3A_878 = arith.mulf %gather3A_871, %gather3A_871 : vector<16xf32>
        %add3A_879 = arith.addf %add3A_832, %mul3A_878 : vector<16xf32>
        %mul3A_880 = arith.mulf %gather3A_870, %gather3A_871 : vector<16xf32>
        %add3A_881 = arith.addf %add3A_834, %mul3A_880 : vector<16xf32>
        %mul3A_882 = arith.mulf %gather3A_870, %gather3A_874 : vector<16xf32>
        %add3A_883 = arith.addf %add3A_836, %mul3A_882 : vector<16xf32>
        %mul3A_884 = arith.mulf %gather3A_871, %gather3A_874 : vector<16xf32>
        %add3A_885 = arith.addf %add3A_838, %mul3A_884 : vector<16xf32>
        %mul3A_886 = arith.mulf %gather3A_870, %gather3A_875 : vector<16xf32>
        %add3A_887 = arith.addf %add3A_840, %mul3A_886 : vector<16xf32>
        %mul3A_888 = arith.mulf %gather3A_871, %gather3A_875 : vector<16xf32>
        %add3A_889 = arith.addf %add3A_842, %mul3A_888 : vector<16xf32>
        %mul3A_890 = arith.mulf %gather3A_872, %gather3A_872 : vector<16xf32>
        %add3A_891 = arith.addf %add3A_844, %mul3A_890 : vector<16xf32>
        %mul3A_892 = arith.mulf %gather3A_873, %gather3A_873 : vector<16xf32>
        %add3A_893 = arith.addf %add3A_846, %mul3A_892 : vector<16xf32>
        %mul3A_894 = arith.mulf %gather3A_872, %gather3A_873 : vector<16xf32>
        %add3A_895 = arith.addf %add3A_848, %mul3A_894 : vector<16xf32>
        %mul3A_896 = arith.mulf %gather3A_872, %gather3A_874 : vector<16xf32>
        %add3A_897 = arith.addf %add3A_850, %mul3A_896 : vector<16xf32>
        %mul3A_898 = arith.mulf %gather3A_873, %gather3A_874 : vector<16xf32>
        %add3A_899 = arith.addf %add3A_852, %mul3A_898 : vector<16xf32>
        %mul3A_900 = arith.mulf %gather3A_872, %gather3A_875 : vector<16xf32>
        %add3A_901 = arith.addf %add3A_854, %mul3A_900 : vector<16xf32>
        %mul3A_902 = arith.mulf %gather3A_873, %gather3A_875 : vector<16xf32>
        %add3A_903 = arith.addf %add3A_856, %mul3A_902 : vector<16xf32>
        %mul3A_904 = arith.mulf %gather3A_875, %gather3A_875 : vector<16xf32>
        %add3A_905 = arith.addf %add3A_858, %mul3A_904 : vector<16xf32>
        %mul3A_906 = arith.mulf %gather3A_874, %gather3A_874 : vector<16xf32>
        %add3A_907 = arith.addf %add3A_860, %mul3A_906 : vector<16xf32>
        %mul3A_908 = arith.mulf %gather3A_875, %gather3A_874 : vector<16xf32>
        %add3A_909 = arith.addf %add3A_862, %mul3A_908 : vector<16xf32>
        %add3A_910 = arith.constant 1 : i32
        %add3A_911 = vector.broadcast %add3A_910 : i32 to vector<16xi32>
        %add3A_912 = arith.addi %and3A_868, %add3A_911 : vector<16xi32>
        %and3A_913 = arith.constant 63 : i32
        %and3A_914 = vector.broadcast %and3A_913 : i32 to vector<16xi32>
        %and3A_915 = arith.andi %add3A_912, %and3A_914 : vector<16xi32>
        scf.yield %and3A_915, %add3A_877, %add3A_879, %add3A_881, %add3A_883, %add3A_885, %add3A_887, %add3A_889, %add3A_891, %add3A_893, %add3A_895, %add3A_897, %add3A_899, %add3A_901, %add3A_903, %add3A_905, %add3A_907, %add3A_909 : vector<16xi32>, vector<16xf32>, vector<16xf32>, vector<16xf32>, vector<16xf32>, vector<16xf32>, vector<16xf32>, vector<16xf32>, vector<16xf32>, vector<16xf32>, vector<16xf32>, vector<16xf32>, vector<16xf32>, vector<16xf32>, vector<16xf32>, vector<16xf32>, vector<16xf32>, vector<16xf32>
      }
      %scan3A_354 = arith.constant 16 : i32
      %max3A = arith.constant 1.000000e-30 : f32
      %max3A_355 = vector.broadcast %max3A : f32 to vector<16xf32>
      %max3A_356 = arith.maximumf %scan3A_353#1, %max3A_355 : vector<16xf32>
      %bitcast_convert_type3A = tpu.bitcast %max3A_356 : vector<16xf32> -> vector<16xi32>
      %shift_right_arithmetic3A = arith.constant 1 : i32
      %shift_right_arithmetic3A_357 = vector.broadcast %shift_right_arithmetic3A : i32 to vector<16xi32>
      %shift_right_arithmetic3A_358 = arith.shrsi %bitcast_convert_type3A, %shift_right_arithmetic3A_357 : vector<16xi32>
      %sub3A = arith.constant 1597463007 : i32
      %sub3A_359 = vector.broadcast %sub3A : i32 to vector<16xi32>
      %sub3A_360 = arith.subi %sub3A_359, %shift_right_arithmetic3A_358 : vector<16xi32>
      %bitcast_convert_type3A_361 = tpu.bitcast %sub3A_360 : vector<16xi32> -> vector<16xf32>
      %mul3A_362 = arith.constant 5.000000e-01 : f32
      %mul3A_363 = vector.broadcast %mul3A_362 : f32 to vector<16xf32>
      %mul3A_364 = arith.mulf %mul3A_363, %max3A_356 : vector<16xf32>
      %mul3A_365 = arith.mulf %mul3A_364, %bitcast_convert_type3A_361 : vector<16xf32>
      %mul3A_366 = arith.mulf %mul3A_365, %bitcast_convert_type3A_361 : vector<16xf32>
      %sub3A_367 = arith.constant 1.500000e+00 : f32
      %sub3A_368 = vector.broadcast %sub3A_367 : f32 to vector<16xf32>
      %sub3A_369 = arith.subf %sub3A_368, %mul3A_366 : vector<16xf32>
      %mul3A_370 = arith.mulf %bitcast_convert_type3A_361, %sub3A_369 : vector<16xf32>
      %mul3A_371 = arith.constant 5.000000e-01 : f32
      %mul3A_372 = vector.broadcast %mul3A_371 : f32 to vector<16xf32>
      %mul3A_373 = arith.mulf %mul3A_372, %max3A_356 : vector<16xf32>
      %mul3A_374 = arith.mulf %mul3A_373, %mul3A_370 : vector<16xf32>
      %mul3A_375 = arith.mulf %mul3A_374, %mul3A_370 : vector<16xf32>
      %sub3A_376 = arith.constant 1.500000e+00 : f32
      %sub3A_377 = vector.broadcast %sub3A_376 : f32 to vector<16xf32>
      %sub3A_378 = arith.subf %sub3A_377, %mul3A_375 : vector<16xf32>
      %mul3A_379 = arith.mulf %mul3A_370, %sub3A_378 : vector<16xf32>
      %mul3A_380 = arith.constant 5.000000e-01 : f32
      %mul3A_381 = vector.broadcast %mul3A_380 : f32 to vector<16xf32>
      %mul3A_382 = arith.mulf %mul3A_381, %max3A_356 : vector<16xf32>
      %mul3A_383 = arith.mulf %mul3A_382, %mul3A_379 : vector<16xf32>
      %mul3A_384 = arith.mulf %mul3A_383, %mul3A_379 : vector<16xf32>
      %sub3A_385 = arith.constant 1.500000e+00 : f32
      %sub3A_386 = vector.broadcast %sub3A_385 : f32 to vector<16xf32>
      %sub3A_387 = arith.subf %sub3A_386, %mul3A_384 : vector<16xf32>
      %mul3A_388 = arith.mulf %mul3A_379, %sub3A_387 : vector<16xf32>
      %mul3A_389 = arith.mulf %max3A_356, %mul3A_388 : vector<16xf32>
      %gt3A = arith.constant 0.000000e+00 : f32
      %gt3A_390 = vector.broadcast %gt3A : f32 to vector<16xf32>
      %gt3A_391 = arith.cmpf ogt, %scan3A_353#1, %gt3A_390 : vector<16xf32>
      %jit3A = arith.constant 0.000000e+00 : f32
      %broadcast_in_dim3A_392 = vector.broadcast %jit3A : f32 to vector<16xf32>
      %select_n3A = arith.select %gt3A_391, %mul3A_389, %broadcast_in_dim3A_392 : vector<16xi1>, vector<16xf32>
      %max3A_393 = arith.constant 9.99999996E-13 : f32
      %max3A_394 = vector.broadcast %max3A_393 : f32 to vector<16xf32>
      %max3A_395 = arith.maximumf %select_n3A, %max3A_394 : vector<16xf32>
      %div3A = arith.constant 1.000000e+00 : f32
      %div3A_396 = vector.broadcast %div3A : f32 to vector<16xf32>
      %div3A_397 = arith.divf %div3A_396, %max3A_395 : vector<16xf32>
      %max3A_398 = arith.constant 1.000000e-30 : f32
      %max3A_399 = vector.broadcast %max3A_398 : f32 to vector<16xf32>
      %max3A_400 = arith.maximumf %scan3A_353#2, %max3A_399 : vector<16xf32>
      %bitcast_convert_type3A_401 = tpu.bitcast %max3A_400 : vector<16xf32> -> vector<16xi32>
      %shift_right_arithmetic3A_402 = arith.constant 1 : i32
      %shift_right_arithmetic3A_403 = vector.broadcast %shift_right_arithmetic3A_402 : i32 to vector<16xi32>
      %shift_right_arithmetic3A_404 = arith.shrsi %bitcast_convert_type3A_401, %shift_right_arithmetic3A_403 : vector<16xi32>
      %sub3A_405 = arith.constant 1597463007 : i32
      %sub3A_406 = vector.broadcast %sub3A_405 : i32 to vector<16xi32>
      %sub3A_407 = arith.subi %sub3A_406, %shift_right_arithmetic3A_404 : vector<16xi32>
      %bitcast_convert_type3A_408 = tpu.bitcast %sub3A_407 : vector<16xi32> -> vector<16xf32>
      %mul3A_409 = arith.constant 5.000000e-01 : f32
      %mul3A_410 = vector.broadcast %mul3A_409 : f32 to vector<16xf32>
      %mul3A_411 = arith.mulf %mul3A_410, %max3A_400 : vector<16xf32>
      %mul3A_412 = arith.mulf %mul3A_411, %bitcast_convert_type3A_408 : vector<16xf32>
      %mul3A_413 = arith.mulf %mul3A_412, %bitcast_convert_type3A_408 : vector<16xf32>
      %sub3A_414 = arith.constant 1.500000e+00 : f32
      %sub3A_415 = vector.broadcast %sub3A_414 : f32 to vector<16xf32>
      %sub3A_416 = arith.subf %sub3A_415, %mul3A_413 : vector<16xf32>
      %mul3A_417 = arith.mulf %bitcast_convert_type3A_408, %sub3A_416 : vector<16xf32>
      %mul3A_418 = arith.constant 5.000000e-01 : f32
      %mul3A_419 = vector.broadcast %mul3A_418 : f32 to vector<16xf32>
      %mul3A_420 = arith.mulf %mul3A_419, %max3A_400 : vector<16xf32>
      %mul3A_421 = arith.mulf %mul3A_420, %mul3A_417 : vector<16xf32>
      %mul3A_422 = arith.mulf %mul3A_421, %mul3A_417 : vector<16xf32>
      %sub3A_423 = arith.constant 1.500000e+00 : f32
      %sub3A_424 = vector.broadcast %sub3A_423 : f32 to vector<16xf32>
      %sub3A_425 = arith.subf %sub3A_424, %mul3A_422 : vector<16xf32>
      %mul3A_426 = arith.mulf %mul3A_417, %sub3A_425 : vector<16xf32>
      %mul3A_427 = arith.constant 5.000000e-01 : f32
      %mul3A_428 = vector.broadcast %mul3A_427 : f32 to vector<16xf32>
      %mul3A_429 = arith.mulf %mul3A_428, %max3A_400 : vector<16xf32>
      %mul3A_430 = arith.mulf %mul3A_429, %mul3A_426 : vector<16xf32>
      %mul3A_431 = arith.mulf %mul3A_430, %mul3A_426 : vector<16xf32>
      %sub3A_432 = arith.constant 1.500000e+00 : f32
      %sub3A_433 = vector.broadcast %sub3A_432 : f32 to vector<16xf32>
      %sub3A_434 = arith.subf %sub3A_433, %mul3A_431 : vector<16xf32>
      %mul3A_435 = arith.mulf %mul3A_426, %sub3A_434 : vector<16xf32>
      %mul3A_436 = arith.mulf %max3A_400, %mul3A_435 : vector<16xf32>
      %gt3A_437 = arith.constant 0.000000e+00 : f32
      %gt3A_438 = vector.broadcast %gt3A_437 : f32 to vector<16xf32>
      %gt3A_439 = arith.cmpf ogt, %scan3A_353#2, %gt3A_438 : vector<16xf32>
      %jit3A_440 = arith.constant 0.000000e+00 : f32
      %broadcast_in_dim3A_441 = vector.broadcast %jit3A_440 : f32 to vector<16xf32>
      %select_n3A_442 = arith.select %gt3A_439, %mul3A_436, %broadcast_in_dim3A_441 : vector<16xi1>, vector<16xf32>
      %max3A_443 = arith.constant 9.99999996E-13 : f32
      %max3A_444 = vector.broadcast %max3A_443 : f32 to vector<16xf32>
      %max3A_445 = arith.maximumf %select_n3A_442, %max3A_444 : vector<16xf32>
      %div3A_446 = arith.constant 1.000000e+00 : f32
      %div3A_447 = vector.broadcast %div3A_446 : f32 to vector<16xf32>
      %div3A_448 = arith.divf %div3A_447, %max3A_445 : vector<16xf32>
      %mul3A_449 = arith.mulf %div3A_397, %scan3A_353#4 : vector<16xf32>
      %mul3A_450 = arith.mulf %div3A_448, %scan3A_353#5 : vector<16xf32>
      %sub3A_451 = arith.subf %mul3A_449, %mul3A_450 : vector<16xf32>
      %mul3A_452 = arith.mulf %div3A_397, %div3A_397 : vector<16xf32>
      %mul3A_453 = arith.mulf %mul3A_452, %scan3A_353#1 : vector<16xf32>
      %mul3A_454 = arith.mulf %div3A_448, %div3A_448 : vector<16xf32>
      %mul3A_455 = arith.mulf %mul3A_454, %scan3A_353#2 : vector<16xf32>
      %add3A_456 = arith.addf %mul3A_453, %mul3A_455 : vector<16xf32>
      %add3A_457 = arith.addf %add3A_456, %scan3A_353#15 : vector<16xf32>
      %mul3A_458 = arith.mulf %sub3A_451, %sub3A_451 : vector<16xf32>
      %mul3A_459 = arith.mulf %mul3A_458, %scan3A_353#16 : vector<16xf32>
      %add3A_460 = arith.addf %add3A_457, %mul3A_459 : vector<16xf32>
      %mul3A_461 = arith.mulf %div3A_397, %div3A_448 : vector<16xf32>
      %neg3A = arith.constant 0.000000e+00 : f32
      %neg3A_462 = vector.broadcast %neg3A : f32 to vector<16xf32>
      %neg3A_463 = arith.subf %neg3A_462, %mul3A_461 : vector<16xf32>
      %mul3A_464 = arith.mulf %neg3A_463, %scan3A_353#3 : vector<16xf32>
      %mul3A_465 = arith.mulf %div3A_397, %scan3A_353#6 : vector<16xf32>
      %add3A_466 = arith.addf %mul3A_464, %mul3A_465 : vector<16xf32>
      %mul3A_467 = arith.mulf %sub3A_451, %mul3A_449 : vector<16xf32>
      %sub3A_468 = arith.subf %add3A_466, %mul3A_467 : vector<16xf32>
      %mul3A_469 = arith.mulf %div3A_448, %scan3A_353#7 : vector<16xf32>
      %sub3A_470 = arith.subf %sub3A_468, %mul3A_469 : vector<16xf32>
      %mul3A_471 = arith.mulf %sub3A_451, %mul3A_450 : vector<16xf32>
      %add3A_472 = arith.addf %sub3A_470, %mul3A_471 : vector<16xf32>
      %mul3A_473 = arith.mulf %sub3A_451, %scan3A_353#17 : vector<16xf32>
      %sub3A_474 = arith.subf %add3A_472, %mul3A_473 : vector<16xf32>
      %mul3A_475 = arith.constant 2.000000e+00 : f32
      %mul3A_476 = vector.broadcast %mul3A_475 : f32 to vector<16xf32>
      %mul3A_477 = arith.mulf %mul3A_476, %sub3A_474 : vector<16xf32>
      %add3A_478 = arith.addf %add3A_460, %mul3A_477 : vector<16xf32>
      %max3A_479 = arith.constant 1.000000e-30 : f32
      %max3A_480 = vector.broadcast %max3A_479 : f32 to vector<16xf32>
      %max3A_481 = arith.maximumf %scan3A_353#8, %max3A_480 : vector<16xf32>
      %bitcast_convert_type3A_482 = tpu.bitcast %max3A_481 : vector<16xf32> -> vector<16xi32>
      %shift_right_arithmetic3A_483 = arith.constant 1 : i32
      %shift_right_arithmetic3A_484 = vector.broadcast %shift_right_arithmetic3A_483 : i32 to vector<16xi32>
      %shift_right_arithmetic3A_485 = arith.shrsi %bitcast_convert_type3A_482, %shift_right_arithmetic3A_484 : vector<16xi32>
      %sub3A_486 = arith.constant 1597463007 : i32
      %sub3A_487 = vector.broadcast %sub3A_486 : i32 to vector<16xi32>
      %sub3A_488 = arith.subi %sub3A_487, %shift_right_arithmetic3A_485 : vector<16xi32>
      %bitcast_convert_type3A_489 = tpu.bitcast %sub3A_488 : vector<16xi32> -> vector<16xf32>
      %mul3A_490 = arith.constant 5.000000e-01 : f32
      %mul3A_491 = vector.broadcast %mul3A_490 : f32 to vector<16xf32>
      %mul3A_492 = arith.mulf %mul3A_491, %max3A_481 : vector<16xf32>
      %mul3A_493 = arith.mulf %mul3A_492, %bitcast_convert_type3A_489 : vector<16xf32>
      %mul3A_494 = arith.mulf %mul3A_493, %bitcast_convert_type3A_489 : vector<16xf32>
      %sub3A_495 = arith.constant 1.500000e+00 : f32
      %sub3A_496 = vector.broadcast %sub3A_495 : f32 to vector<16xf32>
      %sub3A_497 = arith.subf %sub3A_496, %mul3A_494 : vector<16xf32>
      %mul3A_498 = arith.mulf %bitcast_convert_type3A_489, %sub3A_497 : vector<16xf32>
      %mul3A_499 = arith.constant 5.000000e-01 : f32
      %mul3A_500 = vector.broadcast %mul3A_499 : f32 to vector<16xf32>
      %mul3A_501 = arith.mulf %mul3A_500, %max3A_481 : vector<16xf32>
      %mul3A_502 = arith.mulf %mul3A_501, %mul3A_498 : vector<16xf32>
      %mul3A_503 = arith.mulf %mul3A_502, %mul3A_498 : vector<16xf32>
      %sub3A_504 = arith.constant 1.500000e+00 : f32
      %sub3A_505 = vector.broadcast %sub3A_504 : f32 to vector<16xf32>
      %sub3A_506 = arith.subf %sub3A_505, %mul3A_503 : vector<16xf32>
      %mul3A_507 = arith.mulf %mul3A_498, %sub3A_506 : vector<16xf32>
      %mul3A_508 = arith.constant 5.000000e-01 : f32
      %mul3A_509 = vector.broadcast %mul3A_508 : f32 to vector<16xf32>
      %mul3A_510 = arith.mulf %mul3A_509, %max3A_481 : vector<16xf32>
      %mul3A_511 = arith.mulf %mul3A_510, %mul3A_507 : vector<16xf32>
      %mul3A_512 = arith.mulf %mul3A_511, %mul3A_507 : vector<16xf32>
      %sub3A_513 = arith.constant 1.500000e+00 : f32
      %sub3A_514 = vector.broadcast %sub3A_513 : f32 to vector<16xf32>
      %sub3A_515 = arith.subf %sub3A_514, %mul3A_512 : vector<16xf32>
      %mul3A_516 = arith.mulf %mul3A_507, %sub3A_515 : vector<16xf32>
      %mul3A_517 = arith.mulf %max3A_481, %mul3A_516 : vector<16xf32>
      %gt3A_518 = arith.constant 0.000000e+00 : f32
      %gt3A_519 = vector.broadcast %gt3A_518 : f32 to vector<16xf32>
      %gt3A_520 = arith.cmpf ogt, %scan3A_353#8, %gt3A_519 : vector<16xf32>
      %jit3A_521 = arith.constant 0.000000e+00 : f32
      %broadcast_in_dim3A_522 = vector.broadcast %jit3A_521 : f32 to vector<16xf32>
      %select_n3A_523 = arith.select %gt3A_520, %mul3A_517, %broadcast_in_dim3A_522 : vector<16xi1>, vector<16xf32>
      %max3A_524 = arith.constant 9.99999996E-13 : f32
      %max3A_525 = vector.broadcast %max3A_524 : f32 to vector<16xf32>
      %max3A_526 = arith.maximumf %select_n3A_523, %max3A_525 : vector<16xf32>
      %div3A_527 = arith.constant 1.000000e+00 : f32
      %div3A_528 = vector.broadcast %div3A_527 : f32 to vector<16xf32>
      %div3A_529 = arith.divf %div3A_528, %max3A_526 : vector<16xf32>
      %max3A_530 = arith.constant 1.000000e-30 : f32
      %max3A_531 = vector.broadcast %max3A_530 : f32 to vector<16xf32>
      %max3A_532 = arith.maximumf %scan3A_353#9, %max3A_531 : vector<16xf32>
      %bitcast_convert_type3A_533 = tpu.bitcast %max3A_532 : vector<16xf32> -> vector<16xi32>
      %shift_right_arithmetic3A_534 = arith.constant 1 : i32
      %shift_right_arithmetic3A_535 = vector.broadcast %shift_right_arithmetic3A_534 : i32 to vector<16xi32>
      %shift_right_arithmetic3A_536 = arith.shrsi %bitcast_convert_type3A_533, %shift_right_arithmetic3A_535 : vector<16xi32>
      %sub3A_537 = arith.constant 1597463007 : i32
      %sub3A_538 = vector.broadcast %sub3A_537 : i32 to vector<16xi32>
      %sub3A_539 = arith.subi %sub3A_538, %shift_right_arithmetic3A_536 : vector<16xi32>
      %bitcast_convert_type3A_540 = tpu.bitcast %sub3A_539 : vector<16xi32> -> vector<16xf32>
      %mul3A_541 = arith.constant 5.000000e-01 : f32
      %mul3A_542 = vector.broadcast %mul3A_541 : f32 to vector<16xf32>
      %mul3A_543 = arith.mulf %mul3A_542, %max3A_532 : vector<16xf32>
      %mul3A_544 = arith.mulf %mul3A_543, %bitcast_convert_type3A_540 : vector<16xf32>
      %mul3A_545 = arith.mulf %mul3A_544, %bitcast_convert_type3A_540 : vector<16xf32>
      %sub3A_546 = arith.constant 1.500000e+00 : f32
      %sub3A_547 = vector.broadcast %sub3A_546 : f32 to vector<16xf32>
      %sub3A_548 = arith.subf %sub3A_547, %mul3A_545 : vector<16xf32>
      %mul3A_549 = arith.mulf %bitcast_convert_type3A_540, %sub3A_548 : vector<16xf32>
      %mul3A_550 = arith.constant 5.000000e-01 : f32
      %mul3A_551 = vector.broadcast %mul3A_550 : f32 to vector<16xf32>
      %mul3A_552 = arith.mulf %mul3A_551, %max3A_532 : vector<16xf32>
      %mul3A_553 = arith.mulf %mul3A_552, %mul3A_549 : vector<16xf32>
      %mul3A_554 = arith.mulf %mul3A_553, %mul3A_549 : vector<16xf32>
      %sub3A_555 = arith.constant 1.500000e+00 : f32
      %sub3A_556 = vector.broadcast %sub3A_555 : f32 to vector<16xf32>
      %sub3A_557 = arith.subf %sub3A_556, %mul3A_554 : vector<16xf32>
      %mul3A_558 = arith.mulf %mul3A_549, %sub3A_557 : vector<16xf32>
      %mul3A_559 = arith.constant 5.000000e-01 : f32
      %mul3A_560 = vector.broadcast %mul3A_559 : f32 to vector<16xf32>
      %mul3A_561 = arith.mulf %mul3A_560, %max3A_532 : vector<16xf32>
      %mul3A_562 = arith.mulf %mul3A_561, %mul3A_558 : vector<16xf32>
      %mul3A_563 = arith.mulf %mul3A_562, %mul3A_558 : vector<16xf32>
      %sub3A_564 = arith.constant 1.500000e+00 : f32
      %sub3A_565 = vector.broadcast %sub3A_564 : f32 to vector<16xf32>
      %sub3A_566 = arith.subf %sub3A_565, %mul3A_563 : vector<16xf32>
      %mul3A_567 = arith.mulf %mul3A_558, %sub3A_566 : vector<16xf32>
      %mul3A_568 = arith.mulf %max3A_532, %mul3A_567 : vector<16xf32>
      %gt3A_569 = arith.constant 0.000000e+00 : f32
      %gt3A_570 = vector.broadcast %gt3A_569 : f32 to vector<16xf32>
      %gt3A_571 = arith.cmpf ogt, %scan3A_353#9, %gt3A_570 : vector<16xf32>
      %jit3A_572 = arith.constant 0.000000e+00 : f32
      %broadcast_in_dim3A_573 = vector.broadcast %jit3A_572 : f32 to vector<16xf32>
      %select_n3A_574 = arith.select %gt3A_571, %mul3A_568, %broadcast_in_dim3A_573 : vector<16xi1>, vector<16xf32>
      %max3A_575 = arith.constant 9.99999996E-13 : f32
      %max3A_576 = vector.broadcast %max3A_575 : f32 to vector<16xf32>
      %max3A_577 = arith.maximumf %select_n3A_574, %max3A_576 : vector<16xf32>
      %div3A_578 = arith.constant 1.000000e+00 : f32
      %div3A_579 = vector.broadcast %div3A_578 : f32 to vector<16xf32>
      %div3A_580 = arith.divf %div3A_579, %max3A_577 : vector<16xf32>
      %mul3A_581 = arith.mulf %div3A_529, %scan3A_353#11 : vector<16xf32>
      %mul3A_582 = arith.mulf %div3A_580, %scan3A_353#12 : vector<16xf32>
      %sub3A_583 = arith.subf %mul3A_581, %mul3A_582 : vector<16xf32>
      %mul3A_584 = arith.mulf %div3A_529, %div3A_529 : vector<16xf32>
      %mul3A_585 = arith.mulf %mul3A_584, %scan3A_353#8 : vector<16xf32>
      %mul3A_586 = arith.mulf %div3A_580, %div3A_580 : vector<16xf32>
      %mul3A_587 = arith.mulf %mul3A_586, %scan3A_353#9 : vector<16xf32>
      %add3A_588 = arith.addf %mul3A_585, %mul3A_587 : vector<16xf32>
      %add3A_589 = arith.addf %add3A_588, %scan3A_353#15 : vector<16xf32>
      %mul3A_590 = arith.mulf %sub3A_583, %sub3A_583 : vector<16xf32>
      %mul3A_591 = arith.mulf %mul3A_590, %scan3A_353#16 : vector<16xf32>
      %add3A_592 = arith.addf %add3A_589, %mul3A_591 : vector<16xf32>
      %mul3A_593 = arith.mulf %div3A_529, %div3A_580 : vector<16xf32>
      %neg3A_594 = arith.constant 0.000000e+00 : f32
      %neg3A_595 = vector.broadcast %neg3A_594 : f32 to vector<16xf32>
      %neg3A_596 = arith.subf %neg3A_595, %mul3A_593 : vector<16xf32>
      %mul3A_597 = arith.mulf %neg3A_596, %scan3A_353#10 : vector<16xf32>
      %mul3A_598 = arith.mulf %div3A_529, %scan3A_353#13 : vector<16xf32>
      %add3A_599 = arith.addf %mul3A_597, %mul3A_598 : vector<16xf32>
      %mul3A_600 = arith.mulf %sub3A_583, %mul3A_581 : vector<16xf32>
      %sub3A_601 = arith.subf %add3A_599, %mul3A_600 : vector<16xf32>
      %mul3A_602 = arith.mulf %div3A_580, %scan3A_353#14 : vector<16xf32>
      %sub3A_603 = arith.subf %sub3A_601, %mul3A_602 : vector<16xf32>
      %mul3A_604 = arith.mulf %sub3A_583, %mul3A_582 : vector<16xf32>
      %add3A_605 = arith.addf %sub3A_603, %mul3A_604 : vector<16xf32>
      %mul3A_606 = arith.mulf %sub3A_583, %scan3A_353#17 : vector<16xf32>
      %sub3A_607 = arith.subf %add3A_605, %mul3A_606 : vector<16xf32>
      %mul3A_608 = arith.constant 2.000000e+00 : f32
      %mul3A_609 = vector.broadcast %mul3A_608 : f32 to vector<16xf32>
      %mul3A_610 = arith.mulf %mul3A_609, %sub3A_607 : vector<16xf32>
      %add3A_611 = arith.addf %add3A_592, %mul3A_610 : vector<16xf32>
      %mul3A_612 = arith.constant 16 : i32
      %mul3A_613 = arith.muli %scan3A_337, %mul3A_612 : i32
      %add3A_614 = arith.constant 384 : i32
      %add3A_615 = arith.addi %add3A_614, %mul3A_613 : i32
      %max3A_616 = arith.constant 1.000000e-30 : f32
      %max3A_617 = vector.broadcast %max3A_616 : f32 to vector<16xf32>
      %max3A_618 = arith.maximumf %add3A_478, %max3A_617 : vector<16xf32>
      %bitcast_convert_type3A_619 = tpu.bitcast %max3A_618 : vector<16xf32> -> vector<16xi32>
      %shift_right_arithmetic3A_620 = arith.constant 1 : i32
      %shift_right_arithmetic3A_621 = vector.broadcast %shift_right_arithmetic3A_620 : i32 to vector<16xi32>
      %shift_right_arithmetic3A_622 = arith.shrsi %bitcast_convert_type3A_619, %shift_right_arithmetic3A_621 : vector<16xi32>
      %sub3A_623 = arith.constant 1597463007 : i32
      %sub3A_624 = vector.broadcast %sub3A_623 : i32 to vector<16xi32>
      %sub3A_625 = arith.subi %sub3A_624, %shift_right_arithmetic3A_622 : vector<16xi32>
      %bitcast_convert_type3A_626 = tpu.bitcast %sub3A_625 : vector<16xi32> -> vector<16xf32>
      %mul3A_627 = arith.constant 5.000000e-01 : f32
      %mul3A_628 = vector.broadcast %mul3A_627 : f32 to vector<16xf32>
      %mul3A_629 = arith.mulf %mul3A_628, %max3A_618 : vector<16xf32>
      %mul3A_630 = arith.mulf %mul3A_629, %bitcast_convert_type3A_626 : vector<16xf32>
      %mul3A_631 = arith.mulf %mul3A_630, %bitcast_convert_type3A_626 : vector<16xf32>
      %sub3A_632 = arith.constant 1.500000e+00 : f32
      %sub3A_633 = vector.broadcast %sub3A_632 : f32 to vector<16xf32>
      %sub3A_634 = arith.subf %sub3A_633, %mul3A_631 : vector<16xf32>
      %mul3A_635 = arith.mulf %bitcast_convert_type3A_626, %sub3A_634 : vector<16xf32>
      %mul3A_636 = arith.constant 5.000000e-01 : f32
      %mul3A_637 = vector.broadcast %mul3A_636 : f32 to vector<16xf32>
      %mul3A_638 = arith.mulf %mul3A_637, %max3A_618 : vector<16xf32>
      %mul3A_639 = arith.mulf %mul3A_638, %mul3A_635 : vector<16xf32>
      %mul3A_640 = arith.mulf %mul3A_639, %mul3A_635 : vector<16xf32>
      %sub3A_641 = arith.constant 1.500000e+00 : f32
      %sub3A_642 = vector.broadcast %sub3A_641 : f32 to vector<16xf32>
      %sub3A_643 = arith.subf %sub3A_642, %mul3A_640 : vector<16xf32>
      %mul3A_644 = arith.mulf %mul3A_635, %sub3A_643 : vector<16xf32>
      %mul3A_645 = arith.constant 5.000000e-01 : f32
      %mul3A_646 = vector.broadcast %mul3A_645 : f32 to vector<16xf32>
      %mul3A_647 = arith.mulf %mul3A_646, %max3A_618 : vector<16xf32>
      %mul3A_648 = arith.mulf %mul3A_647, %mul3A_644 : vector<16xf32>
      %mul3A_649 = arith.mulf %mul3A_648, %mul3A_644 : vector<16xf32>
      %sub3A_650 = arith.constant 1.500000e+00 : f32
      %sub3A_651 = vector.broadcast %sub3A_650 : f32 to vector<16xf32>
      %sub3A_652 = arith.subf %sub3A_651, %mul3A_649 : vector<16xf32>
      %mul3A_653 = arith.mulf %mul3A_644, %sub3A_652 : vector<16xf32>
      %mul3A_654 = arith.mulf %max3A_618, %mul3A_653 : vector<16xf32>
      %gt3A_655 = arith.constant 0.000000e+00 : f32
      %gt3A_656 = vector.broadcast %gt3A_655 : f32 to vector<16xf32>
      %gt3A_657 = arith.cmpf ogt, %add3A_478, %gt3A_656 : vector<16xf32>
      %jit3A_658 = arith.constant 0.000000e+00 : f32
      %broadcast_in_dim3A_659 = vector.broadcast %jit3A_658 : f32 to vector<16xf32>
      %select_n3A_660 = arith.select %gt3A_657, %mul3A_654, %broadcast_in_dim3A_659 : vector<16xi1>, vector<16xf32>
      %swap3A = arith.index_cast %add3A_615 : i32 to index
      %swap3A_661 = tpu.vector_load %arg32[%swap3A] {strides = array<i32>} : memref<512xf32, #tpu.memory_space<vmem>>, vector<16xf32>,
      tpu.vector_store %arg32[%swap3A], %select_n3A_660 {strides = array<i32>} : memref<512xf32, #tpu.memory_space<vmem>>, vector<16xf32>,
      %max3A_662 = arith.constant 1.000000e-30 : f32
      %max3A_663 = vector.broadcast %max3A_662 : f32 to vector<16xf32>
      %max3A_664 = arith.maximumf %add3A_611, %max3A_663 : vector<16xf32>
      %bitcast_convert_type3A_665 = tpu.bitcast %max3A_664 : vector<16xf32> -> vector<16xi32>
      %shift_right_arithmetic3A_666 = arith.constant 1 : i32
      %shift_right_arithmetic3A_667 = vector.broadcast %shift_right_arithmetic3A_666 : i32 to vector<16xi32>
      %shift_right_arithmetic3A_668 = arith.shrsi %bitcast_convert_type3A_665, %shift_right_arithmetic3A_667 : vector<16xi32>
      %sub3A_669 = arith.constant 1597463007 : i32
      %sub3A_670 = vector.broadcast %sub3A_669 : i32 to vector<16xi32>
      %sub3A_671 = arith.subi %sub3A_670, %shift_right_arithmetic3A_668 : vector<16xi32>
      %bitcast_convert_type3A_672 = tpu.bitcast %sub3A_671 : vector<16xi32> -> vector<16xf32>
      %mul3A_673 = arith.constant 5.000000e-01 : f32
      %mul3A_674 = vector.broadcast %mul3A_673 : f32 to vector<16xf32>
      %mul3A_675 = arith.mulf %mul3A_674, %max3A_664 : vector<16xf32>
      %mul3A_676 = arith.mulf %mul3A_675, %bitcast_convert_type3A_672 : vector<16xf32>
      %mul3A_677 = arith.mulf %mul3A_676, %bitcast_convert_type3A_672 : vector<16xf32>
      %sub3A_678 = arith.constant 1.500000e+00 : f32
      %sub3A_679 = vector.broadcast %sub3A_678 : f32 to vector<16xf32>
      %sub3A_680 = arith.subf %sub3A_679, %mul3A_677 : vector<16xf32>
      %mul3A_681 = arith.mulf %bitcast_convert_type3A_672, %sub3A_680 : vector<16xf32>
      %mul3A_682 = arith.constant 5.000000e-01 : f32
      %mul3A_683 = vector.broadcast %mul3A_682 : f32 to vector<16xf32>
      %mul3A_684 = arith.mulf %mul3A_683, %max3A_664 : vector<16xf32>
      %mul3A_685 = arith.mulf %mul3A_684, %mul3A_681 : vector<16xf32>
      %mul3A_686 = arith.mulf %mul3A_685, %mul3A_681 : vector<16xf32>
      %sub3A_687 = arith.constant 1.500000e+00 : f32
      %sub3A_688 = vector.broadcast %sub3A_687 : f32 to vector<16xf32>
      %sub3A_689 = arith.subf %sub3A_688, %mul3A_686 : vector<16xf32>
      %mul3A_690 = arith.mulf %mul3A_681, %sub3A_689 : vector<16xf32>
      %mul3A_691 = arith.constant 5.000000e-01 : f32
      %mul3A_692 = vector.broadcast %mul3A_691 : f32 to vector<16xf32>
      %mul3A_693 = arith.mulf %mul3A_692, %max3A_664 : vector<16xf32>
      %mul3A_694 = arith.mulf %mul3A_693, %mul3A_690 : vector<16xf32>
      %mul3A_695 = arith.mulf %mul3A_694, %mul3A_690 : vector<16xf32>
      %sub3A_696 = arith.constant 1.500000e+00 : f32
      %sub3A_697 = vector.broadcast %sub3A_696 : f32 to vector<16xf32>
      %sub3A_698 = arith.subf %sub3A_697, %mul3A_695 : vector<16xf32>
      %mul3A_699 = arith.mulf %mul3A_690, %sub3A_698 : vector<16xf32>
      %mul3A_700 = arith.mulf %max3A_664, %mul3A_699 : vector<16xf32>
      %gt3A_701 = arith.constant 0.000000e+00 : f32
      %gt3A_702 = vector.broadcast %gt3A_701 : f32 to vector<16xf32>
      %gt3A_703 = arith.cmpf ogt, %add3A_611, %gt3A_702 : vector<16xf32>
      %jit3A_704 = arith.constant 0.000000e+00 : f32
      %broadcast_in_dim3A_705 = vector.broadcast %jit3A_704 : f32 to vector<16xf32>
      %select_n3A_706 = arith.select %gt3A_703, %mul3A_700, %broadcast_in_dim3A_705 : vector<16xi1>, vector<16xf32>
      %swap3A_707 = arith.index_cast %add3A_615 : i32 to index
      %swap3A_708 = tpu.vector_load %arg33[%swap3A_707] {strides = array<i32>} : memref<512xf32, #tpu.memory_space<vmem>>, vector<16xf32>,
      tpu.vector_store %arg33[%swap3A_707], %select_n3A_706 {strides = array<i32>} : memref<512xf32, #tpu.memory_space<vmem>>, vector<16xf32>,
      %scan3A_709 = arith.constant 0 : i32
      scf.yield %scan3A_709 : i32
    }
    %scan3A_336 = arith.constant 8 : i32
    "tpu.region"() ({
      %run_scoped3A = tpu.sem_alloc : memref<!tpu.dma_semaphore, #tpu.memory_space<semaphore_mem>>
      %dma_start3A_337 = tpu.memref_slice %arg10[%mul3A_2] : memref<16384xf32, #tpu.memory_space<hbm>> -> memref<512xf32, #tpu.memory_space<hbm>>
      %dma_start3A_338 = tpu.memref_slice %arg10[%mul3A_2] : memref<16384xf32, #tpu.memory_space<hbm>> -> memref<512xf32, #tpu.memory_space<hbm>>
      tpu.enqueue_dma source(%arg32 : memref<512xf32, #tpu.memory_space<vmem>>) target(%dma_start3A_338 : memref<512xf32, #tpu.memory_space<hbm>>) target_semaphore(%run_scoped3A : memref<!tpu.dma_semaphore, #tpu.memory_space<semaphore_mem>>)
      %dma_wait3A_339 = tpu.memref_slice %arg10[%mul3A_2] : memref<16384xf32, #tpu.memory_space<hbm>> -> memref<512xf32, #tpu.memory_space<hbm>>
      %dma_wait3A_340 = tpu.memref_slice %arg10[%mul3A_2] : memref<16384xf32, #tpu.memory_space<hbm>> -> memref<512xf32, #tpu.memory_space<hbm>>
      tpu.wait_dma2 semaphore(%run_scoped3A : memref<!tpu.dma_semaphore, #tpu.memory_space<semaphore_mem>>) src(%arg32 : memref<512xf32, #tpu.memory_space<vmem>>) dst(%dma_wait3A_340 : memref<512xf32, #tpu.memory_space<hbm>>)
      tpu.yield
    }) : () -> ()
    "tpu.region"() ({
      %run_scoped3A = tpu.sem_alloc : memref<!tpu.dma_semaphore, #tpu.memory_space<semaphore_mem>>
      %dma_start3A_337 = tpu.memref_slice %arg11[%mul3A_2] : memref<16384xf32, #tpu.memory_space<hbm>> -> memref<512xf32, #tpu.memory_space<hbm>>
      %dma_start3A_338 = tpu.memref_slice %arg11[%mul3A_2] : memref<16384xf32, #tpu.memory_space<hbm>> -> memref<512xf32, #tpu.memory_space<hbm>>
      tpu.enqueue_dma source(%arg33 : memref<512xf32, #tpu.memory_space<vmem>>) target(%dma_start3A_338 : memref<512xf32, #tpu.memory_space<hbm>>) target_semaphore(%run_scoped3A : memref<!tpu.dma_semaphore, #tpu.memory_space<semaphore_mem>>)
      %dma_wait3A_339 = tpu.memref_slice %arg11[%mul3A_2] : memref<16384xf32, #tpu.memory_space<hbm>> -> memref<512xf32, #tpu.memory_space<hbm>>
      %dma_wait3A_340 = tpu.memref_slice %arg11[%mul3A_2] : memref<16384xf32, #tpu.memory_space<hbm>> -> memref<512xf32, #tpu.memory_space<hbm>>
      tpu.wait_dma2 semaphore(%run_scoped3A : memref<!tpu.dma_semaphore, #tpu.memory_space<semaphore_mem>>) src(%arg33 : memref<512xf32, #tpu.memory_space<vmem>>) dst(%dma_wait3A_340 : memref<512xf32, #tpu.memory_space<hbm>>)
      tpu.yield
    }) : () -> ()
    return
  }
}

</mosaic_0001>

<sc_bundles>
// kernel: kernel.3.cloned.1.call-start
scs
__scs_entry_jumppad:
0x0: {  	(pc) =	sbr.rel $0x88, $3  }
0x1: {  	(tag) =	ssettag $0x0;
	lr =	simm.s32 $0x1  }
0x2: {  	[smem:$0x3F99] =	sst lr;
	_ =	strace $0xD0000000  }
0x3: {  	_ = 	snop  }
0x4: {  	_ = 	snop  }
0x5: {  	_ = 	snop  }
0x6: {  	_ = 	snop  }
0x7: {  	_ = 	snop  }
__scs_overlays_trampoline_lowered:
0x8: {  	[smem:$0x3FA8] =	sst s0  }
0x9: {  	[smem:$0x3FA9] =	sst s1  }
0xa: {  	[smem:$0x3FAA] =	sst s2  }
0xb: {  	[smem:$0x3FAB] =	sst s3  }
0xc: {  	[smem:$0x3FAC] =	sst s4  }
0xd: {  	[smem:$0x3FAD] =	sst s5  }
0xe: {  	[smem:$0x3FAE] =	sst s6  }
0xf: {  	[smem:$0x3FAF] =	sst s7  }
0x10: {  	[smem:$0x3FB0] =	sst s8  }
0x11: {  	[smem:$0x3FB1] =	sst s9;
	s0 =	simm.s32 @!p0 $0x0  }
0x12: {  	s1 =	sld [smem:$0x3F97];
	s0 =	simm.s32 @p0 $0x1  }
0x13: {  	[smem:$0x3FB2] =	sst s0;
	s0 =	simm.s32 @!p1 $0x0  }
0x14: {  	s2 =	sld [smem:$0x3F96];
	s0 =	simm.s32 @p1 $0x1  }
0x15: {  	[smem:$0x3FB3] =	sst s0;
	s0 =	simm.s32 @!p2 $0x0  }
0x16: {  	s3 =	sld [smem:$0x3FDB];
	s0 =	simm.s32 @p2 $0x1  }
0x17: {  	s4 =	simm.s32 $0x1BF5;
	[smem:$0x3FB5] =	sst s0  }
0x18: {  	s0 =	sld [smem:$0x3F98];
	_ =	swait.ge [sflag:s4], $0x0  }
0x19: {  	s7 =	sld [smem:$0x3F99]  }
0x1a: {  	s8 =	sadd.s32 $0xFFFFE003, lr  }
0x1b: {  	s9 =	sadd.s32 $0xFFFFFEF7, lr;
	s5 =	simm.s32 $0xFFFFFFFF;
	p2 =	slt.u32 s8, $0xFFFFF086  }
0x1c: {  	p1 =	slt.u32 s9, $0xF7A;
	s5 =	simm.s32 @!p2 $0x0  }
0x1d: {  	s5 =	simm.s32 @p1 $0x1;
	p0 =	seq.s32 s7, s2  }
0x1e: {  	s7 =	smul.u32 @!p0 $0xF7A, s2;
	p2 =	seq.s32 @!p0 s5, $0x0  }
0x1f: {  	s9 =	smul.u32 $0xF7A, s1;
	s8 =	simm.s32 @!p0 $0x1BF5;
	p2 =	por !p2, p0  }
0x20: {  	[sflag:s8] =	ssyncset.s32 @!p0 $0xFFFFF086;
	s6 =	sadd.s32 @!p0 s3, s7;
	s7 =	simm.s32 @!p0 $0x108  }
0x21: {  	s3 =	sadd.s32 s3, s9;
	s6 =	sadd.s32 @!p0 $0x88, s6;
	s7 =	simm.s32 @p2 $0x1082  }
0x22: {  	[simem:s7], [sflag:s8] =	dma.local @!p0 [hbm:s6], $0xF7A  }
0x23: {  	s9 =	sor.u32 $0xD0000000, s2;
	s6 =	simm.s32 $0x108;
	_ =	swait.ge @!p0 [sflag:s8], $0x0  }
0x24: {  	s3 =	sadd.s32 $0x88, s3;
	s6 =	simm.s32 @!p1 $0x1082;
	[sflag:s4] =	ssyncset.s32 $0xFFFFF086  }
0x25: {  	[simem:s6], [sflag:s4] =	dma.local [hbm:s3], $0xF7A  }
0x26: {  	[smem:$0x3F99] =	sst s1;
	(tag) =	ssettag s2;
	_ =	strace s9  }
0x27: {  	s1 =	sld [smem:$0x3FA9]  }
0x28: {  	s2 =	sld [smem:$0x3FAA]  }
0x29: {  	s4 =	sld [smem:$0x3FAC]  }
0x2a: {  	p0 =	seq.s32 s5, $0x0;
	s5 =	sld [smem:$0x3FAD]  }
0x2b: {  	s6 =	sld [smem:$0x3FAE]  }
0x2c: {  	s7 =	sld [smem:$0x3FAF]  }
0x2d: {  	s3 =	simm.s32 $0x108;
	s8 =	sld [smem:$0x3FB0]  }
0x2e: {  	s3 =	simm.s32 @!p0 $0x1082;
	s9 =	sld [smem:$0x3FB1]  }
0x2f: {  	lr =	sadd.s32 s0, s3;
	s0 =	sld [smem:$0x3FA8]  }
0x30: {  	s3 =	sld [smem:$0x3FAB]  }
0x31: {  	[smem:$0x3FB4] =	sst s10  }
0x32: {  	s10 =	sld [smem:$0x3FB2];
	_ =	sdelay $0x3  }
0x33: {  	p0 =	seq.s32 s10, $0x1;
	s10 =	sld [smem:$0x3FB4];
	_ =	sdelay $0x3  }
0x34: {  	[smem:$0x3FB4] =	sst s10  }
0x35: {  	s10 =	sld [smem:$0x3FB3];
	_ =	sdelay $0x3  }
0x36: {  	p1 =	seq.s32 s10, $0x1;
	s10 =	sld [smem:$0x3FB4];
	_ =	sdelay $0x3  }
0x37: {  	[smem:$0x3FB4] =	sst s10  }
0x38: {  	s10 =	sld [smem:$0x3FB5]  }
0x39: {  	_ = 	snop;
	(pc) =	sbr.ind lr, $3  }
0x3a: {  	_ = 	snop  }
0x3b: {  	_ = 	snop  }
0x3c: {  	p2 =	seq.s32 s10, $0x1;
	s10 =	sld [smem:$0x3FB4]  }
0x3d: {  	_ =	shalt  }
0x3e: {  	_ =	shalt  }
0x3f: {  	_ =	shalt  }
0x40: {  	_ =	shalt  }
0x41: {  	_ =	shalt  }
0x42: {  	_ =	shalt  }
0x43: {  	_ =	shalt  }
0x44: {  	_ =	shalt  }
0x45: {  	_ =	shalt  }
0x46: {  	_ =	shalt  }
0x47: {  	_ =	shalt  }
0x48: {  	_ =	shalt  }
0x49: {  	_ =	shalt  }
0x4a: {  	_ =	shalt  }
0x4b: {  	_ =	shalt  }
0x4c: {  	_ =	shalt  }
0x4d: {  	_ =	shalt  }
0x4e: {  	_ =	shalt  }
0x4f: {  	_ =	shalt  }
0x50: {  	_ =	shalt  }
0x51: {  	_ =	shalt  }
0x52: {  	_ =	shalt  }
0x53: {  	_ =	shalt  }
0x54: {  	_ =	shalt  }
0x55: {  	_ =	shalt  }
0x56: {  	_ =	shalt  }
0x57: {  	_ =	shalt  }
0x58: {  	_ =	shalt  }
0x59: {  	_ =	shalt  }
0x5a: {  	_ =	shalt  }
0x5b: {  	_ =	shalt  }
0x5c: {  	_ =	shalt  }
0x5d: {  	_ =	shalt  }
0x5e: {  	_ =	shalt  }
0x5f: {  	_ =	shalt  }
0x60: {  	_ =	shalt  }
0x61: {  	_ =	shalt  }
0x62: {  	_ =	shalt  }
0x63: {  	_ =	shalt  }
0x64: {  	_ =	shalt  }
0x65: {  	_ =	shalt  }
0x66: {  	_ =	shalt  }
0x67: {  	_ =	shalt  }
0x68: {  	_ =	shalt  }
0x69: {  	_ =	shalt  }
0x6a: {  	_ =	shalt  }
0x6b: {  	_ =	shalt  }
0x6c: {  	_ =	shalt  }
0x6d: {  	_ =	shalt  }
0x6e: {  	_ =	shalt  }
0x6f: {  	_ =	shalt  }
0x70: {  	_ =	shalt  }
0x71: {  	_ =	shalt  }
0x72: {  	_ =	shalt  }
0x73: {  	_ =	shalt  }
0x74: {  	_ =	shalt  }
0x75: {  	_ =	shalt  }
0x76: {  	_ =	shalt  }
0x77: {  	_ =	shalt  }
0x78: {  	_ =	shalt  }
0x79: {  	_ =	shalt  }
0x7a: {  	_ =	shalt  }
0x7b: {  	_ =	shalt  }
0x7c: {  	_ =	shalt  }
0x7d: {  	_ =	shalt  }
0x7e: {  	_ =	shalt  }
0x7f: {  	_ =	shalt  }
0x80: {  	_ =	shalt  }
0x81: {  	_ =	shalt  }
0x82: {  	_ =	shalt  }
0x83: {  	_ =	shalt  }
0x84: {  	_ =	shalt  }
0x85: {  	_ =	shalt  }
0x86: {  	_ =	shalt  }
0x87: {  	_ =	shalt  }
.Lfunc_end0:
.L_simem_size_0:
called_computation_lowered:
.L_overlay_start_0:
0x88: {  	s2 =	sld [smem:$0x3FD9]  }
0x89: {  	s3 =	sld [smem:$0x3FFE];
	_ =	sdelay $0x1  }
0x8a: {  	s1 =	srdreg.scid  }
0x8b: {  	s0 =	sand.u32 $0x1, s1  }
0x8c: {  	s14 =	sshll.u32 s0, $0xA;
	s2 =	sadd.s32 s3, s2  }
0x8d: {  	s2 =	sadd.s32 s2, s14  }
0x8e: {  	[smem:$0x3FC0] =	sst s2  }
0x8f: {  	_ = 	snop  }
0x90: {  	s2 =	sld [smem:$0x3FC9]  }
0x91: {  	s15 =	sld [smem:$0x3FC8]  }
0x92: {  	s4 =	sld [smem:$0x3FD0]  }
0x93: {  	s5 =	sld [smem:$0x3FC7]  }
0x94: {  	s6 =	sld [smem:$0x3FC6]  }
0x95: {  	s8 =	simm.s32 $0xA;
	s9 =	simm.s32 $0x10;
	s7 =	sld [smem:$0x3FC5]  }
0x96: {  	[smem:s9], [sflag:s8] =	dma.local [hbm:s4], $0x1  }
0x97: {  	_ =	swait.eq [sflag:s8], $0x1  }
0x98: {  	[sflag:s8] =	ssyncset.done $0x0  }
0x99: {  	s16 =	sld [smem:$0x10];
	[sflag:s8] =	ssyncadd.s32 $0xFFFFFFFF  }
0x9a: {  	s17 =	sld [smem:$0x11];
	(tm) =	ssettm $0x1  }
0x9b: {  	s18 =	sld [smem:$0x3FFB];
	_ =	sdelay $0x3  }
0x9c: {  	_ =	strace s18  }
0x9d: {  	s9 =	sld [smem:$0x3FFC];
	_ =	sdelay $0x3  }
0x9e: {  	_ =	strace s9  }
0x9f: {  	s9 =	sld [smem:$0x3FFD];
	_ =	sdelay $0x3  }
0xa0: {  	_ =	strace s9  }
0xa1: {  	_ =	strace $0x8FFFFFFF  }
0xa2: {  	s19 =	sld [smem:$0x3FDB];
	_ =	sdelay $0x1  }
0xa3: {  	s10 =	simm.s32 $_scs_section_size  }
0xa4: {  	s11 =	simm.s32 $_size__tile_overlayer_lowered;
	s12 =	simm.s32 $_tile_overlayer_lowered  }
0xa5: {  	s22 =	simm.s32 $0x1BFF;
	s21 =	sshll.u32 s12, $0x1;
	s9 =	sadd.s32 s10, s19  }
0xa6: {  	s13 =	simm.s32 $0x0;
	s20 =	sshll.u32 s11, $0x1;
	s11 =	sadd.s32 s21, s9  }
0xa7: {  	[timem:s13], [sflag:s22] =	dma.local [hbm:s11], s20  }
0xa8: {  	_ =	swait.ge [sflag:s22], s20  }
0xa9: {  	s10 =	ssub.s32 $0x0, s20;
	[sflag:s22] =	ssyncset.done $0x0  }
0xaa: {  	[sflag:s22] =	ssyncadd.s32 s10;
	_ =	sdelay $0x1  }
0xab: {  	s23 =	simm.s32 $0x1B8B  }
0xac: {  	_ =	swait.ge [sflag:s23], $0x1  }
0xad: {  	[sflag:s23] =	ssyncset.done $0x0  }
0xae: {  	s25 =	simm.s32 $0x1B8E;
	s24 =	sld [smem:$0x3FFE];
	[sflag:s23] =	ssyncadd.s32 $0xFFFFFFFF  }
0xaf: {  	s26 =	simm.s32 $execute0_lowered;
	[smem:$0x3FD2] =	sst s25  }
0xb0: {  	s11 =	sshll.u32 s26, $0x1;
	_ =	strace $0x80000046;
	[dreg:$0x1] =	wrdreg $0xFFFFFFFF  }
0xb1: {  	s28 =	simm.s32 $_size_execute0_lowered;
	s9 =	sadd.s32 s9, s11;
	[dreg:$0x0] =	wrdreg $0x0  }
0xb2: {  	s11 =	sshll.u32 s28, $0x1;
	[dreg:$0x2] =	wrdreg s9  }
0xb3: {  	[dreg:$0x3] =	wrdreg s11  }
0xb4: {  	[dreg:$0x4] =	wrdreg $0xC0  }
0xb5: {  	_ =	task [dreg:s13], $0x5FFFF  }
0xb6: {  	[dreg:$0x1] =	wrdreg $0xFFFFFFFF  }
0xb7: {  	[dreg:$0x0] =	wrdreg $0x60  }
0xb8: {  	[dreg:$0x2] =	wrdreg s2  }
0xb9: {  	[dreg:$0x3] =	wrdreg s15  }
0xba: {  	[dreg:$0x4] =	wrdreg s5  }
0xbb: {  	[dreg:$0x5] =	wrdreg s6  }
0xbc: {  	[dreg:$0x6] =	wrdreg s7  }
0xbd: {  	[dreg:$0x7] =	wrdreg s24  }
0xbe: {  	[dreg:$0x8] =	wrdreg s16  }
0xbf: {  	[dreg:$0x9] =	wrdreg s17  }
0xc0: {  	[dreg:$0xa] =	wrdreg $0x9  }
0xc1: {  	_ =	task.clear_ibuf [dreg:s13], $0xBFFFF;
	_ =	strace $0x90000046  }
0xc2: {  	s29 =	simm.s32 $0x9;
	_ =	strace $0x80000048  }
0xc3: {  	_ =	swait.ge [sflag:s29], $0x1  }
0xc4: {  	[sflag:s29] =	ssyncadd.s32 $0xFFFFFFFF  }
0xc5: {  	_ =	strace $0x90000048  }
0xc6: {  	_ =	sfence  }
0xc7: {  	s30 =	sld [smem:$0x0];
	_ =	sdelay $0x2  }
0xc8: {  	s31 =	sshll.u32 s1, $0xD;
	s1 =	sshrl.u32 s1, $0x2  }
0xc9: {  	s3 =	sand.u32 $0x4000, s31;
	s1 =	sadd.s32 s1, s30  }
0xca: {  	s0 =	sor.u32 s3, s0;
	s1 =	sshll.u32 s1, $0x11  }
0xcb: {  	s0 =	sor.u32 s1, s0  }
0xcc: {  	s0 =	sadd.s32 $0x8F2B, s0  }
0xcd: {  	[sflag:s0] =	ssyncadd.remote.s32 $0x1  }
0xce: {  	_ =	sfence.sel $0xFFFF  }
0xcf: {  	[dreg:$0x0] =	wrdreg $0xFFFFFFFF;
	(pc) =	sbr.abs _section_cstart, $3  }
0xd0: {  	[dreg:$0x1] =	wrdreg $0xFFFFFFFF  }
0xd1: {  	_ =	task.clear_ibuf [dreg:s13], $0x2FFFF;
	_ =	strace $0x9FFFFFFF  }
0xd2: {  	(tm) =	ssettm $0x7FFFFFFF  }
0xd3: {  	_ =	shalt  }
tec
execute0_lowered:
.L_overlay_start_1:
0x0: {  	(tag) =	ssettag $0x1  }
0x1: {  	s0 =	rddreg [dreg:$0x0]  }
0x2: {  	s1 =	rddreg [dreg:$0x1]  }
0x3: {  	s6 =	rddreg [dreg:$0x2]  }
0x4: {  	s7 =	rddreg [dreg:$0x3]  }
0x5: {  	s8 =	rddreg [dreg:$0x4]  }
0x6: {  	s5 =	rddreg [dreg:$0x5]  }
0x7: {  	s9 =	rddreg [dreg:$0x6]  }
0x8: {  	s10 =	rddreg [dreg:$0x7]  }
0x9: {  	s2 =	simm.s32 $0x0;
	s17 =	stileid.u32;
	s4 =	srdreg.scid  }
0xa: {  	s28 =	simm.s32 $0xC00;
	s29 =	simm.s32 $0x2C00;
	s30 =	simm.s32 $0x4C00  }
0xb: {  	s31 =	simm.s32 $0x6C00;
	[smem:$0x7FF] =	sst s2;
	s3 =	sadd.s32 $0xF43000, s5  }
0xc: {  	s11 =	sshll.u32 s17, $0x3;
	s12 =	sand.u32 $0x1, s4;
	s4 =	sadd.s32 $0x4C00, s5  }
0xd: {  	s15 =	sshll.u32 s17, $0x7;
	s22 =	sshll.u32 s17, $0x9;
	_ =	strace $0x80000047  }
0xe: {  	s11 =	sadd.s32 s11, s5;
	s13 =	ssub.s32 $0x2, s12;
	s16 =	sshll.u32 s12, $0x6  }
0xf: {  	s5 =	sadd.s32 $0x8C00, s5;
	s23 =	sshll.u32 s12, $0xD;
	s12 =	sshll.u32 s12, $0xA  }
0x10: {  	s14 =	sshrl.u32 s13, $0x1;
	s18 =	sor.u32 s16, s15;
	s25 =	sadd.s32 $0xC00, s11  }
0x11: {  	s26 =	sadd.s32 $0x2C00, s11;
	v2 =	vmov s12;
	s12 =	simm.s32 $0x0;
	s13 =	ssub.s32 s13, s14  }
0x12: {  	s0 =	sadd.s32 s0, s18;
	s19 =	sadd.s32 s1, s18;
	s20 =	sadd.s32 s6, s18  }
0x13: {  	s21 =	sadd.s32 s7, s18;
	s24 =	sadd.s32 s8, s18;
	[dreg:$0xe] =	wrdreg s25  }
0x14: {  	[dreg:$0x10] =	wrdreg s26;
	s15 =	sadd.s32 s9, s18;
	s16 =	sadd.s32 s10, s18  }
0x15: {  	s18 =	simm.s32 $0x4;
	s25 =	simm.s32 $0x1A000;
	[dreg:$0x9] =	wrdreg s0  }
0x16: {  	s26 =	simm.s32 $0x80;
	s6 =	simm.s32 $0x10C00;
	[dreg:$0xa] =	wrdreg s19  }
0x17: {  	s7 =	simm.s32 $0x12C00;
	s8 =	simm.s32 $0x14C00;
	[dreg:$0xb] =	wrdreg s20  }
0x18: {  	s9 =	simm.s32 $0x16C00;
	s10 =	simm.s32 $0x2;
	[dreg:$0xc] =	wrdreg s21  }
0x19: {  	[dreg:$0xd] =	wrdreg s24;
	s0 =	sor.u32 s23, s22;
	s17 =	smax.u32 s13, $0x1  }
0x1a: {  	v0 =	vlaneseq.u32;
	s20 =	simm.s32 $0x400;
	s23 =	simm.s32 $0x19000;
	s24 =	simm.s32 $0x3  }
0x1b: {  	v1 =	vmul.u32 $0x40, v0;
	s22 =	simm.s32 $0xAC00;
	s19 =	simm.s32 $0x1;
	s1 =	sadd.s32 s5, s0  }
0x1c: {  	s21 =	simm.s32 $0xCC00;
	s0 =	sadd.s32 s4, s0;
	[dreg:$0xf] =	wrdreg s1  }
0x1d: {  	v3 =	vor.u32 $0x30, v0;
	v4 =	vor.u32 $0xC00, v1;
	[dreg:$0x11] =	wrdreg s0;
	s1 =	simm.s32 $0x8C00;
	s0 =	simm.s32 $0xEC00  }
.LBB2_1:
0x1e: {  	s11 =	rddreg [dreg:$0x9]  }
0x1f: {  	[tilespmem:s2], [sflag:$0x4] =	stream.linear.gather [hbm4b:s11+s2], $0x200, $0x38;
	[tilespmem:$0x1B000] =	vst v63  }
0x20: {  	_ =	swait.ge [sflag:s18], $0x200  }
0x21: {  	[sflag:s18] =	ssyncset.done $0x0  }
0x22: {  	s13 =	simm.s32 $0x200;
	s14 =	rddreg [dreg:$0xa];
	[sflag:s18] =	ssyncadd.s32 $0xFFFFFE00  }
0x23: {  	[tilespmem:s13], [sflag:$0x4] =	stream.linear.gather [hbm4b:s14+s2], $0x200, $0x38;
	[tilespmem:$0x1B000] =	vst v63  }
0x24: {  	_ =	swait.ge [sflag:s18], $0x200  }
0x25: {  	[sflag:s18] =	ssyncset.done $0x0  }
0x26: {  	s14 =	rddreg [dreg:$0xb];
	[sflag:s18] =	ssyncadd.s32 $0xFFFFFE00  }
0x27: {  	[tilespmem:s20], [sflag:$0x4] =	stream.linear.gather [hbm4b:s14+s2], $0x200, $0x38;
	[tilespmem:$0x1B000] =	vst v63  }
0x28: {  	_ =	swait.ge [sflag:s18], $0x200  }
0x29: {  	[sflag:s18] =	ssyncset.done $0x0  }
0x2a: {  	s14 =	simm.s32 $0x600;
	s13 =	rddreg [dreg:$0xc];
	[sflag:s18] =	ssyncadd.s32 $0xFFFFFE00  }
0x2b: {  	[tilespmem:s14], [sflag:$0x4] =	stream.linear.gather [hbm4b:s13+s2], $0x200, $0x38;
	[tilespmem:$0x1B000] =	vst v63  }
0x2c: {  	_ =	swait.ge [sflag:s18], $0x200  }
0x2d: {  	[sflag:s18] =	ssyncset.done $0x0  }
0x2e: {  	s14 =	simm.s32 $0x800;
	s13 =	rddreg [dreg:$0xd];
	[sflag:s18] =	ssyncadd.s32 $0xFFFFFE00  }
0x2f: {  	[tilespmem:s14], [sflag:$0x4] =	stream.linear.gather [hbm4b:s13+s2], $0x200, $0x38;
	[tilespmem:$0x1B000] =	vst v63  }
0x30: {  	_ =	swait.ge [sflag:s18], $0x200  }
0x31: {  	v5 =	vshll.u32 v0, $0x6;
	[sflag:s18] =	ssyncset.done $0x0  }
0x32: {  	v6 =	vadd.s32 $0x1, v0;
	v5 =	vor.u32 v0, v5;
	s13 =	simm.s32 $0x40;
	s14 =	rddreg [dreg:$0xe];
	[sflag:s18] =	ssyncadd.s32 $0xFFFFFE00  }
0x33: {  	v6 =	vand.u32 $0x3F, v6;
	[tilespmem:s23], [sflag:$0x3] =	stream.strided.gather [hbm4b:s14+s13], $0x1000, s20, s13, $0x38;
	[tilespmem:$0x1B000] =	vst v63  }
0x34: {  	v7 =	vshll.u32 v6, $0x6;
	_ =	swait.ge [sflag:s24], $0x1000  }
0x35: {  	[sflag:s24] =	ssyncset.done $0x0  }
0x36: {  	[sflag:s24] =	ssyncadd.s32 $0xFFFFF000  }
0x37: {  	v10 =	vor.u32 v1, v0;
	v9 =	vmovc v1;
	s11 =	simm.s32 $0x3E;
	v11 =	vor.u32 v0, v7;
	v7 =	vmov v6;
	v8 =	vld.idx.msk [tilespmem:v5+s23+$0x0], $0xffff  }
.LBB2_2:
0x38: {  	_ = 	snop  }
0x39: {  	p0 =	sne.s32 s11, $0x1  }
.Ltmp0:
0x3a: {  	_ = 	snop;
	(pc) =	sbr.rel @p0 .LBB2_2-.Ltmp0, $4  }
0x3b: {  	v5 =	vadd.s32 $0x1, v6  }
0x3c: {  	v6 =	vand.u32 $0x3F, v5;
	[tilespmem:v10+s25+$0x0] =	vst.idx.msk $0xffff, v8  }
0x3d: {  	v5 =	vlaneseq.u32;
	v8 =	vld.idx.msk [tilespmem:v11+s23+$0x0], $0xffff;
	v11 =	vshll.u32 v6, $0x6  }
0x3e: {  	s11 =	sadd.s32 $0xFFFFFFFF, s11;
	v10 =	vor.u32 v9, v7;
	v7 =	vmovc v6;
	v9 =	vmul.u32 $0x40, v5;
	v11 =	vor.u32 v5, v11  }
0x3f: {  	_ =	sdelay $0x3  }
0x40: {  	[tilespmem:v10+s25+$0x0] =	vst.idx.msk $0xffff, v8  }
0x41: {  	v12 =	vor.u32 v9, v7;
	v11 =	vld.idx.msk [tilespmem:v11+s23+$0x0], $0xffff;
	_ =	sdelay $0x1  }
0x42: {  	v6 =	vor.u32 $0x10, v5;
	v7 =	vshll.u32 v5, $0x6  }
0x43: {  	v13 =	vor.u32 v6, v7;
	v8 =	vadd.s32 $0x1, v5  }
0x44: {  	v10 =	vand.u32 $0x3F, v8  }
0x45: {  	[tilespmem:v12+s25+$0x0] =	vst.idx.msk $0xffff, v11;
	v11 =	vshll.u32 v10, $0x6;
	_ =	sdelay $0x1  }
0x46: {  	v9 =	vor.u32 $0x400, v9  }
0x47: {  	s11 =	simm.s32 $0x3E;
	v12 =	vld.idx.msk [tilespmem:v13+s23+$0x0], $0xffff;
	v13 =	vor.u32 v9, v5;
	v14 =	vor.u32 v6, v11;
	v11 =	vmov v10  }
.LBB2_4:
0x48: {  	_ = 	snop  }
0x49: {  	p0 =	sne.s32 s11, $0x1  }
.Ltmp1:
0x4a: {  	_ = 	snop;
	(pc) =	sbr.rel @p0 .LBB2_4-.Ltmp1, $4  }
0x4b: {  	v10 =	vadd.s32 $0x1, v10  }
0x4c: {  	v10 =	vand.u32 $0x3F, v10;
	[tilespmem:v13+s25+$0x0] =	vst.idx.msk $0xffff, v12  }
0x4d: {  	v12 =	vld.idx.msk [tilespmem:v14+s23+$0x0], $0xffff;
	v14 =	vshll.u32 v10, $0x6  }
0x4e: {  	s11 =	sadd.s32 $0xFFFFFFFF, s11;
	v13 =	vor.u32 v9, v11;
	v11 =	vmov v10;
	v14 =	vor.u32 v6, v14  }
0x4f: {  	_ =	sdelay $0x3  }
0x50: {  	v6 =	vlaneseq.u32;
	[tilespmem:v13+s25+$0x0] =	vst.idx.msk $0xffff, v12  }
0x51: {  	v11 =	vor.u32 v9, v11;
	v9 =	vor.u32 $0x20, v6;
	v10 =	vld.idx.msk [tilespmem:v14+s23+$0x0], $0xffff  }
0x52: {  	v62 =	vor.u32 v9, v7;
	_ =	sdelay $0x1  }
0x53: {  	v63 =	vmul.u32 $0x40, v6;
	_ =	sdelay $0x1  }
0x54: {  	v7 =	vand.u32 $0x3F, v8;
	v8 =	vor.u32 $0x800, v63;
	[tilespmem:v11+s25+$0x0] =	vst.idx.msk $0xffff, v10  }
0x55: {  	v5 =	vor.u32 v8, v5;
	v11 =	vshll.u32 v7, $0x6;
	v10 =	vld.idx.msk [tilespmem:v62+s23+$0x0], $0xffff  }
0x56: {  	v11 =	vor.u32 v9, v11  }
0x57: {  	s11 =	simm.s32 $0x3E  }
.LBB2_6:
0x58: {  	_ = 	snop  }
0x59: {  	p0 =	sne.s32 s11, $0x1  }
.Ltmp2:
0x5a: {  	s11 =	sadd.s32 $0xFFFFFFFF, s11;
	v12 =	vadd.s32 $0x1, v7;
	[tilespmem:v5+s25+$0x0] =	vst.idx.msk $0xffff, v10;
	(pc) =	sbr.rel @p0 .LBB2_6-.Ltmp2, $3  }
0x5b: {  	v5 =	vor.u32 v8, v7;
	v7 =	vand.u32 $0x3F, v12;
	v10 =	vld.idx.msk [tilespmem:v11+s23+$0x0], $0xffff  }
0x5c: {  	v11 =	vshll.u32 v7, $0x6  }
0x5d: {  	v11 =	vor.u32 v9, v11;
	_ =	sdelay $0x1  }
0x5e: {  	_ =	sdelay $0x3  }
0x5f: {  	[tilespmem:v5+s25+$0x0] =	vst.idx.msk $0xffff, v10  }
0x60: {  	v7 =	vor.u32 v8, v7;
	v5 =	vshll.u32 v6, $0x6;
	v9 =	vld.idx.msk [tilespmem:v11+s23+$0x0], $0xffff  }
0x61: {  	v8 =	vor.u32 v3, v5;
	_ =	sdelay $0x1  }
0x62: {  	v5 =	vadd.s32 $0x1, v6  }
0x63: {  	v5 =	vand.u32 $0x3F, v5  }
0x64: {  	[tilespmem:v7+s25+$0x0] =	vst.idx.msk $0xffff, v9;
	v9 =	vshll.u32 v5, $0x6  }
0x65: {  	s11 =	simm.s32 $0x3E;
	v7 =	vld.idx.msk [tilespmem:v8+s23+$0x0], $0xffff;
	v8 =	vor.u32 v4, v6;
	v9 =	vor.u32 v3, v9;
	v6 =	vmov v5  }
.LBB2_8:
0x66: {  	_ = 	snop  }
0x67: {  	p0 =	sne.s32 s11, $0x1  }
.Ltmp3:
0x68: {  	_ = 	snop;
	(pc) =	sbr.rel @p0 .LBB2_8-.Ltmp3, $4  }
0x69: {  	v5 =	vadd.s32 $0x1, v5  }
0x6a: {  	v5 =	vand.u32 $0x3F, v5;
	[tilespmem:v8+s25+$0x0] =	vst.idx.msk $0xffff, v7  }
0x6b: {  	v7 =	vld.idx.msk [tilespmem:v9+s23+$0x0], $0xffff;
	v9 =	vshll.u32 v5, $0x6  }
0x6c: {  	s11 =	sadd.s32 $0xFFFFFFFF, s11;
	v8 =	vor.u32 v4, v6;
	v6 =	vmov v5;
	v9 =	vor.u32 v3, v9  }
0x6d: {  	_ =	sdelay $0x3  }
0x6e: {  	[tilespmem:v8+s25+$0x0] =	vst.idx.msk $0xffff, v7  }
0x6f: {  	v6 =	vor.u32 v4, v6;
	v5 =	vld.idx.msk [tilespmem:v9+s23+$0x0], $0xffff;
	_ =	sdelay $0x4  }
0x70: {  	s11 =	rddreg [dreg:$0xf];
	[tilespmem:v6+s25+$0x0] =	vst.idx.msk $0xffff, v5  }
0x71: {  	[hbm4b:s11+s2] =	stream.linear.scatter [tilespmem:s25], [sflag:$0x4], $0x1000, $0x38;
	[tilespmem:$0x1B000] =	vst v63  }
0x72: {  	v6 =	vlaneseq.u32;
	_ =	swait.ge [sflag:s18], $0x1000  }
0x73: {  	v7 =	vshll.u32 v6, $0x6;
	[sflag:s18] =	ssyncset.done $0x0  }
0x74: {  	s14 =	simm.s32 $0x40;
	v10 =	vor.u32 v6, v7;
	s13 =	rddreg [dreg:$0x10];
	[sflag:s18] =	ssyncadd.s32 $0xFFFFF000  }
0x75: {  	[tilespmem:s23], [sflag:$0x3] =	stream.strided.gather [hbm4b:s13+s14], $0x1000, s20, s14, $0x38;
	[tilespmem:$0x1B000] =	vst v63  }
0x76: {  	v8 =	vadd.s32 $0x1, v6;
	_ =	swait.ge [sflag:s24], $0x1000  }
0x77: {  	v9 =	vmul.u32 $0x40, v6;
	v5 =	vand.u32 $0x3F, v8;
	[sflag:s24] =	ssyncset.done $0x0  }
0x78: {  	v13 =	vshll.u32 v5, $0x6;
	[sflag:s24] =	ssyncadd.s32 $0xFFFFF000  }
0x79: {  	s11 =	simm.s32 $0x3E;
	v12 =	vor.u32 v9, v6;
	v13 =	vor.u32 v6, v13;
	v11 =	vld.idx.msk [tilespmem:v10+s23+$0x0], $0xffff;
	v10 =	vmov v5  }
.LBB2_10:
0x7a: {  	_ = 	snop  }
0x7b: {  	p0 =	sne.s32 s11, $0x1  }
.Ltmp4:
0x7c: {  	_ = 	snop;
	(pc) =	sbr.rel @p0 .LBB2_10-.Ltmp4, $4  }
0x7d: {  	v5 =	vadd.s32 $0x1, v5  }
0x7e: {  	v5 =	vand.u32 $0x3F, v5;
	[tilespmem:v12+s25+$0x0] =	vst.idx.msk $0xffff, v11  }
0x7f: {  	v11 =	vld.idx.msk [tilespmem:v13+s23+$0x0], $0xffff;
	v13 =	vshll.u32 v5, $0x6  }
0x80: {  	s11 =	sadd.s32 $0xFFFFFFFF, s11;
	v12 =	vor.u32 v9, v10;
	v10 =	vmov v5;
	v13 =	vor.u32 v6, v13  }
0x81: {  	_ =	sdelay $0x3  }
0x82: {  	v5 =	vlaneseq.u32;
	[tilespmem:v12+s25+$0x0] =	vst.idx.msk $0xffff, v11  }
0x83: {  	v10 =	vor.u32 v9, v10;
	v9 =	vor.u32 $0x10, v5;
	v11 =	vld.idx.msk [tilespmem:v13+s23+$0x0], $0xffff  }
0x84: {  	v12 =	vor.u32 v9, v7;
	_ =	sdelay $0x1  }
0x85: {  	v7 =	vmul.u32 $0x40, v5;
	_ =	sdelay $0x1  }
0x86: {  	v8 =	vand.u32 $0x3F, v8;
	[tilespmem:v10+s25+$0x0] =	vst.idx.msk $0xffff, v11;
	v10 =	vor.u32 $0x400, v7  }
0x87: {  	v13 =	vshll.u32 v8, $0x6;
	v11 =	vld.idx.msk [tilespmem:v12+s23+$0x0], $0xffff;
	v6 =	vor.u32 v10, v6  }
0x88: {  	v12 =	vor.u32 v9, v13  }
0x89: {  	s11 =	simm.s32 $0x3E  }
.LBB2_12:
0x8a: {  	_ = 	snop  }
0x8b: {  	p0 =	sne.s32 s11, $0x1  }
.Ltmp5:
0x8c: {  	s11 =	sadd.s32 $0xFFFFFFFF, s11;
	v13 =	vadd.s32 $0x1, v8;
	[tilespmem:v6+s25+$0x0] =	vst.idx.msk $0xffff, v11;
	(pc) =	sbr.rel @p0 .LBB2_12-.Ltmp5, $3  }
0x8d: {  	v6 =	vor.u32 v10, v8;
	v8 =	vand.u32 $0x3F, v13;
	v11 =	vld.idx.msk [tilespmem:v12+s23+$0x0], $0xffff  }
0x8e: {  	v12 =	vshll.u32 v8, $0x6  }
0x8f: {  	v12 =	vor.u32 v9, v12;
	_ =	sdelay $0x1  }
0x90: {  	_ =	sdelay $0x3  }
0x91: {  	[tilespmem:v6+s25+$0x0] =	vst.idx.msk $0xffff, v11  }
0x92: {  	v11 =	vld.idx.msk [tilespmem:v12+s23+$0x0], $0xffff;
	v12 =	vor.u32 v10, v8;
	_ =	sdelay $0x1  }
0x93: {  	v9 =	vor.u32 $0x20, v5;
	v6 =	vshll.u32 v5, $0x6  }
0x94: {  	v13 =	vor.u32 v9, v6;
	v8 =	vadd.s32 $0x1, v5  }
0x95: {  	v10 =	vand.u32 $0x3F, v8  }
0x96: {  	[tilespmem:v12+s25+$0x0] =	vst.idx.msk $0xffff, v11;
	v11 =	vshll.u32 v10, $0x6;
	_ =	sdelay $0x1  }
0x97: {  	v7 =	vor.u32 $0x800, v7  }
0x98: {  	s11 =	simm.s32 $0x3E;
	v12 =	vld.idx.msk [tilespmem:v13+s23+$0x0], $0xffff;
	v13 =	vor.u32 v7, v5;
	v14 =	vor.u32 v9, v11;
	v11 =	vmov v10  }
.LBB2_14:
0x99: {  	_ = 	snop  }
0x9a: {  	p0 =	sne.s32 s11, $0x1  }
.Ltmp6:
0x9b: {  	_ = 	snop;
	(pc) =	sbr.rel @p0 .LBB2_14-.Ltmp6, $4  }
0x9c: {  	v10 =	vadd.s32 $0x1, v10  }
0x9d: {  	v10 =	vand.u32 $0x3F, v10;
	[tilespmem:v13+s25+$0x0] =	vst.idx.msk $0xffff, v12  }
0x9e: {  	v12 =	vld.idx.msk [tilespmem:v14+s23+$0x0], $0xffff;
	v14 =	vshll.u32 v10, $0x6  }
0x9f: {  	s11 =	sadd.s32 $0xFFFFFFFF, s11;
	v13 =	vor.u32 v7, v11;
	v11 =	vmov v10;
	v14 =	vor.u32 v9, v14  }
0xa0: {  	_ =	sdelay $0x3  }
0xa1: {  	[tilespmem:v13+s25+$0x0] =	vst.idx.msk $0xffff, v12  }
0xa2: {  	v7 =	vor.u32 v7, v11;
	v9 =	vld.idx.msk [tilespmem:v14+s23+$0x0], $0xffff  }
0xa3: {  	v10 =	vor.u32 v3, v6;
	_ =	sdelay $0x2  }
0xa4: {  	v6 =	vand.u32 $0x3F, v8  }
0xa5: {  	[tilespmem:v7+s25+$0x0] =	vst.idx.msk $0xffff, v9;
	v9 =	vshll.u32 v6, $0x6  }
0xa6: {  	s11 =	simm.s32 $0x3E;
	v8 =	vor.u32 v4, v5;
	v5 =	vmov v6;
	v7 =	vld.idx.msk [tilespmem:v10+s23+$0x0], $0xffff;
	v9 =	vor.u32 v3, v9  }
.LBB2_16:
0xa7: {  	_ = 	snop  }
0xa8: {  	p0 =	sne.s32 s11, $0x1  }
.Ltmp7:
0xa9: {  	_ = 	snop;
	(pc) =	sbr.rel @p0 .LBB2_16-.Ltmp7, $4  }
0xaa: {  	v6 =	vadd.s32 $0x1, v6  }
0xab: {  	v6 =	vand.u32 $0x3F, v6;
	[tilespmem:v8+s25+$0x0] =	vst.idx.msk $0xffff, v7  }
0xac: {  	v7 =	vld.idx.msk [tilespmem:v9+s23+$0x0], $0xffff;
	v9 =	vshll.u32 v6, $0x6  }
0xad: {  	s11 =	sadd.s32 $0xFFFFFFFF, s11;
	v8 =	vor.u32 v4, v5;
	v5 =	vmov v6;
	v9 =	vor.u32 v3, v9  }
0xae: {  	_ =	sdelay $0x3  }
0xaf: {  	[tilespmem:v8+s25+$0x0] =	vst.idx.msk $0xffff, v7  }
0xb0: {  	v5 =	vor.u32 v4, v5;
	v6 =	vld.idx.msk [tilespmem:v9+s23+$0x0], $0xffff;
	_ =	sdelay $0x4  }
0xb1: {  	s11 =	simm.s32 $0x0;
	s13 =	rddreg [dreg:$0x11];
	[tilespmem:v5+s25+$0x0] =	vst.idx.msk $0xffff, v6  }
0xb2: {  	[hbm4b:s13+s11] =	stream.linear.scatter [tilespmem:s25], [sflag:$0x4], $0x1000, $0x38;
	[tilespmem:$0x1B000] =	vst v63  }
0xb3: {  	_ =	swait.ge [sflag:s18], $0x1000  }
0xb4: {  	[sflag:s18] =	ssyncset.done $0x0  }
0xb5: {  	s11 =	simm.s32 $0x0;
	[sflag:s18] =	ssyncadd.s32 $0xFFFFF000  }
0xb6: {  	s13 =	simm.s32 $0x40;
	v5 =	vld [tilespmem:s11+$0x800]  }
.LBB2_18:
0xb7: {  	p0 =	sne.s32 s13, $0x7C0  }
.Ltmp8:
0xb8: {  	_ = 	snop;
	(pc) =	sbr.rel @p0 .LBB2_18-.Ltmp8, $3  }
0xb9: {  	_ =	sdelay $0x1  }
0xba: {  	s14 =	sshra.s32 s13, $0x2;
	s13 =	sadd.s32 $0x40, s13;
	v6 =	vadd.s32 v2, v5  }
0xbb: {  	v5 =	vld [tilespmem:s14+$0x800];
	[tilespmem:s11+$0xA00] =	vst v6;
	s11 =	smov.u32 s14  }
0xbc: {  	_ =	sdelay $0x3  }
0xbd: {  	v5 =	vadd.s32 v2, v5  }
0xbe: {  	[tilespmem:s11+$0xA00] =	vst v5  }
0xbf: {  	s11 =	simm.s32 $0x0;
	[bflag:$0x0] =	sbarrier.arrive $0xFFFF  }
0xc0: {  	[tilespmem:s28], [sflag:$0x1] =	stream.indirect.gather [hbm4b:s3+s26], $0x40, s11, s26, $0xb8;
	[tilespmem:$0x1B000] =	vst v63  }
0xc1: {  	s13 =	simm.s32 $0x200  }
0xc2: {  	[tilespmem:s29], [sflag:$0x1] =	stream.indirect.gather [hbm4b:s3+s26], $0x40, s13, s26, $0xb8;
	[tilespmem:$0x1B000] =	vst v63  }
0xc3: {  	_ = 	snop  }
0xc4: {  	[tilespmem:s30], [sflag:$0x1] =	stream.indirect.gather [hbm4b:s3+s26], $0x40, s20, s26, $0xb8;
	[tilespmem:$0x1B000] =	vst v63  }
0xc5: {  	s14 =	simm.s32 $0x600  }
0xc6: {  	[tilespmem:s31], [sflag:$0x1] =	stream.indirect.gather [hbm4b:s3+s26], $0x40, s14, s26, $0xb8;
	[tilespmem:$0x1B000] =	vst v63  }
0xc7: {  	s14 =	simm.s32 $0xA00  }
0xc8: {  	[tilespmem:s1], [sflag:$0x1] =	stream.indirect.gather [hbm4b:s5+s26], $0x40, s14, s26, $0xb8;
	[tilespmem:$0x1B000] =	vst v63  }
0xc9: {  	_ = 	snop  }
0xca: {  	[tilespmem:s22], [sflag:$0x1] =	stream.indirect.gather [hbm4b:s4+s26], $0x40, s14, s26, $0xb8;
	[tilespmem:$0x1B000] =	vst v63  }
0xcb: {  	_ =	swait.ge [sflag:s19], $0x2000  }
0xcc: {  	[sflag:s19] =	ssyncset.done $0x0  }
0xcd: {  	[sflag:s19] =	ssyncadd.s32 $0xFFFFE000  }
0xce: {  	_ =	swait.ge [sflag:s19], $0x2000  }
0xcf: {  	[sflag:s19] =	ssyncset.done $0x0  }
0xd0: {  	[sflag:s19] =	ssyncadd.s32 $0xFFFFE000  }
0xd1: {  	_ =	swait.ge [sflag:s19], $0x2000  }
0xd2: {  	[sflag:s19] =	ssyncset.done $0x0  }
0xd3: {  	[sflag:s19] =	ssyncadd.s32 $0xFFFFE000  }
0xd4: {  	_ =	swait.ge [sflag:s19], $0x2000  }
0xd5: {  	[sflag:s19] =	ssyncset.done $0x0  }
0xd6: {  	[sflag:s19] =	ssyncadd.s32 $0xFFFFE000  }
0xd7: {  	_ =	swait.ge [sflag:s19], $0x2000  }
0xd8: {  	[sflag:s19] =	ssyncset.done $0x0  }
0xd9: {  	[sflag:s19] =	ssyncadd.s32 $0xFFFFE000  }
0xda: {  	_ =	swait.ge [sflag:s19], $0x2000  }
0xdb: {  	[sflag:s19] =	ssyncset.done $0x0  }
0xdc: {  	[sflag:s19] =	ssyncadd.s32 $0xFFFFE000  }
0xdd: {  	[tilespmem:s21], [sflag:$0x2] =	stream.indirect.gather [hbm4b:s3+s26], $0x40, s26, s26, $0xb8;
	[tilespmem:$0x1B000] =	vst v63  }
0xde: {  	s14 =	simm.s32 $0x280  }
0xdf: {  	[tilespmem:s0], [sflag:$0x2] =	stream.indirect.gather [hbm4b:s3+s26], $0x40, s14, s26, $0xb8;
	[tilespmem:$0x1B000] =	vst v63  }
0xe0: {  	s14 =	simm.s32 $0x480  }
0xe1: {  	[tilespmem:s6], [sflag:$0x2] =	stream.indirect.gather [hbm4b:s3+s26], $0x40, s14, s26, $0xb8;
	[tilespmem:$0x1B000] =	vst v63  }
0xe2: {  	s14 =	simm.s32 $0x680  }
0xe3: {  	[tilespmem:s7], [sflag:$0x2] =	stream.indirect.gather [hbm4b:s3+s26], $0x40, s14, s26, $0xb8;
	[tilespmem:$0x1B000] =	vst v63  }
0xe4: {  	s14 =	simm.s32 $0xA80  }
0xe5: {  	[tilespmem:s8], [sflag:$0x2] =	stream.indirect.gather [hbm4b:s5+s26], $0x40, s14, s26, $0xb8;
	[tilespmem:$0x1B000] =	vst v63  }
0xe6: {  	_ = 	snop  }
0xe7: {  	[tilespmem:s9], [sflag:$0x2] =	stream.indirect.gather [hbm4b:s4+s26], $0x40, s14, s26, $0xb8;
	[tilespmem:$0x1B000] =	vst v63  }
.LBB2_20:
0xe8: {  	s13 =	sshll.u32 s11, $0x4  }
0xe9: {  	v5 =	vor.u32 s13, v0  }
0xea: {  	v12 =	vshll.u32 v5, $0x6;
	v6 =	vand.u32 $0x3F, v5  }
0xeb: {  	v29 =	vor.u32 v12, v6;
	_ =	sdelay $0x1  }
0xec: {  	v6 =	vadd.s32 $0x1, v5  }
0xed: {  	v6 =	vand.u32 $0x3F, v6  }
0xee: {  	v34 =	vor.u32 v12, v6  }
0xef: {  	v9 =	vld.idx.msk [tilespmem:v29+s22+$0x0], $0xffff  }
0xf0: {  	v16 =	vld.idx.msk [tilespmem:v29+s1+$0x0], $0xffff  }
0xf1: {  	v38 =	vimm.f32 $0.0e+00;
	v21 =	vld.idx.msk [tilespmem:v29+s29+$0x0], $0xffff  }
0xf2: {  	v41 =	vimm.f32 $0.0e+00;
	v30 =	vimm.f32 $0.0e+00;
	v6 =	vadd.s32 $0x2, v5;
	v10 =	vld.idx.msk [tilespmem:v29+s31+$0x0], $0xffff  }
0xf3: {  	v35 =	vimm.f32 $0.0e+00;
	v24 =	vimm.f32 $0.0e+00;
	v6 =	vand.u32 $0x3F, v6;
	v32 =	vld.idx.msk [tilespmem:v34+s28+$0x0], $0xffff  }
0xf4: {  	v19 =	vimm.f32 $0.0e+00;
	v18 =	vimm.f32 $0.0e+00;
	v27 =	vor.u32 v12, v6;
	v28 =	vld.idx.msk [tilespmem:v34+s22+$0x0], $0xffff  }
0xf5: {  	v25 =	vimm.f32 $0.0e+00;
	v40 =	vld.idx.msk [tilespmem:v34+s29+$0x0], $0xffff;
	v7 =	vmul.f32 v9, v9;
	v6 =	vmul.f32 v16, v16  }
0xf6: {  	v5 =	vadd.s32 $0x3, v5;
	v17 =	vld.idx.msk [tilespmem:v29+s30+$0x0], $0xffff;
	v8 =	vmul.f32 v21, v21;
	v11 =	vmul.f32 v9, v21  }
0xf7: {  	v45 =	vand.u32 $0x3F, v5;
	v33 =	vld.idx.msk [tilespmem:v34+s1+$0x0], $0xffff;
	v13 =	vmul.f32 v16, v21;
	v37 =	vmul.f32 v9, v16  }
0xf8: {  	v36 =	vld.idx.msk [tilespmem:v34+s31+$0x0], $0xffff;
	v23 =	vmul.f32 v10, v10;
	v7 =	vadd.f32 v7, v38;
	v31 =	vadd.f32 v6, v38  }
0xf9: {  	v15 =	vld.idx.msk [tilespmem:v27+s29+$0x0], $0xffff;
	v43 =	vadd.f32 v8, v38;
	v42 =	vadd.f32 v11, v38;
	v6 =	vmul.f32 v28, v28  }
0xfa: {  	v20 =	vld.idx.msk [tilespmem:v27+s22+$0x0], $0xffff;
	v39 =	vadd.f32 v13, v38;
	v26 =	vmul.f32 v32, v32;
	v5 =	vmul.f32 v40, v32  }
0xfb: {  	v14 =	vld.idx.msk [tilespmem:v27+s1+$0x0], $0xffff;
	v44 =	vmul.f32 v28, v40;
	v13 =	vimm.f32 $0.0e+00;
	v8 =	vimm.f32 $0.0e+00  }
0xfc: {  	s14 =	simm.s32 $0xF;
	v11 =	vld.idx.msk [tilespmem:v27+s30+$0x0], $0xffff;
	v22 =	vadd.f32 v6, v7;
	v6 =	vimm.f32 $0.0e+00;
	v7 =	vimm.f32 $0.0e+00  }
.LBB2_21:
0xfd: {  	p0 =	sne.s32 s14, $0x1;
	s14 =	sadd.s32 $0xFFFFFFFF, s14;
	v38 =	vadd.f32 v23, v38;
	v46 =	vmul.f32 v16, v10;
	v23 =	vadd.s32 $0x1, v45  }
0xfe: {  	v47 =	vmul.f32 v40, v40;
	v48 =	vmul.f32 v28, v32;
	v45 =	vor.u32 v12, v45  }
0xff: {  	v40 =	vmul.f32 v33, v40;
	v41 =	vadd.f32 v46, v41;
	v46 =	vmul.f32 v9, v10;
	v34 =	vld.idx.msk [tilespmem:v34+s30+$0x0], $0xffff  }
0x100: {  	v49 =	vmul.f32 v17, v17;
	v43 =	vadd.f32 v47, v43;
	v47 =	vmul.f32 v36, v36  }
0x101: {  	v42 =	vadd.f32 v44, v42;
	v44 =	vmul.f32 v28, v36;
	v50 =	vmul.f32 v20, v15;
	v29 =	vld.idx.msk [tilespmem:v29+s28+$0x0], $0xffff  }
0x102: {  	v38 =	vadd.f32 v47, v38;
	v51 =	vmul.f32 v14, v15;
	v52 =	vmul.f32 v20, v14;
	v47 =	vld.idx.msk [tilespmem:v27+s31+$0x0], $0xffff  }
0x103: {  	v30 =	vadd.f32 v37, v30;
	v32 =	vmul.f32 v33, v32;
	v37 =	vmul.f32 v14, v14;
	v53 =	vld.idx.msk [tilespmem:v45+s1+$0x0], $0xffff  }
0x104: {  	v35 =	vadd.f32 v49, v35;
	v49 =	vmul.f32 v33, v36;
	v54 =	vmul.f32 v20, v11;
	v55 =	vld.idx.msk [tilespmem:v45+s29+$0x0], $0xffff  }
0x105: {  	v56 =	vmul.f32 v33, v33;
	v39 =	vadd.f32 v40, v39;
	v40 =	vmul.f32 v33, v34;
	v57 =	vld.idx.msk [tilespmem:v45+s22+$0x0], $0xffff  }
0x106: {  	v41 =	vadd.f32 v49, v41;
	v49 =	vmul.f32 v20, v20;
	v33 =	vmul.f32 v28, v33;
	v58 =	vld.idx.msk [tilespmem:v45+s28+$0x0], $0xffff  }
0x107: {  	v31 =	vadd.f32 v56, v31;
	v56 =	vmul.f32 v15, v15;
	v28 =	vmul.f32 v28, v34  }
0x108: {  	v24 =	vadd.f32 v46, v24;
	v42 =	vadd.f32 v50, v42;
	v46 =	vmul.f32 v47, v47  }
0x109: {  	v36 =	vmul.f32 v36, v34;
	v30 =	vadd.f32 v33, v30;
	v33 =	vadd.f32 v51, v39  }
0x10a: {  	v43 =	vadd.f32 v56, v43;
	v39 =	vmul.f32 v9, v29;
	v38 =	vadd.f32 v46, v38  }
0x10b: {  	v24 =	vadd.f32 v44, v24;
	v44 =	vmul.f32 v20, v47;
	v46 =	vmul.f32 v16, v29;
	v27 =	vld.idx.msk [tilespmem:v27+s28+$0x0], $0xffff  }
0x10c: {  	v31 =	vadd.f32 v37, v31;
	v21 =	vmul.f32 v21, v29;
	v50 =	vmul.f32 v53, v53;
	v37 =	vld.idx.msk [tilespmem:v45+s31+$0x0], $0xffff  }
0x10d: {  	v34 =	vmul.f32 v34, v34;
	v19 =	vadd.f32 v39, v19;
	v30 =	vadd.f32 v52, v30  }
0x10e: {  	v22 =	vadd.f32 v49, v22;
	v29 =	vmul.f32 v29, v29;
	v18 =	vadd.f32 v46, v18;
	v39 =	vld.idx.msk [tilespmem:v45+s30+$0x0], $0xffff  }
0x10f: {  	v34 =	vadd.f32 v34, v35;
	v35 =	vmul.f32 v47, v11;
	v45 =	vmul.f32 v53, v55  }
0x110: {  	v24 =	vadd.f32 v44, v24;
	v44 =	vmul.f32 v57, v55;
	v46 =	vmul.f32 v11, v11  }
0x111: {  	v25 =	vadd.f32 v29, v25;
	v49 =	vmul.f32 v58, v58;
	v20 =	vmul.f32 v20, v27  }
0x112: {  	v13 =	vadd.f32 v21, v13;
	v16 =	vmul.f32 v16, v17;
	v21 =	vmul.f32 v57, v57  }
0x113: {  	v25 =	vadd.f32 v26, v25;
	v26 =	vmul.f32 v14, v47;
	v15 =	vmul.f32 v15, v27  }
0x114: {  	v9 =	vmul.f32 v9, v17;
	v19 =	vadd.f32 v48, v19;
	v29 =	vmul.f32 v57, v58  }
0x115: {  	v18 =	vadd.f32 v32, v18;
	v26 =	vadd.f32 v26, v41;
	v32 =	vmul.f32 v27, v27  }
0x116: {  	v10 =	vmul.f32 v10, v17;
	v8 =	vadd.f32 v9, v8;
	v9 =	vmul.f32 v57, v37  }
0x117: {  	v11 =	vmul.f32 v14, v11;
	v17 =	vadd.f32 v32, v25;
	v32 =	vmul.f32 v53, v37  }
0x118: {  	v6 =	vadd.f32 v16, v6;
	v16 =	vmul.f32 v39, v39;
	v47 =	vmul.f32 v37, v39  }
0x119: {  	v7 =	vadd.f32 v10, v7;
	v10 =	vmul.f32 v14, v27;
	v24 =	vadd.f32 v9, v24  }
0x11a: {  	v6 =	vadd.f32 v40, v6;
	v9 =	vadd.f32 v20, v19;
	v14 =	vmul.f32 v57, v39  }
0x11b: {  	v10 =	vadd.f32 v10, v18;
	v18 =	vmul.f32 v53, v58;
	v20 =	vadd.f32 v46, v34  }
0x11c: {  	v6 =	vadd.f32 v11, v6;
	v45 =	vadd.f32 v45, v33;
	v11 =	vmul.f32 v53, v39  }
0x11d: {  	v27 =	vmul.f32 v55, v58;
	v19 =	vadd.f32 v29, v9;
	v9 =	vmul.f32 v37, v37  }
0x11e: {  	v8 =	vadd.f32 v28, v8;
	v6 =	vadd.f32 v11, v6;
	v11 =	vmul.f32 v57, v53  }
0x11f: {  	v5 =	vadd.f32 v5, v13;
	v13 =	vmul.f32 v55, v55;
	v18 =	vadd.f32 v18, v10  }
0x120: {  	v7 =	vadd.f32 v36, v7;
	v10 =	vand.u32 $0x3F, v23;
	v30 =	vadd.f32 v11, v30  }
0x121: {  	v8 =	vadd.f32 v54, v8;
	v5 =	vadd.f32 v15, v5;
	v29 =	vor.u32 v12, v10  }
0x122: {  	v10 =	vadd.s32 $0x1, v23;
	v11 =	vadd.f32 v13, v43;
	v38 =	vadd.f32 v9, v38  }
0x123: {  	v36 =	vadd.f32 v44, v42;
	v8 =	vadd.f32 v14, v8;
	v9 =	vand.u32 $0x3F, v10  }
0x124: {  	v25 =	vadd.f32 v49, v17;
	v13 =	vadd.f32 v27, v5;
	v34 =	vor.u32 v12, v9  }
0x125: {  	v5 =	vadd.f32 v35, v7;
	v35 =	vadd.f32 v16, v20  }
0x126: {  	v41 =	vadd.f32 v32, v26;
	v14 =	vadd.f32 v21, v22;
	v9 =	vld.idx.msk [tilespmem:v29+s22+$0x0], $0xffff  }
0x127: {  	v10 =	vadd.s32 $0x2, v23;
	v7 =	vadd.f32 v47, v5;
	v5 =	vadd.f32 v50, v31;
	v16 =	vld.idx.msk [tilespmem:v29+s1+$0x0], $0xffff  }
0x128: {  	v10 =	vand.u32 $0x3F, v10;
	v21 =	vld.idx.msk [tilespmem:v29+s29+$0x0], $0xffff  }
0x129: {  	v27 =	vor.u32 v12, v10;
	v32 =	vld.idx.msk [tilespmem:v34+s28+$0x0], $0xffff  }
0x12a: {  	v28 =	vld.idx.msk [tilespmem:v34+s22+$0x0], $0xffff  }
0x12b: {  	v10 =	vld.idx.msk [tilespmem:v29+s31+$0x0], $0xffff  }
0x12c: {  	v15 =	vmul.f32 v9, v9;
	v33 =	vld.idx.msk [tilespmem:v34+s1+$0x0], $0xffff  }
0x12d: {  	v20 =	vmul.f32 v16, v16;
	v37 =	vmul.f32 v9, v16;
	v40 =	vld.idx.msk [tilespmem:v34+s29+$0x0], $0xffff  }
0x12e: {  	v22 =	vmul.f32 v21, v21;
	v26 =	vmul.f32 v9, v21;
	v14 =	vadd.f32 v15, v14;
	v17 =	vld.idx.msk [tilespmem:v29+s30+$0x0], $0xffff  }
.Ltmp9:
0x12f: {  	v39 =	vmul.f32 v16, v21;
	v31 =	vadd.f32 v20, v5;
	v15 =	vld.idx.msk [tilespmem:v27+s29+$0x0], $0xffff;
	(pc) =	sbr.rel @p0 .LBB2_21-.Ltmp9, $4  }
0x130: {  	v43 =	vadd.f32 v22, v11;
	v42 =	vadd.f32 v26, v36;
	v11 =	vld.idx.msk [tilespmem:v27+s30+$0x0], $0xffff  }
0x131: {  	v5 =	vadd.s32 $0x3, v23;
	v39 =	vadd.f32 v39, v45;
	v22 =	vmul.f32 v28, v28;
	v36 =	vld.idx.msk [tilespmem:v34+s31+$0x0], $0xffff  }
0x132: {  	v26 =	vmul.f32 v32, v32;
	v45 =	vand.u32 $0x3F, v5;
	v23 =	vmul.f32 v10, v10;
	v20 =	vld.idx.msk [tilespmem:v27+s22+$0x0], $0xffff  }
0x133: {  	v22 =	vadd.f32 v22, v14;
	v5 =	vmul.f32 v40, v32;
	v44 =	vmul.f32 v28, v40;
	v14 =	vld.idx.msk [tilespmem:v27+s1+$0x0], $0xffff  }
0x134: {  	v56 =	vmul.f32 v16, v10  }
0x135: {  	v46 =	vmul.f32 v40, v40;
	v47 =	vmul.f32 v28, v32  }
0x136: {  	v45 =	vor.u32 v12, v45;
	v12 =	vmul.f32 v9, v10;
	v57 =	vmul.f32 v33, v40  }
0x137: {  	v23 =	vadd.f32 v23, v38;
	v58 =	vmul.f32 v17, v17;
	v52 =	vmul.f32 v33, v32  }
0x138: {  	v37 =	vadd.f32 v37, v30;
	v62 =	vmul.f32 v33, v33;
	v63 =	vmul.f32 v28, v33  }
0x139: {  	v50 =	vld.idx.msk [tilespmem:v29+s28+$0x0], $0xffff;
	v10 =	vmul.f32 v10, v17;
	v42 =	vadd.f32 v44, v42;
	v38 =	vadd.f32 v56, v41  }
0x13a: {  	v55 =	vld.idx.msk [tilespmem:v27+s28+$0x0], $0xffff;
	v43 =	vadd.f32 v46, v43;
	v59 =	vmul.f32 v36, v36;
	v48 =	vmul.f32 v28, v36  }
0x13b: {  	v41 =	vld.idx.msk [tilespmem:v34+s30+$0x0], $0xffff;
	v61 =	vmul.f32 v33, v36;
	v40 =	vadd.f32 v58, v35;
	v34 =	vadd.f32 v57, v39  }
0x13c: {  	v31 =	vadd.f32 v62, v31;
	v56 =	vmul.f32 v15, v15;
	v12 =	vadd.f32 v12, v24  }
0x13d: {  	v7 =	vadd.f32 v10, v7;
	v60 =	vmul.f32 v20, v15;
	v39 =	vmul.f32 v20, v20  }
0x13e: {  	v49 =	vmul.f32 v14, v15;
	v46 =	vadd.f32 v59, v23;
	v51 =	vmul.f32 v20, v14  }
0x13f: {  	v53 =	vld.idx.msk [tilespmem:v27+s31+$0x0], $0xffff;
	v54 =	vmul.f32 v14, v14;
	v23 =	vmul.f32 v20, v11;
	v38 =	vadd.f32 v61, v38  }
0x140: {  	v43 =	vadd.f32 v56, v43;
	v57 =	vmul.f32 v50, v50;
	v62 =	vmul.f32 v55, v55  }
0x141: {  	v48 =	vadd.f32 v48, v12;
	v27 =	vld.idx.msk [tilespmem:v45+s29+$0x0], $0xffff;
	v44 =	vmul.f32 v16, v50;
	v16 =	vmul.f32 v16, v17  }
0x142: {  	v29 =	vld.idx.msk [tilespmem:v45+s28+$0x0], $0xffff;
	v22 =	vadd.f32 v39, v22;
	v15 =	vmul.f32 v15, v55;
	v34 =	vadd.f32 v49, v34  }
0x143: {  	v24 =	vld.idx.msk [tilespmem:v45+s30+$0x0], $0xffff;
	v35 =	vmul.f32 v33, v41;
	v30 =	vmul.f32 v28, v41;
	v61 =	vadd.f32 v57, v25  }
0x144: {  	v28 =	vadd.f32 v60, v42;
	v60 =	vmul.f32 v53, v53;
	v32 =	vmul.f32 v36, v41;
	v25 =	vld.idx.msk [tilespmem:v45+s31+$0x0], $0xffff  }
0x145: {  	v36 =	vadd.f32 v63, v37;
	v41 =	vmul.f32 v41, v41;
	v26 =	vadd.f32 v26, v61  }
0x146: {  	v37 =	vmul.f32 v9, v50;
	v63 =	vmul.f32 v11, v11;
	v33 =	vadd.f32 v54, v31  }
0x147: {  	v40 =	vadd.f32 v41, v40;
	v56 =	vmul.f32 v29, v29;
	v26 =	vadd.f32 v62, v26  }
0x148: {  	v42 =	vadd.f32 v60, v46;
	v57 =	vmul.f32 v24, v24;
	v58 =	vmul.f32 v27, v27  }
0x149: {  	v40 =	vadd.f32 v63, v40;
	v59 =	vmul.f32 v25, v25;
	v26 =	vadd.f32 v56, v26  }
0x14a: {  	v9 =	vmul.f32 v9, v17;
	v46 =	vmul.f32 v21, v50;
	v31 =	vadd.f32 v58, v43  }
0x14b: {  	v21 =	vadd.f32 v57, v40;
	v12 =	vadd.f32 v59, v42;
	v40 =	vmax.f32 v26, $1.000000000e-30  }
0x14c: {  	v43 =	vmax.f32 v31, $1.000000000e-30;
	v60 =	vshra.s32 v40, $0x1;
	v42 =	vmul.f32 $5.000000000e-01, v40  }
0x14d: {  	v61 =	vshra.s32 v43, $0x1;
	v50 =	vmul.f32 $5.000000000e-01, v43;
	v41 =	vsub.s32 $0x5F3759DF, v60  }
0x14e: {  	v56 =	vmax.f32 v21, $1.000000000e-30;
	v49 =	vsub.s32 $0x5F3759DF, v61;
	v62 =	vmul.f32 v41, v42  }
0x14f: {  	v58 =	vshra.s32 v56, $0x1;
	v59 =	vmul.f32 $5.000000000e-01, v56;
	v63 =	vmul.f32 v49, v50  }
0x150: {  	v18 =	vadd.f32 v44, v18;
	v58 =	vsub.s32 $0x5F3759DF, v58;
	v54 =	vmul.f32 v41, v62  }
0x151: {  	v61 =	vmax.f32 v12, $1.000000000e-30;
	v60 =	vmul.f32 v58, v59;
	v57 =	vmul.f32 v49, v63  }
0x152: {  	v63 =	vmul.f32 $5.000000000e-01, v61;
	v62 =	vshra.s32 v61, $0x1;
	v54 =	vsub.f32 $1.500000000e+00, v54  }
0x153: {  	v60 =	vmul.f32 v58, v60;
	v57 =	vsub.f32 $1.500000000e+00, v57;
	v62 =	vsub.s32 $0x5F3759DF, v62  }
0x154: {  	v19 =	vadd.f32 v37, v19;
	v37 =	vmul.f32 v41, v54;
	v41 =	vmul.f32 v62, v63  }
0x155: {  	v6 =	vadd.f32 v16, v6;
	v60 =	vsub.f32 $1.500000000e+00, v60;
	v49 =	vmul.f32 v49, v57  }
0x156: {  	v36 =	vadd.f32 v51, v36;
	v18 =	vadd.f32 v52, v18;
	v41 =	vmul.f32 v62, v41  }
0x157: {  	v8 =	vadd.f32 v9, v8;
	v44 =	vmul.f32 v58, v60;
	v60 =	vmul.f32 v49, v50  }
0x158: {  	v6 =	vadd.f32 v35, v6;
	v51 =	vmul.f32 v37, v42;
	v41 =	vsub.f32 $1.500000000e+00, v41  }
0x159: {  	v7 =	vadd.f32 v32, v7;
	v39 =	vmul.f32 v60, v49;
	v60 =	vmul.f32 v20, v53  }
0x15a: {  	v13 =	vadd.f32 v46, v13;
	v58 =	vmul.f32 v51, v37;
	v41 =	vmul.f32 v62, v41  }
0x15b: {  	v19 =	vadd.f32 v47, v19;
	v8 =	vadd.f32 v30, v8;
	v51 =	vmul.f32 v44, v59  }
0x15c: {  	v48 =	vadd.f32 v60, v48;
	v17 =	vsub.f32 $1.500000000e+00, v58;
	v60 =	vmul.f32 v41, v63  }
0x15d: {  	v30 =	vmul.f32 v27, v29;
	v5 =	vadd.f32 v5, v13;
	v51 =	vmul.f32 v51, v44  }
0x15e: {  	v39 =	vsub.f32 $1.500000000e+00, v39;
	v17 =	vmul.f32 v17, v37;
	v37 =	vmul.f32 v60, v41  }
0x15f: {  	v8 =	vadd.f32 v23, v8;
	v62 =	vmul.f32 v14, v53;
	v51 =	vsub.f32 $1.500000000e+00, v51  }
0x160: {  	v39 =	vmul.f32 v39, v49;
	v49 =	vmul.f32 v53, v11;
	v37 =	vsub.f32 $1.500000000e+00, v37  }
0x161: {  	vm11 =	vgt.f32 v31, $0.0e+00;
	v44 =	vmul.f32 v51, v44;
	v42 =	vmul.f32 v17, v42  }
0x162: {  	vm0 =	vgt.f32 v26, $0.0e+00;
	v57 =	vld.idx.msk [tilespmem:v45+s1+$0x0], $0xffff;
	v53 =	vmul.f32 v39, v50;
	v37 =	vmul.f32 v37, v41  }
0x163: {  	vm12 =	vgt.f32 v21, $0.0e+00;
	v45 =	vld.idx.msk [tilespmem:v45+s22+$0x0], $0xffff;
	v52 =	vmul.f32 v42, v17;
	v59 =	vmul.f32 v44, v59  }
0x164: {  	v38 =	vadd.f32 v62, v38;
	v42 =	vmul.f32 v53, v39;
	v62 =	vmul.f32 v37, v63  }
0x165: {  	v11 =	vmul.f32 v14, v11;
	v9 =	vsub.f32 $1.500000000e+00, v52;
	v50 =	vmul.f32 v59, v44  }
0x166: {  	v60 =	vmul.f32 v14, v55;
	v63 =	vsub.f32 $1.500000000e+00, v42;
	v14 =	vmul.f32 v62, v37  }
0x167: {  	v20 =	vmul.f32 v20, v55;
	v9 =	vmul.f32 v9, v17;
	v51 =	vsub.f32 $1.500000000e+00, v50  }
0x168: {  	v54 =	vmul.f32 v45, v25;
	v17 =	vmul.f32 v63, v39;
	v14 =	vsub.f32 $1.500000000e+00, v14  }
0x169: {  	v5 =	vadd.f32 v15, v5;
	v9 =	vmul.f32 v9, v40;
	v52 =	vmul.f32 v51, v44  }
0x16a: {  	vm13 =	vgt.f32 v12, $0.0e+00;
	v17 =	vmul.f32 v17, v43;
	v14 =	vmul.f32 v14, v37  }
0x16b: {  	v16 =	vadd.f32 v54, v48;
	v9 =	vmax.f32 v9, $9.999999960e-13;
	v53 =	vmul.f32 v52, v56  }
0x16c: {  	v9 =	vnsel vm0, $0x2B8CBCCC, v9;
	v17 =	vmax.f32 v17, $9.999999960e-13;
	v14 =	vmul.f32 v14, v61  }
0x16d: {  	(erf) = vrcp.f32 v9;
	v55 =	vmax.f32 v53, $9.999999960e-13;
	v54 =	vnsel vm11, $0x2B8CBCCC, v17  }
0x16e: {  	v9 =	vnsel vm12, $0x2B8CBCCC, v55;
	(erf) = vrcp.f32 v54;
	v14 =	vmax.f32 v14, $9.999999960e-13  }
0x16f: {  	v46 =	vmul.f32 v57, v27;
	(erf) = vrcp.f32 v9;
	v56 =	vnsel vm13, $0x2B8CBCCC, v14  }
0x170: {  	v19 =	vadd.f32 v20, v19;
	v20 =	vmul.f32 v45, v57;
	(erf) = vrcp.f32 v56  }
0x171: {  	v5 =	vadd.f32 v30, v5;
	v47 =	vmul.f32 v45, v27;
	v32 =	vmul.f32 v57, v25  }
0x172: {  	v58 =	vmul.f32 v57, v57;
	v13 =	vadd.f32 v20, v36;
	v36 =	vmul.f32 v45, v45  }
0x173: {  	v6 =	vadd.f32 v11, v6;
	v10 =	vadd.f32 v60, v18;
	v60 =	vmul.f32 v57, v24  }
0x174: {  	v7 =	vadd.f32 v49, v7;
	v20 =	vadd.f32 v36, v22;
	v61 =	vmul.f32 v57, v29  }
0x175: {  	v41 =	vmul.f32 v45, v29;
	v59 =	vadd.f32 v46, v34;
	v6 =	vadd.f32 v60, v6  }
0x176: {  	v34 =	vadd.f32 v47, v28;
	v63 =	vmul.f32 v45, v24;
	v9 =	vadd.f32 v61, v10;
	v35 =	vpop (erf)  }
0x177: {  	v62 =	vadd.f32 v41, v19;
	v39 =	vmul.f32 v25, v24;
	v45 =	vadd.f32 v58, v33;
	v37 =	vpop (erf)  }
0x178: {  	v8 =	vadd.f32 v63, v8;
	v9 =	vmul.f32 v35, v9;
	v41 =	vmul.f32 v35, v35;
	v40 =	vpop (erf)  }
0x179: {  	v7 =	vadd.f32 v39, v7;
	v17 =	vmul.f32 v35, v62;
	v43 =	vmul.f32 v37, v35;
	v44 =	vpop (erf)  }
0x17a: {  	v14 =	vadd.f32 v32, v38;
	v42 =	vmul.f32 v37, v37;
	v46 =	vmul.f32 v44, v40  }
0x17b: {  	v11 =	vmul.f32 v37, v59;
	v22 =	vmul.f32 v41, v26;
	v24 =	vsub.f32 $0.0e+00, v43  }
0x17c: {  	v6 =	vmul.f32 v40, v6;
	v14 =	vmul.f32 v44, v14;
	v47 =	vsub.f32 $0.0e+00, v46  }
0x17d: {  	v10 =	vmul.f32 v37, v34;
	v48 =	vsub.f32 v9, v11;
	v5 =	vmul.f32 v24, v5  }
0x17e: {  	v8 =	vmul.f32 v40, v8;
	v49 =	vsub.f32 v6, v14;
	v7 =	vmul.f32 v47, v7  }
0x17f: {  	v18 =	vmul.f32 v42, v31;
	v9 =	vmul.f32 v48, v9;
	v5 =	vadd.f32 v5, v17  }
0x180: {  	v50 =	vmul.f32 v40, v40;
	v6 =	vmul.f32 v49, v6;
	v7 =	vadd.f32 v7, v8  }
0x181: {  	v18 =	vadd.f32 v18, v22;
	v51 =	vmul.f32 v44, v44;
	v5 =	vsub.f32 v5, v9  }
0x182: {  	v11 =	vmul.f32 v48, v11;
	v6 =	vsub.f32 v7, v6;
	v7 =	vmul.f32 v44, v16  }
0x183: {  	v52 =	vmul.f32 v48, v48;
	v9 =	vmul.f32 v51, v12;
	v5 =	vsub.f32 v5, v10  }
0x184: {  	v8 =	vmul.f32 v50, v21;
	v6 =	vsub.f32 v6, v7;
	v7 =	vmul.f32 v49, v14  }
0x185: {  	v53 =	vmul.f32 v48, v13;
	v54 =	vmul.f32 v49, v49;
	v5 =	vadd.f32 v5, v11  }
0x186: {  	v8 =	vadd.f32 v9, v8;
	v6 =	vadd.f32 v6, v7;
	v7 =	vmul.f32 v49, v13  }
0x187: {  	v55 =	vadd.f32 v18, v20;
	v10 =	vmul.f32 v52, v45;
	v5 =	vsub.f32 v5, v53  }
0x188: {  	v9 =	vmul.f32 v54, v45;
	v8 =	vadd.f32 v8, v20;
	v6 =	vsub.f32 v6, v7  }
0x189: {  	v5 =	vadd.f32 v5, v5;
	v7 =	vadd.f32 v10, v55  }
0x18a: {  	v8 =	vadd.f32 v9, v8;
	v6 =	vadd.f32 v6, v6  }
0x18b: {  	v5 =	vadd.f32 v5, v7  }
0x18c: {  	v6 =	vadd.f32 v6, v8  }
0x18d: {  	v7 =	vmax.f32 v5, $1.000000000e-30  }
0x18e: {  	v56 =	vshra.s32 v7, $0x1;
	v57 =	vmul.f32 $5.000000000e-01, v7;
	v58 =	vmax.f32 v6, $1.000000000e-30  }
0x18f: {  	v8 =	vsub.s32 $0x5F3759DF, v56;
	v59 =	vshra.s32 v58, $0x1;
	v60 =	vmul.f32 $5.000000000e-01, v58  }
0x190: {  	v61 =	vmul.f32 v8, v57;
	v11 =	vsub.s32 $0x5F3759DF, v59  }
0x191: {  	v62 =	vmul.f32 v11, v60  }
0x192: {  	v13 =	vmul.f32 v8, v61  }
0x193: {  	v14 =	vmul.f32 v11, v62  }
0x194: {  	v13 =	vsub.f32 $1.500000000e+00, v13  }
0x195: {  	v14 =	vsub.f32 $1.500000000e+00, v14  }
0x196: {  	v8 =	vmul.f32 v8, v13  }
0x197: {  	v11 =	vmul.f32 v11, v14  }
0x198: {  	v13 =	vmul.f32 v8, v57  }
0x199: {  	v14 =	vmul.f32 v11, v60  }
0x19a: {  	v13 =	vmul.f32 v13, v8  }
0x19b: {  	v14 =	vmul.f32 v14, v11  }
0x19c: {  	v13 =	vsub.f32 $1.500000000e+00, v13  }
0x19d: {  	v14 =	vsub.f32 $1.500000000e+00, v14  }
0x19e: {  	v8 =	vmul.f32 v13, v8  }
0x19f: {  	v11 =	vmul.f32 v14, v11  }
0x1a0: {  	v9 =	vmul.f32 v8, v57  }
0x1a1: {  	v12 =	vmul.f32 v11, v60  }
0x1a2: {  	v9 =	vmul.f32 v9, v8  }
0x1a3: {  	v12 =	vmul.f32 v12, v11  }
0x1a4: {  	v9 =	vsub.f32 $1.500000000e+00, v9  }
0x1a5: {  	v12 =	vsub.f32 $1.500000000e+00, v12  }
0x1a6: {  	s11 =	sadd.s32 $0x1, s11;
	v8 =	vmul.f32 v9, v8  }
0x1a7: {  	p0 =	sne.s32 s11, $0x8;
	v63 =	vmul.f32 v12, v11  }
.Ltmp10:
0x1a8: {  	v7 =	vmul.f32 v8, v7;
	(pc) =	sbr.rel @p0 .LBB2_20-.Ltmp10, $4  }
0x1a9: {  	vm14 =	vgt.f32 v5, $0.0e+00;
	v5 =	vmul.f32 v63, v58  }
0x1aa: {  	vm15 =	vgt.f32 v6, $0.0e+00;
	v7 =	vnsel vm14, $0x0, v7  }
0x1ab: {  	[tilespmem:s13+$0x18C00] =	vst v7;
	v5 =	vnsel vm15, $0x0, v5  }
0x1ac: {  	[tilespmem:s13+$0x18E00] =	vst v5  }
0x1ad: {  	_ =	swait.ge [sflag:s10], $0x2000  }
0x1ae: {  	[sflag:s10] =	ssyncset.done $0x0  }
0x1af: {  	[sflag:s10] =	ssyncadd.s32 $0xFFFFE000  }
0x1b0: {  	_ =	swait.ge [sflag:s10], $0x2000  }
0x1b1: {  	[sflag:s10] =	ssyncset.done $0x0  }
0x1b2: {  	[sflag:s10] =	ssyncadd.s32 $0xFFFFE000  }
0x1b3: {  	_ =	swait.ge [sflag:s10], $0x2000  }
0x1b4: {  	[sflag:s10] =	ssyncset.done $0x0  }
0x1b5: {  	[sflag:s10] =	ssyncadd.s32 $0xFFFFE000  }
0x1b6: {  	_ =	swait.ge [sflag:s10], $0x2000  }
0x1b7: {  	[sflag:s10] =	ssyncset.done $0x0  }
0x1b8: {  	[sflag:s10] =	ssyncadd.s32 $0xFFFFE000  }
0x1b9: {  	_ =	swait.ge [sflag:s10], $0x2000  }
0x1ba: {  	[sflag:s10] =	ssyncset.done $0x0  }
0x1bb: {  	[sflag:s10] =	ssyncadd.s32 $0xFFFFE000  }
0x1bc: {  	_ =	swait.ge [sflag:s10], $0x2000  }
0x1bd: {  	[sflag:s10] =	ssyncset.done $0x0  }
0x1be: {  	s11 =	simm.s32 $0x100;
	[sflag:s10] =	ssyncadd.s32 $0xFFFFE000  }
0x1bf: {  	[tilespmem:s28], [sflag:$0x1] =	stream.indirect.gather [hbm4b:s3+s26], $0x40, s11, s26, $0xb8;
	[tilespmem:$0x1B000] =	vst v63  }
0x1c0: {  	s13 =	simm.s32 $0x300  }
0x1c1: {  	[tilespmem:s29], [sflag:$0x1] =	stream.indirect.gather [hbm4b:s3+s26], $0x40, s13, s26, $0xb8;
	[tilespmem:$0x1B000] =	vst v63  }
0x1c2: {  	s14 =	simm.s32 $0x500  }
0x1c3: {  	[tilespmem:s30], [sflag:$0x1] =	stream.indirect.gather [hbm4b:s3+s26], $0x40, s14, s26, $0xb8;
	[tilespmem:$0x1B000] =	vst v63  }
0x1c4: {  	s13 =	simm.s32 $0x700  }
0x1c5: {  	[tilespmem:s31], [sflag:$0x1] =	stream.indirect.gather [hbm4b:s3+s26], $0x40, s13, s26, $0xb8;
	[tilespmem:$0x1B000] =	vst v63  }
0x1c6: {  	s14 =	simm.s32 $0xB00  }
0x1c7: {  	[tilespmem:s1], [sflag:$0x1] =	stream.indirect.gather [hbm4b:s5+s26], $0x40, s14, s26, $0xb8;
	[tilespmem:$0x1B000] =	vst v63  }
0x1c8: {  	s11 =	simm.s32 $0x0  }
0x1c9: {  	[tilespmem:s22], [sflag:$0x1] =	stream.indirect.gather [hbm4b:s4+s26], $0x40, s14, s26, $0xb8;
	[tilespmem:$0x1B000] =	vst v63  }
.LBB2_24:
0x1ca: {  	s13 =	sshll.u32 s11, $0x4  }
0x1cb: {  	v5 =	vor.u32 s13, v0  }
0x1cc: {  	v12 =	vshll.u32 v5, $0x6;
	v6 =	vand.u32 $0x3F, v5  }
0x1cd: {  	v29 =	vor.u32 v12, v6;
	_ =	sdelay $0x1  }
0x1ce: {  	v6 =	vadd.s32 $0x1, v5  }
0x1cf: {  	v6 =	vand.u32 $0x3F, v6  }
0x1d0: {  	v34 =	vor.u32 v12, v6  }
0x1d1: {  	v9 =	vld.idx.msk [tilespmem:v29+s9+$0x0], $0xffff  }
0x1d2: {  	v16 =	vld.idx.msk [tilespmem:v29+s8+$0x0], $0xffff  }
0x1d3: {  	v38 =	vimm.f32 $0.0e+00;
	v21 =	vld.idx.msk [tilespmem:v29+s0+$0x0], $0xffff  }
0x1d4: {  	v41 =	vimm.f32 $0.0e+00;
	v30 =	vimm.f32 $0.0e+00;
	v6 =	vadd.s32 $0x2, v5;
	v10 =	vld.idx.msk [tilespmem:v29+s7+$0x0], $0xffff  }
0x1d5: {  	v35 =	vimm.f32 $0.0e+00;
	v24 =	vimm.f32 $0.0e+00;
	v6 =	vand.u32 $0x3F, v6;
	v32 =	vld.idx.msk [tilespmem:v34+s21+$0x0], $0xffff  }
0x1d6: {  	v19 =	vimm.f32 $0.0e+00;
	v18 =	vimm.f32 $0.0e+00;
	v27 =	vor.u32 v12, v6;
	v28 =	vld.idx.msk [tilespmem:v34+s9+$0x0], $0xffff  }
0x1d7: {  	v25 =	vimm.f32 $0.0e+00;
	v40 =	vld.idx.msk [tilespmem:v34+s0+$0x0], $0xffff;
	v7 =	vmul.f32 v9, v9;
	v6 =	vmul.f32 v16, v16  }
0x1d8: {  	v5 =	vadd.s32 $0x3, v5;
	v17 =	vld.idx.msk [tilespmem:v29+s6+$0x0], $0xffff;
	v8 =	vmul.f32 v21, v21;
	v11 =	vmul.f32 v9, v21  }
0x1d9: {  	v45 =	vand.u32 $0x3F, v5;
	v33 =	vld.idx.msk [tilespmem:v34+s8+$0x0], $0xffff;
	v13 =	vmul.f32 v16, v21;
	v37 =	vmul.f32 v9, v16  }
0x1da: {  	v36 =	vld.idx.msk [tilespmem:v34+s7+$0x0], $0xffff;
	v23 =	vmul.f32 v10, v10;
	v7 =	vadd.f32 v7, v38;
	v31 =	vadd.f32 v6, v38  }
0x1db: {  	v15 =	vld.idx.msk [tilespmem:v27+s0+$0x0], $0xffff;
	v43 =	vadd.f32 v8, v38;
	v42 =	vadd.f32 v11, v38;
	v6 =	vmul.f32 v28, v28  }
0x1dc: {  	v20 =	vld.idx.msk [tilespmem:v27+s9+$0x0], $0xffff;
	v39 =	vadd.f32 v13, v38;
	v26 =	vmul.f32 v32, v32;
	v5 =	vmul.f32 v40, v32  }
0x1dd: {  	v14 =	vld.idx.msk [tilespmem:v27+s8+$0x0], $0xffff;
	v44 =	vmul.f32 v28, v40;
	v13 =	vimm.f32 $0.0e+00;
	v8 =	vimm.f32 $0.0e+00  }
0x1de: {  	s14 =	simm.s32 $0xF;
	v11 =	vld.idx.msk [tilespmem:v27+s6+$0x0], $0xffff;
	v22 =	vadd.f32 v6, v7;
	v6 =	vimm.f32 $0.0e+00;
	v7 =	vimm.f32 $0.0e+00  }
.LBB2_25:
0x1df: {  	p0 =	sne.s32 s14, $0x1;
	s14 =	sadd.s32 $0xFFFFFFFF, s14;
	v38 =	vadd.f32 v23, v38;
	v46 =	vmul.f32 v16, v10;
	v23 =	vadd.s32 $0x1, v45  }
0x1e0: {  	v47 =	vmul.f32 v40, v40;
	v48 =	vmul.f32 v28, v32;
	v45 =	vor.u32 v12, v45  }
0x1e1: {  	v40 =	vmul.f32 v33, v40;
	v41 =	vadd.f32 v46, v41;
	v46 =	vmul.f32 v9, v10;
	v34 =	vld.idx.msk [tilespmem:v34+s6+$0x0], $0xffff  }
0x1e2: {  	v49 =	vmul.f32 v17, v17;
	v43 =	vadd.f32 v47, v43;
	v47 =	vmul.f32 v36, v36  }
0x1e3: {  	v42 =	vadd.f32 v44, v42;
	v44 =	vmul.f32 v28, v36;
	v50 =	vmul.f32 v20, v15;
	v29 =	vld.idx.msk [tilespmem:v29+s21+$0x0], $0xffff  }
0x1e4: {  	v38 =	vadd.f32 v47, v38;
	v51 =	vmul.f32 v14, v15;
	v52 =	vmul.f32 v20, v14;
	v47 =	vld.idx.msk [tilespmem:v27+s7+$0x0], $0xffff  }
0x1e5: {  	v30 =	vadd.f32 v37, v30;
	v32 =	vmul.f32 v33, v32;
	v37 =	vmul.f32 v14, v14;
	v53 =	vld.idx.msk [tilespmem:v45+s8+$0x0], $0xffff  }
0x1e6: {  	v35 =	vadd.f32 v49, v35;
	v49 =	vmul.f32 v33, v36;
	v54 =	vmul.f32 v20, v11;
	v55 =	vld.idx.msk [tilespmem:v45+s0+$0x0], $0xffff  }
0x1e7: {  	v56 =	vmul.f32 v33, v33;
	v39 =	vadd.f32 v40, v39;
	v40 =	vmul.f32 v33, v34;
	v57 =	vld.idx.msk [tilespmem:v45+s9+$0x0], $0xffff  }
0x1e8: {  	v41 =	vadd.f32 v49, v41;
	v49 =	vmul.f32 v20, v20;
	v33 =	vmul.f32 v28, v33;
	v58 =	vld.idx.msk [tilespmem:v45+s21+$0x0], $0xffff  }
0x1e9: {  	v31 =	vadd.f32 v56, v31;
	v56 =	vmul.f32 v15, v15;
	v28 =	vmul.f32 v28, v34  }
0x1ea: {  	v24 =	vadd.f32 v46, v24;
	v42 =	vadd.f32 v50, v42;
	v46 =	vmul.f32 v47, v47  }
0x1eb: {  	v36 =	vmul.f32 v36, v34;
	v30 =	vadd.f32 v33, v30;
	v33 =	vadd.f32 v51, v39  }
0x1ec: {  	v43 =	vadd.f32 v56, v43;
	v39 =	vmul.f32 v9, v29;
	v38 =	vadd.f32 v46, v38  }
0x1ed: {  	v24 =	vadd.f32 v44, v24;
	v44 =	vmul.f32 v20, v47;
	v46 =	vmul.f32 v16, v29;
	v27 =	vld.idx.msk [tilespmem:v27+s21+$0x0], $0xffff  }
0x1ee: {  	v31 =	vadd.f32 v37, v31;
	v21 =	vmul.f32 v21, v29;
	v50 =	vmul.f32 v53, v53;
	v37 =	vld.idx.msk [tilespmem:v45+s7+$0x0], $0xffff  }
0x1ef: {  	v34 =	vmul.f32 v34, v34;
	v19 =	vadd.f32 v39, v19;
	v30 =	vadd.f32 v52, v30  }
0x1f0: {  	v22 =	vadd.f32 v49, v22;
	v29 =	vmul.f32 v29, v29;
	v18 =	vadd.f32 v46, v18;
	v39 =	vld.idx.msk [tilespmem:v45+s6+$0x0], $0xffff  }
0x1f1: {  	v34 =	vadd.f32 v34, v35;
	v35 =	vmul.f32 v47, v11;
	v45 =	vmul.f32 v53, v55  }
0x1f2: {  	v24 =	vadd.f32 v44, v24;
	v44 =	vmul.f32 v57, v55;
	v46 =	vmul.f32 v11, v11  }
0x1f3: {  	v25 =	vadd.f32 v29, v25;
	v49 =	vmul.f32 v58, v58;
	v20 =	vmul.f32 v20, v27  }
0x1f4: {  	v13 =	vadd.f32 v21, v13;
	v16 =	vmul.f32 v16, v17;
	v21 =	vmul.f32 v57, v57  }
0x1f5: {  	v25 =	vadd.f32 v26, v25;
	v26 =	vmul.f32 v14, v47;
	v15 =	vmul.f32 v15, v27  }
0x1f6: {  	v9 =	vmul.f32 v9, v17;
	v19 =	vadd.f32 v48, v19;
	v29 =	vmul.f32 v57, v58  }
0x1f7: {  	v18 =	vadd.f32 v32, v18;
	v26 =	vadd.f32 v26, v41;
	v32 =	vmul.f32 v27, v27  }
0x1f8: {  	v10 =	vmul.f32 v10, v17;
	v8 =	vadd.f32 v9, v8;
	v9 =	vmul.f32 v57, v37  }
0x1f9: {  	v11 =	vmul.f32 v14, v11;
	v17 =	vadd.f32 v32, v25;
	v32 =	vmul.f32 v53, v37  }
0x1fa: {  	v6 =	vadd.f32 v16, v6;
	v16 =	vmul.f32 v39, v39;
	v47 =	vmul.f32 v37, v39  }
0x1fb: {  	v7 =	vadd.f32 v10, v7;
	v10 =	vmul.f32 v14, v27;
	v24 =	vadd.f32 v9, v24  }
0x1fc: {  	v6 =	vadd.f32 v40, v6;
	v9 =	vadd.f32 v20, v19;
	v14 =	vmul.f32 v57, v39  }
0x1fd: {  	v10 =	vadd.f32 v10, v18;
	v18 =	vmul.f32 v53, v58;
	v20 =	vadd.f32 v46, v34  }
0x1fe: {  	v6 =	vadd.f32 v11, v6;
	v45 =	vadd.f32 v45, v33;
	v11 =	vmul.f32 v53, v39  }
0x1ff: {  	v27 =	vmul.f32 v55, v58;
	v19 =	vadd.f32 v29, v9;
	v9 =	vmul.f32 v37, v37  }
0x200: {  	v8 =	vadd.f32 v28, v8;
	v6 =	vadd.f32 v11, v6;
	v11 =	vmul.f32 v57, v53  }
0x201: {  	v5 =	vadd.f32 v5, v13;
	v13 =	vmul.f32 v55, v55;
	v18 =	vadd.f32 v18, v10  }
0x202: {  	v7 =	vadd.f32 v36, v7;
	v10 =	vand.u32 $0x3F, v23;
	v30 =	vadd.f32 v11, v30  }
0x203: {  	v8 =	vadd.f32 v54, v8;
	v5 =	vadd.f32 v15, v5;
	v29 =	vor.u32 v12, v10  }
0x204: {  	v10 =	vadd.s32 $0x1, v23;
	v11 =	vadd.f32 v13, v43;
	v38 =	vadd.f32 v9, v38  }
0x205: {  	v36 =	vadd.f32 v44, v42;
	v8 =	vadd.f32 v14, v8;
	v9 =	vand.u32 $0x3F, v10  }
0x206: {  	v25 =	vadd.f32 v49, v17;
	v13 =	vadd.f32 v27, v5;
	v34 =	vor.u32 v12, v9  }
0x207: {  	v5 =	vadd.f32 v35, v7;
	v35 =	vadd.f32 v16, v20  }
0x208: {  	v41 =	vadd.f32 v32, v26;
	v14 =	vadd.f32 v21, v22;
	v9 =	vld.idx.msk [tilespmem:v29+s9+$0x0], $0xffff  }
0x209: {  	v10 =	vadd.s32 $0x2, v23;
	v7 =	vadd.f32 v47, v5;
	v5 =	vadd.f32 v50, v31;
	v16 =	vld.idx.msk [tilespmem:v29+s8+$0x0], $0xffff  }
0x20a: {  	v10 =	vand.u32 $0x3F, v10;
	v21 =	vld.idx.msk [tilespmem:v29+s0+$0x0], $0xffff  }
0x20b: {  	v27 =	vor.u32 v12, v10;
	v32 =	vld.idx.msk [tilespmem:v34+s21+$0x0], $0xffff  }
0x20c: {  	v28 =	vld.idx.msk [tilespmem:v34+s9+$0x0], $0xffff  }
0x20d: {  	v10 =	vld.idx.msk [tilespmem:v29+s7+$0x0], $0xffff  }
0x20e: {  	v15 =	vmul.f32 v9, v9;
	v33 =	vld.idx.msk [tilespmem:v34+s8+$0x0], $0xffff  }
0x20f: {  	v20 =	vmul.f32 v16, v16;
	v37 =	vmul.f32 v9, v16;
	v40 =	vld.idx.msk [tilespmem:v34+s0+$0x0], $0xffff  }
0x210: {  	v22 =	vmul.f32 v21, v21;
	v26 =	vmul.f32 v9, v21;
	v14 =	vadd.f32 v15, v14;
	v17 =	vld.idx.msk [tilespmem:v29+s6+$0x0], $0xffff  }
.Ltmp11:
0x211: {  	v39 =	vmul.f32 v16, v21;
	v31 =	vadd.f32 v20, v5;
	v15 =	vld.idx.msk [tilespmem:v27+s0+$0x0], $0xffff;
	(pc) =	sbr.rel @p0 .LBB2_25-.Ltmp11, $4  }
0x212: {  	v43 =	vadd.f32 v22, v11;
	v42 =	vadd.f32 v26, v36;
	v11 =	vld.idx.msk [tilespmem:v27+s6+$0x0], $0xffff  }
0x213: {  	v5 =	vadd.s32 $0x3, v23;
	v39 =	vadd.f32 v39, v45;
	v22 =	vmul.f32 v28, v28;
	v36 =	vld.idx.msk [tilespmem:v34+s7+$0x0], $0xffff  }
0x214: {  	v26 =	vmul.f32 v32, v32;
	v45 =	vand.u32 $0x3F, v5;
	v23 =	vmul.f32 v10, v10;
	v20 =	vld.idx.msk [tilespmem:v27+s9+$0x0], $0xffff  }
0x215: {  	v22 =	vadd.f32 v22, v14;
	v5 =	vmul.f32 v40, v32;
	v44 =	vmul.f32 v28, v40;
	v14 =	vld.idx.msk [tilespmem:v27+s8+$0x0], $0xffff  }
0x216: {  	v56 =	vmul.f32 v16, v10  }
0x217: {  	v46 =	vmul.f32 v40, v40;
	v47 =	vmul.f32 v28, v32  }
0x218: {  	v45 =	vor.u32 v12, v45;
	v12 =	vmul.f32 v9, v10;
	v57 =	vmul.f32 v33, v40  }
0x219: {  	v23 =	vadd.f32 v23, v38;
	v58 =	vmul.f32 v17, v17;
	v52 =	vmul.f32 v33, v32  }
0x21a: {  	v37 =	vadd.f32 v37, v30;
	v62 =	vmul.f32 v33, v33;
	v63 =	vmul.f32 v28, v33  }
0x21b: {  	v50 =	vld.idx.msk [tilespmem:v29+s21+$0x0], $0xffff;
	v10 =	vmul.f32 v10, v17;
	v42 =	vadd.f32 v44, v42;
	v38 =	vadd.f32 v56, v41  }
0x21c: {  	v55 =	vld.idx.msk [tilespmem:v27+s21+$0x0], $0xffff;
	v43 =	vadd.f32 v46, v43;
	v59 =	vmul.f32 v36, v36;
	v48 =	vmul.f32 v28, v36  }
0x21d: {  	v41 =	vld.idx.msk [tilespmem:v34+s6+$0x0], $0xffff;
	v61 =	vmul.f32 v33, v36;
	v40 =	vadd.f32 v58, v35;
	v34 =	vadd.f32 v57, v39  }
0x21e: {  	v31 =	vadd.f32 v62, v31;
	v56 =	vmul.f32 v15, v15;
	v12 =	vadd.f32 v12, v24  }
0x21f: {  	v7 =	vadd.f32 v10, v7;
	v60 =	vmul.f32 v20, v15;
	v39 =	vmul.f32 v20, v20  }
0x220: {  	v49 =	vmul.f32 v14, v15;
	v46 =	vadd.f32 v59, v23;
	v51 =	vmul.f32 v20, v14  }
0x221: {  	v53 =	vld.idx.msk [tilespmem:v27+s7+$0x0], $0xffff;
	v54 =	vmul.f32 v14, v14;
	v23 =	vmul.f32 v20, v11;
	v38 =	vadd.f32 v61, v38  }
0x222: {  	v43 =	vadd.f32 v56, v43;
	v57 =	vmul.f32 v50, v50;
	v62 =	vmul.f32 v55, v55  }
0x223: {  	v48 =	vadd.f32 v48, v12;
	v27 =	vld.idx.msk [tilespmem:v45+s0+$0x0], $0xffff;
	v44 =	vmul.f32 v16, v50;
	v16 =	vmul.f32 v16, v17  }
0x224: {  	v29 =	vld.idx.msk [tilespmem:v45+s21+$0x0], $0xffff;
	v22 =	vadd.f32 v39, v22;
	v15 =	vmul.f32 v15, v55;
	v34 =	vadd.f32 v49, v34  }
0x225: {  	v24 =	vld.idx.msk [tilespmem:v45+s6+$0x0], $0xffff;
	v35 =	vmul.f32 v33, v41;
	v30 =	vmul.f32 v28, v41;
	v61 =	vadd.f32 v57, v25  }
0x226: {  	v28 =	vadd.f32 v60, v42;
	v60 =	vmul.f32 v53, v53;
	v32 =	vmul.f32 v36, v41;
	v25 =	vld.idx.msk [tilespmem:v45+s7+$0x0], $0xffff  }
0x227: {  	v36 =	vadd.f32 v63, v37;
	v41 =	vmul.f32 v41, v41;
	v26 =	vadd.f32 v26, v61  }
0x228: {  	v37 =	vmul.f32 v9, v50;
	v63 =	vmul.f32 v11, v11;
	v33 =	vadd.f32 v54, v31  }
0x229: {  	v40 =	vadd.f32 v41, v40;
	v56 =	vmul.f32 v29, v29;
	v26 =	vadd.f32 v62, v26  }
0x22a: {  	v42 =	vadd.f32 v60, v46;
	v57 =	vmul.f32 v24, v24;
	v58 =	vmul.f32 v27, v27  }
0x22b: {  	v40 =	vadd.f32 v63, v40;
	v59 =	vmul.f32 v25, v25;
	v26 =	vadd.f32 v56, v26  }
0x22c: {  	v9 =	vmul.f32 v9, v17;
	v46 =	vmul.f32 v21, v50;
	v31 =	vadd.f32 v58, v43  }
0x22d: {  	v21 =	vadd.f32 v57, v40;
	v12 =	vadd.f32 v59, v42;
	v40 =	vmax.f32 v26, $1.000000000e-30  }
0x22e: {  	v43 =	vmax.f32 v31, $1.000000000e-30;
	v60 =	vshra.s32 v40, $0x1;
	v42 =	vmul.f32 $5.000000000e-01, v40  }
0x22f: {  	v61 =	vshra.s32 v43, $0x1;
	v50 =	vmul.f32 $5.000000000e-01, v43;
	v41 =	vsub.s32 $0x5F3759DF, v60  }
0x230: {  	v56 =	vmax.f32 v21, $1.000000000e-30;
	v49 =	vsub.s32 $0x5F3759DF, v61;
	v62 =	vmul.f32 v41, v42  }
0x231: {  	v58 =	vshra.s32 v56, $0x1;
	v59 =	vmul.f32 $5.000000000e-01, v56;
	v63 =	vmul.f32 v49, v50  }
0x232: {  	v18 =	vadd.f32 v44, v18;
	v58 =	vsub.s32 $0x5F3759DF, v58;
	v54 =	vmul.f32 v41, v62  }
0x233: {  	v61 =	vmax.f32 v12, $1.000000000e-30;
	v60 =	vmul.f32 v58, v59;
	v57 =	vmul.f32 v49, v63  }
0x234: {  	v63 =	vmul.f32 $5.000000000e-01, v61;
	v62 =	vshra.s32 v61, $0x1;
	v54 =	vsub.f32 $1.500000000e+00, v54  }
0x235: {  	v60 =	vmul.f32 v58, v60;
	v57 =	vsub.f32 $1.500000000e+00, v57;
	v62 =	vsub.s32 $0x5F3759DF, v62  }
0x236: {  	v19 =	vadd.f32 v37, v19;
	v37 =	vmul.f32 v41, v54;
	v41 =	vmul.f32 v62, v63  }
0x237: {  	v6 =	vadd.f32 v16, v6;
	v60 =	vsub.f32 $1.500000000e+00, v60;
	v49 =	vmul.f32 v49, v57  }
0x238: {  	v36 =	vadd.f32 v51, v36;
	v18 =	vadd.f32 v52, v18;
	v41 =	vmul.f32 v62, v41  }
0x239: {  	v8 =	vadd.f32 v9, v8;
	v44 =	vmul.f32 v58, v60;
	v60 =	vmul.f32 v49, v50  }
0x23a: {  	v6 =	vadd.f32 v35, v6;
	v51 =	vmul.f32 v37, v42;
	v41 =	vsub.f32 $1.500000000e+00, v41  }
0x23b: {  	v7 =	vadd.f32 v32, v7;
	v39 =	vmul.f32 v60, v49;
	v60 =	vmul.f32 v20, v53  }
0x23c: {  	v13 =	vadd.f32 v46, v13;
	v58 =	vmul.f32 v51, v37;
	v41 =	vmul.f32 v62, v41  }
0x23d: {  	v19 =	vadd.f32 v47, v19;
	v8 =	vadd.f32 v30, v8;
	v51 =	vmul.f32 v44, v59  }
0x23e: {  	v48 =	vadd.f32 v60, v48;
	v17 =	vsub.f32 $1.500000000e+00, v58;
	v60 =	vmul.f32 v41, v63  }
0x23f: {  	v30 =	vmul.f32 v27, v29;
	v5 =	vadd.f32 v5, v13;
	v51 =	vmul.f32 v51, v44  }
0x240: {  	v39 =	vsub.f32 $1.500000000e+00, v39;
	v17 =	vmul.f32 v17, v37;
	v37 =	vmul.f32 v60, v41  }
0x241: {  	v8 =	vadd.f32 v23, v8;
	v62 =	vmul.f32 v14, v53;
	v51 =	vsub.f32 $1.500000000e+00, v51  }
0x242: {  	v39 =	vmul.f32 v39, v49;
	v49 =	vmul.f32 v53, v11;
	v37 =	vsub.f32 $1.500000000e+00, v37  }
0x243: {  	vm11 =	vgt.f32 v31, $0.0e+00;
	v44 =	vmul.f32 v51, v44;
	v42 =	vmul.f32 v17, v42  }
0x244: {  	vm0 =	vgt.f32 v26, $0.0e+00;
	v57 =	vld.idx.msk [tilespmem:v45+s8+$0x0], $0xffff;
	v53 =	vmul.f32 v39, v50;
	v37 =	vmul.f32 v37, v41  }
0x245: {  	vm12 =	vgt.f32 v21, $0.0e+00;
	v45 =	vld.idx.msk [tilespmem:v45+s9+$0x0], $0xffff;
	v52 =	vmul.f32 v42, v17;
	v59 =	vmul.f32 v44, v59  }
0x246: {  	v38 =	vadd.f32 v62, v38;
	v42 =	vmul.f32 v53, v39;
	v62 =	vmul.f32 v37, v63  }
0x247: {  	v11 =	vmul.f32 v14, v11;
	v9 =	vsub.f32 $1.500000000e+00, v52;
	v50 =	vmul.f32 v59, v44  }
0x248: {  	v60 =	vmul.f32 v14, v55;
	v63 =	vsub.f32 $1.500000000e+00, v42;
	v14 =	vmul.f32 v62, v37  }
0x249: {  	v20 =	vmul.f32 v20, v55;
	v9 =	vmul.f32 v9, v17;
	v51 =	vsub.f32 $1.500000000e+00, v50  }
0x24a: {  	v54 =	vmul.f32 v45, v25;
	v17 =	vmul.f32 v63, v39;
	v14 =	vsub.f32 $1.500000000e+00, v14  }
0x24b: {  	v5 =	vadd.f32 v15, v5;
	v9 =	vmul.f32 v9, v40;
	v52 =	vmul.f32 v51, v44  }
0x24c: {  	vm13 =	vgt.f32 v12, $0.0e+00;
	v17 =	vmul.f32 v17, v43;
	v14 =	vmul.f32 v14, v37  }
0x24d: {  	v16 =	vadd.f32 v54, v48;
	v9 =	vmax.f32 v9, $9.999999960e-13;
	v53 =	vmul.f32 v52, v56  }
0x24e: {  	v9 =	vnsel vm0, $0x2B8CBCCC, v9;
	v17 =	vmax.f32 v17, $9.999999960e-13;
	v14 =	vmul.f32 v14, v61  }
0x24f: {  	(erf) = vrcp.f32 v9;
	v55 =	vmax.f32 v53, $9.999999960e-13;
	v54 =	vnsel vm11, $0x2B8CBCCC, v17  }
0x250: {  	v9 =	vnsel vm12, $0x2B8CBCCC, v55;
	(erf) = vrcp.f32 v54;
	v14 =	vmax.f32 v14, $9.999999960e-13  }
0x251: {  	v46 =	vmul.f32 v57, v27;
	(erf) = vrcp.f32 v9;
	v56 =	vnsel vm13, $0x2B8CBCCC, v14  }
0x252: {  	v19 =	vadd.f32 v20, v19;
	v20 =	vmul.f32 v45, v57;
	(erf) = vrcp.f32 v56  }
0x253: {  	v5 =	vadd.f32 v30, v5;
	v47 =	vmul.f32 v45, v27;
	v32 =	vmul.f32 v57, v25  }
0x254: {  	v58 =	vmul.f32 v57, v57;
	v13 =	vadd.f32 v20, v36;
	v36 =	vmul.f32 v45, v45  }
0x255: {  	v6 =	vadd.f32 v11, v6;
	v10 =	vadd.f32 v60, v18;
	v60 =	vmul.f32 v57, v24  }
0x256: {  	v7 =	vadd.f32 v49, v7;
	v20 =	vadd.f32 v36, v22;
	v61 =	vmul.f32 v57, v29  }
0x257: {  	v41 =	vmul.f32 v45, v29;
	v59 =	vadd.f32 v46, v34;
	v6 =	vadd.f32 v60, v6  }
0x258: {  	v34 =	vadd.f32 v47, v28;
	v63 =	vmul.f32 v45, v24;
	v9 =	vadd.f32 v61, v10;
	v35 =	vpop (erf)  }
0x259: {  	v62 =	vadd.f32 v41, v19;
	v39 =	vmul.f32 v25, v24;
	v45 =	vadd.f32 v58, v33;
	v37 =	vpop (erf)  }
0x25a: {  	v8 =	vadd.f32 v63, v8;
	v9 =	vmul.f32 v35, v9;
	v41 =	vmul.f32 v35, v35;
	v40 =	vpop (erf)  }
0x25b: {  	v7 =	vadd.f32 v39, v7;
	v17 =	vmul.f32 v35, v62;
	v43 =	vmul.f32 v37, v35;
	v44 =	vpop (erf)  }
0x25c: {  	v14 =	vadd.f32 v32, v38;
	v42 =	vmul.f32 v37, v37;
	v46 =	vmul.f32 v44, v40  }
0x25d: {  	v11 =	vmul.f32 v37, v59;
	v22 =	vmul.f32 v41, v26;
	v24 =	vsub.f32 $0.0e+00, v43  }
0x25e: {  	v6 =	vmul.f32 v40, v6;
	v14 =	vmul.f32 v44, v14;
	v47 =	vsub.f32 $0.0e+00, v46  }
0x25f: {  	v10 =	vmul.f32 v37, v34;
	v48 =	vsub.f32 v9, v11;
	v5 =	vmul.f32 v24, v5  }
0x260: {  	v8 =	vmul.f32 v40, v8;
	v49 =	vsub.f32 v6, v14;
	v7 =	vmul.f32 v47, v7  }
0x261: {  	v18 =	vmul.f32 v42, v31;
	v9 =	vmul.f32 v48, v9;
	v5 =	vadd.f32 v5, v17  }
0x262: {  	v50 =	vmul.f32 v40, v40;
	v6 =	vmul.f32 v49, v6;
	v7 =	vadd.f32 v7, v8  }
0x263: {  	v18 =	vadd.f32 v18, v22;
	v51 =	vmul.f32 v44, v44;
	v5 =	vsub.f32 v5, v9  }
0x264: {  	v11 =	vmul.f32 v48, v11;
	v6 =	vsub.f32 v7, v6;
	v7 =	vmul.f32 v44, v16  }
0x265: {  	v52 =	vmul.f32 v48, v48;
	v9 =	vmul.f32 v51, v12;
	v5 =	vsub.f32 v5, v10  }
0x266: {  	v8 =	vmul.f32 v50, v21;
	v6 =	vsub.f32 v6, v7;
	v7 =	vmul.f32 v49, v14  }
0x267: {  	v53 =	vmul.f32 v48, v13;
	v54 =	vmul.f32 v49, v49;
	v5 =	vadd.f32 v5, v11  }
0x268: {  	v8 =	vadd.f32 v9, v8;
	v6 =	vadd.f32 v6, v7;
	v7 =	vmul.f32 v49, v13  }
0x269: {  	v55 =	vadd.f32 v18, v20;
	v10 =	vmul.f32 v52, v45;
	v5 =	vsub.f32 v5, v53  }
0x26a: {  	v9 =	vmul.f32 v54, v45;
	v8 =	vadd.f32 v8, v20;
	v6 =	vsub.f32 v6, v7  }
0x26b: {  	v5 =	vadd.f32 v5, v5;
	v7 =	vadd.f32 v10, v55  }
0x26c: {  	v8 =	vadd.f32 v9, v8;
	v6 =	vadd.f32 v6, v6  }
0x26d: {  	v5 =	vadd.f32 v5, v7  }
0x26e: {  	v6 =	vadd.f32 v6, v8  }
0x26f: {  	v7 =	vmax.f32 v5, $1.000000000e-30  }
0x270: {  	v56 =	vshra.s32 v7, $0x1;
	v57 =	vmul.f32 $5.000000000e-01, v7;
	v58 =	vmax.f32 v6, $1.000000000e-30  }
0x271: {  	v8 =	vsub.s32 $0x5F3759DF, v56;
	v59 =	vshra.s32 v58, $0x1;
	v60 =	vmul.f32 $5.000000000e-01, v58  }
0x272: {  	v61 =	vmul.f32 v8, v57;
	v11 =	vsub.s32 $0x5F3759DF, v59  }
0x273: {  	v62 =	vmul.f32 v11, v60  }
0x274: {  	v13 =	vmul.f32 v8, v61  }
0x275: {  	v14 =	vmul.f32 v11, v62  }
0x276: {  	v13 =	vsub.f32 $1.500000000e+00, v13  }
0x277: {  	v14 =	vsub.f32 $1.500000000e+00, v14  }
0x278: {  	v8 =	vmul.f32 v8, v13  }
0x279: {  	v11 =	vmul.f32 v11, v14  }
0x27a: {  	v13 =	vmul.f32 v8, v57  }
0x27b: {  	v14 =	vmul.f32 v11, v60  }
0x27c: {  	v13 =	vmul.f32 v13, v8  }
0x27d: {  	v14 =	vmul.f32 v14, v11  }
0x27e: {  	v13 =	vsub.f32 $1.500000000e+00, v13  }
0x27f: {  	v14 =	vsub.f32 $1.500000000e+00, v14  }
0x280: {  	v8 =	vmul.f32 v13, v8  }
0x281: {  	v11 =	vmul.f32 v14, v11  }
0x282: {  	v9 =	vmul.f32 v8, v57  }
0x283: {  	v12 =	vmul.f32 v11, v60  }
0x284: {  	v9 =	vmul.f32 v9, v8  }
0x285: {  	v12 =	vmul.f32 v12, v11  }
0x286: {  	v9 =	vsub.f32 $1.500000000e+00, v9  }
0x287: {  	v12 =	vsub.f32 $1.500000000e+00, v12  }
0x288: {  	s11 =	sadd.s32 $0x1, s11;
	v8 =	vmul.f32 v9, v8  }
0x289: {  	p0 =	sne.s32 s11, $0x8;
	v63 =	vmul.f32 v12, v11  }
.Ltmp12:
0x28a: {  	v7 =	vmul.f32 v8, v7;
	(pc) =	sbr.rel @p0 .LBB2_24-.Ltmp12, $4  }
0x28b: {  	vm14 =	vgt.f32 v5, $0.0e+00;
	v5 =	vmul.f32 v63, v58  }
0x28c: {  	vm15 =	vgt.f32 v6, $0.0e+00;
	v7 =	vnsel vm14, $0x0, v7  }
0x28d: {  	[tilespmem:s13+$0x18C80] =	vst v7;
	v5 =	vnsel vm15, $0x0, v5  }
0x28e: {  	[tilespmem:s13+$0x18E80] =	vst v5  }
0x28f: {  	_ =	swait.ge [sflag:s19], $0x2000  }
0x290: {  	[sflag:s19] =	ssyncset.done $0x0  }
0x291: {  	[sflag:s19] =	ssyncadd.s32 $0xFFFFE000  }
0x292: {  	_ =	swait.ge [sflag:s19], $0x2000  }
0x293: {  	[sflag:s19] =	ssyncset.done $0x0  }
0x294: {  	[sflag:s19] =	ssyncadd.s32 $0xFFFFE000  }
0x295: {  	_ =	swait.ge [sflag:s19], $0x2000  }
0x296: {  	[sflag:s19] =	ssyncset.done $0x0  }
0x297: {  	[sflag:s19] =	ssyncadd.s32 $0xFFFFE000  }
0x298: {  	_ =	swait.ge [sflag:s19], $0x2000  }
0x299: {  	[sflag:s19] =	ssyncset.done $0x0  }
0x29a: {  	[sflag:s19] =	ssyncadd.s32 $0xFFFFE000  }
0x29b: {  	_ =	swait.ge [sflag:s19], $0x2000  }
0x29c: {  	[sflag:s19] =	ssyncset.done $0x0  }
0x29d: {  	[sflag:s19] =	ssyncadd.s32 $0xFFFFE000  }
0x29e: {  	_ =	swait.ge [sflag:s19], $0x2000  }
0x29f: {  	[sflag:s19] =	ssyncset.done $0x0  }
0x2a0: {  	s11 =	simm.s32 $0x180;
	[sflag:s19] =	ssyncadd.s32 $0xFFFFE000  }
0x2a1: {  	[tilespmem:s21], [sflag:$0x2] =	stream.indirect.gather [hbm4b:s3+s26], $0x40, s11, s26, $0xb8;
	[tilespmem:$0x1B000] =	vst v63  }
0x2a2: {  	s13 =	simm.s32 $0x380  }
0x2a3: {  	[tilespmem:s0], [sflag:$0x2] =	stream.indirect.gather [hbm4b:s3+s26], $0x40, s13, s26, $0xb8;
	[tilespmem:$0x1B000] =	vst v63  }
0x2a4: {  	s14 =	simm.s32 $0x580  }
0x2a5: {  	[tilespmem:s6], [sflag:$0x2] =	stream.indirect.gather [hbm4b:s3+s26], $0x40, s14, s26, $0xb8;
	[tilespmem:$0x1B000] =	vst v63  }
0x2a6: {  	s13 =	simm.s32 $0x780  }
0x2a7: {  	[tilespmem:s7], [sflag:$0x2] =	stream.indirect.gather [hbm4b:s3+s26], $0x40, s13, s26, $0xb8;
	[tilespmem:$0x1B000] =	vst v63  }
0x2a8: {  	s14 =	simm.s32 $0xB80  }
0x2a9: {  	[tilespmem:s8], [sflag:$0x2] =	stream.indirect.gather [hbm4b:s5+s26], $0x40, s14, s26, $0xb8;
	[tilespmem:$0x1B000] =	vst v63  }
0x2aa: {  	s11 =	simm.s32 $0x0  }
0x2ab: {  	[tilespmem:s9], [sflag:$0x2] =	stream.indirect.gather [hbm4b:s4+s26], $0x40, s14, s26, $0xb8;
	[tilespmem:$0x1B000] =	vst v63  }
.LBB2_28:
0x2ac: {  	s13 =	sshll.u32 s11, $0x4  }
0x2ad: {  	v5 =	vor.u32 s13, v0  }
0x2ae: {  	v12 =	vshll.u32 v5, $0x6;
	v6 =	vand.u32 $0x3F, v5  }
0x2af: {  	v29 =	vor.u32 v12, v6;
	_ =	sdelay $0x1  }
0x2b0: {  	v6 =	vadd.s32 $0x1, v5  }
0x2b1: {  	v6 =	vand.u32 $0x3F, v6  }
0x2b2: {  	v34 =	vor.u32 v12, v6  }
0x2b3: {  	v9 =	vld.idx.msk [tilespmem:v29+s22+$0x0], $0xffff  }
0x2b4: {  	v16 =	vld.idx.msk [tilespmem:v29+s1+$0x0], $0xffff  }
0x2b5: {  	v38 =	vimm.f32 $0.0e+00;
	v21 =	vld.idx.msk [tilespmem:v29+s29+$0x0], $0xffff  }
0x2b6: {  	v41 =	vimm.f32 $0.0e+00;
	v30 =	vimm.f32 $0.0e+00;
	v6 =	vadd.s32 $0x2, v5;
	v10 =	vld.idx.msk [tilespmem:v29+s31+$0x0], $0xffff  }
0x2b7: {  	v35 =	vimm.f32 $0.0e+00;
	v24 =	vimm.f32 $0.0e+00;
	v6 =	vand.u32 $0x3F, v6;
	v32 =	vld.idx.msk [tilespmem:v34+s28+$0x0], $0xffff  }
0x2b8: {  	v19 =	vimm.f32 $0.0e+00;
	v18 =	vimm.f32 $0.0e+00;
	v27 =	vor.u32 v12, v6;
	v28 =	vld.idx.msk [tilespmem:v34+s22+$0x0], $0xffff  }
0x2b9: {  	v25 =	vimm.f32 $0.0e+00;
	v40 =	vld.idx.msk [tilespmem:v34+s29+$0x0], $0xffff;
	v7 =	vmul.f32 v9, v9;
	v6 =	vmul.f32 v16, v16  }
0x2ba: {  	v5 =	vadd.s32 $0x3, v5;
	v17 =	vld.idx.msk [tilespmem:v29+s30+$0x0], $0xffff;
	v8 =	vmul.f32 v21, v21;
	v11 =	vmul.f32 v9, v21  }
0x2bb: {  	v45 =	vand.u32 $0x3F, v5;
	v33 =	vld.idx.msk [tilespmem:v34+s1+$0x0], $0xffff;
	v13 =	vmul.f32 v16, v21;
	v37 =	vmul.f32 v9, v16  }
0x2bc: {  	v36 =	vld.idx.msk [tilespmem:v34+s31+$0x0], $0xffff;
	v23 =	vmul.f32 v10, v10;
	v7 =	vadd.f32 v7, v38;
	v31 =	vadd.f32 v6, v38  }
0x2bd: {  	v15 =	vld.idx.msk [tilespmem:v27+s29+$0x0], $0xffff;
	v43 =	vadd.f32 v8, v38;
	v42 =	vadd.f32 v11, v38;
	v6 =	vmul.f32 v28, v28  }
0x2be: {  	v20 =	vld.idx.msk [tilespmem:v27+s22+$0x0], $0xffff;
	v39 =	vadd.f32 v13, v38;
	v26 =	vmul.f32 v32, v32;
	v5 =	vmul.f32 v40, v32  }
0x2bf: {  	v14 =	vld.idx.msk [tilespmem:v27+s1+$0x0], $0xffff;
	v44 =	vmul.f32 v28, v40;
	v13 =	vimm.f32 $0.0e+00;
	v8 =	vimm.f32 $0.0e+00  }
0x2c0: {  	s14 =	simm.s32 $0xF;
	v11 =	vld.idx.msk [tilespmem:v27+s30+$0x0], $0xffff;
	v22 =	vadd.f32 v6, v7;
	v6 =	vimm.f32 $0.0e+00;
	v7 =	vimm.f32 $0.0e+00  }
.LBB2_29:
0x2c1: {  	p0 =	sne.s32 s14, $0x1;
	s14 =	sadd.s32 $0xFFFFFFFF, s14;
	v38 =	vadd.f32 v23, v38;
	v46 =	vmul.f32 v16, v10;
	v23 =	vadd.s32 $0x1, v45  }
0x2c2: {  	v47 =	vmul.f32 v40, v40;
	v48 =	vmul.f32 v28, v32;
	v45 =	vor.u32 v12, v45  }
0x2c3: {  	v40 =	vmul.f32 v33, v40;
	v41 =	vadd.f32 v46, v41;
	v46 =	vmul.f32 v9, v10;
	v34 =	vld.idx.msk [tilespmem:v34+s30+$0x0], $0xffff  }
0x2c4: {  	v49 =	vmul.f32 v17, v17;
	v43 =	vadd.f32 v47, v43;
	v47 =	vmul.f32 v36, v36  }
0x2c5: {  	v42 =	vadd.f32 v44, v42;
	v44 =	vmul.f32 v28, v36;
	v50 =	vmul.f32 v20, v15;
	v29 =	vld.idx.msk [tilespmem:v29+s28+$0x0], $0xffff  }
0x2c6: {  	v38 =	vadd.f32 v47, v38;
	v51 =	vmul.f32 v14, v15;
	v52 =	vmul.f32 v20, v14;
	v47 =	vld.idx.msk [tilespmem:v27+s31+$0x0], $0xffff  }
0x2c7: {  	v30 =	vadd.f32 v37, v30;
	v32 =	vmul.f32 v33, v32;
	v37 =	vmul.f32 v14, v14;
	v53 =	vld.idx.msk [tilespmem:v45+s1+$0x0], $0xffff  }
0x2c8: {  	v35 =	vadd.f32 v49, v35;
	v49 =	vmul.f32 v33, v36;
	v54 =	vmul.f32 v20, v11;
	v55 =	vld.idx.msk [tilespmem:v45+s29+$0x0], $0xffff  }
0x2c9: {  	v56 =	vmul.f32 v33, v33;
	v39 =	vadd.f32 v40, v39;
	v40 =	vmul.f32 v33, v34;
	v57 =	vld.idx.msk [tilespmem:v45+s22+$0x0], $0xffff  }
0x2ca: {  	v41 =	vadd.f32 v49, v41;
	v49 =	vmul.f32 v20, v20;
	v33 =	vmul.f32 v28, v33;
	v58 =	vld.idx.msk [tilespmem:v45+s28+$0x0], $0xffff  }
0x2cb: {  	v31 =	vadd.f32 v56, v31;
	v56 =	vmul.f32 v15, v15;
	v28 =	vmul.f32 v28, v34  }
0x2cc: {  	v24 =	vadd.f32 v46, v24;
	v42 =	vadd.f32 v50, v42;
	v46 =	vmul.f32 v47, v47  }
0x2cd: {  	v36 =	vmul.f32 v36, v34;
	v30 =	vadd.f32 v33, v30;
	v33 =	vadd.f32 v51, v39  }
0x2ce: {  	v43 =	vadd.f32 v56, v43;
	v39 =	vmul.f32 v9, v29;
	v38 =	vadd.f32 v46, v38  }
0x2cf: {  	v24 =	vadd.f32 v44, v24;
	v44 =	vmul.f32 v20, v47;
	v46 =	vmul.f32 v16, v29;
	v27 =	vld.idx.msk [tilespmem:v27+s28+$0x0], $0xffff  }
0x2d0: {  	v31 =	vadd.f32 v37, v31;
	v21 =	vmul.f32 v21, v29;
	v50 =	vmul.f32 v53, v53;
	v37 =	vld.idx.msk [tilespmem:v45+s31+$0x0], $0xffff  }
0x2d1: {  	v34 =	vmul.f32 v34, v34;
	v19 =	vadd.f32 v39, v19;
	v30 =	vadd.f32 v52, v30  }
0x2d2: {  	v22 =	vadd.f32 v49, v22;
	v29 =	vmul.f32 v29, v29;
	v18 =	vadd.f32 v46, v18;
	v39 =	vld.idx.msk [tilespmem:v45+s30+$0x0], $0xffff  }
0x2d3: {  	v34 =	vadd.f32 v34, v35;
	v35 =	vmul.f32 v47, v11;
	v45 =	vmul.f32 v53, v55  }
0x2d4: {  	v24 =	vadd.f32 v44, v24;
	v44 =	vmul.f32 v57, v55;
	v46 =	vmul.f32 v11, v11  }
0x2d5: {  	v25 =	vadd.f32 v29, v25;
	v49 =	vmul.f32 v58, v58;
	v20 =	vmul.f32 v20, v27  }
0x2d6: {  	v13 =	vadd.f32 v21, v13;
	v16 =	vmul.f32 v16, v17;
	v21 =	vmul.f32 v57, v57  }
0x2d7: {  	v25 =	vadd.f32 v26, v25;
	v26 =	vmul.f32 v14, v47;
	v15 =	vmul.f32 v15, v27  }
0x2d8: {  	v9 =	vmul.f32 v9, v17;
	v19 =	vadd.f32 v48, v19;
	v29 =	vmul.f32 v57, v58  }
0x2d9: {  	v18 =	vadd.f32 v32, v18;
	v26 =	vadd.f32 v26, v41;
	v32 =	vmul.f32 v27, v27  }
0x2da: {  	v10 =	vmul.f32 v10, v17;
	v8 =	vadd.f32 v9, v8;
	v9 =	vmul.f32 v57, v37  }
0x2db: {  	v11 =	vmul.f32 v14, v11;
	v17 =	vadd.f32 v32, v25;
	v32 =	vmul.f32 v53, v37  }
0x2dc: {  	v6 =	vadd.f32 v16, v6;
	v16 =	vmul.f32 v39, v39;
	v47 =	vmul.f32 v37, v39  }
0x2dd: {  	v7 =	vadd.f32 v10, v7;
	v10 =	vmul.f32 v14, v27;
	v24 =	vadd.f32 v9, v24  }
0x2de: {  	v6 =	vadd.f32 v40, v6;
	v9 =	vadd.f32 v20, v19;
	v14 =	vmul.f32 v57, v39  }
0x2df: {  	v10 =	vadd.f32 v10, v18;
	v18 =	vmul.f32 v53, v58;
	v20 =	vadd.f32 v46, v34  }
0x2e0: {  	v6 =	vadd.f32 v11, v6;
	v45 =	vadd.f32 v45, v33;
	v11 =	vmul.f32 v53, v39  }
0x2e1: {  	v27 =	vmul.f32 v55, v58;
	v19 =	vadd.f32 v29, v9;
	v9 =	vmul.f32 v37, v37  }
0x2e2: {  	v8 =	vadd.f32 v28, v8;
	v6 =	vadd.f32 v11, v6;
	v11 =	vmul.f32 v57, v53  }
0x2e3: {  	v5 =	vadd.f32 v5, v13;
	v13 =	vmul.f32 v55, v55;
	v18 =	vadd.f32 v18, v10  }
0x2e4: {  	v7 =	vadd.f32 v36, v7;
	v10 =	vand.u32 $0x3F, v23;
	v30 =	vadd.f32 v11, v30  }
0x2e5: {  	v8 =	vadd.f32 v54, v8;
	v5 =	vadd.f32 v15, v5;
	v29 =	vor.u32 v12, v10  }
0x2e6: {  	v10 =	vadd.s32 $0x1, v23;
	v11 =	vadd.f32 v13, v43;
	v38 =	vadd.f32 v9, v38  }
0x2e7: {  	v36 =	vadd.f32 v44, v42;
	v8 =	vadd.f32 v14, v8;
	v9 =	vand.u32 $0x3F, v10  }
0x2e8: {  	v25 =	vadd.f32 v49, v17;
	v13 =	vadd.f32 v27, v5;
	v34 =	vor.u32 v12, v9  }
0x2e9: {  	v5 =	vadd.f32 v35, v7;
	v35 =	vadd.f32 v16, v20  }
0x2ea: {  	v41 =	vadd.f32 v32, v26;
	v14 =	vadd.f32 v21, v22;
	v9 =	vld.idx.msk [tilespmem:v29+s22+$0x0], $0xffff  }
0x2eb: {  	v10 =	vadd.s32 $0x2, v23;
	v7 =	vadd.f32 v47, v5;
	v5 =	vadd.f32 v50, v31;
	v16 =	vld.idx.msk [tilespmem:v29+s1+$0x0], $0xffff  }
0x2ec: {  	v10 =	vand.u32 $0x3F, v10;
	v21 =	vld.idx.msk [tilespmem:v29+s29+$0x0], $0xffff  }
0x2ed: {  	v27 =	vor.u32 v12, v10;
	v32 =	vld.idx.msk [tilespmem:v34+s28+$0x0], $0xffff  }
0x2ee: {  	v28 =	vld.idx.msk [tilespmem:v34+s22+$0x0], $0xffff  }
0x2ef: {  	v10 =	vld.idx.msk [tilespmem:v29+s31+$0x0], $0xffff  }
0x2f0: {  	v15 =	vmul.f32 v9, v9;
	v33 =	vld.idx.msk [tilespmem:v34+s1+$0x0], $0xffff  }
0x2f1: {  	v20 =	vmul.f32 v16, v16;
	v37 =	vmul.f32 v9, v16;
	v40 =	vld.idx.msk [tilespmem:v34+s29+$0x0], $0xffff  }
0x2f2: {  	v22 =	vmul.f32 v21, v21;
	v26 =	vmul.f32 v9, v21;
	v14 =	vadd.f32 v15, v14;
	v17 =	vld.idx.msk [tilespmem:v29+s30+$0x0], $0xffff  }
.Ltmp13:
0x2f3: {  	v39 =	vmul.f32 v16, v21;
	v31 =	vadd.f32 v20, v5;
	v15 =	vld.idx.msk [tilespmem:v27+s29+$0x0], $0xffff;
	(pc) =	sbr.rel @p0 .LBB2_29-.Ltmp13, $4  }
0x2f4: {  	v43 =	vadd.f32 v22, v11;
	v42 =	vadd.f32 v26, v36;
	v11 =	vld.idx.msk [tilespmem:v27+s30+$0x0], $0xffff  }
0x2f5: {  	v5 =	vadd.s32 $0x3, v23;
	v39 =	vadd.f32 v39, v45;
	v22 =	vmul.f32 v28, v28;
	v36 =	vld.idx.msk [tilespmem:v34+s31+$0x0], $0xffff  }
0x2f6: {  	v26 =	vmul.f32 v32, v32;
	v45 =	vand.u32 $0x3F, v5;
	v23 =	vmul.f32 v10, v10;
	v20 =	vld.idx.msk [tilespmem:v27+s22+$0x0], $0xffff  }
0x2f7: {  	v22 =	vadd.f32 v22, v14;
	v5 =	vmul.f32 v40, v32;
	v44 =	vmul.f32 v28, v40;
	v14 =	vld.idx.msk [tilespmem:v27+s1+$0x0], $0xffff  }
0x2f8: {  	v56 =	vmul.f32 v16, v10  }
0x2f9: {  	v46 =	vmul.f32 v40, v40;
	v47 =	vmul.f32 v28, v32  }
0x2fa: {  	v45 =	vor.u32 v12, v45;
	v12 =	vmul.f32 v9, v10;
	v57 =	vmul.f32 v33, v40  }
0x2fb: {  	v23 =	vadd.f32 v23, v38;
	v58 =	vmul.f32 v17, v17;
	v52 =	vmul.f32 v33, v32  }
0x2fc: {  	v37 =	vadd.f32 v37, v30;
	v62 =	vmul.f32 v33, v33;
	v63 =	vmul.f32 v28, v33  }
0x2fd: {  	v50 =	vld.idx.msk [tilespmem:v29+s28+$0x0], $0xffff;
	v10 =	vmul.f32 v10, v17;
	v42 =	vadd.f32 v44, v42;
	v38 =	vadd.f32 v56, v41  }
0x2fe: {  	v55 =	vld.idx.msk [tilespmem:v27+s28+$0x0], $0xffff;
	v43 =	vadd.f32 v46, v43;
	v59 =	vmul.f32 v36, v36;
	v48 =	vmul.f32 v28, v36  }
0x2ff: {  	v41 =	vld.idx.msk [tilespmem:v34+s30+$0x0], $0xffff;
	v61 =	vmul.f32 v33, v36;
	v40 =	vadd.f32 v58, v35;
	v34 =	vadd.f32 v57, v39  }
0x300: {  	v31 =	vadd.f32 v62, v31;
	v56 =	vmul.f32 v15, v15;
	v12 =	vadd.f32 v12, v24  }
0x301: {  	v7 =	vadd.f32 v10, v7;
	v60 =	vmul.f32 v20, v15;
	v39 =	vmul.f32 v20, v20  }
0x302: {  	v49 =	vmul.f32 v14, v15;
	v46 =	vadd.f32 v59, v23;
	v51 =	vmul.f32 v20, v14  }
0x303: {  	v53 =	vld.idx.msk [tilespmem:v27+s31+$0x0], $0xffff;
	v54 =	vmul.f32 v14, v14;
	v23 =	vmul.f32 v20, v11;
	v38 =	vadd.f32 v61, v38  }
0x304: {  	v43 =	vadd.f32 v56, v43;
	v57 =	vmul.f32 v50, v50;
	v62 =	vmul.f32 v55, v55  }
0x305: {  	v48 =	vadd.f32 v48, v12;
	v27 =	vld.idx.msk [tilespmem:v45+s29+$0x0], $0xffff;
	v44 =	vmul.f32 v16, v50;
	v16 =	vmul.f32 v16, v17  }
0x306: {  	v29 =	vld.idx.msk [tilespmem:v45+s28+$0x0], $0xffff;
	v22 =	vadd.f32 v39, v22;
	v15 =	vmul.f32 v15, v55;
	v34 =	vadd.f32 v49, v34  }
0x307: {  	v24 =	vld.idx.msk [tilespmem:v45+s30+$0x0], $0xffff;
	v35 =	vmul.f32 v33, v41;
	v30 =	vmul.f32 v28, v41;
	v61 =	vadd.f32 v57, v25  }
0x308: {  	v28 =	vadd.f32 v60, v42;
	v60 =	vmul.f32 v53, v53;
	v32 =	vmul.f32 v36, v41;
	v25 =	vld.idx.msk [tilespmem:v45+s31+$0x0], $0xffff  }
0x309: {  	v36 =	vadd.f32 v63, v37;
	v41 =	vmul.f32 v41, v41;
	v26 =	vadd.f32 v26, v61  }
0x30a: {  	v37 =	vmul.f32 v9, v50;
	v63 =	vmul.f32 v11, v11;
	v33 =	vadd.f32 v54, v31  }
0x30b: {  	v40 =	vadd.f32 v41, v40;
	v56 =	vmul.f32 v29, v29;
	v26 =	vadd.f32 v62, v26  }
0x30c: {  	v42 =	vadd.f32 v60, v46;
	v57 =	vmul.f32 v24, v24;
	v58 =	vmul.f32 v27, v27  }
0x30d: {  	v40 =	vadd.f32 v63, v40;
	v59 =	vmul.f32 v25, v25;
	v26 =	vadd.f32 v56, v26  }
0x30e: {  	v9 =	vmul.f32 v9, v17;
	v46 =	vmul.f32 v21, v50;
	v31 =	vadd.f32 v58, v43  }
0x30f: {  	v21 =	vadd.f32 v57, v40;
	v12 =	vadd.f32 v59, v42;
	v40 =	vmax.f32 v26, $1.000000000e-30  }
0x310: {  	v43 =	vmax.f32 v31, $1.000000000e-30;
	v60 =	vshra.s32 v40, $0x1;
	v42 =	vmul.f32 $5.000000000e-01, v40  }
0x311: {  	v61 =	vshra.s32 v43, $0x1;
	v50 =	vmul.f32 $5.000000000e-01, v43;
	v41 =	vsub.s32 $0x5F3759DF, v60  }
0x312: {  	v56 =	vmax.f32 v21, $1.000000000e-30;
	v49 =	vsub.s32 $0x5F3759DF, v61;
	v62 =	vmul.f32 v41, v42  }
0x313: {  	v58 =	vshra.s32 v56, $0x1;
	v59 =	vmul.f32 $5.000000000e-01, v56;
	v63 =	vmul.f32 v49, v50  }
0x314: {  	v18 =	vadd.f32 v44, v18;
	v58 =	vsub.s32 $0x5F3759DF, v58;
	v54 =	vmul.f32 v41, v62  }
0x315: {  	v61 =	vmax.f32 v12, $1.000000000e-30;
	v60 =	vmul.f32 v58, v59;
	v57 =	vmul.f32 v49, v63  }
0x316: {  	v63 =	vmul.f32 $5.000000000e-01, v61;
	v62 =	vshra.s32 v61, $0x1;
	v54 =	vsub.f32 $1.500000000e+00, v54  }
0x317: {  	v60 =	vmul.f32 v58, v60;
	v57 =	vsub.f32 $1.500000000e+00, v57;
	v62 =	vsub.s32 $0x5F3759DF, v62  }
0x318: {  	v19 =	vadd.f32 v37, v19;
	v37 =	vmul.f32 v41, v54;
	v41 =	vmul.f32 v62, v63  }
0x319: {  	v6 =	vadd.f32 v16, v6;
	v60 =	vsub.f32 $1.500000000e+00, v60;
	v49 =	vmul.f32 v49, v57  }
0x31a: {  	v36 =	vadd.f32 v51, v36;
	v18 =	vadd.f32 v52, v18;
	v41 =	vmul.f32 v62, v41  }
0x31b: {  	v8 =	vadd.f32 v9, v8;
	v44 =	vmul.f32 v58, v60;
	v60 =	vmul.f32 v49, v50  }
0x31c: {  	v6 =	vadd.f32 v35, v6;
	v51 =	vmul.f32 v37, v42;
	v41 =	vsub.f32 $1.500000000e+00, v41  }
0x31d: {  	v7 =	vadd.f32 v32, v7;
	v39 =	vmul.f32 v60, v49;
	v60 =	vmul.f32 v20, v53  }
0x31e: {  	v13 =	vadd.f32 v46, v13;
	v58 =	vmul.f32 v51, v37;
	v41 =	vmul.f32 v62, v41  }
0x31f: {  	v19 =	vadd.f32 v47, v19;
	v8 =	vadd.f32 v30, v8;
	v51 =	vmul.f32 v44, v59  }
0x320: {  	v48 =	vadd.f32 v60, v48;
	v17 =	vsub.f32 $1.500000000e+00, v58;
	v60 =	vmul.f32 v41, v63  }
0x321: {  	v30 =	vmul.f32 v27, v29;
	v5 =	vadd.f32 v5, v13;
	v51 =	vmul.f32 v51, v44  }
0x322: {  	v39 =	vsub.f32 $1.500000000e+00, v39;
	v17 =	vmul.f32 v17, v37;
	v37 =	vmul.f32 v60, v41  }
0x323: {  	v8 =	vadd.f32 v23, v8;
	v62 =	vmul.f32 v14, v53;
	v51 =	vsub.f32 $1.500000000e+00, v51  }
0x324: {  	v39 =	vmul.f32 v39, v49;
	v49 =	vmul.f32 v53, v11;
	v37 =	vsub.f32 $1.500000000e+00, v37  }
0x325: {  	vm11 =	vgt.f32 v31, $0.0e+00;
	v44 =	vmul.f32 v51, v44;
	v42 =	vmul.f32 v17, v42  }
0x326: {  	vm0 =	vgt.f32 v26, $0.0e+00;
	v57 =	vld.idx.msk [tilespmem:v45+s1+$0x0], $0xffff;
	v53 =	vmul.f32 v39, v50;
	v37 =	vmul.f32 v37, v41  }
0x327: {  	vm12 =	vgt.f32 v21, $0.0e+00;
	v45 =	vld.idx.msk [tilespmem:v45+s22+$0x0], $0xffff;
	v52 =	vmul.f32 v42, v17;
	v59 =	vmul.f32 v44, v59  }
0x328: {  	v38 =	vadd.f32 v62, v38;
	v42 =	vmul.f32 v53, v39;
	v62 =	vmul.f32 v37, v63  }
0x329: {  	v11 =	vmul.f32 v14, v11;
	v9 =	vsub.f32 $1.500000000e+00, v52;
	v50 =	vmul.f32 v59, v44  }
0x32a: {  	v60 =	vmul.f32 v14, v55;
	v63 =	vsub.f32 $1.500000000e+00, v42;
	v14 =	vmul.f32 v62, v37  }
0x32b: {  	v20 =	vmul.f32 v20, v55;
	v9 =	vmul.f32 v9, v17;
	v51 =	vsub.f32 $1.500000000e+00, v50  }
0x32c: {  	v54 =	vmul.f32 v45, v25;
	v17 =	vmul.f32 v63, v39;
	v14 =	vsub.f32 $1.500000000e+00, v14  }
0x32d: {  	v5 =	vadd.f32 v15, v5;
	v9 =	vmul.f32 v9, v40;
	v52 =	vmul.f32 v51, v44  }
0x32e: {  	vm13 =	vgt.f32 v12, $0.0e+00;
	v17 =	vmul.f32 v17, v43;
	v14 =	vmul.f32 v14, v37  }
0x32f: {  	v16 =	vadd.f32 v54, v48;
	v9 =	vmax.f32 v9, $9.999999960e-13;
	v53 =	vmul.f32 v52, v56  }
0x330: {  	v9 =	vnsel vm0, $0x2B8CBCCC, v9;
	v17 =	vmax.f32 v17, $9.999999960e-13;
	v14 =	vmul.f32 v14, v61  }
0x331: {  	(erf) = vrcp.f32 v9;
	v55 =	vmax.f32 v53, $9.999999960e-13;
	v54 =	vnsel vm11, $0x2B8CBCCC, v17  }
0x332: {  	v9 =	vnsel vm12, $0x2B8CBCCC, v55;
	(erf) = vrcp.f32 v54;
	v14 =	vmax.f32 v14, $9.999999960e-13  }
0x333: {  	v46 =	vmul.f32 v57, v27;
	(erf) = vrcp.f32 v9;
	v56 =	vnsel vm13, $0x2B8CBCCC, v14  }
0x334: {  	v19 =	vadd.f32 v20, v19;
	v20 =	vmul.f32 v45, v57;
	(erf) = vrcp.f32 v56  }
0x335: {  	v5 =	vadd.f32 v30, v5;
	v47 =	vmul.f32 v45, v27;
	v32 =	vmul.f32 v57, v25  }
0x336: {  	v58 =	vmul.f32 v57, v57;
	v13 =	vadd.f32 v20, v36;
	v36 =	vmul.f32 v45, v45  }
0x337: {  	v6 =	vadd.f32 v11, v6;
	v10 =	vadd.f32 v60, v18;
	v60 =	vmul.f32 v57, v24  }
0x338: {  	v7 =	vadd.f32 v49, v7;
	v20 =	vadd.f32 v36, v22;
	v61 =	vmul.f32 v57, v29  }
0x339: {  	v41 =	vmul.f32 v45, v29;
	v59 =	vadd.f32 v46, v34;
	v6 =	vadd.f32 v60, v6  }
0x33a: {  	v34 =	vadd.f32 v47, v28;
	v63 =	vmul.f32 v45, v24;
	v9 =	vadd.f32 v61, v10;
	v35 =	vpop (erf)  }
0x33b: {  	v62 =	vadd.f32 v41, v19;
	v39 =	vmul.f32 v25, v24;
	v45 =	vadd.f32 v58, v33;
	v37 =	vpop (erf)  }
0x33c: {  	v8 =	vadd.f32 v63, v8;
	v9 =	vmul.f32 v35, v9;
	v41 =	vmul.f32 v35, v35;
	v40 =	vpop (erf)  }
0x33d: {  	v7 =	vadd.f32 v39, v7;
	v17 =	vmul.f32 v35, v62;
	v43 =	vmul.f32 v37, v35;
	v44 =	vpop (erf)  }
0x33e: {  	v14 =	vadd.f32 v32, v38;
	v42 =	vmul.f32 v37, v37;
	v46 =	vmul.f32 v44, v40  }
0x33f: {  	v11 =	vmul.f32 v37, v59;
	v22 =	vmul.f32 v41, v26;
	v24 =	vsub.f32 $0.0e+00, v43  }
0x340: {  	v6 =	vmul.f32 v40, v6;
	v14 =	vmul.f32 v44, v14;
	v47 =	vsub.f32 $0.0e+00, v46  }
0x341: {  	v10 =	vmul.f32 v37, v34;
	v48 =	vsub.f32 v9, v11;
	v5 =	vmul.f32 v24, v5  }
0x342: {  	v8 =	vmul.f32 v40, v8;
	v49 =	vsub.f32 v6, v14;
	v7 =	vmul.f32 v47, v7  }
0x343: {  	v18 =	vmul.f32 v42, v31;
	v9 =	vmul.f32 v48, v9;
	v5 =	vadd.f32 v5, v17  }
0x344: {  	v50 =	vmul.f32 v40, v40;
	v6 =	vmul.f32 v49, v6;
	v7 =	vadd.f32 v7, v8  }
0x345: {  	v18 =	vadd.f32 v18, v22;
	v51 =	vmul.f32 v44, v44;
	v5 =	vsub.f32 v5, v9  }
0x346: {  	v11 =	vmul.f32 v48, v11;
	v6 =	vsub.f32 v7, v6;
	v7 =	vmul.f32 v44, v16  }
0x347: {  	v52 =	vmul.f32 v48, v48;
	v9 =	vmul.f32 v51, v12;
	v5 =	vsub.f32 v5, v10  }
0x348: {  	v8 =	vmul.f32 v50, v21;
	v6 =	vsub.f32 v6, v7;
	v7 =	vmul.f32 v49, v14  }
0x349: {  	v53 =	vmul.f32 v48, v13;
	v54 =	vmul.f32 v49, v49;
	v5 =	vadd.f32 v5, v11  }
0x34a: {  	v8 =	vadd.f32 v9, v8;
	v6 =	vadd.f32 v6, v7;
	v7 =	vmul.f32 v49, v13  }
0x34b: {  	v55 =	vadd.f32 v18, v20;
	v10 =	vmul.f32 v52, v45;
	v5 =	vsub.f32 v5, v53  }
0x34c: {  	v9 =	vmul.f32 v54, v45;
	v8 =	vadd.f32 v8, v20;
	v6 =	vsub.f32 v6, v7  }
0x34d: {  	v5 =	vadd.f32 v5, v5;
	v7 =	vadd.f32 v10, v55  }
0x34e: {  	v8 =	vadd.f32 v9, v8;
	v6 =	vadd.f32 v6, v6  }
0x34f: {  	v5 =	vadd.f32 v5, v7  }
0x350: {  	v6 =	vadd.f32 v6, v8  }
0x351: {  	v7 =	vmax.f32 v5, $1.000000000e-30  }
0x352: {  	v56 =	vshra.s32 v7, $0x1;
	v57 =	vmul.f32 $5.000000000e-01, v7;
	v58 =	vmax.f32 v6, $1.000000000e-30  }
0x353: {  	v8 =	vsub.s32 $0x5F3759DF, v56;
	v59 =	vshra.s32 v58, $0x1;
	v60 =	vmul.f32 $5.000000000e-01, v58  }
0x354: {  	v61 =	vmul.f32 v8, v57;
	v11 =	vsub.s32 $0x5F3759DF, v59  }
0x355: {  	v62 =	vmul.f32 v11, v60  }
0x356: {  	v13 =	vmul.f32 v8, v61  }
0x357: {  	v14 =	vmul.f32 v11, v62  }
0x358: {  	v13 =	vsub.f32 $1.500000000e+00, v13  }
0x359: {  	v14 =	vsub.f32 $1.500000000e+00, v14  }
0x35a: {  	v8 =	vmul.f32 v8, v13  }
0x35b: {  	v11 =	vmul.f32 v11, v14  }
0x35c: {  	v13 =	vmul.f32 v8, v57  }
0x35d: {  	v14 =	vmul.f32 v11, v60  }
0x35e: {  	v13 =	vmul.f32 v13, v8  }
0x35f: {  	v14 =	vmul.f32 v14, v11  }
0x360: {  	v13 =	vsub.f32 $1.500000000e+00, v13  }
0x361: {  	v14 =	vsub.f32 $1.500000000e+00, v14  }
0x362: {  	v8 =	vmul.f32 v13, v8  }
0x363: {  	v11 =	vmul.f32 v14, v11  }
0x364: {  	v9 =	vmul.f32 v8, v57  }
0x365: {  	v12 =	vmul.f32 v11, v60  }
0x366: {  	v9 =	vmul.f32 v9, v8  }
0x367: {  	v12 =	vmul.f32 v12, v11  }
0x368: {  	v9 =	vsub.f32 $1.500000000e+00, v9  }
0x369: {  	v12 =	vsub.f32 $1.500000000e+00, v12  }
0x36a: {  	s11 =	sadd.s32 $0x1, s11;
	v8 =	vmul.f32 v9, v8  }
0x36b: {  	p0 =	sne.s32 s11, $0x8;
	v63 =	vmul.f32 v12, v11  }
.Ltmp14:
0x36c: {  	v7 =	vmul.f32 v8, v7;
	(pc) =	sbr.rel @p0 .LBB2_28-.Ltmp14, $4  }
0x36d: {  	vm14 =	vgt.f32 v5, $0.0e+00;
	v5 =	vmul.f32 v63, v58  }
0x36e: {  	vm15 =	vgt.f32 v6, $0.0e+00;
	v7 =	vnsel vm14, $0x0, v7  }
0x36f: {  	[tilespmem:s13+$0x18D00] =	vst v7;
	v5 =	vnsel vm15, $0x0, v5  }
0x370: {  	[tilespmem:s13+$0x18F00] =	vst v5  }
0x371: {  	_ =	swait.ge [sflag:s10], $0x2000  }
0x372: {  	[sflag:s10] =	ssyncset.done $0x0  }
0x373: {  	[sflag:s10] =	ssyncadd.s32 $0xFFFFE000  }
0x374: {  	_ =	swait.ge [sflag:s10], $0x2000  }
0x375: {  	[sflag:s10] =	ssyncset.done $0x0  }
0x376: {  	[sflag:s10] =	ssyncadd.s32 $0xFFFFE000  }
0x377: {  	_ =	swait.ge [sflag:s10], $0x2000  }
0x378: {  	[sflag:s10] =	ssyncset.done $0x0  }
0x379: {  	[sflag:s10] =	ssyncadd.s32 $0xFFFFE000  }
0x37a: {  	_ =	swait.ge [sflag:s10], $0x2000  }
0x37b: {  	[sflag:s10] =	ssyncset.done $0x0  }
0x37c: {  	[sflag:s10] =	ssyncadd.s32 $0xFFFFE000  }
0x37d: {  	_ =	swait.ge [sflag:s10], $0x2000  }
0x37e: {  	[sflag:s10] =	ssyncset.done $0x0  }
0x37f: {  	[sflag:s10] =	ssyncadd.s32 $0xFFFFE000  }
0x380: {  	_ =	swait.ge [sflag:s10], $0x2000  }
0x381: {  	[sflag:s10] =	ssyncset.done $0x0  }
0x382: {  	s11 =	simm.s32 $0x0;
	[sflag:s10] =	ssyncadd.s32 $0xFFFFE000  }
.LBB2_32:
0x383: {  	s13 =	sshll.u32 s11, $0x4  }
0x384: {  	v5 =	vor.u32 s13, v0  }
0x385: {  	v12 =	vshll.u32 v5, $0x6;
	v6 =	vand.u32 $0x3F, v5  }
0x386: {  	v29 =	vor.u32 v12, v6;
	_ =	sdelay $0x1  }
0x387: {  	v6 =	vadd.s32 $0x1, v5  }
0x388: {  	v6 =	vand.u32 $0x3F, v6  }
0x389: {  	v34 =	vor.u32 v12, v6  }
0x38a: {  	v9 =	vld.idx.msk [tilespmem:v29+s9+$0x0], $0xffff  }
0x38b: {  	v16 =	vld.idx.msk [tilespmem:v29+s8+$0x0], $0xffff  }
0x38c: {  	v38 =	vimm.f32 $0.0e+00;
	v21 =	vld.idx.msk [tilespmem:v29+s0+$0x0], $0xffff  }
0x38d: {  	v41 =	vimm.f32 $0.0e+00;
	v30 =	vimm.f32 $0.0e+00;
	v6 =	vadd.s32 $0x2, v5;
	v10 =	vld.idx.msk [tilespmem:v29+s7+$0x0], $0xffff  }
0x38e: {  	v35 =	vimm.f32 $0.0e+00;
	v24 =	vimm.f32 $0.0e+00;
	v6 =	vand.u32 $0x3F, v6;
	v32 =	vld.idx.msk [tilespmem:v34+s21+$0x0], $0xffff  }
0x38f: {  	v19 =	vimm.f32 $0.0e+00;
	v18 =	vimm.f32 $0.0e+00;
	v27 =	vor.u32 v12, v6;
	v28 =	vld.idx.msk [tilespmem:v34+s9+$0x0], $0xffff  }
0x390: {  	v25 =	vimm.f32 $0.0e+00;
	v40 =	vld.idx.msk [tilespmem:v34+s0+$0x0], $0xffff;
	v7 =	vmul.f32 v9, v9;
	v6 =	vmul.f32 v16, v16  }
0x391: {  	v5 =	vadd.s32 $0x3, v5;
	v17 =	vld.idx.msk [tilespmem:v29+s6+$0x0], $0xffff;
	v8 =	vmul.f32 v21, v21;
	v11 =	vmul.f32 v9, v21  }
0x392: {  	v45 =	vand.u32 $0x3F, v5;
	v33 =	vld.idx.msk [tilespmem:v34+s8+$0x0], $0xffff;
	v13 =	vmul.f32 v16, v21;
	v37 =	vmul.f32 v9, v16  }
0x393: {  	v36 =	vld.idx.msk [tilespmem:v34+s7+$0x0], $0xffff;
	v23 =	vmul.f32 v10, v10;
	v7 =	vadd.f32 v7, v38;
	v31 =	vadd.f32 v6, v38  }
0x394: {  	v15 =	vld.idx.msk [tilespmem:v27+s0+$0x0], $0xffff;
	v43 =	vadd.f32 v8, v38;
	v42 =	vadd.f32 v11, v38;
	v6 =	vmul.f32 v28, v28  }
0x395: {  	v20 =	vld.idx.msk [tilespmem:v27+s9+$0x0], $0xffff;
	v39 =	vadd.f32 v13, v38;
	v26 =	vmul.f32 v32, v32;
	v5 =	vmul.f32 v40, v32  }
0x396: {  	v14 =	vld.idx.msk [tilespmem:v27+s8+$0x0], $0xffff;
	v44 =	vmul.f32 v28, v40;
	v13 =	vimm.f32 $0.0e+00;
	v8 =	vimm.f32 $0.0e+00  }
0x397: {  	s14 =	simm.s32 $0xF;
	v11 =	vld.idx.msk [tilespmem:v27+s6+$0x0], $0xffff;
	v22 =	vadd.f32 v6, v7;
	v6 =	vimm.f32 $0.0e+00;
	v7 =	vimm.f32 $0.0e+00  }
.LBB2_33:
0x398: {  	p0 =	sne.s32 s14, $0x1;
	s14 =	sadd.s32 $0xFFFFFFFF, s14;
	v38 =	vadd.f32 v23, v38;
	v46 =	vmul.f32 v16, v10;
	v23 =	vadd.s32 $0x1, v45  }
0x399: {  	v47 =	vmul.f32 v40, v40;
	v48 =	vmul.f32 v28, v32;
	v45 =	vor.u32 v12, v45  }
0x39a: {  	v40 =	vmul.f32 v33, v40;
	v41 =	vadd.f32 v46, v41;
	v46 =	vmul.f32 v9, v10;
	v34 =	vld.idx.msk [tilespmem:v34+s6+$0x0], $0xffff  }
0x39b: {  	v49 =	vmul.f32 v17, v17;
	v43 =	vadd.f32 v47, v43;
	v47 =	vmul.f32 v36, v36  }
0x39c: {  	v42 =	vadd.f32 v44, v42;
	v44 =	vmul.f32 v28, v36;
	v50 =	vmul.f32 v20, v15;
	v29 =	vld.idx.msk [tilespmem:v29+s21+$0x0], $0xffff  }
0x39d: {  	v38 =	vadd.f32 v47, v38;
	v51 =	vmul.f32 v14, v15;
	v52 =	vmul.f32 v20, v14;
	v47 =	vld.idx.msk [tilespmem:v27+s7+$0x0], $0xffff  }
0x39e: {  	v30 =	vadd.f32 v37, v30;
	v32 =	vmul.f32 v33, v32;
	v37 =	vmul.f32 v14, v14;
	v53 =	vld.idx.msk [tilespmem:v45+s8+$0x0], $0xffff  }
0x39f: {  	v35 =	vadd.f32 v49, v35;
	v49 =	vmul.f32 v33, v36;
	v54 =	vmul.f32 v20, v11;
	v55 =	vld.idx.msk [tilespmem:v45+s0+$0x0], $0xffff  }
0x3a0: {  	v56 =	vmul.f32 v33, v33;
	v39 =	vadd.f32 v40, v39;
	v40 =	vmul.f32 v33, v34;
	v57 =	vld.idx.msk [tilespmem:v45+s9+$0x0], $0xffff  }
0x3a1: {  	v41 =	vadd.f32 v49, v41;
	v49 =	vmul.f32 v20, v20;
	v33 =	vmul.f32 v28, v33;
	v58 =	vld.idx.msk [tilespmem:v45+s21+$0x0], $0xffff  }
0x3a2: {  	v31 =	vadd.f32 v56, v31;
	v56 =	vmul.f32 v15, v15;
	v28 =	vmul.f32 v28, v34  }
0x3a3: {  	v24 =	vadd.f32 v46, v24;
	v42 =	vadd.f32 v50, v42;
	v46 =	vmul.f32 v47, v47  }
0x3a4: {  	v36 =	vmul.f32 v36, v34;
	v30 =	vadd.f32 v33, v30;
	v33 =	vadd.f32 v51, v39  }
0x3a5: {  	v43 =	vadd.f32 v56, v43;
	v39 =	vmul.f32 v9, v29;
	v38 =	vadd.f32 v46, v38  }
0x3a6: {  	v24 =	vadd.f32 v44, v24;
	v44 =	vmul.f32 v20, v47;
	v46 =	vmul.f32 v16, v29;
	v27 =	vld.idx.msk [tilespmem:v27+s21+$0x0], $0xffff  }
0x3a7: {  	v31 =	vadd.f32 v37, v31;
	v21 =	vmul.f32 v21, v29;
	v50 =	vmul.f32 v53, v53;
	v37 =	vld.idx.msk [tilespmem:v45+s7+$0x0], $0xffff  }
0x3a8: {  	v34 =	vmul.f32 v34, v34;
	v19 =	vadd.f32 v39, v19;
	v30 =	vadd.f32 v52, v30  }
0x3a9: {  	v22 =	vadd.f32 v49, v22;
	v29 =	vmul.f32 v29, v29;
	v18 =	vadd.f32 v46, v18;
	v39 =	vld.idx.msk [tilespmem:v45+s6+$0x0], $0xffff  }
0x3aa: {  	v34 =	vadd.f32 v34, v35;
	v35 =	vmul.f32 v47, v11;
	v45 =	vmul.f32 v53, v55  }
0x3ab: {  	v24 =	vadd.f32 v44, v24;
	v44 =	vmul.f32 v57, v55;
	v46 =	vmul.f32 v11, v11  }
0x3ac: {  	v25 =	vadd.f32 v29, v25;
	v49 =	vmul.f32 v58, v58;
	v20 =	vmul.f32 v20, v27  }
0x3ad: {  	v13 =	vadd.f32 v21, v13;
	v16 =	vmul.f32 v16, v17;
	v21 =	vmul.f32 v57, v57  }
0x3ae: {  	v25 =	vadd.f32 v26, v25;
	v26 =	vmul.f32 v14, v47;
	v15 =	vmul.f32 v15, v27  }
0x3af: {  	v9 =	vmul.f32 v9, v17;
	v19 =	vadd.f32 v48, v19;
	v29 =	vmul.f32 v57, v58  }
0x3b0: {  	v18 =	vadd.f32 v32, v18;
	v26 =	vadd.f32 v26, v41;
	v32 =	vmul.f32 v27, v27  }
0x3b1: {  	v10 =	vmul.f32 v10, v17;
	v8 =	vadd.f32 v9, v8;
	v9 =	vmul.f32 v57, v37  }
0x3b2: {  	v11 =	vmul.f32 v14, v11;
	v17 =	vadd.f32 v32, v25;
	v32 =	vmul.f32 v53, v37  }
0x3b3: {  	v6 =	vadd.f32 v16, v6;
	v16 =	vmul.f32 v39, v39;
	v47 =	vmul.f32 v37, v39  }
0x3b4: {  	v7 =	vadd.f32 v10, v7;
	v10 =	vmul.f32 v14, v27;
	v24 =	vadd.f32 v9, v24  }
0x3b5: {  	v6 =	vadd.f32 v40, v6;
	v9 =	vadd.f32 v20, v19;
	v14 =	vmul.f32 v57, v39  }
0x3b6: {  	v10 =	vadd.f32 v10, v18;
	v18 =	vmul.f32 v53, v58;
	v20 =	vadd.f32 v46, v34  }
0x3b7: {  	v6 =	vadd.f32 v11, v6;
	v45 =	vadd.f32 v45, v33;
	v11 =	vmul.f32 v53, v39  }
0x3b8: {  	v27 =	vmul.f32 v55, v58;
	v19 =	vadd.f32 v29, v9;
	v9 =	vmul.f32 v37, v37  }
0x3b9: {  	v8 =	vadd.f32 v28, v8;
	v6 =	vadd.f32 v11, v6;
	v11 =	vmul.f32 v57, v53  }
0x3ba: {  	v5 =	vadd.f32 v5, v13;
	v13 =	vmul.f32 v55, v55;
	v18 =	vadd.f32 v18, v10  }
0x3bb: {  	v7 =	vadd.f32 v36, v7;
	v10 =	vand.u32 $0x3F, v23;
	v30 =	vadd.f32 v11, v30  }
0x3bc: {  	v8 =	vadd.f32 v54, v8;
	v5 =	vadd.f32 v15, v5;
	v29 =	vor.u32 v12, v10  }
0x3bd: {  	v10 =	vadd.s32 $0x1, v23;
	v11 =	vadd.f32 v13, v43;
	v38 =	vadd.f32 v9, v38  }
0x3be: {  	v36 =	vadd.f32 v44, v42;
	v8 =	vadd.f32 v14, v8;
	v9 =	vand.u32 $0x3F, v10  }
0x3bf: {  	v25 =	vadd.f32 v49, v17;
	v13 =	vadd.f32 v27, v5;
	v34 =	vor.u32 v12, v9  }
0x3c0: {  	v5 =	vadd.f32 v35, v7;
	v35 =	vadd.f32 v16, v20  }
0x3c1: {  	v41 =	vadd.f32 v32, v26;
	v14 =	vadd.f32 v21, v22;
	v9 =	vld.idx.msk [tilespmem:v29+s9+$0x0], $0xffff  }
0x3c2: {  	v10 =	vadd.s32 $0x2, v23;
	v7 =	vadd.f32 v47, v5;
	v5 =	vadd.f32 v50, v31;
	v16 =	vld.idx.msk [tilespmem:v29+s8+$0x0], $0xffff  }
0x3c3: {  	v10 =	vand.u32 $0x3F, v10;
	v21 =	vld.idx.msk [tilespmem:v29+s0+$0x0], $0xffff  }
0x3c4: {  	v27 =	vor.u32 v12, v10;
	v32 =	vld.idx.msk [tilespmem:v34+s21+$0x0], $0xffff  }
0x3c5: {  	v28 =	vld.idx.msk [tilespmem:v34+s9+$0x0], $0xffff  }
0x3c6: {  	v10 =	vld.idx.msk [tilespmem:v29+s7+$0x0], $0xffff  }
0x3c7: {  	v15 =	vmul.f32 v9, v9;
	v33 =	vld.idx.msk [tilespmem:v34+s8+$0x0], $0xffff  }
0x3c8: {  	v20 =	vmul.f32 v16, v16;
	v37 =	vmul.f32 v9, v16;
	v40 =	vld.idx.msk [tilespmem:v34+s0+$0x0], $0xffff  }
0x3c9: {  	v22 =	vmul.f32 v21, v21;
	v26 =	vmul.f32 v9, v21;
	v14 =	vadd.f32 v15, v14;
	v17 =	vld.idx.msk [tilespmem:v29+s6+$0x0], $0xffff  }
.Ltmp15:
0x3ca: {  	v39 =	vmul.f32 v16, v21;
	v31 =	vadd.f32 v20, v5;
	v15 =	vld.idx.msk [tilespmem:v27+s0+$0x0], $0xffff;
	(pc) =	sbr.rel @p0 .LBB2_33-.Ltmp15, $4  }
0x3cb: {  	v43 =	vadd.f32 v22, v11;
	v42 =	vadd.f32 v26, v36;
	v11 =	vld.idx.msk [tilespmem:v27+s6+$0x0], $0xffff  }
0x3cc: {  	v5 =	vadd.s32 $0x3, v23;
	v39 =	vadd.f32 v39, v45;
	v22 =	vmul.f32 v28, v28;
	v36 =	vld.idx.msk [tilespmem:v34+s7+$0x0], $0xffff  }
0x3cd: {  	v26 =	vmul.f32 v32, v32;
	v45 =	vand.u32 $0x3F, v5;
	v23 =	vmul.f32 v10, v10;
	v20 =	vld.idx.msk [tilespmem:v27+s9+$0x0], $0xffff  }
0x3ce: {  	v22 =	vadd.f32 v22, v14;
	v5 =	vmul.f32 v40, v32;
	v44 =	vmul.f32 v28, v40;
	v14 =	vld.idx.msk [tilespmem:v27+s8+$0x0], $0xffff  }
0x3cf: {  	v56 =	vmul.f32 v16, v10  }
0x3d0: {  	v46 =	vmul.f32 v40, v40;
	v47 =	vmul.f32 v28, v32  }
0x3d1: {  	v45 =	vor.u32 v12, v45;
	v12 =	vmul.f32 v9, v10;
	v57 =	vmul.f32 v33, v40  }
0x3d2: {  	v23 =	vadd.f32 v23, v38;
	v58 =	vmul.f32 v17, v17;
	v52 =	vmul.f32 v33, v32  }
0x3d3: {  	v37 =	vadd.f32 v37, v30;
	v62 =	vmul.f32 v33, v33;
	v63 =	vmul.f32 v28, v33  }
0x3d4: {  	v50 =	vld.idx.msk [tilespmem:v29+s21+$0x0], $0xffff;
	v10 =	vmul.f32 v10, v17;
	v42 =	vadd.f32 v44, v42;
	v38 =	vadd.f32 v56, v41  }
0x3d5: {  	v55 =	vld.idx.msk [tilespmem:v27+s21+$0x0], $0xffff;
	v43 =	vadd.f32 v46, v43;
	v59 =	vmul.f32 v36, v36;
	v48 =	vmul.f32 v28, v36  }
0x3d6: {  	v41 =	vld.idx.msk [tilespmem:v34+s6+$0x0], $0xffff;
	v61 =	vmul.f32 v33, v36;
	v40 =	vadd.f32 v58, v35;
	v34 =	vadd.f32 v57, v39  }
0x3d7: {  	v31 =	vadd.f32 v62, v31;
	v56 =	vmul.f32 v15, v15;
	v12 =	vadd.f32 v12, v24  }
0x3d8: {  	v7 =	vadd.f32 v10, v7;
	v60 =	vmul.f32 v20, v15;
	v39 =	vmul.f32 v20, v20  }
0x3d9: {  	v49 =	vmul.f32 v14, v15;
	v46 =	vadd.f32 v59, v23;
	v51 =	vmul.f32 v20, v14  }
0x3da: {  	v53 =	vld.idx.msk [tilespmem:v27+s7+$0x0], $0xffff;
	v54 =	vmul.f32 v14, v14;
	v23 =	vmul.f32 v20, v11;
	v38 =	vadd.f32 v61, v38  }
0x3db: {  	v43 =	vadd.f32 v56, v43;
	v57 =	vmul.f32 v50, v50;
	v62 =	vmul.f32 v55, v55  }
0x3dc: {  	v48 =	vadd.f32 v48, v12;
	v27 =	vld.idx.msk [tilespmem:v45+s0+$0x0], $0xffff;
	v44 =	vmul.f32 v16, v50;
	v16 =	vmul.f32 v16, v17  }
0x3dd: {  	v29 =	vld.idx.msk [tilespmem:v45+s21+$0x0], $0xffff;
	v22 =	vadd.f32 v39, v22;
	v15 =	vmul.f32 v15, v55;
	v34 =	vadd.f32 v49, v34  }
0x3de: {  	v24 =	vld.idx.msk [tilespmem:v45+s6+$0x0], $0xffff;
	v35 =	vmul.f32 v33, v41;
	v30 =	vmul.f32 v28, v41;
	v61 =	vadd.f32 v57, v25  }
0x3df: {  	v28 =	vadd.f32 v60, v42;
	v60 =	vmul.f32 v53, v53;
	v32 =	vmul.f32 v36, v41;
	v25 =	vld.idx.msk [tilespmem:v45+s7+$0x0], $0xffff  }
0x3e0: {  	v36 =	vadd.f32 v63, v37;
	v41 =	vmul.f32 v41, v41;
	v26 =	vadd.f32 v26, v61  }
0x3e1: {  	v37 =	vmul.f32 v9, v50;
	v63 =	vmul.f32 v11, v11;
	v33 =	vadd.f32 v54, v31  }
0x3e2: {  	v40 =	vadd.f32 v41, v40;
	v56 =	vmul.f32 v29, v29;
	v26 =	vadd.f32 v62, v26  }
0x3e3: {  	v42 =	vadd.f32 v60, v46;
	v57 =	vmul.f32 v24, v24;
	v58 =	vmul.f32 v27, v27  }
0x3e4: {  	v40 =	vadd.f32 v63, v40;
	v59 =	vmul.f32 v25, v25;
	v26 =	vadd.f32 v56, v26  }
0x3e5: {  	v9 =	vmul.f32 v9, v17;
	v46 =	vmul.f32 v21, v50;
	v31 =	vadd.f32 v58, v43  }
0x3e6: {  	v21 =	vadd.f32 v57, v40;
	v12 =	vadd.f32 v59, v42;
	v40 =	vmax.f32 v26, $1.000000000e-30  }
0x3e7: {  	v43 =	vmax.f32 v31, $1.000000000e-30;
	v60 =	vshra.s32 v40, $0x1;
	v42 =	vmul.f32 $5.000000000e-01, v40  }
0x3e8: {  	v61 =	vshra.s32 v43, $0x1;
	v50 =	vmul.f32 $5.000000000e-01, v43;
	v41 =	vsub.s32 $0x5F3759DF, v60  }
0x3e9: {  	v56 =	vmax.f32 v21, $1.000000000e-30;
	v49 =	vsub.s32 $0x5F3759DF, v61;
	v62 =	vmul.f32 v41, v42  }
0x3ea: {  	v58 =	vshra.s32 v56, $0x1;
	v59 =	vmul.f32 $5.000000000e-01, v56;
	v63 =	vmul.f32 v49, v50  }
0x3eb: {  	v18 =	vadd.f32 v44, v18;
	v58 =	vsub.s32 $0x5F3759DF, v58;
	v54 =	vmul.f32 v41, v62  }
0x3ec: {  	v61 =	vmax.f32 v12, $1.000000000e-30;
	v60 =	vmul.f32 v58, v59;
	v57 =	vmul.f32 v49, v63  }
0x3ed: {  	v63 =	vmul.f32 $5.000000000e-01, v61;
	v62 =	vshra.s32 v61, $0x1;
	v54 =	vsub.f32 $1.500000000e+00, v54  }
0x3ee: {  	v60 =	vmul.f32 v58, v60;
	v57 =	vsub.f32 $1.500000000e+00, v57;
	v62 =	vsub.s32 $0x5F3759DF, v62  }
0x3ef: {  	v19 =	vadd.f32 v37, v19;
	v37 =	vmul.f32 v41, v54;
	v41 =	vmul.f32 v62, v63  }
0x3f0: {  	v6 =	vadd.f32 v16, v6;
	v60 =	vsub.f32 $1.500000000e+00, v60;
	v49 =	vmul.f32 v49, v57  }
0x3f1: {  	v36 =	vadd.f32 v51, v36;
	v18 =	vadd.f32 v52, v18;
	v41 =	vmul.f32 v62, v41  }
0x3f2: {  	v8 =	vadd.f32 v9, v8;
	v44 =	vmul.f32 v58, v60;
	v60 =	vmul.f32 v49, v50  }
0x3f3: {  	v6 =	vadd.f32 v35, v6;
	v51 =	vmul.f32 v37, v42;
	v41 =	vsub.f32 $1.500000000e+00, v41  }
0x3f4: {  	v7 =	vadd.f32 v32, v7;
	v39 =	vmul.f32 v60, v49;
	v60 =	vmul.f32 v20, v53  }
0x3f5: {  	v13 =	vadd.f32 v46, v13;
	v58 =	vmul.f32 v51, v37;
	v41 =	vmul.f32 v62, v41  }
0x3f6: {  	v19 =	vadd.f32 v47, v19;
	v8 =	vadd.f32 v30, v8;
	v51 =	vmul.f32 v44, v59  }
0x3f7: {  	v48 =	vadd.f32 v60, v48;
	v17 =	vsub.f32 $1.500000000e+00, v58;
	v60 =	vmul.f32 v41, v63  }
0x3f8: {  	v30 =	vmul.f32 v27, v29;
	v5 =	vadd.f32 v5, v13;
	v51 =	vmul.f32 v51, v44  }
0x3f9: {  	v39 =	vsub.f32 $1.500000000e+00, v39;
	v17 =	vmul.f32 v17, v37;
	v37 =	vmul.f32 v60, v41  }
0x3fa: {  	v8 =	vadd.f32 v23, v8;
	v62 =	vmul.f32 v14, v53;
	v51 =	vsub.f32 $1.500000000e+00, v51  }
0x3fb: {  	v39 =	vmul.f32 v39, v49;
	v49 =	vmul.f32 v53, v11;
	v37 =	vsub.f32 $1.500000000e+00, v37  }
0x3fc: {  	vm11 =	vgt.f32 v31, $0.0e+00;
	v44 =	vmul.f32 v51, v44;
	v42 =	vmul.f32 v17, v42  }
0x3fd: {  	vm0 =	vgt.f32 v26, $0.0e+00;
	v57 =	vld.idx.msk [tilespmem:v45+s8+$0x0], $0xffff;
	v53 =	vmul.f32 v39, v50;
	v37 =	vmul.f32 v37, v41  }
0x3fe: {  	vm12 =	vgt.f32 v21, $0.0e+00;
	v45 =	vld.idx.msk [tilespmem:v45+s9+$0x0], $0xffff;
	v52 =	vmul.f32 v42, v17;
	v59 =	vmul.f32 v44, v59  }
0x3ff: {  	v38 =	vadd.f32 v62, v38;
	v42 =	vmul.f32 v53, v39;
	v62 =	vmul.f32 v37, v63  }
0x400: {  	v11 =	vmul.f32 v14, v11;
	v9 =	vsub.f32 $1.500000000e+00, v52;
	v50 =	vmul.f32 v59, v44  }
0x401: {  	v60 =	vmul.f32 v14, v55;
	v63 =	vsub.f32 $1.500000000e+00, v42;
	v14 =	vmul.f32 v62, v37  }
0x402: {  	v20 =	vmul.f32 v20, v55;
	v9 =	vmul.f32 v9, v17;
	v51 =	vsub.f32 $1.500000000e+00, v50  }
0x403: {  	v54 =	vmul.f32 v45, v25;
	v17 =	vmul.f32 v63, v39;
	v14 =	vsub.f32 $1.500000000e+00, v14  }
0x404: {  	v5 =	vadd.f32 v15, v5;
	v9 =	vmul.f32 v9, v40;
	v52 =	vmul.f32 v51, v44  }
0x405: {  	vm13 =	vgt.f32 v12, $0.0e+00;
	v17 =	vmul.f32 v17, v43;
	v14 =	vmul.f32 v14, v37  }
0x406: {  	v16 =	vadd.f32 v54, v48;
	v9 =	vmax.f32 v9, $9.999999960e-13;
	v53 =	vmul.f32 v52, v56  }
0x407: {  	v9 =	vnsel vm0, $0x2B8CBCCC, v9;
	v17 =	vmax.f32 v17, $9.999999960e-13;
	v14 =	vmul.f32 v14, v61  }
0x408: {  	(erf) = vrcp.f32 v9;
	v55 =	vmax.f32 v53, $9.999999960e-13;
	v54 =	vnsel vm11, $0x2B8CBCCC, v17  }
0x409: {  	v9 =	vnsel vm12, $0x2B8CBCCC, v55;
	(erf) = vrcp.f32 v54;
	v14 =	vmax.f32 v14, $9.999999960e-13  }
0x40a: {  	v46 =	vmul.f32 v57, v27;
	(erf) = vrcp.f32 v9;
	v56 =	vnsel vm13, $0x2B8CBCCC, v14  }
0x40b: {  	v19 =	vadd.f32 v20, v19;
	v20 =	vmul.f32 v45, v57;
	(erf) = vrcp.f32 v56  }
0x40c: {  	v5 =	vadd.f32 v30, v5;
	v47 =	vmul.f32 v45, v27;
	v32 =	vmul.f32 v57, v25  }
0x40d: {  	v58 =	vmul.f32 v57, v57;
	v13 =	vadd.f32 v20, v36;
	v36 =	vmul.f32 v45, v45  }
0x40e: {  	v6 =	vadd.f32 v11, v6;
	v10 =	vadd.f32 v60, v18;
	v60 =	vmul.f32 v57, v24  }
0x40f: {  	v7 =	vadd.f32 v49, v7;
	v20 =	vadd.f32 v36, v22;
	v61 =	vmul.f32 v57, v29  }
0x410: {  	v41 =	vmul.f32 v45, v29;
	v59 =	vadd.f32 v46, v34;
	v6 =	vadd.f32 v60, v6  }
0x411: {  	v34 =	vadd.f32 v47, v28;
	v63 =	vmul.f32 v45, v24;
	v9 =	vadd.f32 v61, v10;
	v35 =	vpop (erf)  }
0x412: {  	v62 =	vadd.f32 v41, v19;
	v39 =	vmul.f32 v25, v24;
	v45 =	vadd.f32 v58, v33;
	v37 =	vpop (erf)  }
0x413: {  	v8 =	vadd.f32 v63, v8;
	v9 =	vmul.f32 v35, v9;
	v41 =	vmul.f32 v35, v35;
	v40 =	vpop (erf)  }
0x414: {  	v7 =	vadd.f32 v39, v7;
	v17 =	vmul.f32 v35, v62;
	v43 =	vmul.f32 v37, v35;
	v44 =	vpop (erf)  }
0x415: {  	v14 =	vadd.f32 v32, v38;
	v42 =	vmul.f32 v37, v37;
	v46 =	vmul.f32 v44, v40  }
0x416: {  	v11 =	vmul.f32 v37, v59;
	v22 =	vmul.f32 v41, v26;
	v24 =	vsub.f32 $0.0e+00, v43  }
0x417: {  	v6 =	vmul.f32 v40, v6;
	v14 =	vmul.f32 v44, v14;
	v47 =	vsub.f32 $0.0e+00, v46  }
0x418: {  	v10 =	vmul.f32 v37, v34;
	v48 =	vsub.f32 v9, v11;
	v5 =	vmul.f32 v24, v5  }
0x419: {  	v8 =	vmul.f32 v40, v8;
	v49 =	vsub.f32 v6, v14;
	v7 =	vmul.f32 v47, v7  }
0x41a: {  	v18 =	vmul.f32 v42, v31;
	v9 =	vmul.f32 v48, v9;
	v5 =	vadd.f32 v5, v17  }
0x41b: {  	v50 =	vmul.f32 v40, v40;
	v6 =	vmul.f32 v49, v6;
	v7 =	vadd.f32 v7, v8  }
0x41c: {  	v18 =	vadd.f32 v18, v22;
	v51 =	vmul.f32 v44, v44;
	v5 =	vsub.f32 v5, v9  }
0x41d: {  	v11 =	vmul.f32 v48, v11;
	v6 =	vsub.f32 v7, v6;
	v7 =	vmul.f32 v44, v16  }
0x41e: {  	v52 =	vmul.f32 v48, v48;
	v9 =	vmul.f32 v51, v12;
	v5 =	vsub.f32 v5, v10  }
0x41f: {  	v8 =	vmul.f32 v50, v21;
	v6 =	vsub.f32 v6, v7;
	v7 =	vmul.f32 v49, v14  }
0x420: {  	v53 =	vmul.f32 v48, v13;
	v54 =	vmul.f32 v49, v49;
	v5 =	vadd.f32 v5, v11  }
0x421: {  	v8 =	vadd.f32 v9, v8;
	v6 =	vadd.f32 v6, v7;
	v7 =	vmul.f32 v49, v13  }
0x422: {  	v55 =	vadd.f32 v18, v20;
	v10 =	vmul.f32 v52, v45;
	v5 =	vsub.f32 v5, v53  }
0x423: {  	v9 =	vmul.f32 v54, v45;
	v8 =	vadd.f32 v8, v20;
	v6 =	vsub.f32 v6, v7  }
0x424: {  	v5 =	vadd.f32 v5, v5;
	v7 =	vadd.f32 v10, v55  }
0x425: {  	v8 =	vadd.f32 v9, v8;
	v6 =	vadd.f32 v6, v6  }
0x426: {  	v5 =	vadd.f32 v5, v7  }
0x427: {  	v6 =	vadd.f32 v6, v8  }
0x428: {  	v7 =	vmax.f32 v5, $1.000000000e-30  }
0x429: {  	v56 =	vshra.s32 v7, $0x1;
	v57 =	vmul.f32 $5.000000000e-01, v7;
	v58 =	vmax.f32 v6, $1.000000000e-30  }
0x42a: {  	v8 =	vsub.s32 $0x5F3759DF, v56;
	v59 =	vshra.s32 v58, $0x1;
	v60 =	vmul.f32 $5.000000000e-01, v58  }
0x42b: {  	v61 =	vmul.f32 v8, v57;
	v11 =	vsub.s32 $0x5F3759DF, v59  }
0x42c: {  	v62 =	vmul.f32 v11, v60  }
0x42d: {  	v13 =	vmul.f32 v8, v61  }
0x42e: {  	v14 =	vmul.f32 v11, v62  }
0x42f: {  	v13 =	vsub.f32 $1.500000000e+00, v13  }
0x430: {  	v14 =	vsub.f32 $1.500000000e+00, v14  }
0x431: {  	v8 =	vmul.f32 v8, v13  }
0x432: {  	v11 =	vmul.f32 v11, v14  }
0x433: {  	v13 =	vmul.f32 v8, v57  }
0x434: {  	v14 =	vmul.f32 v11, v60  }
0x435: {  	v13 =	vmul.f32 v13, v8  }
0x436: {  	v14 =	vmul.f32 v14, v11  }
0x437: {  	v13 =	vsub.f32 $1.500000000e+00, v13  }
0x438: {  	v14 =	vsub.f32 $1.500000000e+00, v14  }
0x439: {  	v8 =	vmul.f32 v13, v8  }
0x43a: {  	v11 =	vmul.f32 v14, v11  }
0x43b: {  	v9 =	vmul.f32 v8, v57  }
0x43c: {  	v12 =	vmul.f32 v11, v60  }
0x43d: {  	v9 =	vmul.f32 v9, v8  }
0x43e: {  	v12 =	vmul.f32 v12, v11  }
0x43f: {  	v9 =	vsub.f32 $1.500000000e+00, v9  }
0x440: {  	v12 =	vsub.f32 $1.500000000e+00, v12  }
0x441: {  	s11 =	sadd.s32 $0x1, s11;
	v8 =	vmul.f32 v9, v8  }
0x442: {  	p0 =	sne.s32 s11, $0x8;
	v63 =	vmul.f32 v12, v11  }
.Ltmp16:
0x443: {  	v7 =	vmul.f32 v8, v7;
	(pc) =	sbr.rel @p0 .LBB2_32-.Ltmp16, $4  }
0x444: {  	vm14 =	vgt.f32 v5, $0.0e+00;
	v5 =	vmul.f32 v63, v58  }
0x445: {  	vm15 =	vgt.f32 v6, $0.0e+00;
	v7 =	vnsel vm14, $0x0, v7  }
0x446: {  	[tilespmem:s13+$0x18D80] =	vst v7;
	v5 =	vnsel vm15, $0x0, v5  }
0x447: {  	[tilespmem:s13+$0x18F80] =	vst v5  }
0x448: {  	s11 =	simm.s32 $0x18C00  }
0x449: {  	[hbm4b:s15+s2] =	stream.linear.scatter [tilespmem:s11], [sflag:$0x4], $0x200, $0x38;
	[tilespmem:$0x1B000] =	vst v63  }
0x44a: {  	s12 =	sadd.s32 $0x1, s12;
	_ =	swait.ge [sflag:s18], $0x200  }
0x44b: {  	p0 =	sne.s32 s12, s17;
	[sflag:s18] =	ssyncset.done $0x0  }
.Ltmp17:
0x44c: {  	s14 =	simm.s32 $0x18E00;
	[sflag:s18] =	ssyncadd.s32 $0xFFFFFE00;
	(pc) =	sbr.rel @p0 .LBB2_1-.Ltmp17, $4  }
0x44d: {  	[hbm4b:s16+s2] =	stream.linear.scatter [tilespmem:s14], [sflag:$0x4], $0x200, $0x38;
	[tilespmem:$0x1B000] =	vst v63  }
0x44e: {  	_ =	swait.ge [sflag:s18], $0x200  }
0x44f: {  	[sflag:s18] =	ssyncset.done $0x0  }
0x450: {  	[sflag:s18] =	ssyncadd.s32 $0xFFFFFE00  }
0x451: {  	_ =	sfence.sel $0x180000  }
0x452: {  	[bflag:$0x0] =	sbarrier.arrive $0xFFFF  }
0x453: {  	_ =	strace $0x90000047  }
0x454: {  	s0 =	stileid.u32;
	[bflag:$0x2] =	sbarrier.arrive $0xFFFF  }
0x455: {  	p0 =	sne.s32 s0, $0x0;
	s0 =	rddreg [dreg:$0x8]  }
0x456: {  	s0 =	sadd.s32 @!p0 $0x100000, s0  }
0x457: {  	[sflag:s0] =	ssyncadd.tile.s32 @!p0 $0x1;
	_ =	shalt  }
.Lfunc_end2:
_tile_overlayer_lowered:
.L_overlay_start_2:
0x458: {  	(tag) =	ssettag $0x2  }
0x459: {  	s0 =	rddreg [dreg:$0x0];
	s2 =	stileid.u32  }
0x45a: {  	s1 =	rddreg [dreg:$0x1];
	p0 =	sne.s32 s2, $0x0  }
0x45b: {  	s3 =	rddreg [dreg:$0x2];
	[bflag:$0x3] =	sbarrier.arrive $0xFFFF;
	s2 =	simm.s32 @!p0 $0x1C04  }
0x45c: {  	[timem:s3], [sflag:s2] =	dma.local @!p0 [hbm:s0], s1  }
0x45d: {  	s0 =	simm.s32 @!p0 $0x4  }
0x45e: {  	_ =	swait.ge @!p0 [sflag:s0], s1  }
0x45f: {  	s1 =	ssub.s32 @!p0 $0x0, s1;
	[sflag:s0] =	ssyncset.done @!p0 $0x0  }
0x460: {  	[sflag:s0] =	ssyncadd.s32 @!p0 s1  }
0x461: {  	[bflag:$0x3] =	sbarrier.arrive $0xFFFF  }
0x462: {  	_ =	shalt  }

</sc_bundles>
